<compile_context>
chip_gen: v7x
topology: tpu7x:2x2x1
jax: 0.10.2.dev20260603
libtpu: 0.0.44.dev20260713+nightly
codegen_flags: <defaults>
</compile_context>

<pallas_src>
import functools

import jax
import jax.numpy as jnp
from jax import lax
from jax.experimental import pallas as pl
from jax.experimental.pallas import tpu as pltpu
from jax.experimental.pallas import tpu_sc as plsc

B, M, L, D = 4, 4096, 8192, 1024
NC, NS, LANES = 2, 16, 16
NW = NC * NS
TPB = NW // B
RPT = L // TPB
CHUNK = 16
NCH = RPT // CHUNK
NBUF = 4
PF = 3
NGRP = NCH // NBUF


def _unmerge_body(merged_hbm, idx_hbm, out_hbm,
                  idxb_v, scale_v, gidx_v, scl_v, rows_v,
                  *sems):
    gsems, osems = sems[:NBUF], sems[NBUF:]
    cid = lax.axis_index("c")
    sid = lax.axis_index("s")
    wid = sid * NC + cid
    b = wid // TPB
    lbase = (wid % TPB) * RPT

    pltpu.sync_copy(idx_hbm.at[b], idxb_v)

    obase = wid * RPT

    def gidx_body(c, _):
        for h in range(CHUNK // LANES):
            v = idxb_v[pl.ds(lbase + c * CHUNK + h * LANES, LANES)]
            gidx_v[c, pl.ds(h * LANES, LANES)] = v + b * M
        return 0

    lax.fori_loop(0, NCH, gidx_body, 0)

    def start_gather(c, buf):
        pltpu.async_copy(merged_hbm.at[gidx_v.at[c]], rows_v.at[buf],
                         gsems[buf])

    for c0 in range(PF):
        start_gather(c0, c0)

    zeros = jnp.zeros((LANES,), jnp.float32)

    def zero_body(i, _):
        scale_v[pl.ds(i * LANES, LANES)] = zeros
        return 0

    lax.fori_loop(0, M // LANES, zero_body, 0)

    ones = jnp.ones((LANES,), jnp.float32)

    def hist_body(i, _):
        v = idxb_v[pl.ds(i * LANES, LANES)]
        plsc.addupdate_scatter(scale_v, [v], ones)
        return 0

    lax.fori_loop(0, L // LANES, hist_body, 0)

    def recip_body(i, _):
        sl = pl.ds(i * LANES, LANES)
        scale_v[sl] = 1.0 / scale_v[sl]
        return 0

    lax.fori_loop(0, M // LANES, recip_body, 0)

    def scl_body(j, _):
        v = idxb_v[pl.ds(lbase + j * LANES, LANES)]
        scl_v[pl.ds(j * LANES, LANES)] = plsc.load_gather(scale_v, [v])
        return 0

    lax.fori_loop(0, RPT // LANES, scl_body, 0)

    def wait_gather(c, buf):
        pltpu.make_async_copy(merged_hbm.at[gidx_v.at[c]], rows_v.at[buf],
                              gsems[buf]).wait()

    def start_out(c, buf):
        pltpu.async_copy(rows_v.at[buf],
                         out_hbm.at[pl.ds(obase + c * CHUNK, CHUNK)],
                         osems[buf])

    def wait_out(c, buf):
        pltpu.make_async_copy(rows_v.at[buf],
                              out_hbm.at[pl.ds(obase + c * CHUNK, CHUNK)],
                              osems[buf]).wait()

    def scale_chunk(c, buf):
        def row_body(j, _):
            idx16 = jnp.full((LANES,), c * CHUNK + j, jnp.int32)
            s = plsc.load_gather(scl_v, [idx16])
            for k in range(D // LANES):
                sl = pl.ds(k * LANES, LANES)
                rows_v[buf, j, sl] = rows_v[buf, j, sl] * s
            return 0

        lax.fori_loop(0, CHUNK, row_body, 0)

    def slot(c, buf, is_static):
        wait_gather(c, buf)
        scale_chunk(c, buf)
        start_out(c, buf)
        nc = c + PF
        nb = (buf + PF) % NBUF
        if is_static:
            if nc >= NBUF:
                wait_out(nc - NBUF, nb)
            if nc < NCH:
                start_gather(nc, nb)
        else:
            @pl.when(nc >= NBUF)
            def _():
                wait_out(nc - NBUF, nb)

            @pl.when(nc < NCH)
            def _():
                start_gather(nc, nb)

    def group_body(g, _):
        for buf in range(NBUF):
            slot(g * NBUF + buf, buf, False)
        return 0

    lax.fori_loop(0, NGRP, group_body, 0)
    for c0 in range(NGRP * NBUF, NCH):
        slot(c0, c0 % NBUF, True)

    for c0 in range(NCH - (NBUF - PF), NCH):
        wait_out(c0, c0 % NBUF)


_unmerge_call = functools.partial(
    pl.kernel,
    out_type=jax.ShapeDtypeStruct((B * L, D), jnp.float32),
    mesh=plsc.VectorSubcoreMesh(core_axis_name="c", subcore_axis_name="s",
                                num_cores=NC, num_subcores=NS),
    scratch_types=[
        pltpu.VMEM((L,), jnp.int32),
        pltpu.VMEM((M,), jnp.float32),
        pltpu.VMEM((NCH, CHUNK), jnp.int32),
        pltpu.VMEM((RPT,), jnp.float32),
        pltpu.VMEM((NBUF, CHUNK, D), jnp.float32),
    ] + [pltpu.SemaphoreType.DMA] * (2 * NBUF),
    compiler_params=pltpu.CompilerParams(needs_layout_passes=False),
)(_unmerge_body)


@jax.jit
def kernel(merged_feats, source_maps):
    source_idx = source_maps[0]
    for i in range(1, source_maps.shape[0]):
        source_idx = jnp.take_along_axis(source_maps[i], source_idx, axis=1)
    assert merged_feats.shape == (B, M, D)
    assert source_idx.shape == (B, L)
    out = _unmerge_call(merged_feats.reshape(B * M, D),
                        source_idx.astype(jnp.int32))
    return out.reshape(B, L, D)

# --- scband reference (transcript-rebuilt; emitter-appended) ---
"""Pipeline reference for scband-unmerge-50251117363350 (READ-ONLY COPY).

The authoritative reference and input builder live on the scoring server;
editing this copy changes nothing except your own understanding.
"""

import jax, jax.numpy as jnp
import numpy as np


def setup_inputs(seed: int = 0) -> dict:
    key = jax.random.key(seed)
    k1, k2 = jax.random.split(key)
    B, M, L, D = 4, 4096, 8192, 1024
    merged_feats = jax.random.normal(k1, (B, M, D), dtype=jnp.float32)
    # source_maps: stack of K maps (K=1 here); iterating over dim 0 yields (B, L) maps,
    # matching the torch module's list-of-LongTensor interface.
    source_maps = jax.random.randint(k2, (1, B, L), 0, M, dtype=jnp.int32)
    return {"merged_feats": merged_feats, "source_maps": source_maps}


def reference(merged_feats, source_maps):
    # compose_source_maps: chain gathers along dim=1
    source_idx = source_maps[0]
    for i in range(1, source_maps.shape[0]):
        source_idx = jnp.take_along_axis(source_maps[i], source_idx, axis=1)
    B, M, D = merged_feats.shape
    L = source_idx.shape[1]
    eps = 1e-06
    # normalize: scatter-add counts of how many original positions map to each merged token
    batch_idx = jnp.arange(B)[:, None]
    counts = jnp.zeros((B, M), dtype=merged_feats.dtype).at[batch_idx, source_idx].add(1.0)
    counts = jnp.maximum(counts, eps)
    merged = merged_feats / counts[:, :, None]
    # gather merged features back to original positions
    idx = jnp.broadcast_to(source_idx[:, :, None], (B, L, D))
    unmerged = jnp.take_along_axis(merged, idx, axis=1)
    return unmerged

if __name__ == "__main__":
    import jax
    _d = setup_inputs()
    print(jax.jit(kernel)(*tuple(_d.values())))

</pallas_src>

<mosaic_0001>
#map = affine_map<(d0, d1) -> (0, 0)>
module attributes {stable_mosaic.version = 14 : i64} {
  func.func @_unmerge_body(%arg0: i32, %arg1: i32, %arg2: memref<16384x1024xf32, #tpu.memory_space<hbm>>, %arg3: memref<4x8192xi32, #tpu.memory_space<hbm>>, %arg4: memref<32768x1024xf32, #tpu.memory_space<hbm>>, %arg5: memref<8192xi32, #tpu.memory_space<vmem>>, %arg6: memref<4096xf32, #tpu.memory_space<vmem>>, %arg7: memref<64x16xi32, #tpu.memory_space<vmem>>, %arg8: memref<1024xf32, #tpu.memory_space<vmem>>, %arg9: memref<4x16x1024xf32, #tpu.memory_space<vmem>>, %arg10: memref<!tpu.dma_semaphore, #tpu.memory_space<semaphore_mem>>, %arg11: memref<!tpu.dma_semaphore, #tpu.memory_space<semaphore_mem>>, %arg12: memref<!tpu.dma_semaphore, #tpu.memory_space<semaphore_mem>>, %arg13: memref<!tpu.dma_semaphore, #tpu.memory_space<semaphore_mem>>, %arg14: memref<!tpu.dma_semaphore, #tpu.memory_space<semaphore_mem>>, %arg15: memref<!tpu.dma_semaphore, #tpu.memory_space<semaphore_mem>>, %arg16: memref<!tpu.dma_semaphore, #tpu.memory_space<semaphore_mem>>, %arg17: memref<!tpu.dma_semaphore, #tpu.memory_space<semaphore_mem>>) attributes {dimension_semantics = [#tpu.dimension_semantics<core_parallel>, #tpu.dimension_semantics<subcore_parallel>], iteration_bounds = array<i64: 2, 16>, scalar_prefetch = 0 : i64, scratch_operands = 13 : i64, tpu.core_type = #tpu.core_type<sc_vector_subcore>, window_params = [{transform_indices = #map}, {transform_indices = #map}, {transform_indices = #map}]} {
    %mul3A = arith.constant 2 : i32
    %mul3A_0 = arith.muli %arg1, %mul3A : i32
    %add3A = arith.addi %mul3A_0, %arg0 : i32
    %jit3A = arith.constant 8 : i32
    %div3A = arith.divsi %add3A, %jit3A : i32
    %sign3A = arith.constant 0 : i32
    %sign3A_1 = arith.cmpi sgt, %add3A, %sign3A : i32
    %sign3A_2 = arith.extui %sign3A_1 : i1 to i32
    %sign3A_3 = arith.constant 0 : i32
    %sign3A_4 = arith.cmpi slt, %add3A, %sign3A_3 : i32
    %sign3A_5 = arith.extui %sign3A_4 : i1 to i32
    %sign3A_6 = arith.subi %sign3A_2, %sign3A_5 : i32
    %sign3A_7 = arith.constant 0 : i32
    %sign3A_8 = arith.cmpi sgt, %jit3A, %sign3A_7 : i32
    %sign3A_9 = arith.extui %sign3A_8 : i1 to i32
    %sign3A_10 = arith.constant 0 : i32
    %sign3A_11 = arith.cmpi slt, %jit3A, %sign3A_10 : i32
    %sign3A_12 = arith.extui %sign3A_11 : i1 to i32
    %sign3A_13 = arith.subi %sign3A_9, %sign3A_12 : i32
    %ne3A = arith.cmpi ne, %sign3A_6, %sign3A_13 : i32
    %rem3A = arith.remsi %add3A, %jit3A : i32
    %ne3A_14 = arith.constant 0 : i32
    %ne3A_15 = arith.cmpi ne, %rem3A, %ne3A_14 : i32
    %and3A = arith.andi %ne3A, %ne3A_15 : i1
    %sub3A = arith.constant 1 : i32
    %sub3A_16 = arith.subi %div3A, %sub3A : i32
    %select_n3A = arith.select %and3A, %sub3A_16, %div3A : i32
    %jit3A_17 = arith.constant 8 : i32
    %eq3A = arith.constant 0 : i32
    %eq3A_18 = arith.cmpi eq, %jit3A_17, %eq3A : i32
    %jit3A_19 = arith.constant 1 : i32
    %select_n3A_20 = arith.select %eq3A_18, %jit3A_19, %jit3A_17 : i32
    %rem3A_21 = arith.remsi %add3A, %select_n3A_20 : i32
    %ne3A_22 = arith.constant 0 : i32
    %ne3A_23 = arith.cmpi ne, %rem3A_21, %ne3A_22 : i32
    %lt3A = arith.constant 0 : i32
    %lt3A_24 = arith.cmpi slt, %rem3A_21, %lt3A : i32
    %lt3A_25 = arith.constant 0 : i32
    %lt3A_26 = arith.cmpi slt, %select_n3A_20, %lt3A_25 : i32
    %ne3A_27 = arith.xori %lt3A_24, %lt3A_26 : i1
    %and3A_28 = arith.andi %ne3A_27, %ne3A_23 : i1
    %add3A_29 = arith.addi %rem3A_21, %select_n3A_20 : i32
    %select_n3A_30 = arith.select %and3A_28, %add3A_29, %rem3A_21 : i32
    %mul3A_31 = arith.constant 1024 : i32
    %mul3A_32 = arith.muli %select_n3A_30, %mul3A_31 : i32
    "tpu.region"() ({
      %run_scoped3A = tpu.sem_alloc : memref<!tpu.dma_semaphore, #tpu.memory_space<semaphore_mem>>
      %dma_start3A_128 = arith.constant 0 : i32
      %dma_start3A_129 = tpu.memref_slice %arg3[%select_n3A, %dma_start3A_128] : memref<4x8192xi32, #tpu.memory_space<hbm>> -> memref<1x8192xi32, #tpu.memory_space<hbm>>
      %dma_start3A_130 = tpu.memref_squeeze %dma_start3A_129 : memref<1x8192xi32, #tpu.memory_space<hbm>> -> memref<8192xi32, #tpu.memory_space<hbm>>
      %dma_start3A_131 = arith.constant 0 : i32
      %dma_start3A_132 = tpu.memref_slice %arg3[%select_n3A, %dma_start3A_131] : memref<4x8192xi32, #tpu.memory_space<hbm>> -> memref<1x8192xi32, #tpu.memory_space<hbm>>
      %dma_start3A_133 = tpu.memref_squeeze %dma_start3A_132 : memref<1x8192xi32, #tpu.memory_space<hbm>> -> memref<8192xi32, #tpu.memory_space<hbm>>
      tpu.enqueue_dma source(%dma_start3A_133 : memref<8192xi32, #tpu.memory_space<hbm>>) target(%arg5 : memref<8192xi32, #tpu.memory_space<vmem>>) target_semaphore(%run_scoped3A : memref<!tpu.dma_semaphore, #tpu.memory_space<semaphore_mem>>)
      %dma_wait3A_134 = arith.constant 0 : i32
      %dma_wait3A_135 = tpu.memref_slice %arg3[%select_n3A, %dma_wait3A_134] : memref<4x8192xi32, #tpu.memory_space<hbm>> -> memref<1x8192xi32, #tpu.memory_space<hbm>>
      %dma_wait3A_136 = tpu.memref_squeeze %dma_wait3A_135 : memref<1x8192xi32, #tpu.memory_space<hbm>> -> memref<8192xi32, #tpu.memory_space<hbm>>
      %dma_wait3A_137 = arith.constant 0 : i32
      %dma_wait3A_138 = tpu.memref_slice %arg3[%select_n3A, %dma_wait3A_137] : memref<4x8192xi32, #tpu.memory_space<hbm>> -> memref<1x8192xi32, #tpu.memory_space<hbm>>
      %dma_wait3A_139 = tpu.memref_squeeze %dma_wait3A_138 : memref<1x8192xi32, #tpu.memory_space<hbm>> -> memref<8192xi32, #tpu.memory_space<hbm>>
      tpu.wait_dma2 semaphore(%run_scoped3A : memref<!tpu.dma_semaphore, #tpu.memory_space<semaphore_mem>>) src(%dma_wait3A_139 : memref<8192xi32, #tpu.memory_space<hbm>>) dst(%arg5 : memref<8192xi32, #tpu.memory_space<vmem>>)
      tpu.yield
    }) : () -> ()
    %mul3A_33 = arith.constant 1024 : i32
    %mul3A_34 = arith.muli %add3A, %mul3A_33 : i32
    %scan3A = arith.constant 0 : i32
    %scan3A_35 = arith.constant 0 : i32
    %scan3A_36 = arith.constant 64 : i32
    %scan3A_37 = arith.addi %scan3A_35, %scan3A_36 : i32
    %scan3A_38 = arith.constant 1 : i32
    %scan3A_39 = scf.for %scan3A_128 = %scan3A_35 to %scan3A_37 step %scan3A_38 iter_args(%scan3A_129 = %scan3A) -> (i32)  : i32 {
      %mul3A_130 = arith.constant 16 : i32
      %mul3A_131 = arith.muli %scan3A_128, %mul3A_130 : i32
      %add3A_132 = arith.addi %mul3A_32, %mul3A_131 : i32
      %add3A_133 = arith.constant 0 : i32
      %add3A_134 = arith.addi %add3A_132, %add3A_133 : i32
      %get3A = arith.index_cast %add3A_134 : i32 to index
      %get3A_135 = tpu.vector_load %arg5[%get3A] {strides = array<i32>} : memref<8192xi32, #tpu.memory_space<vmem>>, vector<16xi32>,
      %mul3A_136 = arith.constant 4096 : i32
      %mul3A_137 = arith.muli %select_n3A, %mul3A_136 : i32
      %add3A_138 = vector.broadcast %mul3A_137 : i32 to vector<16xi32>
      %add3A_139 = arith.addi %get3A_135, %add3A_138 : vector<16xi32>
      %swap3A = arith.index_cast %scan3A_128 : i32 to index
      %swap3A_140 = arith.constant 0 : index
      %swap3A_141 = tpu.vector_load %arg7[%swap3A, %swap3A_140] {strides = array<i32>} : memref<64x16xi32, #tpu.memory_space<vmem>>, vector<16xi32>,
      tpu.vector_store %arg7[%swap3A, %swap3A_140], %add3A_139 {strides = array<i32>} : memref<64x16xi32, #tpu.memory_space<vmem>>, vector<16xi32>,
      %scan3A_142 = arith.constant 0 : i32
      scf.yield %scan3A_142 : i32
    }
    %scan3A_40 = arith.constant 64 : i32
    %dma_start3A = arith.constant 0 : i32
    %dma_start3A_41 = arith.constant 0 : i32
    %dma_start3A_42 = arith.constant 0 : i32
    %dma_start3A_43 = arith.constant 0 : i32
    %dma_start3A_44 = tpu.memref_slice %arg9[%dma_start3A_41, %dma_start3A_42, %dma_start3A_43] : memref<4x16x1024xf32, #tpu.memory_space<vmem>> -> memref<1x16x1024xf32, #tpu.memory_space<vmem>>
    %dma_start3A_45 = tpu.memref_squeeze %dma_start3A_44 : memref<1x16x1024xf32, #tpu.memory_space<vmem>> -> memref<16x1024xf32, #tpu.memory_space<vmem>>
    %dma_start3A_46 = arith.constant 0 : i32
    %dma_start3A_47 = tpu.memref_slice %arg7[%dma_start3A, %dma_start3A_46] : memref<64x16xi32, #tpu.memory_space<vmem>> -> memref<1x16xi32, #tpu.memory_space<vmem>>
    %dma_start3A_48 = tpu.memref_squeeze %dma_start3A_47 : memref<1x16xi32, #tpu.memory_space<vmem>> -> memref<16xi32, #tpu.memory_space<vmem>>
    %dma_start3A_49 = arith.constant 0 : i32
    %dma_start3A_50 = arith.constant 0 : i32
    %dma_start3A_51 = tpu.memref_slice %arg2[%dma_start3A_49, %dma_start3A_50] : memref<16384x1024xf32, #tpu.memory_space<hbm>> -> memref<16384x1024xf32, #tpu.memory_space<hbm>>
    tpu.enqueue_indirect_dma source(%dma_start3A_51 : memref<16384x1024xf32, #tpu.memory_space<hbm>>) target(%dma_start3A_45 : memref<16x1024xf32, #tpu.memory_space<vmem>>) offsets(%dma_start3A_48 : memref<16xi32, #tpu.memory_space<vmem>>) semaphore(%arg10 : memref<!tpu.dma_semaphore, #tpu.memory_space<semaphore_mem>>)
    %dma_start3A_52 = arith.constant 1 : i32
    %dma_start3A_53 = arith.constant 1 : i32
    %dma_start3A_54 = arith.constant 0 : i32
    %dma_start3A_55 = arith.constant 0 : i32
    %dma_start3A_56 = tpu.memref_slice %arg9[%dma_start3A_53, %dma_start3A_54, %dma_start3A_55] : memref<4x16x1024xf32, #tpu.memory_space<vmem>> -> memref<1x16x1024xf32, #tpu.memory_space<vmem>>
    %dma_start3A_57 = tpu.memref_squeeze %dma_start3A_56 : memref<1x16x1024xf32, #tpu.memory_space<vmem>> -> memref<16x1024xf32, #tpu.memory_space<vmem>>
    %dma_start3A_58 = arith.constant 0 : i32
    %dma_start3A_59 = tpu.memref_slice %arg7[%dma_start3A_52, %dma_start3A_58] : memref<64x16xi32, #tpu.memory_space<vmem>> -> memref<1x16xi32, #tpu.memory_space<vmem>>
    %dma_start3A_60 = tpu.memref_squeeze %dma_start3A_59 : memref<1x16xi32, #tpu.memory_space<vmem>> -> memref<16xi32, #tpu.memory_space<vmem>>
    %dma_start3A_61 = arith.constant 0 : i32
    %dma_start3A_62 = arith.constant 0 : i32
    %dma_start3A_63 = tpu.memref_slice %arg2[%dma_start3A_61, %dma_start3A_62] : memref<16384x1024xf32, #tpu.memory_space<hbm>> -> memref<16384x1024xf32, #tpu.memory_space<hbm>>
    tpu.enqueue_indirect_dma source(%dma_start3A_63 : memref<16384x1024xf32, #tpu.memory_space<hbm>>) target(%dma_start3A_57 : memref<16x1024xf32, #tpu.memory_space<vmem>>) offsets(%dma_start3A_60 : memref<16xi32, #tpu.memory_space<vmem>>) semaphore(%arg11 : memref<!tpu.dma_semaphore, #tpu.memory_space<semaphore_mem>>)
    %dma_start3A_64 = arith.constant 2 : i32
    %dma_start3A_65 = arith.constant 2 : i32
    %dma_start3A_66 = arith.constant 0 : i32
    %dma_start3A_67 = arith.constant 0 : i32
    %dma_start3A_68 = tpu.memref_slice %arg9[%dma_start3A_65, %dma_start3A_66, %dma_start3A_67] : memref<4x16x1024xf32, #tpu.memory_space<vmem>> -> memref<1x16x1024xf32, #tpu.memory_space<vmem>>
    %dma_start3A_69 = tpu.memref_squeeze %dma_start3A_68 : memref<1x16x1024xf32, #tpu.memory_space<vmem>> -> memref<16x1024xf32, #tpu.memory_space<vmem>>
    %dma_start3A_70 = arith.constant 0 : i32
    %dma_start3A_71 = tpu.memref_slice %arg7[%dma_start3A_64, %dma_start3A_70] : memref<64x16xi32, #tpu.memory_space<vmem>> -> memref<1x16xi32, #tpu.memory_space<vmem>>
    %dma_start3A_72 = tpu.memref_squeeze %dma_start3A_71 : memref<1x16xi32, #tpu.memory_space<vmem>> -> memref<16xi32, #tpu.memory_space<vmem>>
    %dma_start3A_73 = arith.constant 0 : i32
    %dma_start3A_74 = arith.constant 0 : i32
    %dma_start3A_75 = tpu.memref_slice %arg2[%dma_start3A_73, %dma_start3A_74] : memref<16384x1024xf32, #tpu.memory_space<hbm>> -> memref<16384x1024xf32, #tpu.memory_space<hbm>>
    tpu.enqueue_indirect_dma source(%dma_start3A_75 : memref<16384x1024xf32, #tpu.memory_space<hbm>>) target(%dma_start3A_69 : memref<16x1024xf32, #tpu.memory_space<vmem>>) offsets(%dma_start3A_72 : memref<16xi32, #tpu.memory_space<vmem>>) semaphore(%arg12 : memref<!tpu.dma_semaphore, #tpu.memory_space<semaphore_mem>>)
    %broadcast_in_dim3A = arith.constant 0.000000e+00 : f32
    %broadcast_in_dim3A_76 = vector.broadcast %broadcast_in_dim3A : f32 to vector<16xf32>
    %scan3A_77 = arith.constant 0 : i32
    %scan3A_78 = arith.constant 0 : i32
    %scan3A_79 = arith.constant 256 : i32
    %scan3A_80 = arith.addi %scan3A_78, %scan3A_79 : i32
    %scan3A_81 = arith.constant 1 : i32
    %scan3A_82 = scf.for %scan3A_128 = %scan3A_78 to %scan3A_80 step %scan3A_81 iter_args(%scan3A_129 = %scan3A_77) -> (i32)  : i32 {
      %mul3A_130 = arith.constant 16 : i32
      %mul3A_131 = arith.muli %scan3A_128, %mul3A_130 : i32
      %swap3A = arith.index_cast %mul3A_131 : i32 to index
      %swap3A_132 = tpu.vector_load %arg6[%swap3A] {strides = array<i32>} : memref<4096xf32, #tpu.memory_space<vmem>>, vector<16xf32>,
      tpu.vector_store %arg6[%swap3A], %broadcast_in_dim3A_76 {strides = array<i32>} : memref<4096xf32, #tpu.memory_space<vmem>>, vector<16xf32>,
      %scan3A_133 = arith.constant 0 : i32
      scf.yield %scan3A_133 : i32
    }
    %scan3A_83 = arith.constant 256 : i32
    %broadcast_in_dim3A_84 = arith.constant 1.000000e+00 : f32
    %broadcast_in_dim3A_85 = vector.broadcast %broadcast_in_dim3A_84 : f32 to vector<16xf32>
    %scan3A_86 = arith.constant 0 : i32
    %scan3A_87 = arith.constant 0 : i32
    %scan3A_88 = arith.constant 512 : i32
    %scan3A_89 = arith.addi %scan3A_87, %scan3A_88 : i32
    %scan3A_90 = arith.constant 1 : i32
    %scan3A_91 = scf.for %scan3A_128 = %scan3A_87 to %scan3A_89 step %scan3A_90 iter_args(%scan3A_129 = %scan3A_86) -> (i32)  : i32 {
      %mul3A_130 = arith.constant 16 : i32
      %mul3A_131 = arith.muli %scan3A_128, %mul3A_130 : i32
      %get3A = arith.index_cast %mul3A_131 : i32 to index
      %get3A_132 = tpu.vector_load %arg5[%get3A] {strides = array<i32>} : memref<8192xi32, #tpu.memory_space<vmem>>, vector<16xi32>,
      tpu.vector_store_idx %arg6[%get3A_132], %broadcast_in_dim3A_85 {add = true} : memref<4096xf32, #tpu.memory_space<vmem>>[vector<16xi32>], vector<16xf32>,
      %scan3A_133 = arith.constant 0 : i32
      scf.yield %scan3A_133 : i32
    }
    %scan3A_92 = arith.constant 512 : i32
    %scan3A_93 = arith.constant 0 : i32
    %scan3A_94 = arith.constant 0 : i32
    %scan3A_95 = arith.constant 256 : i32
    %scan3A_96 = arith.addi %scan3A_94, %scan3A_95 : i32
    %scan3A_97 = arith.constant 1 : i32
    %scan3A_98 = scf.for %scan3A_128 = %scan3A_94 to %scan3A_96 step %scan3A_97 iter_args(%scan3A_129 = %scan3A_93) -> (i32)  : i32 {
      %mul3A_130 = arith.constant 16 : i32
      %mul3A_131 = arith.muli %scan3A_128, %mul3A_130 : i32
      %get3A = arith.index_cast %mul3A_131 : i32 to index
      %get3A_132 = tpu.vector_load %arg6[%get3A] {strides = array<i32>} : memref<4096xf32, #tpu.memory_space<vmem>>, vector<16xf32>,
      %div3A_133 = arith.constant 1.000000e+00 : f32
      %div3A_134 = vector.broadcast %div3A_133 : f32 to vector<16xf32>
      %div3A_135 = arith.divf %div3A_134, %get3A_132 : vector<16xf32>
      %swap3A = arith.index_cast %mul3A_131 : i32 to index
      %swap3A_136 = tpu.vector_load %arg6[%swap3A] {strides = array<i32>} : memref<4096xf32, #tpu.memory_space<vmem>>, vector<16xf32>,
      tpu.vector_store %arg6[%swap3A], %div3A_135 {strides = array<i32>} : memref<4096xf32, #tpu.memory_space<vmem>>, vector<16xf32>,
      %scan3A_137 = arith.constant 0 : i32
      scf.yield %scan3A_137 : i32
    }
    %scan3A_99 = arith.constant 256 : i32
    %scan3A_100 = arith.constant 0 : i32
    %scan3A_101 = arith.constant 0 : i32
    %scan3A_102 = arith.constant 64 : i32
    %scan3A_103 = arith.addi %scan3A_101, %scan3A_102 : i32
    %scan3A_104 = arith.constant 1 : i32
    %scan3A_105 = scf.for %scan3A_128 = %scan3A_101 to %scan3A_103 step %scan3A_104 iter_args(%scan3A_129 = %scan3A_100) -> (i32)  : i32 {
      %mul3A_130 = arith.constant 16 : i32
      %mul3A_131 = arith.muli %scan3A_128, %mul3A_130 : i32
      %add3A_132 = arith.addi %mul3A_32, %mul3A_131 : i32
      %get3A = arith.index_cast %add3A_132 : i32 to index
      %get3A_133 = tpu.vector_load %arg5[%get3A] {strides = array<i32>} : memref<8192xi32, #tpu.memory_space<vmem>>, vector<16xi32>,
      %gather3A = tpu.vector_load_idx %arg6[%get3A_133] : memref<4096xf32, #tpu.memory_space<vmem>>[vector<16xi32>], vector<16xf32>,
      %mul3A_134 = arith.constant 16 : i32
      %mul3A_135 = arith.muli %scan3A_128, %mul3A_134 : i32
      %swap3A = arith.index_cast %mul3A_135 : i32 to index
      %swap3A_136 = tpu.vector_load %arg8[%swap3A] {strides = array<i32>} : memref<1024xf32, #tpu.memory_space<vmem>>, vector<16xf32>,
      tpu.vector_store %arg8[%swap3A], %gather3A {strides = array<i32>} : memref<1024xf32, #tpu.memory_space<vmem>>, vector<16xf32>,
      %scan3A_137 = arith.constant 0 : i32
      scf.yield %scan3A_137 : i32
    }
    %scan3A_106 = arith.constant 64 : i32
    %scan3A_107 = arith.constant 0 : i32
    %scan3A_108 = arith.constant 0 : i32
    %scan3A_109 = arith.constant 16 : i32
    %scan3A_110 = arith.addi %scan3A_108, %scan3A_109 : i32
    %scan3A_111 = arith.constant 1 : i32
    %scan3A_112 = scf.for %scan3A_128 = %scan3A_108 to %scan3A_110 step %scan3A_111 iter_args(%scan3A_129 = %scan3A_107) -> (i32)  : i32 {
      %mul3A_130 = arith.constant 4 : i32
      %mul3A_131 = arith.muli %scan3A_128, %mul3A_130 : i32
      %add3A_132 = arith.constant 0 : i32
      %add3A_133 = arith.addi %mul3A_131, %add3A_132 : i32
      %dma_wait3A_134 = arith.constant 0 : i32
      %dma_wait3A_135 = arith.constant 0 : i32
      %dma_wait3A_136 = arith.constant 0 : i32
      %dma_wait3A_137 = tpu.memref_slice %arg9[%dma_wait3A_134, %dma_wait3A_135, %dma_wait3A_136] : memref<4x16x1024xf32, #tpu.memory_space<vmem>> -> memref<1x16x1024xf32, #tpu.memory_space<vmem>>
      %dma_wait3A_138 = tpu.memref_squeeze %dma_wait3A_137 : memref<1x16x1024xf32, #tpu.memory_space<vmem>> -> memref<16x1024xf32, #tpu.memory_space<vmem>>
      %dma_wait3A_139 = arith.constant 0 : i32
      %dma_wait3A_140 = tpu.memref_slice %arg7[%add3A_133, %dma_wait3A_139] : memref<64x16xi32, #tpu.memory_space<vmem>> -> memref<1x16xi32, #tpu.memory_space<vmem>>
      %dma_wait3A_141 = tpu.memref_squeeze %dma_wait3A_140 : memref<1x16xi32, #tpu.memory_space<vmem>> -> memref<16xi32, #tpu.memory_space<vmem>>
      %dma_wait3A_142 = arith.constant 0 : i32
      %dma_wait3A_143 = arith.constant 0 : i32
      %dma_wait3A_144 = tpu.memref_slice %arg2[%dma_wait3A_142, %dma_wait3A_143] : memref<16384x1024xf32, #tpu.memory_space<hbm>> -> memref<16384x1024xf32, #tpu.memory_space<hbm>>
      tpu.wait_indirect_dma semaphore(%arg10 : memref<!tpu.dma_semaphore, #tpu.memory_space<semaphore_mem>>) src(%dma_wait3A_144 : memref<16384x1024xf32, #tpu.memory_space<hbm>>) dst(%dma_wait3A_138 : memref<16x1024xf32, #tpu.memory_space<vmem>>)
      %scan3A_145 = arith.constant 0 : i32
      %scan3A_146 = arith.constant 0 : i32
      %scan3A_147 = arith.constant 16 : i32
      %scan3A_148 = arith.addi %scan3A_146, %scan3A_147 : i32
      %scan3A_149 = arith.constant 1 : i32
      %scan3A_150 = scf.for %scan3A_328 = %scan3A_146 to %scan3A_148 step %scan3A_149 iter_args(%scan3A_329 = %scan3A_145) -> (i32)  : i32 {
        %mul3A_330 = arith.constant 16 : i32
        %mul3A_331 = arith.muli %add3A_133, %mul3A_330 : i32
        %add3A_332 = arith.addi %mul3A_331, %scan3A_328 : i32
        %broadcast_in_dim3A_333 = vector.broadcast %add3A_332 : i32 to vector<16xi32>
        %gather3A = tpu.vector_load_idx %arg8[%broadcast_in_dim3A_333] : memref<1024xf32, #tpu.memory_space<vmem>>[vector<16xi32>], vector<16xf32>,
        %get3A = arith.constant 0 : i32
        %get3A_334 = arith.index_cast %get3A : i32 to index
        %get3A_335 = arith.index_cast %scan3A_328 : i32 to index
        %get3A_336 = arith.constant 0 : index
        %get3A_337 = tpu.vector_load %arg9[%get3A_334, %get3A_335, %get3A_336] {strides = array<i32>} : memref<4x16x1024xf32, #tpu.memory_space<vmem>>, vector<16xf32>,
        %mul3A_338 = arith.mulf %get3A_337, %gather3A : vector<16xf32>
        %swap3A = arith.constant 0 : i32
        %swap3A_339 = arith.index_cast %swap3A : i32 to index
        %swap3A_340 = arith.index_cast %scan3A_328 : i32 to index
        %swap3A_341 = arith.constant 0 : index
        %swap3A_342 = tpu.vector_load %arg9[%swap3A_339, %swap3A_340, %swap3A_341] {strides = array<i32>} : memref<4x16x1024xf32, #tpu.memory_space<vmem>>, vector<16xf32>,
        tpu.vector_store %arg9[%swap3A_339, %swap3A_340, %swap3A_341], %mul3A_338 {strides = array<i32>} : memref<4x16x1024xf32, #tpu.memory_space<vmem>>, vector<16xf32>,
        %get3A_343 = arith.constant 0 : i32
        %get3A_344 = arith.index_cast %get3A_343 : i32 to index
        %get3A_345 = arith.index_cast %scan3A_328 : i32 to index
        %get3A_346 = arith.constant 16 : index
        %get3A_347 = tpu.vector_load %arg9[%get3A_344, %get3A_345, %get3A_346] {strides = array<i32>} : memref<4x16x1024xf32, #tpu.memory_space<vmem>>, vector<16xf32>,
        %mul3A_348 = arith.mulf %get3A_347, %gather3A : vector<16xf32>
        %swap3A_349 = arith.constant 0 : i32
        %swap3A_350 = arith.index_cast %swap3A_349 : i32 to index
        %swap3A_351 = arith.index_cast %scan3A_328 : i32 to index
        %swap3A_352 = arith.constant 16 : index
        %swap3A_353 = tpu.vector_load %arg9[%swap3A_350, %swap3A_351, %swap3A_352] {strides = array<i32>} : memref<4x16x1024xf32, #tpu.memory_space<vmem>>, vector<16xf32>,
        tpu.vector_store %arg9[%swap3A_350, %swap3A_351, %swap3A_352], %mul3A_348 {strides = array<i32>} : memref<4x16x1024xf32, #tpu.memory_space<vmem>>, vector<16xf32>,
        %get3A_354 = arith.constant 0 : i32
        %get3A_355 = arith.index_cast %get3A_354 : i32 to index
        %get3A_356 = arith.index_cast %scan3A_328 : i32 to index
        %get3A_357 = arith.constant 32 : index
        %get3A_358 = tpu.vector_load %arg9[%get3A_355, %get3A_356, %get3A_357] {strides = array<i32>} : memref<4x16x1024xf32, #tpu.memory_space<vmem>>, vector<16xf32>,
        %mul3A_359 = arith.mulf %get3A_358, %gather3A : vector<16xf32>
        %swap3A_360 = arith.constant 0 : i32
        %swap3A_361 = arith.index_cast %swap3A_360 : i32 to index
        %swap3A_362 = arith.index_cast %scan3A_328 : i32 to index
        %swap3A_363 = arith.constant 32 : index
        %swap3A_364 = tpu.vector_load %arg9[%swap3A_361, %swap3A_362, %swap3A_363] {strides = array<i32>} : memref<4x16x1024xf32, #tpu.memory_space<vmem>>, vector<16xf32>,
        tpu.vector_store %arg9[%swap3A_361, %swap3A_362, %swap3A_363], %mul3A_359 {strides = array<i32>} : memref<4x16x1024xf32, #tpu.memory_space<vmem>>, vector<16xf32>,
        %get3A_365 = arith.constant 0 : i32
        %get3A_366 = arith.index_cast %get3A_365 : i32 to index
        %get3A_367 = arith.index_cast %scan3A_328 : i32 to index
        %get3A_368 = arith.constant 48 : index
        %get3A_369 = tpu.vector_load %arg9[%get3A_366, %get3A_367, %get3A_368] {strides = array<i32>} : memref<4x16x1024xf32, #tpu.memory_space<vmem>>, vector<16xf32>,
        %mul3A_370 = arith.mulf %get3A_369, %gather3A : vector<16xf32>
        %swap3A_371 = arith.constant 0 : i32
        %swap3A_372 = arith.index_cast %swap3A_371 : i32 to index
        %swap3A_373 = arith.index_cast %scan3A_328 : i32 to index
        %swap3A_374 = arith.constant 48 : index
        %swap3A_375 = tpu.vector_load %arg9[%swap3A_372, %swap3A_373, %swap3A_374] {strides = array<i32>} : memref<4x16x1024xf32, #tpu.memory_space<vmem>>, vector<16xf32>,
        tpu.vector_store %arg9[%swap3A_372, %swap3A_373, %swap3A_374], %mul3A_370 {strides = array<i32>} : memref<4x16x1024xf32, #tpu.memory_space<vmem>>, vector<16xf32>,
        %get3A_376 = arith.constant 0 : i32
        %get3A_377 = arith.index_cast %get3A_376 : i32 to index
        %get3A_378 = arith.index_cast %scan3A_328 : i32 to index
        %get3A_379 = arith.constant 64 : index
        %get3A_380 = tpu.vector_load %arg9[%get3A_377, %get3A_378, %get3A_379] {strides = array<i32>} : memref<4x16x1024xf32, #tpu.memory_space<vmem>>, vector<16xf32>,
        %mul3A_381 = arith.mulf %get3A_380, %gather3A : vector<16xf32>
        %swap3A_382 = arith.constant 0 : i32
        %swap3A_383 = arith.index_cast %swap3A_382 : i32 to index
        %swap3A_384 = arith.index_cast %scan3A_328 : i32 to index
        %swap3A_385 = arith.constant 64 : index
        %swap3A_386 = tpu.vector_load %arg9[%swap3A_383, %swap3A_384, %swap3A_385] {strides = array<i32>} : memref<4x16x1024xf32, #tpu.memory_space<vmem>>, vector<16xf32>,
        tpu.vector_store %arg9[%swap3A_383, %swap3A_384, %swap3A_385], %mul3A_381 {strides = array<i32>} : memref<4x16x1024xf32, #tpu.memory_space<vmem>>, vector<16xf32>,
        %get3A_387 = arith.constant 0 : i32
        %get3A_388 = arith.index_cast %get3A_387 : i32 to index
        %get3A_389 = arith.index_cast %scan3A_328 : i32 to index
        %get3A_390 = arith.constant 80 : index
        %get3A_391 = tpu.vector_load %arg9[%get3A_388, %get3A_389, %get3A_390] {strides = array<i32>} : memref<4x16x1024xf32, #tpu.memory_space<vmem>>, vector<16xf32>,
        %mul3A_392 = arith.mulf %get3A_391, %gather3A : vector<16xf32>
        %swap3A_393 = arith.constant 0 : i32
        %swap3A_394 = arith.index_cast %swap3A_393 : i32 to index
        %swap3A_395 = arith.index_cast %scan3A_328 : i32 to index
        %swap3A_396 = arith.constant 80 : index
        %swap3A_397 = tpu.vector_load %arg9[%swap3A_394, %swap3A_395, %swap3A_396] {strides = array<i32>} : memref<4x16x1024xf32, #tpu.memory_space<vmem>>, vector<16xf32>,
        tpu.vector_store %arg9[%swap3A_394, %swap3A_395, %swap3A_396], %mul3A_392 {strides = array<i32>} : memref<4x16x1024xf32, #tpu.memory_space<vmem>>, vector<16xf32>,
        %get3A_398 = arith.constant 0 : i32
        %get3A_399 = arith.index_cast %get3A_398 : i32 to index
        %get3A_400 = arith.index_cast %scan3A_328 : i32 to index
        %get3A_401 = arith.constant 96 : index
        %get3A_402 = tpu.vector_load %arg9[%get3A_399, %get3A_400, %get3A_401] {strides = array<i32>} : memref<4x16x1024xf32, #tpu.memory_space<vmem>>, vector<16xf32>,
        %mul3A_403 = arith.mulf %get3A_402, %gather3A : vector<16xf32>
        %swap3A_404 = arith.constant 0 : i32
        %swap3A_405 = arith.index_cast %swap3A_404 : i32 to index
        %swap3A_406 = arith.index_cast %scan3A_328 : i32 to index
        %swap3A_407 = arith.constant 96 : index
        %swap3A_408 = tpu.vector_load %arg9[%swap3A_405, %swap3A_406, %swap3A_407] {strides = array<i32>} : memref<4x16x1024xf32, #tpu.memory_space<vmem>>, vector<16xf32>,
        tpu.vector_store %arg9[%swap3A_405, %swap3A_406, %swap3A_407], %mul3A_403 {strides = array<i32>} : memref<4x16x1024xf32, #tpu.memory_space<vmem>>, vector<16xf32>,
        %get3A_409 = arith.constant 0 : i32
        %get3A_410 = arith.index_cast %get3A_409 : i32 to index
        %get3A_411 = arith.index_cast %scan3A_328 : i32 to index
        %get3A_412 = arith.constant 112 : index
        %get3A_413 = tpu.vector_load %arg9[%get3A_410, %get3A_411, %get3A_412] {strides = array<i32>} : memref<4x16x1024xf32, #tpu.memory_space<vmem>>, vector<16xf32>,
        %mul3A_414 = arith.mulf %get3A_413, %gather3A : vector<16xf32>
        %swap3A_415 = arith.constant 0 : i32
        %swap3A_416 = arith.index_cast %swap3A_415 : i32 to index
        %swap3A_417 = arith.index_cast %scan3A_328 : i32 to index
        %swap3A_418 = arith.constant 112 : index
        %swap3A_419 = tpu.vector_load %arg9[%swap3A_416, %swap3A_417, %swap3A_418] {strides = array<i32>} : memref<4x16x1024xf32, #tpu.memory_space<vmem>>, vector<16xf32>,
        tpu.vector_store %arg9[%swap3A_416, %swap3A_417, %swap3A_418], %mul3A_414 {strides = array<i32>} : memref<4x16x1024xf32, #tpu.memory_space<vmem>>, vector<16xf32>,
        %get3A_420 = arith.constant 0 : i32
        %get3A_421 = arith.index_cast %get3A_420 : i32 to index
        %get3A_422 = arith.index_cast %scan3A_328 : i32 to index
        %get3A_423 = arith.constant 128 : index
        %get3A_424 = tpu.vector_load %arg9[%get3A_421, %get3A_422, %get3A_423] {strides = array<i32>} : memref<4x16x1024xf32, #tpu.memory_space<vmem>>, vector<16xf32>,
        %mul3A_425 = arith.mulf %get3A_424, %gather3A : vector<16xf32>
        %swap3A_426 = arith.constant 0 : i32
        %swap3A_427 = arith.index_cast %swap3A_426 : i32 to index
        %swap3A_428 = arith.index_cast %scan3A_328 : i32 to index
        %swap3A_429 = arith.constant 128 : index
        %swap3A_430 = tpu.vector_load %arg9[%swap3A_427, %swap3A_428, %swap3A_429] {strides = array<i32>} : memref<4x16x1024xf32, #tpu.memory_space<vmem>>, vector<16xf32>,
        tpu.vector_store %arg9[%swap3A_427, %swap3A_428, %swap3A_429], %mul3A_425 {strides = array<i32>} : memref<4x16x1024xf32, #tpu.memory_space<vmem>>, vector<16xf32>,
        %get3A_431 = arith.constant 0 : i32
        %get3A_432 = arith.index_cast %get3A_431 : i32 to index
        %get3A_433 = arith.index_cast %scan3A_328 : i32 to index
        %get3A_434 = arith.constant 144 : index
        %get3A_435 = tpu.vector_load %arg9[%get3A_432, %get3A_433, %get3A_434] {strides = array<i32>} : memref<4x16x1024xf32, #tpu.memory_space<vmem>>, vector<16xf32>,
        %mul3A_436 = arith.mulf %get3A_435, %gather3A : vector<16xf32>
        %swap3A_437 = arith.constant 0 : i32
        %swap3A_438 = arith.index_cast %swap3A_437 : i32 to index
        %swap3A_439 = arith.index_cast %scan3A_328 : i32 to index
        %swap3A_440 = arith.constant 144 : index
        %swap3A_441 = tpu.vector_load %arg9[%swap3A_438, %swap3A_439, %swap3A_440] {strides = array<i32>} : memref<4x16x1024xf32, #tpu.memory_space<vmem>>, vector<16xf32>,
        tpu.vector_store %arg9[%swap3A_438, %swap3A_439, %swap3A_440], %mul3A_436 {strides = array<i32>} : memref<4x16x1024xf32, #tpu.memory_space<vmem>>, vector<16xf32>,
        %get3A_442 = arith.constant 0 : i32
        %get3A_443 = arith.index_cast %get3A_442 : i32 to index
        %get3A_444 = arith.index_cast %scan3A_328 : i32 to index
        %get3A_445 = arith.constant 160 : index
        %get3A_446 = tpu.vector_load %arg9[%get3A_443, %get3A_444, %get3A_445] {strides = array<i32>} : memref<4x16x1024xf32, #tpu.memory_space<vmem>>, vector<16xf32>,
        %mul3A_447 = arith.mulf %get3A_446, %gather3A : vector<16xf32>
        %swap3A_448 = arith.constant 0 : i32
        %swap3A_449 = arith.index_cast %swap3A_448 : i32 to index
        %swap3A_450 = arith.index_cast %scan3A_328 : i32 to index
        %swap3A_451 = arith.constant 160 : index
        %swap3A_452 = tpu.vector_load %arg9[%swap3A_449, %swap3A_450, %swap3A_451] {strides = array<i32>} : memref<4x16x1024xf32, #tpu.memory_space<vmem>>, vector<16xf32>,
        tpu.vector_store %arg9[%swap3A_449, %swap3A_450, %swap3A_451], %mul3A_447 {strides = array<i32>} : memref<4x16x1024xf32, #tpu.memory_space<vmem>>, vector<16xf32>,
        %get3A_453 = arith.constant 0 : i32
        %get3A_454 = arith.index_cast %get3A_453 : i32 to index
        %get3A_455 = arith.index_cast %scan3A_328 : i32 to index
        %get3A_456 = arith.constant 176 : index
        %get3A_457 = tpu.vector_load %arg9[%get3A_454, %get3A_455, %get3A_456] {strides = array<i32>} : memref<4x16x1024xf32, #tpu.memory_space<vmem>>, vector<16xf32>,
        %mul3A_458 = arith.mulf %get3A_457, %gather3A : vector<16xf32>
        %swap3A_459 = arith.constant 0 : i32
        %swap3A_460 = arith.index_cast %swap3A_459 : i32 to index
        %swap3A_461 = arith.index_cast %scan3A_328 : i32 to index
        %swap3A_462 = arith.constant 176 : index
        %swap3A_463 = tpu.vector_load %arg9[%swap3A_460, %swap3A_461, %swap3A_462] {strides = array<i32>} : memref<4x16x1024xf32, #tpu.memory_space<vmem>>, vector<16xf32>,
        tpu.vector_store %arg9[%swap3A_460, %swap3A_461, %swap3A_462], %mul3A_458 {strides = array<i32>} : memref<4x16x1024xf32, #tpu.memory_space<vmem>>, vector<16xf32>,
        %get3A_464 = arith.constant 0 : i32
        %get3A_465 = arith.index_cast %get3A_464 : i32 to index
        %get3A_466 = arith.index_cast %scan3A_328 : i32 to index
        %get3A_467 = arith.constant 192 : index
        %get3A_468 = tpu.vector_load %arg9[%get3A_465, %get3A_466, %get3A_467] {strides = array<i32>} : memref<4x16x1024xf32, #tpu.memory_space<vmem>>, vector<16xf32>,
        %mul3A_469 = arith.mulf %get3A_468, %gather3A : vector<16xf32>
        %swap3A_470 = arith.constant 0 : i32
        %swap3A_471 = arith.index_cast %swap3A_470 : i32 to index
        %swap3A_472 = arith.index_cast %scan3A_328 : i32 to index
        %swap3A_473 = arith.constant 192 : index
        %swap3A_474 = tpu.vector_load %arg9[%swap3A_471, %swap3A_472, %swap3A_473] {strides = array<i32>} : memref<4x16x1024xf32, #tpu.memory_space<vmem>>, vector<16xf32>,
        tpu.vector_store %arg9[%swap3A_471, %swap3A_472, %swap3A_473], %mul3A_469 {strides = array<i32>} : memref<4x16x1024xf32, #tpu.memory_space<vmem>>, vector<16xf32>,
        %get3A_475 = arith.constant 0 : i32
        %get3A_476 = arith.index_cast %get3A_475 : i32 to index
        %get3A_477 = arith.index_cast %scan3A_328 : i32 to index
        %get3A_478 = arith.constant 208 : index
        %get3A_479 = tpu.vector_load %arg9[%get3A_476, %get3A_477, %get3A_478] {strides = array<i32>} : memref<4x16x1024xf32, #tpu.memory_space<vmem>>, vector<16xf32>,
        %mul3A_480 = arith.mulf %get3A_479, %gather3A : vector<16xf32>
        %swap3A_481 = arith.constant 0 : i32
        %swap3A_482 = arith.index_cast %swap3A_481 : i32 to index
        %swap3A_483 = arith.index_cast %scan3A_328 : i32 to index
        %swap3A_484 = arith.constant 208 : index
        %swap3A_485 = tpu.vector_load %arg9[%swap3A_482, %swap3A_483, %swap3A_484] {strides = array<i32>} : memref<4x16x1024xf32, #tpu.memory_space<vmem>>, vector<16xf32>,
        tpu.vector_store %arg9[%swap3A_482, %swap3A_483, %swap3A_484], %mul3A_480 {strides = array<i32>} : memref<4x16x1024xf32, #tpu.memory_space<vmem>>, vector<16xf32>,
        %get3A_486 = arith.constant 0 : i32
        %get3A_487 = arith.index_cast %get3A_486 : i32 to index
        %get3A_488 = arith.index_cast %scan3A_328 : i32 to index
        %get3A_489 = arith.constant 224 : index
        %get3A_490 = tpu.vector_load %arg9[%get3A_487, %get3A_488, %get3A_489] {strides = array<i32>} : memref<4x16x1024xf32, #tpu.memory_space<vmem>>, vector<16xf32>,
        %mul3A_491 = arith.mulf %get3A_490, %gather3A : vector<16xf32>
        %swap3A_492 = arith.constant 0 : i32
        %swap3A_493 = arith.index_cast %swap3A_492 : i32 to index
        %swap3A_494 = arith.index_cast %scan3A_328 : i32 to index
        %swap3A_495 = arith.constant 224 : index
        %swap3A_496 = tpu.vector_load %arg9[%swap3A_493, %swap3A_494, %swap3A_495] {strides = array<i32>} : memref<4x16x1024xf32, #tpu.memory_space<vmem>>, vector<16xf32>,
        tpu.vector_store %arg9[%swap3A_493, %swap3A_494, %swap3A_495], %mul3A_491 {strides = array<i32>} : memref<4x16x1024xf32, #tpu.memory_space<vmem>>, vector<16xf32>,
        %get3A_497 = arith.constant 0 : i32
        %get3A_498 = arith.index_cast %get3A_497 : i32 to index
        %get3A_499 = arith.index_cast %scan3A_328 : i32 to index
        %get3A_500 = arith.constant 240 : index
        %get3A_501 = tpu.vector_load %arg9[%get3A_498, %get3A_499, %get3A_500] {strides = array<i32>} : memref<4x16x1024xf32, #tpu.memory_space<vmem>>, vector<16xf32>,
        %mul3A_502 = arith.mulf %get3A_501, %gather3A : vector<16xf32>
        %swap3A_503 = arith.constant 0 : i32
        %swap3A_504 = arith.index_cast %swap3A_503 : i32 to index
        %swap3A_505 = arith.index_cast %scan3A_328 : i32 to index
        %swap3A_506 = arith.constant 240 : index
        %swap3A_507 = tpu.vector_load %arg9[%swap3A_504, %swap3A_505, %swap3A_506] {strides = array<i32>} : memref<4x16x1024xf32, #tpu.memory_space<vmem>>, vector<16xf32>,
        tpu.vector_store %arg9[%swap3A_504, %swap3A_505, %swap3A_506], %mul3A_502 {strides = array<i32>} : memref<4x16x1024xf32, #tpu.memory_space<vmem>>, vector<16xf32>,
        %get3A_508 = arith.constant 0 : i32
        %get3A_509 = arith.index_cast %get3A_508 : i32 to index
        %get3A_510 = arith.index_cast %scan3A_328 : i32 to index
        %get3A_511 = arith.constant 256 : index
        %get3A_512 = tpu.vector_load %arg9[%get3A_509, %get3A_510, %get3A_511] {strides = array<i32>} : memref<4x16x1024xf32, #tpu.memory_space<vmem>>, vector<16xf32>,
        %mul3A_513 = arith.mulf %get3A_512, %gather3A : vector<16xf32>
        %swap3A_514 = arith.constant 0 : i32
        %swap3A_515 = arith.index_cast %swap3A_514 : i32 to index
        %swap3A_516 = arith.index_cast %scan3A_328 : i32 to index
        %swap3A_517 = arith.constant 256 : index
        %swap3A_518 = tpu.vector_load %arg9[%swap3A_515, %swap3A_516, %swap3A_517] {strides = array<i32>} : memref<4x16x1024xf32, #tpu.memory_space<vmem>>, vector<16xf32>,
        tpu.vector_store %arg9[%swap3A_515, %swap3A_516, %swap3A_517], %mul3A_513 {strides = array<i32>} : memref<4x16x1024xf32, #tpu.memory_space<vmem>>, vector<16xf32>,
        %get3A_519 = arith.constant 0 : i32
        %get3A_520 = arith.index_cast %get3A_519 : i32 to index
        %get3A_521 = arith.index_cast %scan3A_328 : i32 to index
        %get3A_522 = arith.constant 272 : index
        %get3A_523 = tpu.vector_load %arg9[%get3A_520, %get3A_521, %get3A_522] {strides = array<i32>} : memref<4x16x1024xf32, #tpu.memory_space<vmem>>, vector<16xf32>,
        %mul3A_524 = arith.mulf %get3A_523, %gather3A : vector<16xf32>
        %swap3A_525 = arith.constant 0 : i32
        %swap3A_526 = arith.index_cast %swap3A_525 : i32 to index
        %swap3A_527 = arith.index_cast %scan3A_328 : i32 to index
        %swap3A_528 = arith.constant 272 : index
        %swap3A_529 = tpu.vector_load %arg9[%swap3A_526, %swap3A_527, %swap3A_528] {strides = array<i32>} : memref<4x16x1024xf32, #tpu.memory_space<vmem>>, vector<16xf32>,
        tpu.vector_store %arg9[%swap3A_526, %swap3A_527, %swap3A_528], %mul3A_524 {strides = array<i32>} : memref<4x16x1024xf32, #tpu.memory_space<vmem>>, vector<16xf32>,
        %get3A_530 = arith.constant 0 : i32
        %get3A_531 = arith.index_cast %get3A_530 : i32 to index
        %get3A_532 = arith.index_cast %scan3A_328 : i32 to index
        %get3A_533 = arith.constant 288 : index
        %get3A_534 = tpu.vector_load %arg9[%get3A_531, %get3A_532, %get3A_533] {strides = array<i32>} : memref<4x16x1024xf32, #tpu.memory_space<vmem>>, vector<16xf32>,
        %mul3A_535 = arith.mulf %get3A_534, %gather3A : vector<16xf32>
        %swap3A_536 = arith.constant 0 : i32
        %swap3A_537 = arith.index_cast %swap3A_536 : i32 to index
        %swap3A_538 = arith.index_cast %scan3A_328 : i32 to index
        %swap3A_539 = arith.constant 288 : index
        %swap3A_540 = tpu.vector_load %arg9[%swap3A_537, %swap3A_538, %swap3A_539] {strides = array<i32>} : memref<4x16x1024xf32, #tpu.memory_space<vmem>>, vector<16xf32>,
        tpu.vector_store %arg9[%swap3A_537, %swap3A_538, %swap3A_539], %mul3A_535 {strides = array<i32>} : memref<4x16x1024xf32, #tpu.memory_space<vmem>>, vector<16xf32>,
        %get3A_541 = arith.constant 0 : i32
        %get3A_542 = arith.index_cast %get3A_541 : i32 to index
        %get3A_543 = arith.index_cast %scan3A_328 : i32 to index
        %get3A_544 = arith.constant 304 : index
        %get3A_545 = tpu.vector_load %arg9[%get3A_542, %get3A_543, %get3A_544] {strides = array<i32>} : memref<4x16x1024xf32, #tpu.memory_space<vmem>>, vector<16xf32>,
        %mul3A_546 = arith.mulf %get3A_545, %gather3A : vector<16xf32>
        %swap3A_547 = arith.constant 0 : i32
        %swap3A_548 = arith.index_cast %swap3A_547 : i32 to index
        %swap3A_549 = arith.index_cast %scan3A_328 : i32 to index
        %swap3A_550 = arith.constant 304 : index
        %swap3A_551 = tpu.vector_load %arg9[%swap3A_548, %swap3A_549, %swap3A_550] {strides = array<i32>} : memref<4x16x1024xf32, #tpu.memory_space<vmem>>, vector<16xf32>,
        tpu.vector_store %arg9[%swap3A_548, %swap3A_549, %swap3A_550], %mul3A_546 {strides = array<i32>} : memref<4x16x1024xf32, #tpu.memory_space<vmem>>, vector<16xf32>,
        %get3A_552 = arith.constant 0 : i32
        %get3A_553 = arith.index_cast %get3A_552 : i32 to index
        %get3A_554 = arith.index_cast %scan3A_328 : i32 to index
        %get3A_555 = arith.constant 320 : index
        %get3A_556 = tpu.vector_load %arg9[%get3A_553, %get3A_554, %get3A_555] {strides = array<i32>} : memref<4x16x1024xf32, #tpu.memory_space<vmem>>, vector<16xf32>,
        %mul3A_557 = arith.mulf %get3A_556, %gather3A : vector<16xf32>
        %swap3A_558 = arith.constant 0 : i32
        %swap3A_559 = arith.index_cast %swap3A_558 : i32 to index
        %swap3A_560 = arith.index_cast %scan3A_328 : i32 to index
        %swap3A_561 = arith.constant 320 : index
        %swap3A_562 = tpu.vector_load %arg9[%swap3A_559, %swap3A_560, %swap3A_561] {strides = array<i32>} : memref<4x16x1024xf32, #tpu.memory_space<vmem>>, vector<16xf32>,
        tpu.vector_store %arg9[%swap3A_559, %swap3A_560, %swap3A_561], %mul3A_557 {strides = array<i32>} : memref<4x16x1024xf32, #tpu.memory_space<vmem>>, vector<16xf32>,
        %get3A_563 = arith.constant 0 : i32
        %get3A_564 = arith.index_cast %get3A_563 : i32 to index
        %get3A_565 = arith.index_cast %scan3A_328 : i32 to index
        %get3A_566 = arith.constant 336 : index
        %get3A_567 = tpu.vector_load %arg9[%get3A_564, %get3A_565, %get3A_566] {strides = array<i32>} : memref<4x16x1024xf32, #tpu.memory_space<vmem>>, vector<16xf32>,
        %mul3A_568 = arith.mulf %get3A_567, %gather3A : vector<16xf32>
        %swap3A_569 = arith.constant 0 : i32
        %swap3A_570 = arith.index_cast %swap3A_569 : i32 to index
        %swap3A_571 = arith.index_cast %scan3A_328 : i32 to index
        %swap3A_572 = arith.constant 336 : index
        %swap3A_573 = tpu.vector_load %arg9[%swap3A_570, %swap3A_571, %swap3A_572] {strides = array<i32>} : memref<4x16x1024xf32, #tpu.memory_space<vmem>>, vector<16xf32>,
        tpu.vector_store %arg9[%swap3A_570, %swap3A_571, %swap3A_572], %mul3A_568 {strides = array<i32>} : memref<4x16x1024xf32, #tpu.memory_space<vmem>>, vector<16xf32>,
        %get3A_574 = arith.constant 0 : i32
        %get3A_575 = arith.index_cast %get3A_574 : i32 to index
        %get3A_576 = arith.index_cast %scan3A_328 : i32 to index
        %get3A_577 = arith.constant 352 : index
        %get3A_578 = tpu.vector_load %arg9[%get3A_575, %get3A_576, %get3A_577] {strides = array<i32>} : memref<4x16x1024xf32, #tpu.memory_space<vmem>>, vector<16xf32>,
        %mul3A_579 = arith.mulf %get3A_578, %gather3A : vector<16xf32>
        %swap3A_580 = arith.constant 0 : i32
        %swap3A_581 = arith.index_cast %swap3A_580 : i32 to index
        %swap3A_582 = arith.index_cast %scan3A_328 : i32 to index
        %swap3A_583 = arith.constant 352 : index
        %swap3A_584 = tpu.vector_load %arg9[%swap3A_581, %swap3A_582, %swap3A_583] {strides = array<i32>} : memref<4x16x1024xf32, #tpu.memory_space<vmem>>, vector<16xf32>,
        tpu.vector_store %arg9[%swap3A_581, %swap3A_582, %swap3A_583], %mul3A_579 {strides = array<i32>} : memref<4x16x1024xf32, #tpu.memory_space<vmem>>, vector<16xf32>,
        %get3A_585 = arith.constant 0 : i32
        %get3A_586 = arith.index_cast %get3A_585 : i32 to index
        %get3A_587 = arith.index_cast %scan3A_328 : i32 to index
        %get3A_588 = arith.constant 368 : index
        %get3A_589 = tpu.vector_load %arg9[%get3A_586, %get3A_587, %get3A_588] {strides = array<i32>} : memref<4x16x1024xf32, #tpu.memory_space<vmem>>, vector<16xf32>,
        %mul3A_590 = arith.mulf %get3A_589, %gather3A : vector<16xf32>
        %swap3A_591 = arith.constant 0 : i32
        %swap3A_592 = arith.index_cast %swap3A_591 : i32 to index
        %swap3A_593 = arith.index_cast %scan3A_328 : i32 to index
        %swap3A_594 = arith.constant 368 : index
        %swap3A_595 = tpu.vector_load %arg9[%swap3A_592, %swap3A_593, %swap3A_594] {strides = array<i32>} : memref<4x16x1024xf32, #tpu.memory_space<vmem>>, vector<16xf32>,
        tpu.vector_store %arg9[%swap3A_592, %swap3A_593, %swap3A_594], %mul3A_590 {strides = array<i32>} : memref<4x16x1024xf32, #tpu.memory_space<vmem>>, vector<16xf32>,
        %get3A_596 = arith.constant 0 : i32
        %get3A_597 = arith.index_cast %get3A_596 : i32 to index
        %get3A_598 = arith.index_cast %scan3A_328 : i32 to index
        %get3A_599 = arith.constant 384 : index
        %get3A_600 = tpu.vector_load %arg9[%get3A_597, %get3A_598, %get3A_599] {strides = array<i32>} : memref<4x16x1024xf32, #tpu.memory_space<vmem>>, vector<16xf32>,
        %mul3A_601 = arith.mulf %get3A_600, %gather3A : vector<16xf32>
        %swap3A_602 = arith.constant 0 : i32
        %swap3A_603 = arith.index_cast %swap3A_602 : i32 to index
        %swap3A_604 = arith.index_cast %scan3A_328 : i32 to index
        %swap3A_605 = arith.constant 384 : index
        %swap3A_606 = tpu.vector_load %arg9[%swap3A_603, %swap3A_604, %swap3A_605] {strides = array<i32>} : memref<4x16x1024xf32, #tpu.memory_space<vmem>>, vector<16xf32>,
        tpu.vector_store %arg9[%swap3A_603, %swap3A_604, %swap3A_605], %mul3A_601 {strides = array<i32>} : memref<4x16x1024xf32, #tpu.memory_space<vmem>>, vector<16xf32>,
        %get3A_607 = arith.constant 0 : i32
        %get3A_608 = arith.index_cast %get3A_607 : i32 to index
        %get3A_609 = arith.index_cast %scan3A_328 : i32 to index
        %get3A_610 = arith.constant 400 : index
        %get3A_611 = tpu.vector_load %arg9[%get3A_608, %get3A_609, %get3A_610] {strides = array<i32>} : memref<4x16x1024xf32, #tpu.memory_space<vmem>>, vector<16xf32>,
        %mul3A_612 = arith.mulf %get3A_611, %gather3A : vector<16xf32>
        %swap3A_613 = arith.constant 0 : i32
        %swap3A_614 = arith.index_cast %swap3A_613 : i32 to index
        %swap3A_615 = arith.index_cast %scan3A_328 : i32 to index
        %swap3A_616 = arith.constant 400 : index
        %swap3A_617 = tpu.vector_load %arg9[%swap3A_614, %swap3A_615, %swap3A_616] {strides = array<i32>} : memref<4x16x1024xf32, #tpu.memory_space<vmem>>, vector<16xf32>,
        tpu.vector_store %arg9[%swap3A_614, %swap3A_615, %swap3A_616], %mul3A_612 {strides = array<i32>} : memref<4x16x1024xf32, #tpu.memory_space<vmem>>, vector<16xf32>,
        %get3A_618 = arith.constant 0 : i32
        %get3A_619 = arith.index_cast %get3A_618 : i32 to index
        %get3A_620 = arith.index_cast %scan3A_328 : i32 to index
        %get3A_621 = arith.constant 416 : index
        %get3A_622 = tpu.vector_load %arg9[%get3A_619, %get3A_620, %get3A_621] {strides = array<i32>} : memref<4x16x1024xf32, #tpu.memory_space<vmem>>, vector<16xf32>,
        %mul3A_623 = arith.mulf %get3A_622, %gather3A : vector<16xf32>
        %swap3A_624 = arith.constant 0 : i32
        %swap3A_625 = arith.index_cast %swap3A_624 : i32 to index
        %swap3A_626 = arith.index_cast %scan3A_328 : i32 to index
        %swap3A_627 = arith.constant 416 : index
        %swap3A_628 = tpu.vector_load %arg9[%swap3A_625, %swap3A_626, %swap3A_627] {strides = array<i32>} : memref<4x16x1024xf32, #tpu.memory_space<vmem>>, vector<16xf32>,
        tpu.vector_store %arg9[%swap3A_625, %swap3A_626, %swap3A_627], %mul3A_623 {strides = array<i32>} : memref<4x16x1024xf32, #tpu.memory_space<vmem>>, vector<16xf32>,
        %get3A_629 = arith.constant 0 : i32
        %get3A_630 = arith.index_cast %get3A_629 : i32 to index
        %get3A_631 = arith.index_cast %scan3A_328 : i32 to index
        %get3A_632 = arith.constant 432 : index
        %get3A_633 = tpu.vector_load %arg9[%get3A_630, %get3A_631, %get3A_632] {strides = array<i32>} : memref<4x16x1024xf32, #tpu.memory_space<vmem>>, vector<16xf32>,
        %mul3A_634 = arith.mulf %get3A_633, %gather3A : vector<16xf32>
        %swap3A_635 = arith.constant 0 : i32
        %swap3A_636 = arith.index_cast %swap3A_635 : i32 to index
        %swap3A_637 = arith.index_cast %scan3A_328 : i32 to index
        %swap3A_638 = arith.constant 432 : index
        %swap3A_639 = tpu.vector_load %arg9[%swap3A_636, %swap3A_637, %swap3A_638] {strides = array<i32>} : memref<4x16x1024xf32, #tpu.memory_space<vmem>>, vector<16xf32>,
        tpu.vector_store %arg9[%swap3A_636, %swap3A_637, %swap3A_638], %mul3A_634 {strides = array<i32>} : memref<4x16x1024xf32, #tpu.memory_space<vmem>>, vector<16xf32>,
        %get3A_640 = arith.constant 0 : i32
        %get3A_641 = arith.index_cast %get3A_640 : i32 to index
        %get3A_642 = arith.index_cast %scan3A_328 : i32 to index
        %get3A_643 = arith.constant 448 : index
        %get3A_644 = tpu.vector_load %arg9[%get3A_641, %get3A_642, %get3A_643] {strides = array<i32>} : memref<4x16x1024xf32, #tpu.memory_space<vmem>>, vector<16xf32>,
        %mul3A_645 = arith.mulf %get3A_644, %gather3A : vector<16xf32>
        %swap3A_646 = arith.constant 0 : i32
        %swap3A_647 = arith.index_cast %swap3A_646 : i32 to index
        %swap3A_648 = arith.index_cast %scan3A_328 : i32 to index
        %swap3A_649 = arith.constant 448 : index
        %swap3A_650 = tpu.vector_load %arg9[%swap3A_647, %swap3A_648, %swap3A_649] {strides = array<i32>} : memref<4x16x1024xf32, #tpu.memory_space<vmem>>, vector<16xf32>,
        tpu.vector_store %arg9[%swap3A_647, %swap3A_648, %swap3A_649], %mul3A_645 {strides = array<i32>} : memref<4x16x1024xf32, #tpu.memory_space<vmem>>, vector<16xf32>,
        %get3A_651 = arith.constant 0 : i32
        %get3A_652 = arith.index_cast %get3A_651 : i32 to index
        %get3A_653 = arith.index_cast %scan3A_328 : i32 to index
        %get3A_654 = arith.constant 464 : index
        %get3A_655 = tpu.vector_load %arg9[%get3A_652, %get3A_653, %get3A_654] {strides = array<i32>} : memref<4x16x1024xf32, #tpu.memory_space<vmem>>, vector<16xf32>,
        %mul3A_656 = arith.mulf %get3A_655, %gather3A : vector<16xf32>
        %swap3A_657 = arith.constant 0 : i32
        %swap3A_658 = arith.index_cast %swap3A_657 : i32 to index
        %swap3A_659 = arith.index_cast %scan3A_328 : i32 to index
        %swap3A_660 = arith.constant 464 : index
        %swap3A_661 = tpu.vector_load %arg9[%swap3A_658, %swap3A_659, %swap3A_660] {strides = array<i32>} : memref<4x16x1024xf32, #tpu.memory_space<vmem>>, vector<16xf32>,
        tpu.vector_store %arg9[%swap3A_658, %swap3A_659, %swap3A_660], %mul3A_656 {strides = array<i32>} : memref<4x16x1024xf32, #tpu.memory_space<vmem>>, vector<16xf32>,
        %get3A_662 = arith.constant 0 : i32
        %get3A_663 = arith.index_cast %get3A_662 : i32 to index
        %get3A_664 = arith.index_cast %scan3A_328 : i32 to index
        %get3A_665 = arith.constant 480 : index
        %get3A_666 = tpu.vector_load %arg9[%get3A_663, %get3A_664, %get3A_665] {strides = array<i32>} : memref<4x16x1024xf32, #tpu.memory_space<vmem>>, vector<16xf32>,
        %mul3A_667 = arith.mulf %get3A_666, %gather3A : vector<16xf32>
        %swap3A_668 = arith.constant 0 : i32
        %swap3A_669 = arith.index_cast %swap3A_668 : i32 to index
        %swap3A_670 = arith.index_cast %scan3A_328 : i32 to index
        %swap3A_671 = arith.constant 480 : index
        %swap3A_672 = tpu.vector_load %arg9[%swap3A_669, %swap3A_670, %swap3A_671] {strides = array<i32>} : memref<4x16x1024xf32, #tpu.memory_space<vmem>>, vector<16xf32>,
        tpu.vector_store %arg9[%swap3A_669, %swap3A_670, %swap3A_671], %mul3A_667 {strides = array<i32>} : memref<4x16x1024xf32, #tpu.memory_space<vmem>>, vector<16xf32>,
        %get3A_673 = arith.constant 0 : i32
        %get3A_674 = arith.index_cast %get3A_673 : i32 to index
        %get3A_675 = arith.index_cast %scan3A_328 : i32 to index
        %get3A_676 = arith.constant 496 : index
        %get3A_677 = tpu.vector_load %arg9[%get3A_674, %get3A_675, %get3A_676] {strides = array<i32>} : memref<4x16x1024xf32, #tpu.memory_space<vmem>>, vector<16xf32>,
        %mul3A_678 = arith.mulf %get3A_677, %gather3A : vector<16xf32>
        %swap3A_679 = arith.constant 0 : i32
        %swap3A_680 = arith.index_cast %swap3A_679 : i32 to index
        %swap3A_681 = arith.index_cast %scan3A_328 : i32 to index
        %swap3A_682 = arith.constant 496 : index
        %swap3A_683 = tpu.vector_load %arg9[%swap3A_680, %swap3A_681, %swap3A_682] {strides = array<i32>} : memref<4x16x1024xf32, #tpu.memory_space<vmem>>, vector<16xf32>,
        tpu.vector_store %arg9[%swap3A_680, %swap3A_681, %swap3A_682], %mul3A_678 {strides = array<i32>} : memref<4x16x1024xf32, #tpu.memory_space<vmem>>, vector<16xf32>,
        %get3A_684 = arith.constant 0 : i32
        %get3A_685 = arith.index_cast %get3A_684 : i32 to index
        %get3A_686 = arith.index_cast %scan3A_328 : i32 to index
        %get3A_687 = arith.constant 512 : index
        %get3A_688 = tpu.vector_load %arg9[%get3A_685, %get3A_686, %get3A_687] {strides = array<i32>} : memref<4x16x1024xf32, #tpu.memory_space<vmem>>, vector<16xf32>,
        %mul3A_689 = arith.mulf %get3A_688, %gather3A : vector<16xf32>
        %swap3A_690 = arith.constant 0 : i32
        %swap3A_691 = arith.index_cast %swap3A_690 : i32 to index
        %swap3A_692 = arith.index_cast %scan3A_328 : i32 to index
        %swap3A_693 = arith.constant 512 : index
        %swap3A_694 = tpu.vector_load %arg9[%swap3A_691, %swap3A_692, %swap3A_693] {strides = array<i32>} : memref<4x16x1024xf32, #tpu.memory_space<vmem>>, vector<16xf32>,
        tpu.vector_store %arg9[%swap3A_691, %swap3A_692, %swap3A_693], %mul3A_689 {strides = array<i32>} : memref<4x16x1024xf32, #tpu.memory_space<vmem>>, vector<16xf32>,
        %get3A_695 = arith.constant 0 : i32
        %get3A_696 = arith.index_cast %get3A_695 : i32 to index
        %get3A_697 = arith.index_cast %scan3A_328 : i32 to index
        %get3A_698 = arith.constant 528 : index
        %get3A_699 = tpu.vector_load %arg9[%get3A_696, %get3A_697, %get3A_698] {strides = array<i32>} : memref<4x16x1024xf32, #tpu.memory_space<vmem>>, vector<16xf32>,
        %mul3A_700 = arith.mulf %get3A_699, %gather3A : vector<16xf32>
        %swap3A_701 = arith.constant 0 : i32
        %swap3A_702 = arith.index_cast %swap3A_701 : i32 to index
        %swap3A_703 = arith.index_cast %scan3A_328 : i32 to index
        %swap3A_704 = arith.constant 528 : index
        %swap3A_705 = tpu.vector_load %arg9[%swap3A_702, %swap3A_703, %swap3A_704] {strides = array<i32>} : memref<4x16x1024xf32, #tpu.memory_space<vmem>>, vector<16xf32>,
        tpu.vector_store %arg9[%swap3A_702, %swap3A_703, %swap3A_704], %mul3A_700 {strides = array<i32>} : memref<4x16x1024xf32, #tpu.memory_space<vmem>>, vector<16xf32>,
        %get3A_706 = arith.constant 0 : i32
        %get3A_707 = arith.index_cast %get3A_706 : i32 to index
        %get3A_708 = arith.index_cast %scan3A_328 : i32 to index
        %get3A_709 = arith.constant 544 : index
        %get3A_710 = tpu.vector_load %arg9[%get3A_707, %get3A_708, %get3A_709] {strides = array<i32>} : memref<4x16x1024xf32, #tpu.memory_space<vmem>>, vector<16xf32>,
        %mul3A_711 = arith.mulf %get3A_710, %gather3A : vector<16xf32>
        %swap3A_712 = arith.constant 0 : i32
        %swap3A_713 = arith.index_cast %swap3A_712 : i32 to index
        %swap3A_714 = arith.index_cast %scan3A_328 : i32 to index
        %swap3A_715 = arith.constant 544 : index
        %swap3A_716 = tpu.vector_load %arg9[%swap3A_713, %swap3A_714, %swap3A_715] {strides = array<i32>} : memref<4x16x1024xf32, #tpu.memory_space<vmem>>, vector<16xf32>,
        tpu.vector_store %arg9[%swap3A_713, %swap3A_714, %swap3A_715], %mul3A_711 {strides = array<i32>} : memref<4x16x1024xf32, #tpu.memory_space<vmem>>, vector<16xf32>,
        %get3A_717 = arith.constant 0 : i32
        %get3A_718 = arith.index_cast %get3A_717 : i32 to index
        %get3A_719 = arith.index_cast %scan3A_328 : i32 to index
        %get3A_720 = arith.constant 560 : index
        %get3A_721 = tpu.vector_load %arg9[%get3A_718, %get3A_719, %get3A_720] {strides = array<i32>} : memref<4x16x1024xf32, #tpu.memory_space<vmem>>, vector<16xf32>,
        %mul3A_722 = arith.mulf %get3A_721, %gather3A : vector<16xf32>
        %swap3A_723 = arith.constant 0 : i32
        %swap3A_724 = arith.index_cast %swap3A_723 : i32 to index
        %swap3A_725 = arith.index_cast %scan3A_328 : i32 to index
        %swap3A_726 = arith.constant 560 : index
        %swap3A_727 = tpu.vector_load %arg9[%swap3A_724, %swap3A_725, %swap3A_726] {strides = array<i32>} : memref<4x16x1024xf32, #tpu.memory_space<vmem>>, vector<16xf32>,
        tpu.vector_store %arg9[%swap3A_724, %swap3A_725, %swap3A_726], %mul3A_722 {strides = array<i32>} : memref<4x16x1024xf32, #tpu.memory_space<vmem>>, vector<16xf32>,
        %get3A_728 = arith.constant 0 : i32
        %get3A_729 = arith.index_cast %get3A_728 : i32 to index
        %get3A_730 = arith.index_cast %scan3A_328 : i32 to index
        %get3A_731 = arith.constant 576 : index
        %get3A_732 = tpu.vector_load %arg9[%get3A_729, %get3A_730, %get3A_731] {strides = array<i32>} : memref<4x16x1024xf32, #tpu.memory_space<vmem>>, vector<16xf32>,
        %mul3A_733 = arith.mulf %get3A_732, %gather3A : vector<16xf32>
        %swap3A_734 = arith.constant 0 : i32
        %swap3A_735 = arith.index_cast %swap3A_734 : i32 to index
        %swap3A_736 = arith.index_cast %scan3A_328 : i32 to index
        %swap3A_737 = arith.constant 576 : index
        %swap3A_738 = tpu.vector_load %arg9[%swap3A_735, %swap3A_736, %swap3A_737] {strides = array<i32>} : memref<4x16x1024xf32, #tpu.memory_space<vmem>>, vector<16xf32>,
        tpu.vector_store %arg9[%swap3A_735, %swap3A_736, %swap3A_737], %mul3A_733 {strides = array<i32>} : memref<4x16x1024xf32, #tpu.memory_space<vmem>>, vector<16xf32>,
        %get3A_739 = arith.constant 0 : i32
        %get3A_740 = arith.index_cast %get3A_739 : i32 to index
        %get3A_741 = arith.index_cast %scan3A_328 : i32 to index
        %get3A_742 = arith.constant 592 : index
        %get3A_743 = tpu.vector_load %arg9[%get3A_740, %get3A_741, %get3A_742] {strides = array<i32>} : memref<4x16x1024xf32, #tpu.memory_space<vmem>>, vector<16xf32>,
        %mul3A_744 = arith.mulf %get3A_743, %gather3A : vector<16xf32>
        %swap3A_745 = arith.constant 0 : i32
        %swap3A_746 = arith.index_cast %swap3A_745 : i32 to index
        %swap3A_747 = arith.index_cast %scan3A_328 : i32 to index
        %swap3A_748 = arith.constant 592 : index
        %swap3A_749 = tpu.vector_load %arg9[%swap3A_746, %swap3A_747, %swap3A_748] {strides = array<i32>} : memref<4x16x1024xf32, #tpu.memory_space<vmem>>, vector<16xf32>,
        tpu.vector_store %arg9[%swap3A_746, %swap3A_747, %swap3A_748], %mul3A_744 {strides = array<i32>} : memref<4x16x1024xf32, #tpu.memory_space<vmem>>, vector<16xf32>,
        %get3A_750 = arith.constant 0 : i32
        %get3A_751 = arith.index_cast %get3A_750 : i32 to index
        %get3A_752 = arith.index_cast %scan3A_328 : i32 to index
        %get3A_753 = arith.constant 608 : index
        %get3A_754 = tpu.vector_load %arg9[%get3A_751, %get3A_752, %get3A_753] {strides = array<i32>} : memref<4x16x1024xf32, #tpu.memory_space<vmem>>, vector<16xf32>,
        %mul3A_755 = arith.mulf %get3A_754, %gather3A : vector<16xf32>
        %swap3A_756 = arith.constant 0 : i32
        %swap3A_757 = arith.index_cast %swap3A_756 : i32 to index
        %swap3A_758 = arith.index_cast %scan3A_328 : i32 to index
        %swap3A_759 = arith.constant 608 : index
        %swap3A_760 = tpu.vector_load %arg9[%swap3A_757, %swap3A_758, %swap3A_759] {strides = array<i32>} : memref<4x16x1024xf32, #tpu.memory_space<vmem>>, vector<16xf32>,
        tpu.vector_store %arg9[%swap3A_757, %swap3A_758, %swap3A_759], %mul3A_755 {strides = array<i32>} : memref<4x16x1024xf32, #tpu.memory_space<vmem>>, vector<16xf32>,
        %get3A_761 = arith.constant 0 : i32
        %get3A_762 = arith.index_cast %get3A_761 : i32 to index
        %get3A_763 = arith.index_cast %scan3A_328 : i32 to index
        %get3A_764 = arith.constant 624 : index
        %get3A_765 = tpu.vector_load %arg9[%get3A_762, %get3A_763, %get3A_764] {strides = array<i32>} : memref<4x16x1024xf32, #tpu.memory_space<vmem>>, vector<16xf32>,
        %mul3A_766 = arith.mulf %get3A_765, %gather3A : vector<16xf32>
        %swap3A_767 = arith.constant 0 : i32
        %swap3A_768 = arith.index_cast %swap3A_767 : i32 to index
        %swap3A_769 = arith.index_cast %scan3A_328 : i32 to index
        %swap3A_770 = arith.constant 624 : index
        %swap3A_771 = tpu.vector_load %arg9[%swap3A_768, %swap3A_769, %swap3A_770] {strides = array<i32>} : memref<4x16x1024xf32, #tpu.memory_space<vmem>>, vector<16xf32>,
        tpu.vector_store %arg9[%swap3A_768, %swap3A_769, %swap3A_770], %mul3A_766 {strides = array<i32>} : memref<4x16x1024xf32, #tpu.memory_space<vmem>>, vector<16xf32>,
        %get3A_772 = arith.constant 0 : i32
        %get3A_773 = arith.index_cast %get3A_772 : i32 to index
        %get3A_774 = arith.index_cast %scan3A_328 : i32 to index
        %get3A_775 = arith.constant 640 : index
        %get3A_776 = tpu.vector_load %arg9[%get3A_773, %get3A_774, %get3A_775] {strides = array<i32>} : memref<4x16x1024xf32, #tpu.memory_space<vmem>>, vector<16xf32>,
        %mul3A_777 = arith.mulf %get3A_776, %gather3A : vector<16xf32>
        %swap3A_778 = arith.constant 0 : i32
        %swap3A_779 = arith.index_cast %swap3A_778 : i32 to index
        %swap3A_780 = arith.index_cast %scan3A_328 : i32 to index
        %swap3A_781 = arith.constant 640 : index
        %swap3A_782 = tpu.vector_load %arg9[%swap3A_779, %swap3A_780, %swap3A_781] {strides = array<i32>} : memref<4x16x1024xf32, #tpu.memory_space<vmem>>, vector<16xf32>,
        tpu.vector_store %arg9[%swap3A_779, %swap3A_780, %swap3A_781], %mul3A_777 {strides = array<i32>} : memref<4x16x1024xf32, #tpu.memory_space<vmem>>, vector<16xf32>,
        %get3A_783 = arith.constant 0 : i32
        %get3A_784 = arith.index_cast %get3A_783 : i32 to index
        %get3A_785 = arith.index_cast %scan3A_328 : i32 to index
        %get3A_786 = arith.constant 656 : index
        %get3A_787 = tpu.vector_load %arg9[%get3A_784, %get3A_785, %get3A_786] {strides = array<i32>} : memref<4x16x1024xf32, #tpu.memory_space<vmem>>, vector<16xf32>,
        %mul3A_788 = arith.mulf %get3A_787, %gather3A : vector<16xf32>
        %swap3A_789 = arith.constant 0 : i32
        %swap3A_790 = arith.index_cast %swap3A_789 : i32 to index
        %swap3A_791 = arith.index_cast %scan3A_328 : i32 to index
        %swap3A_792 = arith.constant 656 : index
        %swap3A_793 = tpu.vector_load %arg9[%swap3A_790, %swap3A_791, %swap3A_792] {strides = array<i32>} : memref<4x16x1024xf32, #tpu.memory_space<vmem>>, vector<16xf32>,
        tpu.vector_store %arg9[%swap3A_790, %swap3A_791, %swap3A_792], %mul3A_788 {strides = array<i32>} : memref<4x16x1024xf32, #tpu.memory_space<vmem>>, vector<16xf32>,
        %get3A_794 = arith.constant 0 : i32
        %get3A_795 = arith.index_cast %get3A_794 : i32 to index
        %get3A_796 = arith.index_cast %scan3A_328 : i32 to index
        %get3A_797 = arith.constant 672 : index
        %get3A_798 = tpu.vector_load %arg9[%get3A_795, %get3A_796, %get3A_797] {strides = array<i32>} : memref<4x16x1024xf32, #tpu.memory_space<vmem>>, vector<16xf32>,
        %mul3A_799 = arith.mulf %get3A_798, %gather3A : vector<16xf32>
        %swap3A_800 = arith.constant 0 : i32
        %swap3A_801 = arith.index_cast %swap3A_800 : i32 to index
        %swap3A_802 = arith.index_cast %scan3A_328 : i32 to index
        %swap3A_803 = arith.constant 672 : index
        %swap3A_804 = tpu.vector_load %arg9[%swap3A_801, %swap3A_802, %swap3A_803] {strides = array<i32>} : memref<4x16x1024xf32, #tpu.memory_space<vmem>>, vector<16xf32>,
        tpu.vector_store %arg9[%swap3A_801, %swap3A_802, %swap3A_803], %mul3A_799 {strides = array<i32>} : memref<4x16x1024xf32, #tpu.memory_space<vmem>>, vector<16xf32>,
        %get3A_805 = arith.constant 0 : i32
        %get3A_806 = arith.index_cast %get3A_805 : i32 to index
        %get3A_807 = arith.index_cast %scan3A_328 : i32 to index
        %get3A_808 = arith.constant 688 : index
        %get3A_809 = tpu.vector_load %arg9[%get3A_806, %get3A_807, %get3A_808] {strides = array<i32>} : memref<4x16x1024xf32, #tpu.memory_space<vmem>>, vector<16xf32>,
        %mul3A_810 = arith.mulf %get3A_809, %gather3A : vector<16xf32>
        %swap3A_811 = arith.constant 0 : i32
        %swap3A_812 = arith.index_cast %swap3A_811 : i32 to index
        %swap3A_813 = arith.index_cast %scan3A_328 : i32 to index
        %swap3A_814 = arith.constant 688 : index
        %swap3A_815 = tpu.vector_load %arg9[%swap3A_812, %swap3A_813, %swap3A_814] {strides = array<i32>} : memref<4x16x1024xf32, #tpu.memory_space<vmem>>, vector<16xf32>,
        tpu.vector_store %arg9[%swap3A_812, %swap3A_813, %swap3A_814], %mul3A_810 {strides = array<i32>} : memref<4x16x1024xf32, #tpu.memory_space<vmem>>, vector<16xf32>,
        %get3A_816 = arith.constant 0 : i32
        %get3A_817 = arith.index_cast %get3A_816 : i32 to index
        %get3A_818 = arith.index_cast %scan3A_328 : i32 to index
        %get3A_819 = arith.constant 704 : index
        %get3A_820 = tpu.vector_load %arg9[%get3A_817, %get3A_818, %get3A_819] {strides = array<i32>} : memref<4x16x1024xf32, #tpu.memory_space<vmem>>, vector<16xf32>,
        %mul3A_821 = arith.mulf %get3A_820, %gather3A : vector<16xf32>
        %swap3A_822 = arith.constant 0 : i32
        %swap3A_823 = arith.index_cast %swap3A_822 : i32 to index
        %swap3A_824 = arith.index_cast %scan3A_328 : i32 to index
        %swap3A_825 = arith.constant 704 : index
        %swap3A_826 = tpu.vector_load %arg9[%swap3A_823, %swap3A_824, %swap3A_825] {strides = array<i32>} : memref<4x16x1024xf32, #tpu.memory_space<vmem>>, vector<16xf32>,
        tpu.vector_store %arg9[%swap3A_823, %swap3A_824, %swap3A_825], %mul3A_821 {strides = array<i32>} : memref<4x16x1024xf32, #tpu.memory_space<vmem>>, vector<16xf32>,
        %get3A_827 = arith.constant 0 : i32
        %get3A_828 = arith.index_cast %get3A_827 : i32 to index
        %get3A_829 = arith.index_cast %scan3A_328 : i32 to index
        %get3A_830 = arith.constant 720 : index
        %get3A_831 = tpu.vector_load %arg9[%get3A_828, %get3A_829, %get3A_830] {strides = array<i32>} : memref<4x16x1024xf32, #tpu.memory_space<vmem>>, vector<16xf32>,
        %mul3A_832 = arith.mulf %get3A_831, %gather3A : vector<16xf32>
        %swap3A_833 = arith.constant 0 : i32
        %swap3A_834 = arith.index_cast %swap3A_833 : i32 to index
        %swap3A_835 = arith.index_cast %scan3A_328 : i32 to index
        %swap3A_836 = arith.constant 720 : index
        %swap3A_837 = tpu.vector_load %arg9[%swap3A_834, %swap3A_835, %swap3A_836] {strides = array<i32>} : memref<4x16x1024xf32, #tpu.memory_space<vmem>>, vector<16xf32>,
        tpu.vector_store %arg9[%swap3A_834, %swap3A_835, %swap3A_836], %mul3A_832 {strides = array<i32>} : memref<4x16x1024xf32, #tpu.memory_space<vmem>>, vector<16xf32>,
        %get3A_838 = arith.constant 0 : i32
        %get3A_839 = arith.index_cast %get3A_838 : i32 to index
        %get3A_840 = arith.index_cast %scan3A_328 : i32 to index
        %get3A_841 = arith.constant 736 : index
        %get3A_842 = tpu.vector_load %arg9[%get3A_839, %get3A_840, %get3A_841] {strides = array<i32>} : memref<4x16x1024xf32, #tpu.memory_space<vmem>>, vector<16xf32>,
        %mul3A_843 = arith.mulf %get3A_842, %gather3A : vector<16xf32>
        %swap3A_844 = arith.constant 0 : i32
        %swap3A_845 = arith.index_cast %swap3A_844 : i32 to index
        %swap3A_846 = arith.index_cast %scan3A_328 : i32 to index
        %swap3A_847 = arith.constant 736 : index
        %swap3A_848 = tpu.vector_load %arg9[%swap3A_845, %swap3A_846, %swap3A_847] {strides = array<i32>} : memref<4x16x1024xf32, #tpu.memory_space<vmem>>, vector<16xf32>,
        tpu.vector_store %arg9[%swap3A_845, %swap3A_846, %swap3A_847], %mul3A_843 {strides = array<i32>} : memref<4x16x1024xf32, #tpu.memory_space<vmem>>, vector<16xf32>,
        %get3A_849 = arith.constant 0 : i32
        %get3A_850 = arith.index_cast %get3A_849 : i32 to index
        %get3A_851 = arith.index_cast %scan3A_328 : i32 to index
        %get3A_852 = arith.constant 752 : index
        %get3A_853 = tpu.vector_load %arg9[%get3A_850, %get3A_851, %get3A_852] {strides = array<i32>} : memref<4x16x1024xf32, #tpu.memory_space<vmem>>, vector<16xf32>,
        %mul3A_854 = arith.mulf %get3A_853, %gather3A : vector<16xf32>
        %swap3A_855 = arith.constant 0 : i32
        %swap3A_856 = arith.index_cast %swap3A_855 : i32 to index
        %swap3A_857 = arith.index_cast %scan3A_328 : i32 to index
        %swap3A_858 = arith.constant 752 : index
        %swap3A_859 = tpu.vector_load %arg9[%swap3A_856, %swap3A_857, %swap3A_858] {strides = array<i32>} : memref<4x16x1024xf32, #tpu.memory_space<vmem>>, vector<16xf32>,
        tpu.vector_store %arg9[%swap3A_856, %swap3A_857, %swap3A_858], %mul3A_854 {strides = array<i32>} : memref<4x16x1024xf32, #tpu.memory_space<vmem>>, vector<16xf32>,
        %get3A_860 = arith.constant 0 : i32
        %get3A_861 = arith.index_cast %get3A_860 : i32 to index
        %get3A_862 = arith.index_cast %scan3A_328 : i32 to index
        %get3A_863 = arith.constant 768 : index
        %get3A_864 = tpu.vector_load %arg9[%get3A_861, %get3A_862, %get3A_863] {strides = array<i32>} : memref<4x16x1024xf32, #tpu.memory_space<vmem>>, vector<16xf32>,
        %mul3A_865 = arith.mulf %get3A_864, %gather3A : vector<16xf32>
        %swap3A_866 = arith.constant 0 : i32
        %swap3A_867 = arith.index_cast %swap3A_866 : i32 to index
        %swap3A_868 = arith.index_cast %scan3A_328 : i32 to index
        %swap3A_869 = arith.constant 768 : index
        %swap3A_870 = tpu.vector_load %arg9[%swap3A_867, %swap3A_868, %swap3A_869] {strides = array<i32>} : memref<4x16x1024xf32, #tpu.memory_space<vmem>>, vector<16xf32>,
        tpu.vector_store %arg9[%swap3A_867, %swap3A_868, %swap3A_869], %mul3A_865 {strides = array<i32>} : memref<4x16x1024xf32, #tpu.memory_space<vmem>>, vector<16xf32>,
        %get3A_871 = arith.constant 0 : i32
        %get3A_872 = arith.index_cast %get3A_871 : i32 to index
        %get3A_873 = arith.index_cast %scan3A_328 : i32 to index
        %get3A_874 = arith.constant 784 : index
        %get3A_875 = tpu.vector_load %arg9[%get3A_872, %get3A_873, %get3A_874] {strides = array<i32>} : memref<4x16x1024xf32, #tpu.memory_space<vmem>>, vector<16xf32>,
        %mul3A_876 = arith.mulf %get3A_875, %gather3A : vector<16xf32>
        %swap3A_877 = arith.constant 0 : i32
        %swap3A_878 = arith.index_cast %swap3A_877 : i32 to index
        %swap3A_879 = arith.index_cast %scan3A_328 : i32 to index
        %swap3A_880 = arith.constant 784 : index
        %swap3A_881 = tpu.vector_load %arg9[%swap3A_878, %swap3A_879, %swap3A_880] {strides = array<i32>} : memref<4x16x1024xf32, #tpu.memory_space<vmem>>, vector<16xf32>,
        tpu.vector_store %arg9[%swap3A_878, %swap3A_879, %swap3A_880], %mul3A_876 {strides = array<i32>} : memref<4x16x1024xf32, #tpu.memory_space<vmem>>, vector<16xf32>,
        %get3A_882 = arith.constant 0 : i32
        %get3A_883 = arith.index_cast %get3A_882 : i32 to index
        %get3A_884 = arith.index_cast %scan3A_328 : i32 to index
        %get3A_885 = arith.constant 800 : index
        %get3A_886 = tpu.vector_load %arg9[%get3A_883, %get3A_884, %get3A_885] {strides = array<i32>} : memref<4x16x1024xf32, #tpu.memory_space<vmem>>, vector<16xf32>,
        %mul3A_887 = arith.mulf %get3A_886, %gather3A : vector<16xf32>
        %swap3A_888 = arith.constant 0 : i32
        %swap3A_889 = arith.index_cast %swap3A_888 : i32 to index
        %swap3A_890 = arith.index_cast %scan3A_328 : i32 to index
        %swap3A_891 = arith.constant 800 : index
        %swap3A_892 = tpu.vector_load %arg9[%swap3A_889, %swap3A_890, %swap3A_891] {strides = array<i32>} : memref<4x16x1024xf32, #tpu.memory_space<vmem>>, vector<16xf32>,
        tpu.vector_store %arg9[%swap3A_889, %swap3A_890, %swap3A_891], %mul3A_887 {strides = array<i32>} : memref<4x16x1024xf32, #tpu.memory_space<vmem>>, vector<16xf32>,
        %get3A_893 = arith.constant 0 : i32
        %get3A_894 = arith.index_cast %get3A_893 : i32 to index
        %get3A_895 = arith.index_cast %scan3A_328 : i32 to index
        %get3A_896 = arith.constant 816 : index
        %get3A_897 = tpu.vector_load %arg9[%get3A_894, %get3A_895, %get3A_896] {strides = array<i32>} : memref<4x16x1024xf32, #tpu.memory_space<vmem>>, vector<16xf32>,
        %mul3A_898 = arith.mulf %get3A_897, %gather3A : vector<16xf32>
        %swap3A_899 = arith.constant 0 : i32
        %swap3A_900 = arith.index_cast %swap3A_899 : i32 to index
        %swap3A_901 = arith.index_cast %scan3A_328 : i32 to index
        %swap3A_902 = arith.constant 816 : index
        %swap3A_903 = tpu.vector_load %arg9[%swap3A_900, %swap3A_901, %swap3A_902] {strides = array<i32>} : memref<4x16x1024xf32, #tpu.memory_space<vmem>>, vector<16xf32>,
        tpu.vector_store %arg9[%swap3A_900, %swap3A_901, %swap3A_902], %mul3A_898 {strides = array<i32>} : memref<4x16x1024xf32, #tpu.memory_space<vmem>>, vector<16xf32>,
        %get3A_904 = arith.constant 0 : i32
        %get3A_905 = arith.index_cast %get3A_904 : i32 to index
        %get3A_906 = arith.index_cast %scan3A_328 : i32 to index
        %get3A_907 = arith.constant 832 : index
        %get3A_908 = tpu.vector_load %arg9[%get3A_905, %get3A_906, %get3A_907] {strides = array<i32>} : memref<4x16x1024xf32, #tpu.memory_space<vmem>>, vector<16xf32>,
        %mul3A_909 = arith.mulf %get3A_908, %gather3A : vector<16xf32>
        %swap3A_910 = arith.constant 0 : i32
        %swap3A_911 = arith.index_cast %swap3A_910 : i32 to index
        %swap3A_912 = arith.index_cast %scan3A_328 : i32 to index
        %swap3A_913 = arith.constant 832 : index
        %swap3A_914 = tpu.vector_load %arg9[%swap3A_911, %swap3A_912, %swap3A_913] {strides = array<i32>} : memref<4x16x1024xf32, #tpu.memory_space<vmem>>, vector<16xf32>,
        tpu.vector_store %arg9[%swap3A_911, %swap3A_912, %swap3A_913], %mul3A_909 {strides = array<i32>} : memref<4x16x1024xf32, #tpu.memory_space<vmem>>, vector<16xf32>,
        %get3A_915 = arith.constant 0 : i32
        %get3A_916 = arith.index_cast %get3A_915 : i32 to index
        %get3A_917 = arith.index_cast %scan3A_328 : i32 to index
        %get3A_918 = arith.constant 848 : index
        %get3A_919 = tpu.vector_load %arg9[%get3A_916, %get3A_917, %get3A_918] {strides = array<i32>} : memref<4x16x1024xf32, #tpu.memory_space<vmem>>, vector<16xf32>,
        %mul3A_920 = arith.mulf %get3A_919, %gather3A : vector<16xf32>
        %swap3A_921 = arith.constant 0 : i32
        %swap3A_922 = arith.index_cast %swap3A_921 : i32 to index
        %swap3A_923 = arith.index_cast %scan3A_328 : i32 to index
        %swap3A_924 = arith.constant 848 : index
        %swap3A_925 = tpu.vector_load %arg9[%swap3A_922, %swap3A_923, %swap3A_924] {strides = array<i32>} : memref<4x16x1024xf32, #tpu.memory_space<vmem>>, vector<16xf32>,
        tpu.vector_store %arg9[%swap3A_922, %swap3A_923, %swap3A_924], %mul3A_920 {strides = array<i32>} : memref<4x16x1024xf32, #tpu.memory_space<vmem>>, vector<16xf32>,
        %get3A_926 = arith.constant 0 : i32
        %get3A_927 = arith.index_cast %get3A_926 : i32 to index
        %get3A_928 = arith.index_cast %scan3A_328 : i32 to index
        %get3A_929 = arith.constant 864 : index
        %get3A_930 = tpu.vector_load %arg9[%get3A_927, %get3A_928, %get3A_929] {strides = array<i32>} : memref<4x16x1024xf32, #tpu.memory_space<vmem>>, vector<16xf32>,
        %mul3A_931 = arith.mulf %get3A_930, %gather3A : vector<16xf32>
        %swap3A_932 = arith.constant 0 : i32
        %swap3A_933 = arith.index_cast %swap3A_932 : i32 to index
        %swap3A_934 = arith.index_cast %scan3A_328 : i32 to index
        %swap3A_935 = arith.constant 864 : index
        %swap3A_936 = tpu.vector_load %arg9[%swap3A_933, %swap3A_934, %swap3A_935] {strides = array<i32>} : memref<4x16x1024xf32, #tpu.memory_space<vmem>>, vector<16xf32>,
        tpu.vector_store %arg9[%swap3A_933, %swap3A_934, %swap3A_935], %mul3A_931 {strides = array<i32>} : memref<4x16x1024xf32, #tpu.memory_space<vmem>>, vector<16xf32>,
        %get3A_937 = arith.constant 0 : i32
        %get3A_938 = arith.index_cast %get3A_937 : i32 to index
        %get3A_939 = arith.index_cast %scan3A_328 : i32 to index
        %get3A_940 = arith.constant 880 : index
        %get3A_941 = tpu.vector_load %arg9[%get3A_938, %get3A_939, %get3A_940] {strides = array<i32>} : memref<4x16x1024xf32, #tpu.memory_space<vmem>>, vector<16xf32>,
        %mul3A_942 = arith.mulf %get3A_941, %gather3A : vector<16xf32>
        %swap3A_943 = arith.constant 0 : i32
        %swap3A_944 = arith.index_cast %swap3A_943 : i32 to index
        %swap3A_945 = arith.index_cast %scan3A_328 : i32 to index
        %swap3A_946 = arith.constant 880 : index
        %swap3A_947 = tpu.vector_load %arg9[%swap3A_944, %swap3A_945, %swap3A_946] {strides = array<i32>} : memref<4x16x1024xf32, #tpu.memory_space<vmem>>, vector<16xf32>,
        tpu.vector_store %arg9[%swap3A_944, %swap3A_945, %swap3A_946], %mul3A_942 {strides = array<i32>} : memref<4x16x1024xf32, #tpu.memory_space<vmem>>, vector<16xf32>,
        %get3A_948 = arith.constant 0 : i32
        %get3A_949 = arith.index_cast %get3A_948 : i32 to index
        %get3A_950 = arith.index_cast %scan3A_328 : i32 to index
        %get3A_951 = arith.constant 896 : index
        %get3A_952 = tpu.vector_load %arg9[%get3A_949, %get3A_950, %get3A_951] {strides = array<i32>} : memref<4x16x1024xf32, #tpu.memory_space<vmem>>, vector<16xf32>,
        %mul3A_953 = arith.mulf %get3A_952, %gather3A : vector<16xf32>
        %swap3A_954 = arith.constant 0 : i32
        %swap3A_955 = arith.index_cast %swap3A_954 : i32 to index
        %swap3A_956 = arith.index_cast %scan3A_328 : i32 to index
        %swap3A_957 = arith.constant 896 : index
        %swap3A_958 = tpu.vector_load %arg9[%swap3A_955, %swap3A_956, %swap3A_957] {strides = array<i32>} : memref<4x16x1024xf32, #tpu.memory_space<vmem>>, vector<16xf32>,
        tpu.vector_store %arg9[%swap3A_955, %swap3A_956, %swap3A_957], %mul3A_953 {strides = array<i32>} : memref<4x16x1024xf32, #tpu.memory_space<vmem>>, vector<16xf32>,
        %get3A_959 = arith.constant 0 : i32
        %get3A_960 = arith.index_cast %get3A_959 : i32 to index
        %get3A_961 = arith.index_cast %scan3A_328 : i32 to index
        %get3A_962 = arith.constant 912 : index
        %get3A_963 = tpu.vector_load %arg9[%get3A_960, %get3A_961, %get3A_962] {strides = array<i32>} : memref<4x16x1024xf32, #tpu.memory_space<vmem>>, vector<16xf32>,
        %mul3A_964 = arith.mulf %get3A_963, %gather3A : vector<16xf32>
        %swap3A_965 = arith.constant 0 : i32
        %swap3A_966 = arith.index_cast %swap3A_965 : i32 to index
        %swap3A_967 = arith.index_cast %scan3A_328 : i32 to index
        %swap3A_968 = arith.constant 912 : index
        %swap3A_969 = tpu.vector_load %arg9[%swap3A_966, %swap3A_967, %swap3A_968] {strides = array<i32>} : memref<4x16x1024xf32, #tpu.memory_space<vmem>>, vector<16xf32>,
        tpu.vector_store %arg9[%swap3A_966, %swap3A_967, %swap3A_968], %mul3A_964 {strides = array<i32>} : memref<4x16x1024xf32, #tpu.memory_space<vmem>>, vector<16xf32>,
        %get3A_970 = arith.constant 0 : i32
        %get3A_971 = arith.index_cast %get3A_970 : i32 to index
        %get3A_972 = arith.index_cast %scan3A_328 : i32 to index
        %get3A_973 = arith.constant 928 : index
        %get3A_974 = tpu.vector_load %arg9[%get3A_971, %get3A_972, %get3A_973] {strides = array<i32>} : memref<4x16x1024xf32, #tpu.memory_space<vmem>>, vector<16xf32>,
        %mul3A_975 = arith.mulf %get3A_974, %gather3A : vector<16xf32>
        %swap3A_976 = arith.constant 0 : i32
        %swap3A_977 = arith.index_cast %swap3A_976 : i32 to index
        %swap3A_978 = arith.index_cast %scan3A_328 : i32 to index
        %swap3A_979 = arith.constant 928 : index
        %swap3A_980 = tpu.vector_load %arg9[%swap3A_977, %swap3A_978, %swap3A_979] {strides = array<i32>} : memref<4x16x1024xf32, #tpu.memory_space<vmem>>, vector<16xf32>,
        tpu.vector_store %arg9[%swap3A_977, %swap3A_978, %swap3A_979], %mul3A_975 {strides = array<i32>} : memref<4x16x1024xf32, #tpu.memory_space<vmem>>, vector<16xf32>,
        %get3A_981 = arith.constant 0 : i32
        %get3A_982 = arith.index_cast %get3A_981 : i32 to index
        %get3A_983 = arith.index_cast %scan3A_328 : i32 to index
        %get3A_984 = arith.constant 944 : index
        %get3A_985 = tpu.vector_load %arg9[%get3A_982, %get3A_983, %get3A_984] {strides = array<i32>} : memref<4x16x1024xf32, #tpu.memory_space<vmem>>, vector<16xf32>,
        %mul3A_986 = arith.mulf %get3A_985, %gather3A : vector<16xf32>
        %swap3A_987 = arith.constant 0 : i32
        %swap3A_988 = arith.index_cast %swap3A_987 : i32 to index
        %swap3A_989 = arith.index_cast %scan3A_328 : i32 to index
        %swap3A_990 = arith.constant 944 : index
        %swap3A_991 = tpu.vector_load %arg9[%swap3A_988, %swap3A_989, %swap3A_990] {strides = array<i32>} : memref<4x16x1024xf32, #tpu.memory_space<vmem>>, vector<16xf32>,
        tpu.vector_store %arg9[%swap3A_988, %swap3A_989, %swap3A_990], %mul3A_986 {strides = array<i32>} : memref<4x16x1024xf32, #tpu.memory_space<vmem>>, vector<16xf32>,
        %get3A_992 = arith.constant 0 : i32
        %get3A_993 = arith.index_cast %get3A_992 : i32 to index
        %get3A_994 = arith.index_cast %scan3A_328 : i32 to index
        %get3A_995 = arith.constant 960 : index
        %get3A_996 = tpu.vector_load %arg9[%get3A_993, %get3A_994, %get3A_995] {strides = array<i32>} : memref<4x16x1024xf32, #tpu.memory_space<vmem>>, vector<16xf32>,
        %mul3A_997 = arith.mulf %get3A_996, %gather3A : vector<16xf32>
        %swap3A_998 = arith.constant 0 : i32
        %swap3A_999 = arith.index_cast %swap3A_998 : i32 to index
        %swap3A_1000 = arith.index_cast %scan3A_328 : i32 to index
        %swap3A_1001 = arith.constant 960 : index
        %swap3A_1002 = tpu.vector_load %arg9[%swap3A_999, %swap3A_1000, %swap3A_1001] {strides = array<i32>} : memref<4x16x1024xf32, #tpu.memory_space<vmem>>, vector<16xf32>,
        tpu.vector_store %arg9[%swap3A_999, %swap3A_1000, %swap3A_1001], %mul3A_997 {strides = array<i32>} : memref<4x16x1024xf32, #tpu.memory_space<vmem>>, vector<16xf32>,
        %get3A_1003 = arith.constant 0 : i32
        %get3A_1004 = arith.index_cast %get3A_1003 : i32 to index
        %get3A_1005 = arith.index_cast %scan3A_328 : i32 to index
        %get3A_1006 = arith.constant 976 : index
        %get3A_1007 = tpu.vector_load %arg9[%get3A_1004, %get3A_1005, %get3A_1006] {strides = array<i32>} : memref<4x16x1024xf32, #tpu.memory_space<vmem>>, vector<16xf32>,
        %mul3A_1008 = arith.mulf %get3A_1007, %gather3A : vector<16xf32>
        %swap3A_1009 = arith.constant 0 : i32
        %swap3A_1010 = arith.index_cast %swap3A_1009 : i32 to index
        %swap3A_1011 = arith.index_cast %scan3A_328 : i32 to index
        %swap3A_1012 = arith.constant 976 : index
        %swap3A_1013 = tpu.vector_load %arg9[%swap3A_1010, %swap3A_1011, %swap3A_1012] {strides = array<i32>} : memref<4x16x1024xf32, #tpu.memory_space<vmem>>, vector<16xf32>,
        tpu.vector_store %arg9[%swap3A_1010, %swap3A_1011, %swap3A_1012], %mul3A_1008 {strides = array<i32>} : memref<4x16x1024xf32, #tpu.memory_space<vmem>>, vector<16xf32>,
        %get3A_1014 = arith.constant 0 : i32
        %get3A_1015 = arith.index_cast %get3A_1014 : i32 to index
        %get3A_1016 = arith.index_cast %scan3A_328 : i32 to index
        %get3A_1017 = arith.constant 992 : index
        %get3A_1018 = tpu.vector_load %arg9[%get3A_1015, %get3A_1016, %get3A_1017] {strides = array<i32>} : memref<4x16x1024xf32, #tpu.memory_space<vmem>>, vector<16xf32>,
        %mul3A_1019 = arith.mulf %get3A_1018, %gather3A : vector<16xf32>
        %swap3A_1020 = arith.constant 0 : i32
        %swap3A_1021 = arith.index_cast %swap3A_1020 : i32 to index
        %swap3A_1022 = arith.index_cast %scan3A_328 : i32 to index
        %swap3A_1023 = arith.constant 992 : index
        %swap3A_1024 = tpu.vector_load %arg9[%swap3A_1021, %swap3A_1022, %swap3A_1023] {strides = array<i32>} : memref<4x16x1024xf32, #tpu.memory_space<vmem>>, vector<16xf32>,
        tpu.vector_store %arg9[%swap3A_1021, %swap3A_1022, %swap3A_1023], %mul3A_1019 {strides = array<i32>} : memref<4x16x1024xf32, #tpu.memory_space<vmem>>, vector<16xf32>,
        %get3A_1025 = arith.constant 0 : i32
        %get3A_1026 = arith.index_cast %get3A_1025 : i32 to index
        %get3A_1027 = arith.index_cast %scan3A_328 : i32 to index
        %get3A_1028 = arith.constant 1008 : index
        %get3A_1029 = tpu.vector_load %arg9[%get3A_1026, %get3A_1027, %get3A_1028] {strides = array<i32>} : memref<4x16x1024xf32, #tpu.memory_space<vmem>>, vector<16xf32>,
        %mul3A_1030 = arith.mulf %get3A_1029, %gather3A : vector<16xf32>
        %swap3A_1031 = arith.constant 0 : i32
        %swap3A_1032 = arith.index_cast %swap3A_1031 : i32 to index
        %swap3A_1033 = arith.index_cast %scan3A_328 : i32 to index
        %swap3A_1034 = arith.constant 1008 : index
        %swap3A_1035 = tpu.vector_load %arg9[%swap3A_1032, %swap3A_1033, %swap3A_1034] {strides = array<i32>} : memref<4x16x1024xf32, #tpu.memory_space<vmem>>, vector<16xf32>,
        tpu.vector_store %arg9[%swap3A_1032, %swap3A_1033, %swap3A_1034], %mul3A_1030 {strides = array<i32>} : memref<4x16x1024xf32, #tpu.memory_space<vmem>>, vector<16xf32>,
        %scan3A_1036 = arith.constant 0 : i32
        scf.yield %scan3A_1036 : i32
      }
      %scan3A_151 = arith.constant 16 : i32
      %mul3A_152 = arith.constant 16 : i32
      %mul3A_153 = arith.muli %add3A_133, %mul3A_152 : i32
      %add3A_154 = arith.addi %mul3A_34, %mul3A_153 : i32
      %dma_start3A_155 = arith.constant 0 : i32
      %dma_start3A_156 = arith.constant 0 : i32
      %dma_start3A_157 = arith.constant 0 : i32
      %dma_start3A_158 = tpu.memref_slice %arg9[%dma_start3A_155, %dma_start3A_156, %dma_start3A_157] : memref<4x16x1024xf32, #tpu.memory_space<vmem>> -> memref<1x16x1024xf32, #tpu.memory_space<vmem>>
      %dma_start3A_159 = tpu.memref_squeeze %dma_start3A_158 : memref<1x16x1024xf32, #tpu.memory_space<vmem>> -> memref<16x1024xf32, #tpu.memory_space<vmem>>
      %dma_start3A_160 = arith.constant 0 : i32
      %dma_start3A_161 = tpu.memref_slice %arg4[%add3A_154, %dma_start3A_160] : memref<32768x1024xf32, #tpu.memory_space<hbm>> -> memref<16x1024xf32, #tpu.memory_space<hbm>>
      %dma_start3A_162 = arith.constant 0 : i32
      %dma_start3A_163 = tpu.memref_slice %arg4[%add3A_154, %dma_start3A_162] : memref<32768x1024xf32, #tpu.memory_space<hbm>> -> memref<16x1024xf32, #tpu.memory_space<hbm>>
      %dma_start3A_164 = arith.constant 0 : i32
      %dma_start3A_165 = arith.constant 0 : i32
      %dma_start3A_166 = tpu.memref_slice %arg9[%dma_start3A_155, %dma_start3A_164, %dma_start3A_165] : memref<4x16x1024xf32, #tpu.memory_space<vmem>> -> memref<1x16x1024xf32, #tpu.memory_space<vmem>>
      %dma_start3A_167 = tpu.memref_squeeze %dma_start3A_166 : memref<1x16x1024xf32, #tpu.memory_space<vmem>> -> memref<16x1024xf32, #tpu.memory_space<vmem>>
      tpu.enqueue_dma source(%dma_start3A_167 : memref<16x1024xf32, #tpu.memory_space<vmem>>) target(%dma_start3A_163 : memref<16x1024xf32, #tpu.memory_space<hbm>>) target_semaphore(%arg14 : memref<!tpu.dma_semaphore, #tpu.memory_space<semaphore_mem>>)
      %add3A_168 = arith.constant 3 : i32
      %add3A_169 = arith.addi %add3A_133, %add3A_168 : i32
      %ge3A = arith.constant 4 : i32
      %ge3A_170 = arith.cmpi sge, %add3A_169, %ge3A : i32
      %convert_element_type3A = arith.extui %ge3A_170 : i1 to i32
      %cond3A = arith.constant 0 : i32
      %cond3A_171 = arith.cmpi ne, %convert_element_type3A, %cond3A : i32
      scf.if %cond3A_171 {
        %sub3A_328 = arith.constant 4 : i32
        %sub3A_329 = arith.subi %add3A_169, %sub3A_328 : i32
        %mul3A_330 = arith.constant 16 : i32
        %mul3A_331 = arith.muli %sub3A_329, %mul3A_330 : i32
        %add3A_332 = arith.addi %mul3A_34, %mul3A_331 : i32
        %dma_wait3A_333 = arith.constant 3 : i32
        %dma_wait3A_334 = arith.constant 0 : i32
        %dma_wait3A_335 = arith.constant 0 : i32
        %dma_wait3A_336 = tpu.memref_slice %arg9[%dma_wait3A_333, %dma_wait3A_334, %dma_wait3A_335] : memref<4x16x1024xf32, #tpu.memory_space<vmem>> -> memref<1x16x1024xf32, #tpu.memory_space<vmem>>
        %dma_wait3A_337 = tpu.memref_squeeze %dma_wait3A_336 : memref<1x16x1024xf32, #tpu.memory_space<vmem>> -> memref<16x1024xf32, #tpu.memory_space<vmem>>
        %dma_wait3A_338 = arith.constant 0 : i32
        %dma_wait3A_339 = tpu.memref_slice %arg4[%add3A_332, %dma_wait3A_338] : memref<32768x1024xf32, #tpu.memory_space<hbm>> -> memref<16x1024xf32, #tpu.memory_space<hbm>>
        %dma_wait3A_340 = arith.constant 0 : i32
        %dma_wait3A_341 = tpu.memref_slice %arg4[%add3A_332, %dma_wait3A_340] : memref<32768x1024xf32, #tpu.memory_space<hbm>> -> memref<16x1024xf32, #tpu.memory_space<hbm>>
        %dma_wait3A_342 = arith.constant 0 : i32
        %dma_wait3A_343 = arith.constant 0 : i32
        %dma_wait3A_344 = tpu.memref_slice %arg9[%dma_wait3A_333, %dma_wait3A_342, %dma_wait3A_343] : memref<4x16x1024xf32, #tpu.memory_space<vmem>> -> memref<1x16x1024xf32, #tpu.memory_space<vmem>>
        %dma_wait3A_345 = tpu.memref_squeeze %dma_wait3A_344 : memref<1x16x1024xf32, #tpu.memory_space<vmem>> -> memref<16x1024xf32, #tpu.memory_space<vmem>>
        tpu.wait_dma2 semaphore(%arg17 : memref<!tpu.dma_semaphore, #tpu.memory_space<semaphore_mem>>) src(%dma_wait3A_345 : memref<16x1024xf32, #tpu.memory_space<vmem>>) dst(%dma_wait3A_341 : memref<16x1024xf32, #tpu.memory_space<hbm>>)
      } else {
      }
      %lt3A_172 = arith.constant 64 : i32
      %lt3A_173 = arith.cmpi slt, %add3A_169, %lt3A_172 : i32
      %convert_element_type3A_174 = arith.extui %lt3A_173 : i1 to i32
      %cond3A_175 = arith.constant 0 : i32
      %cond3A_176 = arith.cmpi ne, %convert_element_type3A_174, %cond3A_175 : i32
      scf.if %cond3A_176 {
        %dma_start3A_328 = arith.constant 3 : i32
        %dma_start3A_329 = arith.constant 0 : i32
        %dma_start3A_330 = arith.constant 0 : i32
        %dma_start3A_331 = tpu.memref_slice %arg9[%dma_start3A_328, %dma_start3A_329, %dma_start3A_330] : memref<4x16x1024xf32, #tpu.memory_space<vmem>> -> memref<1x16x1024xf32, #tpu.memory_space<vmem>>
        %dma_start3A_332 = tpu.memref_squeeze %dma_start3A_331 : memref<1x16x1024xf32, #tpu.memory_space<vmem>> -> memref<16x1024xf32, #tpu.memory_space<vmem>>
        %dma_start3A_333 = arith.constant 0 : i32
        %dma_start3A_334 = tpu.memref_slice %arg7[%add3A_169, %dma_start3A_333] : memref<64x16xi32, #tpu.memory_space<vmem>> -> memref<1x16xi32, #tpu.memory_space<vmem>>
        %dma_start3A_335 = tpu.memref_squeeze %dma_start3A_334 : memref<1x16xi32, #tpu.memory_space<vmem>> -> memref<16xi32, #tpu.memory_space<vmem>>
        %dma_start3A_336 = arith.constant 0 : i32
        %dma_start3A_337 = arith.constant 0 : i32
        %dma_start3A_338 = tpu.memref_slice %arg2[%dma_start3A_336, %dma_start3A_337] : memref<16384x1024xf32, #tpu.memory_space<hbm>> -> memref<16384x1024xf32, #tpu.memory_space<hbm>>
        tpu.enqueue_indirect_dma source(%dma_start3A_338 : memref<16384x1024xf32, #tpu.memory_space<hbm>>) target(%dma_start3A_332 : memref<16x1024xf32, #tpu.memory_space<vmem>>) offsets(%dma_start3A_335 : memref<16xi32, #tpu.memory_space<vmem>>) semaphore(%arg13 : memref<!tpu.dma_semaphore, #tpu.memory_space<semaphore_mem>>)
      } else {
      }
      %mul3A_177 = arith.constant 4 : i32
      %mul3A_178 = arith.muli %scan3A_128, %mul3A_177 : i32
      %add3A_179 = arith.constant 1 : i32
      %add3A_180 = arith.addi %mul3A_178, %add3A_179 : i32
      %dma_wait3A_181 = arith.constant 1 : i32
      %dma_wait3A_182 = arith.constant 0 : i32
      %dma_wait3A_183 = arith.constant 0 : i32
      %dma_wait3A_184 = tpu.memref_slice %arg9[%dma_wait3A_181, %dma_wait3A_182, %dma_wait3A_183] : memref<4x16x1024xf32, #tpu.memory_space<vmem>> -> memref<1x16x1024xf32, #tpu.memory_space<vmem>>
      %dma_wait3A_185 = tpu.memref_squeeze %dma_wait3A_184 : memref<1x16x1024xf32, #tpu.memory_space<vmem>> -> memref<16x1024xf32, #tpu.memory_space<vmem>>
      %dma_wait3A_186 = arith.constant 0 : i32
      %dma_wait3A_187 = tpu.memref_slice %arg7[%add3A_180, %dma_wait3A_186] : memref<64x16xi32, #tpu.memory_space<vmem>> -> memref<1x16xi32, #tpu.memory_space<vmem>>
      %dma_wait3A_188 = tpu.memref_squeeze %dma_wait3A_187 : memref<1x16xi32, #tpu.memory_space<vmem>> -> memref<16xi32, #tpu.memory_space<vmem>>
      %dma_wait3A_189 = arith.constant 0 : i32
      %dma_wait3A_190 = arith.constant 0 : i32
      %dma_wait3A_191 = tpu.memref_slice %arg2[%dma_wait3A_189, %dma_wait3A_190] : memref<16384x1024xf32, #tpu.memory_space<hbm>> -> memref<16384x1024xf32, #tpu.memory_space<hbm>>
      tpu.wait_indirect_dma semaphore(%arg11 : memref<!tpu.dma_semaphore, #tpu.memory_space<semaphore_mem>>) src(%dma_wait3A_191 : memref<16384x1024xf32, #tpu.memory_space<hbm>>) dst(%dma_wait3A_185 : memref<16x1024xf32, #tpu.memory_space<vmem>>)
      %scan3A_192 = arith.constant 0 : i32
      %scan3A_193 = arith.constant 0 : i32
      %scan3A_194 = arith.constant 16 : i32
      %scan3A_195 = arith.addi %scan3A_193, %scan3A_194 : i32
      %scan3A_196 = arith.constant 1 : i32
      %scan3A_197 = scf.for %scan3A_328 = %scan3A_193 to %scan3A_195 step %scan3A_196 iter_args(%scan3A_329 = %scan3A_192) -> (i32)  : i32 {
        %mul3A_330 = arith.constant 16 : i32
        %mul3A_331 = arith.muli %add3A_180, %mul3A_330 : i32
        %add3A_332 = arith.addi %mul3A_331, %scan3A_328 : i32
        %broadcast_in_dim3A_333 = vector.broadcast %add3A_332 : i32 to vector<16xi32>
        %gather3A = tpu.vector_load_idx %arg8[%broadcast_in_dim3A_333] : memref<1024xf32, #tpu.memory_space<vmem>>[vector<16xi32>], vector<16xf32>,
        %get3A = arith.constant 1 : i32
        %get3A_334 = arith.index_cast %get3A : i32 to index
        %get3A_335 = arith.index_cast %scan3A_328 : i32 to index
        %get3A_336 = arith.constant 0 : index
        %get3A_337 = tpu.vector_load %arg9[%get3A_334, %get3A_335, %get3A_336] {strides = array<i32>} : memref<4x16x1024xf32, #tpu.memory_space<vmem>>, vector<16xf32>,
        %mul3A_338 = arith.mulf %get3A_337, %gather3A : vector<16xf32>
        %swap3A = arith.constant 1 : i32
        %swap3A_339 = arith.index_cast %swap3A : i32 to index
        %swap3A_340 = arith.index_cast %scan3A_328 : i32 to index
        %swap3A_341 = arith.constant 0 : index
        %swap3A_342 = tpu.vector_load %arg9[%swap3A_339, %swap3A_340, %swap3A_341] {strides = array<i32>} : memref<4x16x1024xf32, #tpu.memory_space<vmem>>, vector<16xf32>,
        tpu.vector_store %arg9[%swap3A_339, %swap3A_340, %swap3A_341], %mul3A_338 {strides = array<i32>} : memref<4x16x1024xf32, #tpu.memory_space<vmem>>, vector<16xf32>,
        %get3A_343 = arith.constant 1 : i32
        %get3A_344 = arith.index_cast %get3A_343 : i32 to index
        %get3A_345 = arith.index_cast %scan3A_328 : i32 to index
        %get3A_346 = arith.constant 16 : index
        %get3A_347 = tpu.vector_load %arg9[%get3A_344, %get3A_345, %get3A_346] {strides = array<i32>} : memref<4x16x1024xf32, #tpu.memory_space<vmem>>, vector<16xf32>,
        %mul3A_348 = arith.mulf %get3A_347, %gather3A : vector<16xf32>
        %swap3A_349 = arith.constant 1 : i32
        %swap3A_350 = arith.index_cast %swap3A_349 : i32 to index
        %swap3A_351 = arith.index_cast %scan3A_328 : i32 to index
        %swap3A_352 = arith.constant 16 : index
        %swap3A_353 = tpu.vector_load %arg9[%swap3A_350, %swap3A_351, %swap3A_352] {strides = array<i32>} : memref<4x16x1024xf32, #tpu.memory_space<vmem>>, vector<16xf32>,
        tpu.vector_store %arg9[%swap3A_350, %swap3A_351, %swap3A_352], %mul3A_348 {strides = array<i32>} : memref<4x16x1024xf32, #tpu.memory_space<vmem>>, vector<16xf32>,
        %get3A_354 = arith.constant 1 : i32
        %get3A_355 = arith.index_cast %get3A_354 : i32 to index
        %get3A_356 = arith.index_cast %scan3A_328 : i32 to index
        %get3A_357 = arith.constant 32 : index
        %get3A_358 = tpu.vector_load %arg9[%get3A_355, %get3A_356, %get3A_357] {strides = array<i32>} : memref<4x16x1024xf32, #tpu.memory_space<vmem>>, vector<16xf32>,
        %mul3A_359 = arith.mulf %get3A_358, %gather3A : vector<16xf32>
        %swap3A_360 = arith.constant 1 : i32
        %swap3A_361 = arith.index_cast %swap3A_360 : i32 to index
        %swap3A_362 = arith.index_cast %scan3A_328 : i32 to index
        %swap3A_363 = arith.constant 32 : index
        %swap3A_364 = tpu.vector_load %arg9[%swap3A_361, %swap3A_362, %swap3A_363] {strides = array<i32>} : memref<4x16x1024xf32, #tpu.memory_space<vmem>>, vector<16xf32>,
        tpu.vector_store %arg9[%swap3A_361, %swap3A_362, %swap3A_363], %mul3A_359 {strides = array<i32>} : memref<4x16x1024xf32, #tpu.memory_space<vmem>>, vector<16xf32>,
        %get3A_365 = arith.constant 1 : i32
        %get3A_366 = arith.index_cast %get3A_365 : i32 to index
        %get3A_367 = arith.index_cast %scan3A_328 : i32 to index
        %get3A_368 = arith.constant 48 : index
        %get3A_369 = tpu.vector_load %arg9[%get3A_366, %get3A_367, %get3A_368] {strides = array<i32>} : memref<4x16x1024xf32, #tpu.memory_space<vmem>>, vector<16xf32>,
        %mul3A_370 = arith.mulf %get3A_369, %gather3A : vector<16xf32>
        %swap3A_371 = arith.constant 1 : i32
        %swap3A_372 = arith.index_cast %swap3A_371 : i32 to index
        %swap3A_373 = arith.index_cast %scan3A_328 : i32 to index
        %swap3A_374 = arith.constant 48 : index
        %swap3A_375 = tpu.vector_load %arg9[%swap3A_372, %swap3A_373, %swap3A_374] {strides = array<i32>} : memref<4x16x1024xf32, #tpu.memory_space<vmem>>, vector<16xf32>,
        tpu.vector_store %arg9[%swap3A_372, %swap3A_373, %swap3A_374], %mul3A_370 {strides = array<i32>} : memref<4x16x1024xf32, #tpu.memory_space<vmem>>, vector<16xf32>,
        %get3A_376 = arith.constant 1 : i32
        %get3A_377 = arith.index_cast %get3A_376 : i32 to index
        %get3A_378 = arith.index_cast %scan3A_328 : i32 to index
        %get3A_379 = arith.constant 64 : index
        %get3A_380 = tpu.vector_load %arg9[%get3A_377, %get3A_378, %get3A_379] {strides = array<i32>} : memref<4x16x1024xf32, #tpu.memory_space<vmem>>, vector<16xf32>,
        %mul3A_381 = arith.mulf %get3A_380, %gather3A : vector<16xf32>
        %swap3A_382 = arith.constant 1 : i32
        %swap3A_383 = arith.index_cast %swap3A_382 : i32 to index
        %swap3A_384 = arith.index_cast %scan3A_328 : i32 to index
        %swap3A_385 = arith.constant 64 : index
        %swap3A_386 = tpu.vector_load %arg9[%swap3A_383, %swap3A_384, %swap3A_385] {strides = array<i32>} : memref<4x16x1024xf32, #tpu.memory_space<vmem>>, vector<16xf32>,
        tpu.vector_store %arg9[%swap3A_383, %swap3A_384, %swap3A_385], %mul3A_381 {strides = array<i32>} : memref<4x16x1024xf32, #tpu.memory_space<vmem>>, vector<16xf32>,
        %get3A_387 = arith.constant 1 : i32
        %get3A_388 = arith.index_cast %get3A_387 : i32 to index
        %get3A_389 = arith.index_cast %scan3A_328 : i32 to index
        %get3A_390 = arith.constant 80 : index
        %get3A_391 = tpu.vector_load %arg9[%get3A_388, %get3A_389, %get3A_390] {strides = array<i32>} : memref<4x16x1024xf32, #tpu.memory_space<vmem>>, vector<16xf32>,
        %mul3A_392 = arith.mulf %get3A_391, %gather3A : vector<16xf32>
        %swap3A_393 = arith.constant 1 : i32
        %swap3A_394 = arith.index_cast %swap3A_393 : i32 to index
        %swap3A_395 = arith.index_cast %scan3A_328 : i32 to index
        %swap3A_396 = arith.constant 80 : index
        %swap3A_397 = tpu.vector_load %arg9[%swap3A_394, %swap3A_395, %swap3A_396] {strides = array<i32>} : memref<4x16x1024xf32, #tpu.memory_space<vmem>>, vector<16xf32>,
        tpu.vector_store %arg9[%swap3A_394, %swap3A_395, %swap3A_396], %mul3A_392 {strides = array<i32>} : memref<4x16x1024xf32, #tpu.memory_space<vmem>>, vector<16xf32>,
        %get3A_398 = arith.constant 1 : i32
        %get3A_399 = arith.index_cast %get3A_398 : i32 to index
        %get3A_400 = arith.index_cast %scan3A_328 : i32 to index
        %get3A_401 = arith.constant 96 : index
        %get3A_402 = tpu.vector_load %arg9[%get3A_399, %get3A_400, %get3A_401] {strides = array<i32>} : memref<4x16x1024xf32, #tpu.memory_space<vmem>>, vector<16xf32>,
        %mul3A_403 = arith.mulf %get3A_402, %gather3A : vector<16xf32>
        %swap3A_404 = arith.constant 1 : i32
        %swap3A_405 = arith.index_cast %swap3A_404 : i32 to index
        %swap3A_406 = arith.index_cast %scan3A_328 : i32 to index
        %swap3A_407 = arith.constant 96 : index
        %swap3A_408 = tpu.vector_load %arg9[%swap3A_405, %swap3A_406, %swap3A_407] {strides = array<i32>} : memref<4x16x1024xf32, #tpu.memory_space<vmem>>, vector<16xf32>,
        tpu.vector_store %arg9[%swap3A_405, %swap3A_406, %swap3A_407], %mul3A_403 {strides = array<i32>} : memref<4x16x1024xf32, #tpu.memory_space<vmem>>, vector<16xf32>,
        %get3A_409 = arith.constant 1 : i32
        %get3A_410 = arith.index_cast %get3A_409 : i32 to index
        %get3A_411 = arith.index_cast %scan3A_328 : i32 to index
        %get3A_412 = arith.constant 112 : index
        %get3A_413 = tpu.vector_load %arg9[%get3A_410, %get3A_411, %get3A_412] {strides = array<i32>} : memref<4x16x1024xf32, #tpu.memory_space<vmem>>, vector<16xf32>,
        %mul3A_414 = arith.mulf %get3A_413, %gather3A : vector<16xf32>
        %swap3A_415 = arith.constant 1 : i32
        %swap3A_416 = arith.index_cast %swap3A_415 : i32 to index
        %swap3A_417 = arith.index_cast %scan3A_328 : i32 to index
        %swap3A_418 = arith.constant 112 : index
        %swap3A_419 = tpu.vector_load %arg9[%swap3A_416, %swap3A_417, %swap3A_418] {strides = array<i32>} : memref<4x16x1024xf32, #tpu.memory_space<vmem>>, vector<16xf32>,
        tpu.vector_store %arg9[%swap3A_416, %swap3A_417, %swap3A_418], %mul3A_414 {strides = array<i32>} : memref<4x16x1024xf32, #tpu.memory_space<vmem>>, vector<16xf32>,
        %get3A_420 = arith.constant 1 : i32
        %get3A_421 = arith.index_cast %get3A_420 : i32 to index
        %get3A_422 = arith.index_cast %scan3A_328 : i32 to index
        %get3A_423 = arith.constant 128 : index
        %get3A_424 = tpu.vector_load %arg9[%get3A_421, %get3A_422, %get3A_423] {strides = array<i32>} : memref<4x16x1024xf32, #tpu.memory_space<vmem>>, vector<16xf32>,
        %mul3A_425 = arith.mulf %get3A_424, %gather3A : vector<16xf32>
        %swap3A_426 = arith.constant 1 : i32
        %swap3A_427 = arith.index_cast %swap3A_426 : i32 to index
        %swap3A_428 = arith.index_cast %scan3A_328 : i32 to index
        %swap3A_429 = arith.constant 128 : index
        %swap3A_430 = tpu.vector_load %arg9[%swap3A_427, %swap3A_428, %swap3A_429] {strides = array<i32>} : memref<4x16x1024xf32, #tpu.memory_space<vmem>>, vector<16xf32>,
        tpu.vector_store %arg9[%swap3A_427, %swap3A_428, %swap3A_429], %mul3A_425 {strides = array<i32>} : memref<4x16x1024xf32, #tpu.memory_space<vmem>>, vector<16xf32>,
        %get3A_431 = arith.constant 1 : i32
        %get3A_432 = arith.index_cast %get3A_431 : i32 to index
        %get3A_433 = arith.index_cast %scan3A_328 : i32 to index
        %get3A_434 = arith.constant 144 : index
        %get3A_435 = tpu.vector_load %arg9[%get3A_432, %get3A_433, %get3A_434] {strides = array<i32>} : memref<4x16x1024xf32, #tpu.memory_space<vmem>>, vector<16xf32>,
        %mul3A_436 = arith.mulf %get3A_435, %gather3A : vector<16xf32>
        %swap3A_437 = arith.constant 1 : i32
        %swap3A_438 = arith.index_cast %swap3A_437 : i32 to index
        %swap3A_439 = arith.index_cast %scan3A_328 : i32 to index
        %swap3A_440 = arith.constant 144 : index
        %swap3A_441 = tpu.vector_load %arg9[%swap3A_438, %swap3A_439, %swap3A_440] {strides = array<i32>} : memref<4x16x1024xf32, #tpu.memory_space<vmem>>, vector<16xf32>,
        tpu.vector_store %arg9[%swap3A_438, %swap3A_439, %swap3A_440], %mul3A_436 {strides = array<i32>} : memref<4x16x1024xf32, #tpu.memory_space<vmem>>, vector<16xf32>,
        %get3A_442 = arith.constant 1 : i32
        %get3A_443 = arith.index_cast %get3A_442 : i32 to index
        %get3A_444 = arith.index_cast %scan3A_328 : i32 to index
        %get3A_445 = arith.constant 160 : index
        %get3A_446 = tpu.vector_load %arg9[%get3A_443, %get3A_444, %get3A_445] {strides = array<i32>} : memref<4x16x1024xf32, #tpu.memory_space<vmem>>, vector<16xf32>,
        %mul3A_447 = arith.mulf %get3A_446, %gather3A : vector<16xf32>
        %swap3A_448 = arith.constant 1 : i32
        %swap3A_449 = arith.index_cast %swap3A_448 : i32 to index
        %swap3A_450 = arith.index_cast %scan3A_328 : i32 to index
        %swap3A_451 = arith.constant 160 : index
        %swap3A_452 = tpu.vector_load %arg9[%swap3A_449, %swap3A_450, %swap3A_451] {strides = array<i32>} : memref<4x16x1024xf32, #tpu.memory_space<vmem>>, vector<16xf32>,
        tpu.vector_store %arg9[%swap3A_449, %swap3A_450, %swap3A_451], %mul3A_447 {strides = array<i32>} : memref<4x16x1024xf32, #tpu.memory_space<vmem>>, vector<16xf32>,
        %get3A_453 = arith.constant 1 : i32
        %get3A_454 = arith.index_cast %get3A_453 : i32 to index
        %get3A_455 = arith.index_cast %scan3A_328 : i32 to index
        %get3A_456 = arith.constant 176 : index
        %get3A_457 = tpu.vector_load %arg9[%get3A_454, %get3A_455, %get3A_456] {strides = array<i32>} : memref<4x16x1024xf32, #tpu.memory_space<vmem>>, vector<16xf32>,
        %mul3A_458 = arith.mulf %get3A_457, %gather3A : vector<16xf32>
        %swap3A_459 = arith.constant 1 : i32
        %swap3A_460 = arith.index_cast %swap3A_459 : i32 to index
        %swap3A_461 = arith.index_cast %scan3A_328 : i32 to index
        %swap3A_462 = arith.constant 176 : index
        %swap3A_463 = tpu.vector_load %arg9[%swap3A_460, %swap3A_461, %swap3A_462] {strides = array<i32>} : memref<4x16x1024xf32, #tpu.memory_space<vmem>>, vector<16xf32>,
        tpu.vector_store %arg9[%swap3A_460, %swap3A_461, %swap3A_462], %mul3A_458 {strides = array<i32>} : memref<4x16x1024xf32, #tpu.memory_space<vmem>>, vector<16xf32>,
        %get3A_464 = arith.constant 1 : i32
        %get3A_465 = arith.index_cast %get3A_464 : i32 to index
        %get3A_466 = arith.index_cast %scan3A_328 : i32 to index
        %get3A_467 = arith.constant 192 : index
        %get3A_468 = tpu.vector_load %arg9[%get3A_465, %get3A_466, %get3A_467] {strides = array<i32>} : memref<4x16x1024xf32, #tpu.memory_space<vmem>>, vector<16xf32>,
        %mul3A_469 = arith.mulf %get3A_468, %gather3A : vector<16xf32>
        %swap3A_470 = arith.constant 1 : i32
        %swap3A_471 = arith.index_cast %swap3A_470 : i32 to index
        %swap3A_472 = arith.index_cast %scan3A_328 : i32 to index
        %swap3A_473 = arith.constant 192 : index
        %swap3A_474 = tpu.vector_load %arg9[%swap3A_471, %swap3A_472, %swap3A_473] {strides = array<i32>} : memref<4x16x1024xf32, #tpu.memory_space<vmem>>, vector<16xf32>,
        tpu.vector_store %arg9[%swap3A_471, %swap3A_472, %swap3A_473], %mul3A_469 {strides = array<i32>} : memref<4x16x1024xf32, #tpu.memory_space<vmem>>, vector<16xf32>,
        %get3A_475 = arith.constant 1 : i32
        %get3A_476 = arith.index_cast %get3A_475 : i32 to index
        %get3A_477 = arith.index_cast %scan3A_328 : i32 to index
        %get3A_478 = arith.constant 208 : index
        %get3A_479 = tpu.vector_load %arg9[%get3A_476, %get3A_477, %get3A_478] {strides = array<i32>} : memref<4x16x1024xf32, #tpu.memory_space<vmem>>, vector<16xf32>,
        %mul3A_480 = arith.mulf %get3A_479, %gather3A : vector<16xf32>
        %swap3A_481 = arith.constant 1 : i32
        %swap3A_482 = arith.index_cast %swap3A_481 : i32 to index
        %swap3A_483 = arith.index_cast %scan3A_328 : i32 to index
        %swap3A_484 = arith.constant 208 : index
        %swap3A_485 = tpu.vector_load %arg9[%swap3A_482, %swap3A_483, %swap3A_484] {strides = array<i32>} : memref<4x16x1024xf32, #tpu.memory_space<vmem>>, vector<16xf32>,
        tpu.vector_store %arg9[%swap3A_482, %swap3A_483, %swap3A_484], %mul3A_480 {strides = array<i32>} : memref<4x16x1024xf32, #tpu.memory_space<vmem>>, vector<16xf32>,
        %get3A_486 = arith.constant 1 : i32
        %get3A_487 = arith.index_cast %get3A_486 : i32 to index
        %get3A_488 = arith.index_cast %scan3A_328 : i32 to index
        %get3A_489 = arith.constant 224 : index
        %get3A_490 = tpu.vector_load %arg9[%get3A_487, %get3A_488, %get3A_489] {strides = array<i32>} : memref<4x16x1024xf32, #tpu.memory_space<vmem>>, vector<16xf32>,
        %mul3A_491 = arith.mulf %get3A_490, %gather3A : vector<16xf32>
        %swap3A_492 = arith.constant 1 : i32
        %swap3A_493 = arith.index_cast %swap3A_492 : i32 to index
        %swap3A_494 = arith.index_cast %scan3A_328 : i32 to index
        %swap3A_495 = arith.constant 224 : index
        %swap3A_496 = tpu.vector_load %arg9[%swap3A_493, %swap3A_494, %swap3A_495] {strides = array<i32>} : memref<4x16x1024xf32, #tpu.memory_space<vmem>>, vector<16xf32>,
        tpu.vector_store %arg9[%swap3A_493, %swap3A_494, %swap3A_495], %mul3A_491 {strides = array<i32>} : memref<4x16x1024xf32, #tpu.memory_space<vmem>>, vector<16xf32>,
        %get3A_497 = arith.constant 1 : i32
        %get3A_498 = arith.index_cast %get3A_497 : i32 to index
        %get3A_499 = arith.index_cast %scan3A_328 : i32 to index
        %get3A_500 = arith.constant 240 : index
        %get3A_501 = tpu.vector_load %arg9[%get3A_498, %get3A_499, %get3A_500] {strides = array<i32>} : memref<4x16x1024xf32, #tpu.memory_space<vmem>>, vector<16xf32>,
        %mul3A_502 = arith.mulf %get3A_501, %gather3A : vector<16xf32>
        %swap3A_503 = arith.constant 1 : i32
        %swap3A_504 = arith.index_cast %swap3A_503 : i32 to index
        %swap3A_505 = arith.index_cast %scan3A_328 : i32 to index
        %swap3A_506 = arith.constant 240 : index
        %swap3A_507 = tpu.vector_load %arg9[%swap3A_504, %swap3A_505, %swap3A_506] {strides = array<i32>} : memref<4x16x1024xf32, #tpu.memory_space<vmem>>, vector<16xf32>,
        tpu.vector_store %arg9[%swap3A_504, %swap3A_505, %swap3A_506], %mul3A_502 {strides = array<i32>} : memref<4x16x1024xf32, #tpu.memory_space<vmem>>, vector<16xf32>,
        %get3A_508 = arith.constant 1 : i32
        %get3A_509 = arith.index_cast %get3A_508 : i32 to index
        %get3A_510 = arith.index_cast %scan3A_328 : i32 to index
        %get3A_511 = arith.constant 256 : index
        %get3A_512 = tpu.vector_load %arg9[%get3A_509, %get3A_510, %get3A_511] {strides = array<i32>} : memref<4x16x1024xf32, #tpu.memory_space<vmem>>, vector<16xf32>,
        %mul3A_513 = arith.mulf %get3A_512, %gather3A : vector<16xf32>
        %swap3A_514 = arith.constant 1 : i32
        %swap3A_515 = arith.index_cast %swap3A_514 : i32 to index
        %swap3A_516 = arith.index_cast %scan3A_328 : i32 to index
        %swap3A_517 = arith.constant 256 : index
        %swap3A_518 = tpu.vector_load %arg9[%swap3A_515, %swap3A_516, %swap3A_517] {strides = array<i32>} : memref<4x16x1024xf32, #tpu.memory_space<vmem>>, vector<16xf32>,
        tpu.vector_store %arg9[%swap3A_515, %swap3A_516, %swap3A_517], %mul3A_513 {strides = array<i32>} : memref<4x16x1024xf32, #tpu.memory_space<vmem>>, vector<16xf32>,
        %get3A_519 = arith.constant 1 : i32
        %get3A_520 = arith.index_cast %get3A_519 : i32 to index
        %get3A_521 = arith.index_cast %scan3A_328 : i32 to index
        %get3A_522 = arith.constant 272 : index
        %get3A_523 = tpu.vector_load %arg9[%get3A_520, %get3A_521, %get3A_522] {strides = array<i32>} : memref<4x16x1024xf32, #tpu.memory_space<vmem>>, vector<16xf32>,
        %mul3A_524 = arith.mulf %get3A_523, %gather3A : vector<16xf32>
        %swap3A_525 = arith.constant 1 : i32
        %swap3A_526 = arith.index_cast %swap3A_525 : i32 to index
        %swap3A_527 = arith.index_cast %scan3A_328 : i32 to index
        %swap3A_528 = arith.constant 272 : index
        %swap3A_529 = tpu.vector_load %arg9[%swap3A_526, %swap3A_527, %swap3A_528] {strides = array<i32>} : memref<4x16x1024xf32, #tpu.memory_space<vmem>>, vector<16xf32>,
        tpu.vector_store %arg9[%swap3A_526, %swap3A_527, %swap3A_528], %mul3A_524 {strides = array<i32>} : memref<4x16x1024xf32, #tpu.memory_space<vmem>>, vector<16xf32>,
        %get3A_530 = arith.constant 1 : i32
        %get3A_531 = arith.index_cast %get3A_530 : i32 to index
        %get3A_532 = arith.index_cast %scan3A_328 : i32 to index
        %get3A_533 = arith.constant 288 : index
        %get3A_534 = tpu.vector_load %arg9[%get3A_531, %get3A_532, %get3A_533] {strides = array<i32>} : memref<4x16x1024xf32, #tpu.memory_space<vmem>>, vector<16xf32>,
        %mul3A_535 = arith.mulf %get3A_534, %gather3A : vector<16xf32>
        %swap3A_536 = arith.constant 1 : i32
        %swap3A_537 = arith.index_cast %swap3A_536 : i32 to index
        %swap3A_538 = arith.index_cast %scan3A_328 : i32 to index
        %swap3A_539 = arith.constant 288 : index
        %swap3A_540 = tpu.vector_load %arg9[%swap3A_537, %swap3A_538, %swap3A_539] {strides = array<i32>} : memref<4x16x1024xf32, #tpu.memory_space<vmem>>, vector<16xf32>,
        tpu.vector_store %arg9[%swap3A_537, %swap3A_538, %swap3A_539], %mul3A_535 {strides = array<i32>} : memref<4x16x1024xf32, #tpu.memory_space<vmem>>, vector<16xf32>,
        %get3A_541 = arith.constant 1 : i32
        %get3A_542 = arith.index_cast %get3A_541 : i32 to index
        %get3A_543 = arith.index_cast %scan3A_328 : i32 to index
        %get3A_544 = arith.constant 304 : index
        %get3A_545 = tpu.vector_load %arg9[%get3A_542, %get3A_543, %get3A_544] {strides = array<i32>} : memref<4x16x1024xf32, #tpu.memory_space<vmem>>, vector<16xf32>,
        %mul3A_546 = arith.mulf %get3A_545, %gather3A : vector<16xf32>
        %swap3A_547 = arith.constant 1 : i32
        %swap3A_548 = arith.index_cast %swap3A_547 : i32 to index
        %swap3A_549 = arith.index_cast %scan3A_328 : i32 to index
        %swap3A_550 = arith.constant 304 : index
        %swap3A_551 = tpu.vector_load %arg9[%swap3A_548, %swap3A_549, %swap3A_550] {strides = array<i32>} : memref<4x16x1024xf32, #tpu.memory_space<vmem>>, vector<16xf32>,
        tpu.vector_store %arg9[%swap3A_548, %swap3A_549, %swap3A_550], %mul3A_546 {strides = array<i32>} : memref<4x16x1024xf32, #tpu.memory_space<vmem>>, vector<16xf32>,
        %get3A_552 = arith.constant 1 : i32
        %get3A_553 = arith.index_cast %get3A_552 : i32 to index
        %get3A_554 = arith.index_cast %scan3A_328 : i32 to index
        %get3A_555 = arith.constant 320 : index
        %get3A_556 = tpu.vector_load %arg9[%get3A_553, %get3A_554, %get3A_555] {strides = array<i32>} : memref<4x16x1024xf32, #tpu.memory_space<vmem>>, vector<16xf32>,
        %mul3A_557 = arith.mulf %get3A_556, %gather3A : vector<16xf32>
        %swap3A_558 = arith.constant 1 : i32
        %swap3A_559 = arith.index_cast %swap3A_558 : i32 to index
        %swap3A_560 = arith.index_cast %scan3A_328 : i32 to index
        %swap3A_561 = arith.constant 320 : index
        %swap3A_562 = tpu.vector_load %arg9[%swap3A_559, %swap3A_560, %swap3A_561] {strides = array<i32>} : memref<4x16x1024xf32, #tpu.memory_space<vmem>>, vector<16xf32>,
        tpu.vector_store %arg9[%swap3A_559, %swap3A_560, %swap3A_561], %mul3A_557 {strides = array<i32>} : memref<4x16x1024xf32, #tpu.memory_space<vmem>>, vector<16xf32>,
        %get3A_563 = arith.constant 1 : i32
        %get3A_564 = arith.index_cast %get3A_563 : i32 to index
        %get3A_565 = arith.index_cast %scan3A_328 : i32 to index
        %get3A_566 = arith.constant 336 : index
        %get3A_567 = tpu.vector_load %arg9[%get3A_564, %get3A_565, %get3A_566] {strides = array<i32>} : memref<4x16x1024xf32, #tpu.memory_space<vmem>>, vector<16xf32>,
        %mul3A_568 = arith.mulf %get3A_567, %gather3A : vector<16xf32>
        %swap3A_569 = arith.constant 1 : i32
        %swap3A_570 = arith.index_cast %swap3A_569 : i32 to index
        %swap3A_571 = arith.index_cast %scan3A_328 : i32 to index
        %swap3A_572 = arith.constant 336 : index
        %swap3A_573 = tpu.vector_load %arg9[%swap3A_570, %swap3A_571, %swap3A_572] {strides = array<i32>} : memref<4x16x1024xf32, #tpu.memory_space<vmem>>, vector<16xf32>,
        tpu.vector_store %arg9[%swap3A_570, %swap3A_571, %swap3A_572], %mul3A_568 {strides = array<i32>} : memref<4x16x1024xf32, #tpu.memory_space<vmem>>, vector<16xf32>,
        %get3A_574 = arith.constant 1 : i32
        %get3A_575 = arith.index_cast %get3A_574 : i32 to index
        %get3A_576 = arith.index_cast %scan3A_328 : i32 to index
        %get3A_577 = arith.constant 352 : index
        %get3A_578 = tpu.vector_load %arg9[%get3A_575, %get3A_576, %get3A_577] {strides = array<i32>} : memref<4x16x1024xf32, #tpu.memory_space<vmem>>, vector<16xf32>,
        %mul3A_579 = arith.mulf %get3A_578, %gather3A : vector<16xf32>
        %swap3A_580 = arith.constant 1 : i32
        %swap3A_581 = arith.index_cast %swap3A_580 : i32 to index
        %swap3A_582 = arith.index_cast %scan3A_328 : i32 to index
        %swap3A_583 = arith.constant 352 : index
        %swap3A_584 = tpu.vector_load %arg9[%swap3A_581, %swap3A_582, %swap3A_583] {strides = array<i32>} : memref<4x16x1024xf32, #tpu.memory_space<vmem>>, vector<16xf32>,
        tpu.vector_store %arg9[%swap3A_581, %swap3A_582, %swap3A_583], %mul3A_579 {strides = array<i32>} : memref<4x16x1024xf32, #tpu.memory_space<vmem>>, vector<16xf32>,
        %get3A_585 = arith.constant 1 : i32
        %get3A_586 = arith.index_cast %get3A_585 : i32 to index
        %get3A_587 = arith.index_cast %scan3A_328 : i32 to index
        %get3A_588 = arith.constant 368 : index
        %get3A_589 = tpu.vector_load %arg9[%get3A_586, %get3A_587, %get3A_588] {strides = array<i32>} : memref<4x16x1024xf32, #tpu.memory_space<vmem>>, vector<16xf32>,
        %mul3A_590 = arith.mulf %get3A_589, %gather3A : vector<16xf32>
        %swap3A_591 = arith.constant 1 : i32
        %swap3A_592 = arith.index_cast %swap3A_591 : i32 to index
        %swap3A_593 = arith.index_cast %scan3A_328 : i32 to index
        %swap3A_594 = arith.constant 368 : index
        %swap3A_595 = tpu.vector_load %arg9[%swap3A_592, %swap3A_593, %swap3A_594] {strides = array<i32>} : memref<4x16x1024xf32, #tpu.memory_space<vmem>>, vector<16xf32>,
        tpu.vector_store %arg9[%swap3A_592, %swap3A_593, %swap3A_594], %mul3A_590 {strides = array<i32>} : memref<4x16x1024xf32, #tpu.memory_space<vmem>>, vector<16xf32>,
        %get3A_596 = arith.constant 1 : i32
        %get3A_597 = arith.index_cast %get3A_596 : i32 to index
        %get3A_598 = arith.index_cast %scan3A_328 : i32 to index
        %get3A_599 = arith.constant 384 : index
        %get3A_600 = tpu.vector_load %arg9[%get3A_597, %get3A_598, %get3A_599] {strides = array<i32>} : memref<4x16x1024xf32, #tpu.memory_space<vmem>>, vector<16xf32>,
        %mul3A_601 = arith.mulf %get3A_600, %gather3A : vector<16xf32>
        %swap3A_602 = arith.constant 1 : i32
        %swap3A_603 = arith.index_cast %swap3A_602 : i32 to index
        %swap3A_604 = arith.index_cast %scan3A_328 : i32 to index
        %swap3A_605 = arith.constant 384 : index
        %swap3A_606 = tpu.vector_load %arg9[%swap3A_603, %swap3A_604, %swap3A_605] {strides = array<i32>} : memref<4x16x1024xf32, #tpu.memory_space<vmem>>, vector<16xf32>,
        tpu.vector_store %arg9[%swap3A_603, %swap3A_604, %swap3A_605], %mul3A_601 {strides = array<i32>} : memref<4x16x1024xf32, #tpu.memory_space<vmem>>, vector<16xf32>,
        %get3A_607 = arith.constant 1 : i32
        %get3A_608 = arith.index_cast %get3A_607 : i32 to index
        %get3A_609 = arith.index_cast %scan3A_328 : i32 to index
        %get3A_610 = arith.constant 400 : index
        %get3A_611 = tpu.vector_load %arg9[%get3A_608, %get3A_609, %get3A_610] {strides = array<i32>} : memref<4x16x1024xf32, #tpu.memory_space<vmem>>, vector<16xf32>,
        %mul3A_612 = arith.mulf %get3A_611, %gather3A : vector<16xf32>
        %swap3A_613 = arith.constant 1 : i32
        %swap3A_614 = arith.index_cast %swap3A_613 : i32 to index
        %swap3A_615 = arith.index_cast %scan3A_328 : i32 to index
        %swap3A_616 = arith.constant 400 : index
        %swap3A_617 = tpu.vector_load %arg9[%swap3A_614, %swap3A_615, %swap3A_616] {strides = array<i32>} : memref<4x16x1024xf32, #tpu.memory_space<vmem>>, vector<16xf32>,
        tpu.vector_store %arg9[%swap3A_614, %swap3A_615, %swap3A_616], %mul3A_612 {strides = array<i32>} : memref<4x16x1024xf32, #tpu.memory_space<vmem>>, vector<16xf32>,
        %get3A_618 = arith.constant 1 : i32
        %get3A_619 = arith.index_cast %get3A_618 : i32 to index
        %get3A_620 = arith.index_cast %scan3A_328 : i32 to index
        %get3A_621 = arith.constant 416 : index
        %get3A_622 = tpu.vector_load %arg9[%get3A_619, %get3A_620, %get3A_621] {strides = array<i32>} : memref<4x16x1024xf32, #tpu.memory_space<vmem>>, vector<16xf32>,
        %mul3A_623 = arith.mulf %get3A_622, %gather3A : vector<16xf32>
        %swap3A_624 = arith.constant 1 : i32
        %swap3A_625 = arith.index_cast %swap3A_624 : i32 to index
        %swap3A_626 = arith.index_cast %scan3A_328 : i32 to index
        %swap3A_627 = arith.constant 416 : index
        %swap3A_628 = tpu.vector_load %arg9[%swap3A_625, %swap3A_626, %swap3A_627] {strides = array<i32>} : memref<4x16x1024xf32, #tpu.memory_space<vmem>>, vector<16xf32>,
        tpu.vector_store %arg9[%swap3A_625, %swap3A_626, %swap3A_627], %mul3A_623 {strides = array<i32>} : memref<4x16x1024xf32, #tpu.memory_space<vmem>>, vector<16xf32>,
        %get3A_629 = arith.constant 1 : i32
        %get3A_630 = arith.index_cast %get3A_629 : i32 to index
        %get3A_631 = arith.index_cast %scan3A_328 : i32 to index
        %get3A_632 = arith.constant 432 : index
        %get3A_633 = tpu.vector_load %arg9[%get3A_630, %get3A_631, %get3A_632] {strides = array<i32>} : memref<4x16x1024xf32, #tpu.memory_space<vmem>>, vector<16xf32>,
        %mul3A_634 = arith.mulf %get3A_633, %gather3A : vector<16xf32>
        %swap3A_635 = arith.constant 1 : i32
        %swap3A_636 = arith.index_cast %swap3A_635 : i32 to index
        %swap3A_637 = arith.index_cast %scan3A_328 : i32 to index
        %swap3A_638 = arith.constant 432 : index
        %swap3A_639 = tpu.vector_load %arg9[%swap3A_636, %swap3A_637, %swap3A_638] {strides = array<i32>} : memref<4x16x1024xf32, #tpu.memory_space<vmem>>, vector<16xf32>,
        tpu.vector_store %arg9[%swap3A_636, %swap3A_637, %swap3A_638], %mul3A_634 {strides = array<i32>} : memref<4x16x1024xf32, #tpu.memory_space<vmem>>, vector<16xf32>,
        %get3A_640 = arith.constant 1 : i32
        %get3A_641 = arith.index_cast %get3A_640 : i32 to index
        %get3A_642 = arith.index_cast %scan3A_328 : i32 to index
        %get3A_643 = arith.constant 448 : index
        %get3A_644 = tpu.vector_load %arg9[%get3A_641, %get3A_642, %get3A_643] {strides = array<i32>} : memref<4x16x1024xf32, #tpu.memory_space<vmem>>, vector<16xf32>,
        %mul3A_645 = arith.mulf %get3A_644, %gather3A : vector<16xf32>
        %swap3A_646 = arith.constant 1 : i32
        %swap3A_647 = arith.index_cast %swap3A_646 : i32 to index
        %swap3A_648 = arith.index_cast %scan3A_328 : i32 to index
        %swap3A_649 = arith.constant 448 : index
        %swap3A_650 = tpu.vector_load %arg9[%swap3A_647, %swap3A_648, %swap3A_649] {strides = array<i32>} : memref<4x16x1024xf32, #tpu.memory_space<vmem>>, vector<16xf32>,
        tpu.vector_store %arg9[%swap3A_647, %swap3A_648, %swap3A_649], %mul3A_645 {strides = array<i32>} : memref<4x16x1024xf32, #tpu.memory_space<vmem>>, vector<16xf32>,
        %get3A_651 = arith.constant 1 : i32
        %get3A_652 = arith.index_cast %get3A_651 : i32 to index
        %get3A_653 = arith.index_cast %scan3A_328 : i32 to index
        %get3A_654 = arith.constant 464 : index
        %get3A_655 = tpu.vector_load %arg9[%get3A_652, %get3A_653, %get3A_654] {strides = array<i32>} : memref<4x16x1024xf32, #tpu.memory_space<vmem>>, vector<16xf32>,
        %mul3A_656 = arith.mulf %get3A_655, %gather3A : vector<16xf32>
        %swap3A_657 = arith.constant 1 : i32
        %swap3A_658 = arith.index_cast %swap3A_657 : i32 to index
        %swap3A_659 = arith.index_cast %scan3A_328 : i32 to index
        %swap3A_660 = arith.constant 464 : index
        %swap3A_661 = tpu.vector_load %arg9[%swap3A_658, %swap3A_659, %swap3A_660] {strides = array<i32>} : memref<4x16x1024xf32, #tpu.memory_space<vmem>>, vector<16xf32>,
        tpu.vector_store %arg9[%swap3A_658, %swap3A_659, %swap3A_660], %mul3A_656 {strides = array<i32>} : memref<4x16x1024xf32, #tpu.memory_space<vmem>>, vector<16xf32>,
        %get3A_662 = arith.constant 1 : i32
        %get3A_663 = arith.index_cast %get3A_662 : i32 to index
        %get3A_664 = arith.index_cast %scan3A_328 : i32 to index
        %get3A_665 = arith.constant 480 : index
        %get3A_666 = tpu.vector_load %arg9[%get3A_663, %get3A_664, %get3A_665] {strides = array<i32>} : memref<4x16x1024xf32, #tpu.memory_space<vmem>>, vector<16xf32>,
        %mul3A_667 = arith.mulf %get3A_666, %gather3A : vector<16xf32>
        %swap3A_668 = arith.constant 1 : i32
        %swap3A_669 = arith.index_cast %swap3A_668 : i32 to index
        %swap3A_670 = arith.index_cast %scan3A_328 : i32 to index
        %swap3A_671 = arith.constant 480 : index
        %swap3A_672 = tpu.vector_load %arg9[%swap3A_669, %swap3A_670, %swap3A_671] {strides = array<i32>} : memref<4x16x1024xf32, #tpu.memory_space<vmem>>, vector<16xf32>,
        tpu.vector_store %arg9[%swap3A_669, %swap3A_670, %swap3A_671], %mul3A_667 {strides = array<i32>} : memref<4x16x1024xf32, #tpu.memory_space<vmem>>, vector<16xf32>,
        %get3A_673 = arith.constant 1 : i32
        %get3A_674 = arith.index_cast %get3A_673 : i32 to index
        %get3A_675 = arith.index_cast %scan3A_328 : i32 to index
        %get3A_676 = arith.constant 496 : index
        %get3A_677 = tpu.vector_load %arg9[%get3A_674, %get3A_675, %get3A_676] {strides = array<i32>} : memref<4x16x1024xf32, #tpu.memory_space<vmem>>, vector<16xf32>,
        %mul3A_678 = arith.mulf %get3A_677, %gather3A : vector<16xf32>
        %swap3A_679 = arith.constant 1 : i32
        %swap3A_680 = arith.index_cast %swap3A_679 : i32 to index
        %swap3A_681 = arith.index_cast %scan3A_328 : i32 to index
        %swap3A_682 = arith.constant 496 : index
        %swap3A_683 = tpu.vector_load %arg9[%swap3A_680, %swap3A_681, %swap3A_682] {strides = array<i32>} : memref<4x16x1024xf32, #tpu.memory_space<vmem>>, vector<16xf32>,
        tpu.vector_store %arg9[%swap3A_680, %swap3A_681, %swap3A_682], %mul3A_678 {strides = array<i32>} : memref<4x16x1024xf32, #tpu.memory_space<vmem>>, vector<16xf32>,
        %get3A_684 = arith.constant 1 : i32
        %get3A_685 = arith.index_cast %get3A_684 : i32 to index
        %get3A_686 = arith.index_cast %scan3A_328 : i32 to index
        %get3A_687 = arith.constant 512 : index
        %get3A_688 = tpu.vector_load %arg9[%get3A_685, %get3A_686, %get3A_687] {strides = array<i32>} : memref<4x16x1024xf32, #tpu.memory_space<vmem>>, vector<16xf32>,
        %mul3A_689 = arith.mulf %get3A_688, %gather3A : vector<16xf32>
        %swap3A_690 = arith.constant 1 : i32
        %swap3A_691 = arith.index_cast %swap3A_690 : i32 to index
        %swap3A_692 = arith.index_cast %scan3A_328 : i32 to index
        %swap3A_693 = arith.constant 512 : index
        %swap3A_694 = tpu.vector_load %arg9[%swap3A_691, %swap3A_692, %swap3A_693] {strides = array<i32>} : memref<4x16x1024xf32, #tpu.memory_space<vmem>>, vector<16xf32>,
        tpu.vector_store %arg9[%swap3A_691, %swap3A_692, %swap3A_693], %mul3A_689 {strides = array<i32>} : memref<4x16x1024xf32, #tpu.memory_space<vmem>>, vector<16xf32>,
        %get3A_695 = arith.constant 1 : i32
        %get3A_696 = arith.index_cast %get3A_695 : i32 to index
        %get3A_697 = arith.index_cast %scan3A_328 : i32 to index
        %get3A_698 = arith.constant 528 : index
        %get3A_699 = tpu.vector_load %arg9[%get3A_696, %get3A_697, %get3A_698] {strides = array<i32>} : memref<4x16x1024xf32, #tpu.memory_space<vmem>>, vector<16xf32>,
        %mul3A_700 = arith.mulf %get3A_699, %gather3A : vector<16xf32>
        %swap3A_701 = arith.constant 1 : i32
        %swap3A_702 = arith.index_cast %swap3A_701 : i32 to index
        %swap3A_703 = arith.index_cast %scan3A_328 : i32 to index
        %swap3A_704 = arith.constant 528 : index
        %swap3A_705 = tpu.vector_load %arg9[%swap3A_702, %swap3A_703, %swap3A_704] {strides = array<i32>} : memref<4x16x1024xf32, #tpu.memory_space<vmem>>, vector<16xf32>,
        tpu.vector_store %arg9[%swap3A_702, %swap3A_703, %swap3A_704], %mul3A_700 {strides = array<i32>} : memref<4x16x1024xf32, #tpu.memory_space<vmem>>, vector<16xf32>,
        %get3A_706 = arith.constant 1 : i32
        %get3A_707 = arith.index_cast %get3A_706 : i32 to index
        %get3A_708 = arith.index_cast %scan3A_328 : i32 to index
        %get3A_709 = arith.constant 544 : index
        %get3A_710 = tpu.vector_load %arg9[%get3A_707, %get3A_708, %get3A_709] {strides = array<i32>} : memref<4x16x1024xf32, #tpu.memory_space<vmem>>, vector<16xf32>,
        %mul3A_711 = arith.mulf %get3A_710, %gather3A : vector<16xf32>
        %swap3A_712 = arith.constant 1 : i32
        %swap3A_713 = arith.index_cast %swap3A_712 : i32 to index
        %swap3A_714 = arith.index_cast %scan3A_328 : i32 to index
        %swap3A_715 = arith.constant 544 : index
        %swap3A_716 = tpu.vector_load %arg9[%swap3A_713, %swap3A_714, %swap3A_715] {strides = array<i32>} : memref<4x16x1024xf32, #tpu.memory_space<vmem>>, vector<16xf32>,
        tpu.vector_store %arg9[%swap3A_713, %swap3A_714, %swap3A_715], %mul3A_711 {strides = array<i32>} : memref<4x16x1024xf32, #tpu.memory_space<vmem>>, vector<16xf32>,
        %get3A_717 = arith.constant 1 : i32
        %get3A_718 = arith.index_cast %get3A_717 : i32 to index
        %get3A_719 = arith.index_cast %scan3A_328 : i32 to index
        %get3A_720 = arith.constant 560 : index
        %get3A_721 = tpu.vector_load %arg9[%get3A_718, %get3A_719, %get3A_720] {strides = array<i32>} : memref<4x16x1024xf32, #tpu.memory_space<vmem>>, vector<16xf32>,
        %mul3A_722 = arith.mulf %get3A_721, %gather3A : vector<16xf32>
        %swap3A_723 = arith.constant 1 : i32
        %swap3A_724 = arith.index_cast %swap3A_723 : i32 to index
        %swap3A_725 = arith.index_cast %scan3A_328 : i32 to index
        %swap3A_726 = arith.constant 560 : index
        %swap3A_727 = tpu.vector_load %arg9[%swap3A_724, %swap3A_725, %swap3A_726] {strides = array<i32>} : memref<4x16x1024xf32, #tpu.memory_space<vmem>>, vector<16xf32>,
        tpu.vector_store %arg9[%swap3A_724, %swap3A_725, %swap3A_726], %mul3A_722 {strides = array<i32>} : memref<4x16x1024xf32, #tpu.memory_space<vmem>>, vector<16xf32>,
        %get3A_728 = arith.constant 1 : i32
        %get3A_729 = arith.index_cast %get3A_728 : i32 to index
        %get3A_730 = arith.index_cast %scan3A_328 : i32 to index
        %get3A_731 = arith.constant 576 : index
        %get3A_732 = tpu.vector_load %arg9[%get3A_729, %get3A_730, %get3A_731] {strides = array<i32>} : memref<4x16x1024xf32, #tpu.memory_space<vmem>>, vector<16xf32>,
        %mul3A_733 = arith.mulf %get3A_732, %gather3A : vector<16xf32>
        %swap3A_734 = arith.constant 1 : i32
        %swap3A_735 = arith.index_cast %swap3A_734 : i32 to index
        %swap3A_736 = arith.index_cast %scan3A_328 : i32 to index
        %swap3A_737 = arith.constant 576 : index
        %swap3A_738 = tpu.vector_load %arg9[%swap3A_735, %swap3A_736, %swap3A_737] {strides = array<i32>} : memref<4x16x1024xf32, #tpu.memory_space<vmem>>, vector<16xf32>,
        tpu.vector_store %arg9[%swap3A_735, %swap3A_736, %swap3A_737], %mul3A_733 {strides = array<i32>} : memref<4x16x1024xf32, #tpu.memory_space<vmem>>, vector<16xf32>,
        %get3A_739 = arith.constant 1 : i32
        %get3A_740 = arith.index_cast %get3A_739 : i32 to index
        %get3A_741 = arith.index_cast %scan3A_328 : i32 to index
        %get3A_742 = arith.constant 592 : index
        %get3A_743 = tpu.vector_load %arg9[%get3A_740, %get3A_741, %get3A_742] {strides = array<i32>} : memref<4x16x1024xf32, #tpu.memory_space<vmem>>, vector<16xf32>,
        %mul3A_744 = arith.mulf %get3A_743, %gather3A : vector<16xf32>
        %swap3A_745 = arith.constant 1 : i32
        %swap3A_746 = arith.index_cast %swap3A_745 : i32 to index
        %swap3A_747 = arith.index_cast %scan3A_328 : i32 to index
        %swap3A_748 = arith.constant 592 : index
        %swap3A_749 = tpu.vector_load %arg9[%swap3A_746, %swap3A_747, %swap3A_748] {strides = array<i32>} : memref<4x16x1024xf32, #tpu.memory_space<vmem>>, vector<16xf32>,
        tpu.vector_store %arg9[%swap3A_746, %swap3A_747, %swap3A_748], %mul3A_744 {strides = array<i32>} : memref<4x16x1024xf32, #tpu.memory_space<vmem>>, vector<16xf32>,
        %get3A_750 = arith.constant 1 : i32
        %get3A_751 = arith.index_cast %get3A_750 : i32 to index
        %get3A_752 = arith.index_cast %scan3A_328 : i32 to index
        %get3A_753 = arith.constant 608 : index
        %get3A_754 = tpu.vector_load %arg9[%get3A_751, %get3A_752, %get3A_753] {strides = array<i32>} : memref<4x16x1024xf32, #tpu.memory_space<vmem>>, vector<16xf32>,
        %mul3A_755 = arith.mulf %get3A_754, %gather3A : vector<16xf32>
        %swap3A_756 = arith.constant 1 : i32
        %swap3A_757 = arith.index_cast %swap3A_756 : i32 to index
        %swap3A_758 = arith.index_cast %scan3A_328 : i32 to index
        %swap3A_759 = arith.constant 608 : index
        %swap3A_760 = tpu.vector_load %arg9[%swap3A_757, %swap3A_758, %swap3A_759] {strides = array<i32>} : memref<4x16x1024xf32, #tpu.memory_space<vmem>>, vector<16xf32>,
        tpu.vector_store %arg9[%swap3A_757, %swap3A_758, %swap3A_759], %mul3A_755 {strides = array<i32>} : memref<4x16x1024xf32, #tpu.memory_space<vmem>>, vector<16xf32>,
        %get3A_761 = arith.constant 1 : i32
        %get3A_762 = arith.index_cast %get3A_761 : i32 to index
        %get3A_763 = arith.index_cast %scan3A_328 : i32 to index
        %get3A_764 = arith.constant 624 : index
        %get3A_765 = tpu.vector_load %arg9[%get3A_762, %get3A_763, %get3A_764] {strides = array<i32>} : memref<4x16x1024xf32, #tpu.memory_space<vmem>>, vector<16xf32>,
        %mul3A_766 = arith.mulf %get3A_765, %gather3A : vector<16xf32>
        %swap3A_767 = arith.constant 1 : i32
        %swap3A_768 = arith.index_cast %swap3A_767 : i32 to index
        %swap3A_769 = arith.index_cast %scan3A_328 : i32 to index
        %swap3A_770 = arith.constant 624 : index
        %swap3A_771 = tpu.vector_load %arg9[%swap3A_768, %swap3A_769, %swap3A_770] {strides = array<i32>} : memref<4x16x1024xf32, #tpu.memory_space<vmem>>, vector<16xf32>,
        tpu.vector_store %arg9[%swap3A_768, %swap3A_769, %swap3A_770], %mul3A_766 {strides = array<i32>} : memref<4x16x1024xf32, #tpu.memory_space<vmem>>, vector<16xf32>,
        %get3A_772 = arith.constant 1 : i32
        %get3A_773 = arith.index_cast %get3A_772 : i32 to index
        %get3A_774 = arith.index_cast %scan3A_328 : i32 to index
        %get3A_775 = arith.constant 640 : index
        %get3A_776 = tpu.vector_load %arg9[%get3A_773, %get3A_774, %get3A_775] {strides = array<i32>} : memref<4x16x1024xf32, #tpu.memory_space<vmem>>, vector<16xf32>,
        %mul3A_777 = arith.mulf %get3A_776, %gather3A : vector<16xf32>
        %swap3A_778 = arith.constant 1 : i32
        %swap3A_779 = arith.index_cast %swap3A_778 : i32 to index
        %swap3A_780 = arith.index_cast %scan3A_328 : i32 to index
        %swap3A_781 = arith.constant 640 : index
        %swap3A_782 = tpu.vector_load %arg9[%swap3A_779, %swap3A_780, %swap3A_781] {strides = array<i32>} : memref<4x16x1024xf32, #tpu.memory_space<vmem>>, vector<16xf32>,
        tpu.vector_store %arg9[%swap3A_779, %swap3A_780, %swap3A_781], %mul3A_777 {strides = array<i32>} : memref<4x16x1024xf32, #tpu.memory_space<vmem>>, vector<16xf32>,
        %get3A_783 = arith.constant 1 : i32
        %get3A_784 = arith.index_cast %get3A_783 : i32 to index
        %get3A_785 = arith.index_cast %scan3A_328 : i32 to index
        %get3A_786 = arith.constant 656 : index
        %get3A_787 = tpu.vector_load %arg9[%get3A_784, %get3A_785, %get3A_786] {strides = array<i32>} : memref<4x16x1024xf32, #tpu.memory_space<vmem>>, vector<16xf32>,
        %mul3A_788 = arith.mulf %get3A_787, %gather3A : vector<16xf32>
        %swap3A_789 = arith.constant 1 : i32
        %swap3A_790 = arith.index_cast %swap3A_789 : i32 to index
        %swap3A_791 = arith.index_cast %scan3A_328 : i32 to index
        %swap3A_792 = arith.constant 656 : index
        %swap3A_793 = tpu.vector_load %arg9[%swap3A_790, %swap3A_791, %swap3A_792] {strides = array<i32>} : memref<4x16x1024xf32, #tpu.memory_space<vmem>>, vector<16xf32>,
        tpu.vector_store %arg9[%swap3A_790, %swap3A_791, %swap3A_792], %mul3A_788 {strides = array<i32>} : memref<4x16x1024xf32, #tpu.memory_space<vmem>>, vector<16xf32>,
        %get3A_794 = arith.constant 1 : i32
        %get3A_795 = arith.index_cast %get3A_794 : i32 to index
        %get3A_796 = arith.index_cast %scan3A_328 : i32 to index
        %get3A_797 = arith.constant 672 : index
        %get3A_798 = tpu.vector_load %arg9[%get3A_795, %get3A_796, %get3A_797] {strides = array<i32>} : memref<4x16x1024xf32, #tpu.memory_space<vmem>>, vector<16xf32>,
        %mul3A_799 = arith.mulf %get3A_798, %gather3A : vector<16xf32>
        %swap3A_800 = arith.constant 1 : i32
        %swap3A_801 = arith.index_cast %swap3A_800 : i32 to index
        %swap3A_802 = arith.index_cast %scan3A_328 : i32 to index
        %swap3A_803 = arith.constant 672 : index
        %swap3A_804 = tpu.vector_load %arg9[%swap3A_801, %swap3A_802, %swap3A_803] {strides = array<i32>} : memref<4x16x1024xf32, #tpu.memory_space<vmem>>, vector<16xf32>,
        tpu.vector_store %arg9[%swap3A_801, %swap3A_802, %swap3A_803], %mul3A_799 {strides = array<i32>} : memref<4x16x1024xf32, #tpu.memory_space<vmem>>, vector<16xf32>,
        %get3A_805 = arith.constant 1 : i32
        %get3A_806 = arith.index_cast %get3A_805 : i32 to index
        %get3A_807 = arith.index_cast %scan3A_328 : i32 to index
        %get3A_808 = arith.constant 688 : index
        %get3A_809 = tpu.vector_load %arg9[%get3A_806, %get3A_807, %get3A_808] {strides = array<i32>} : memref<4x16x1024xf32, #tpu.memory_space<vmem>>, vector<16xf32>,
        %mul3A_810 = arith.mulf %get3A_809, %gather3A : vector<16xf32>
        %swap3A_811 = arith.constant 1 : i32
        %swap3A_812 = arith.index_cast %swap3A_811 : i32 to index
        %swap3A_813 = arith.index_cast %scan3A_328 : i32 to index
        %swap3A_814 = arith.constant 688 : index
        %swap3A_815 = tpu.vector_load %arg9[%swap3A_812, %swap3A_813, %swap3A_814] {strides = array<i32>} : memref<4x16x1024xf32, #tpu.memory_space<vmem>>, vector<16xf32>,
        tpu.vector_store %arg9[%swap3A_812, %swap3A_813, %swap3A_814], %mul3A_810 {strides = array<i32>} : memref<4x16x1024xf32, #tpu.memory_space<vmem>>, vector<16xf32>,
        %get3A_816 = arith.constant 1 : i32
        %get3A_817 = arith.index_cast %get3A_816 : i32 to index
        %get3A_818 = arith.index_cast %scan3A_328 : i32 to index
        %get3A_819 = arith.constant 704 : index
        %get3A_820 = tpu.vector_load %arg9[%get3A_817, %get3A_818, %get3A_819] {strides = array<i32>} : memref<4x16x1024xf32, #tpu.memory_space<vmem>>, vector<16xf32>,
        %mul3A_821 = arith.mulf %get3A_820, %gather3A : vector<16xf32>
        %swap3A_822 = arith.constant 1 : i32
        %swap3A_823 = arith.index_cast %swap3A_822 : i32 to index
        %swap3A_824 = arith.index_cast %scan3A_328 : i32 to index
        %swap3A_825 = arith.constant 704 : index
        %swap3A_826 = tpu.vector_load %arg9[%swap3A_823, %swap3A_824, %swap3A_825] {strides = array<i32>} : memref<4x16x1024xf32, #tpu.memory_space<vmem>>, vector<16xf32>,
        tpu.vector_store %arg9[%swap3A_823, %swap3A_824, %swap3A_825], %mul3A_821 {strides = array<i32>} : memref<4x16x1024xf32, #tpu.memory_space<vmem>>, vector<16xf32>,
        %get3A_827 = arith.constant 1 : i32
        %get3A_828 = arith.index_cast %get3A_827 : i32 to index
        %get3A_829 = arith.index_cast %scan3A_328 : i32 to index
        %get3A_830 = arith.constant 720 : index
        %get3A_831 = tpu.vector_load %arg9[%get3A_828, %get3A_829, %get3A_830] {strides = array<i32>} : memref<4x16x1024xf32, #tpu.memory_space<vmem>>, vector<16xf32>,
        %mul3A_832 = arith.mulf %get3A_831, %gather3A : vector<16xf32>
        %swap3A_833 = arith.constant 1 : i32
        %swap3A_834 = arith.index_cast %swap3A_833 : i32 to index
        %swap3A_835 = arith.index_cast %scan3A_328 : i32 to index
        %swap3A_836 = arith.constant 720 : index
        %swap3A_837 = tpu.vector_load %arg9[%swap3A_834, %swap3A_835, %swap3A_836] {strides = array<i32>} : memref<4x16x1024xf32, #tpu.memory_space<vmem>>, vector<16xf32>,
        tpu.vector_store %arg9[%swap3A_834, %swap3A_835, %swap3A_836], %mul3A_832 {strides = array<i32>} : memref<4x16x1024xf32, #tpu.memory_space<vmem>>, vector<16xf32>,
        %get3A_838 = arith.constant 1 : i32
        %get3A_839 = arith.index_cast %get3A_838 : i32 to index
        %get3A_840 = arith.index_cast %scan3A_328 : i32 to index
        %get3A_841 = arith.constant 736 : index
        %get3A_842 = tpu.vector_load %arg9[%get3A_839, %get3A_840, %get3A_841] {strides = array<i32>} : memref<4x16x1024xf32, #tpu.memory_space<vmem>>, vector<16xf32>,
        %mul3A_843 = arith.mulf %get3A_842, %gather3A : vector<16xf32>
        %swap3A_844 = arith.constant 1 : i32
        %swap3A_845 = arith.index_cast %swap3A_844 : i32 to index
        %swap3A_846 = arith.index_cast %scan3A_328 : i32 to index
        %swap3A_847 = arith.constant 736 : index
        %swap3A_848 = tpu.vector_load %arg9[%swap3A_845, %swap3A_846, %swap3A_847] {strides = array<i32>} : memref<4x16x1024xf32, #tpu.memory_space<vmem>>, vector<16xf32>,
        tpu.vector_store %arg9[%swap3A_845, %swap3A_846, %swap3A_847], %mul3A_843 {strides = array<i32>} : memref<4x16x1024xf32, #tpu.memory_space<vmem>>, vector<16xf32>,
        %get3A_849 = arith.constant 1 : i32
        %get3A_850 = arith.index_cast %get3A_849 : i32 to index
        %get3A_851 = arith.index_cast %scan3A_328 : i32 to index
        %get3A_852 = arith.constant 752 : index
        %get3A_853 = tpu.vector_load %arg9[%get3A_850, %get3A_851, %get3A_852] {strides = array<i32>} : memref<4x16x1024xf32, #tpu.memory_space<vmem>>, vector<16xf32>,
        %mul3A_854 = arith.mulf %get3A_853, %gather3A : vector<16xf32>
        %swap3A_855 = arith.constant 1 : i32
        %swap3A_856 = arith.index_cast %swap3A_855 : i32 to index
        %swap3A_857 = arith.index_cast %scan3A_328 : i32 to index
        %swap3A_858 = arith.constant 752 : index
        %swap3A_859 = tpu.vector_load %arg9[%swap3A_856, %swap3A_857, %swap3A_858] {strides = array<i32>} : memref<4x16x1024xf32, #tpu.memory_space<vmem>>, vector<16xf32>,
        tpu.vector_store %arg9[%swap3A_856, %swap3A_857, %swap3A_858], %mul3A_854 {strides = array<i32>} : memref<4x16x1024xf32, #tpu.memory_space<vmem>>, vector<16xf32>,
        %get3A_860 = arith.constant 1 : i32
        %get3A_861 = arith.index_cast %get3A_860 : i32 to index
        %get3A_862 = arith.index_cast %scan3A_328 : i32 to index
        %get3A_863 = arith.constant 768 : index
        %get3A_864 = tpu.vector_load %arg9[%get3A_861, %get3A_862, %get3A_863] {strides = array<i32>} : memref<4x16x1024xf32, #tpu.memory_space<vmem>>, vector<16xf32>,
        %mul3A_865 = arith.mulf %get3A_864, %gather3A : vector<16xf32>
        %swap3A_866 = arith.constant 1 : i32
        %swap3A_867 = arith.index_cast %swap3A_866 : i32 to index
        %swap3A_868 = arith.index_cast %scan3A_328 : i32 to index
        %swap3A_869 = arith.constant 768 : index
        %swap3A_870 = tpu.vector_load %arg9[%swap3A_867, %swap3A_868, %swap3A_869] {strides = array<i32>} : memref<4x16x1024xf32, #tpu.memory_space<vmem>>, vector<16xf32>,
        tpu.vector_store %arg9[%swap3A_867, %swap3A_868, %swap3A_869], %mul3A_865 {strides = array<i32>} : memref<4x16x1024xf32, #tpu.memory_space<vmem>>, vector<16xf32>,
        %get3A_871 = arith.constant 1 : i32
        %get3A_872 = arith.index_cast %get3A_871 : i32 to index
        %get3A_873 = arith.index_cast %scan3A_328 : i32 to index
        %get3A_874 = arith.constant 784 : index
        %get3A_875 = tpu.vector_load %arg9[%get3A_872, %get3A_873, %get3A_874] {strides = array<i32>} : memref<4x16x1024xf32, #tpu.memory_space<vmem>>, vector<16xf32>,
        %mul3A_876 = arith.mulf %get3A_875, %gather3A : vector<16xf32>
        %swap3A_877 = arith.constant 1 : i32
        %swap3A_878 = arith.index_cast %swap3A_877 : i32 to index
        %swap3A_879 = arith.index_cast %scan3A_328 : i32 to index
        %swap3A_880 = arith.constant 784 : index
        %swap3A_881 = tpu.vector_load %arg9[%swap3A_878, %swap3A_879, %swap3A_880] {strides = array<i32>} : memref<4x16x1024xf32, #tpu.memory_space<vmem>>, vector<16xf32>,
        tpu.vector_store %arg9[%swap3A_878, %swap3A_879, %swap3A_880], %mul3A_876 {strides = array<i32>} : memref<4x16x1024xf32, #tpu.memory_space<vmem>>, vector<16xf32>,
        %get3A_882 = arith.constant 1 : i32
        %get3A_883 = arith.index_cast %get3A_882 : i32 to index
        %get3A_884 = arith.index_cast %scan3A_328 : i32 to index
        %get3A_885 = arith.constant 800 : index
        %get3A_886 = tpu.vector_load %arg9[%get3A_883, %get3A_884, %get3A_885] {strides = array<i32>} : memref<4x16x1024xf32, #tpu.memory_space<vmem>>, vector<16xf32>,
        %mul3A_887 = arith.mulf %get3A_886, %gather3A : vector<16xf32>
        %swap3A_888 = arith.constant 1 : i32
        %swap3A_889 = arith.index_cast %swap3A_888 : i32 to index
        %swap3A_890 = arith.index_cast %scan3A_328 : i32 to index
        %swap3A_891 = arith.constant 800 : index
        %swap3A_892 = tpu.vector_load %arg9[%swap3A_889, %swap3A_890, %swap3A_891] {strides = array<i32>} : memref<4x16x1024xf32, #tpu.memory_space<vmem>>, vector<16xf32>,
        tpu.vector_store %arg9[%swap3A_889, %swap3A_890, %swap3A_891], %mul3A_887 {strides = array<i32>} : memref<4x16x1024xf32, #tpu.memory_space<vmem>>, vector<16xf32>,
        %get3A_893 = arith.constant 1 : i32
        %get3A_894 = arith.index_cast %get3A_893 : i32 to index
        %get3A_895 = arith.index_cast %scan3A_328 : i32 to index
        %get3A_896 = arith.constant 816 : index
        %get3A_897 = tpu.vector_load %arg9[%get3A_894, %get3A_895, %get3A_896] {strides = array<i32>} : memref<4x16x1024xf32, #tpu.memory_space<vmem>>, vector<16xf32>,
        %mul3A_898 = arith.mulf %get3A_897, %gather3A : vector<16xf32>
        %swap3A_899 = arith.constant 1 : i32
        %swap3A_900 = arith.index_cast %swap3A_899 : i32 to index
        %swap3A_901 = arith.index_cast %scan3A_328 : i32 to index
        %swap3A_902 = arith.constant 816 : index
        %swap3A_903 = tpu.vector_load %arg9[%swap3A_900, %swap3A_901, %swap3A_902] {strides = array<i32>} : memref<4x16x1024xf32, #tpu.memory_space<vmem>>, vector<16xf32>,
        tpu.vector_store %arg9[%swap3A_900, %swap3A_901, %swap3A_902], %mul3A_898 {strides = array<i32>} : memref<4x16x1024xf32, #tpu.memory_space<vmem>>, vector<16xf32>,
        %get3A_904 = arith.constant 1 : i32
        %get3A_905 = arith.index_cast %get3A_904 : i32 to index
        %get3A_906 = arith.index_cast %scan3A_328 : i32 to index
        %get3A_907 = arith.constant 832 : index
        %get3A_908 = tpu.vector_load %arg9[%get3A_905, %get3A_906, %get3A_907] {strides = array<i32>} : memref<4x16x1024xf32, #tpu.memory_space<vmem>>, vector<16xf32>,
        %mul3A_909 = arith.mulf %get3A_908, %gather3A : vector<16xf32>
        %swap3A_910 = arith.constant 1 : i32
        %swap3A_911 = arith.index_cast %swap3A_910 : i32 to index
        %swap3A_912 = arith.index_cast %scan3A_328 : i32 to index
        %swap3A_913 = arith.constant 832 : index
        %swap3A_914 = tpu.vector_load %arg9[%swap3A_911, %swap3A_912, %swap3A_913] {strides = array<i32>} : memref<4x16x1024xf32, #tpu.memory_space<vmem>>, vector<16xf32>,
        tpu.vector_store %arg9[%swap3A_911, %swap3A_912, %swap3A_913], %mul3A_909 {strides = array<i32>} : memref<4x16x1024xf32, #tpu.memory_space<vmem>>, vector<16xf32>,
        %get3A_915 = arith.constant 1 : i32
        %get3A_916 = arith.index_cast %get3A_915 : i32 to index
        %get3A_917 = arith.index_cast %scan3A_328 : i32 to index
        %get3A_918 = arith.constant 848 : index
        %get3A_919 = tpu.vector_load %arg9[%get3A_916, %get3A_917, %get3A_918] {strides = array<i32>} : memref<4x16x1024xf32, #tpu.memory_space<vmem>>, vector<16xf32>,
        %mul3A_920 = arith.mulf %get3A_919, %gather3A : vector<16xf32>
        %swap3A_921 = arith.constant 1 : i32
        %swap3A_922 = arith.index_cast %swap3A_921 : i32 to index
        %swap3A_923 = arith.index_cast %scan3A_328 : i32 to index
        %swap3A_924 = arith.constant 848 : index
        %swap3A_925 = tpu.vector_load %arg9[%swap3A_922, %swap3A_923, %swap3A_924] {strides = array<i32>} : memref<4x16x1024xf32, #tpu.memory_space<vmem>>, vector<16xf32>,
        tpu.vector_store %arg9[%swap3A_922, %swap3A_923, %swap3A_924], %mul3A_920 {strides = array<i32>} : memref<4x16x1024xf32, #tpu.memory_space<vmem>>, vector<16xf32>,
        %get3A_926 = arith.constant 1 : i32
        %get3A_927 = arith.index_cast %get3A_926 : i32 to index
        %get3A_928 = arith.index_cast %scan3A_328 : i32 to index
        %get3A_929 = arith.constant 864 : index
        %get3A_930 = tpu.vector_load %arg9[%get3A_927, %get3A_928, %get3A_929] {strides = array<i32>} : memref<4x16x1024xf32, #tpu.memory_space<vmem>>, vector<16xf32>,
        %mul3A_931 = arith.mulf %get3A_930, %gather3A : vector<16xf32>
        %swap3A_932 = arith.constant 1 : i32
        %swap3A_933 = arith.index_cast %swap3A_932 : i32 to index
        %swap3A_934 = arith.index_cast %scan3A_328 : i32 to index
        %swap3A_935 = arith.constant 864 : index
        %swap3A_936 = tpu.vector_load %arg9[%swap3A_933, %swap3A_934, %swap3A_935] {strides = array<i32>} : memref<4x16x1024xf32, #tpu.memory_space<vmem>>, vector<16xf32>,
        tpu.vector_store %arg9[%swap3A_933, %swap3A_934, %swap3A_935], %mul3A_931 {strides = array<i32>} : memref<4x16x1024xf32, #tpu.memory_space<vmem>>, vector<16xf32>,
        %get3A_937 = arith.constant 1 : i32
        %get3A_938 = arith.index_cast %get3A_937 : i32 to index
        %get3A_939 = arith.index_cast %scan3A_328 : i32 to index
        %get3A_940 = arith.constant 880 : index
        %get3A_941 = tpu.vector_load %arg9[%get3A_938, %get3A_939, %get3A_940] {strides = array<i32>} : memref<4x16x1024xf32, #tpu.memory_space<vmem>>, vector<16xf32>,
        %mul3A_942 = arith.mulf %get3A_941, %gather3A : vector<16xf32>
        %swap3A_943 = arith.constant 1 : i32
        %swap3A_944 = arith.index_cast %swap3A_943 : i32 to index
        %swap3A_945 = arith.index_cast %scan3A_328 : i32 to index
        %swap3A_946 = arith.constant 880 : index
        %swap3A_947 = tpu.vector_load %arg9[%swap3A_944, %swap3A_945, %swap3A_946] {strides = array<i32>} : memref<4x16x1024xf32, #tpu.memory_space<vmem>>, vector<16xf32>,
        tpu.vector_store %arg9[%swap3A_944, %swap3A_945, %swap3A_946], %mul3A_942 {strides = array<i32>} : memref<4x16x1024xf32, #tpu.memory_space<vmem>>, vector<16xf32>,
        %get3A_948 = arith.constant 1 : i32
        %get3A_949 = arith.index_cast %get3A_948 : i32 to index
        %get3A_950 = arith.index_cast %scan3A_328 : i32 to index
        %get3A_951 = arith.constant 896 : index
        %get3A_952 = tpu.vector_load %arg9[%get3A_949, %get3A_950, %get3A_951] {strides = array<i32>} : memref<4x16x1024xf32, #tpu.memory_space<vmem>>, vector<16xf32>,
        %mul3A_953 = arith.mulf %get3A_952, %gather3A : vector<16xf32>
        %swap3A_954 = arith.constant 1 : i32
        %swap3A_955 = arith.index_cast %swap3A_954 : i32 to index
        %swap3A_956 = arith.index_cast %scan3A_328 : i32 to index
        %swap3A_957 = arith.constant 896 : index
        %swap3A_958 = tpu.vector_load %arg9[%swap3A_955, %swap3A_956, %swap3A_957] {strides = array<i32>} : memref<4x16x1024xf32, #tpu.memory_space<vmem>>, vector<16xf32>,
        tpu.vector_store %arg9[%swap3A_955, %swap3A_956, %swap3A_957], %mul3A_953 {strides = array<i32>} : memref<4x16x1024xf32, #tpu.memory_space<vmem>>, vector<16xf32>,
        %get3A_959 = arith.constant 1 : i32
        %get3A_960 = arith.index_cast %get3A_959 : i32 to index
        %get3A_961 = arith.index_cast %scan3A_328 : i32 to index
        %get3A_962 = arith.constant 912 : index
        %get3A_963 = tpu.vector_load %arg9[%get3A_960, %get3A_961, %get3A_962] {strides = array<i32>} : memref<4x16x1024xf32, #tpu.memory_space<vmem>>, vector<16xf32>,
        %mul3A_964 = arith.mulf %get3A_963, %gather3A : vector<16xf32>
        %swap3A_965 = arith.constant 1 : i32
        %swap3A_966 = arith.index_cast %swap3A_965 : i32 to index
        %swap3A_967 = arith.index_cast %scan3A_328 : i32 to index
        %swap3A_968 = arith.constant 912 : index
        %swap3A_969 = tpu.vector_load %arg9[%swap3A_966, %swap3A_967, %swap3A_968] {strides = array<i32>} : memref<4x16x1024xf32, #tpu.memory_space<vmem>>, vector<16xf32>,
        tpu.vector_store %arg9[%swap3A_966, %swap3A_967, %swap3A_968], %mul3A_964 {strides = array<i32>} : memref<4x16x1024xf32, #tpu.memory_space<vmem>>, vector<16xf32>,
        %get3A_970 = arith.constant 1 : i32
        %get3A_971 = arith.index_cast %get3A_970 : i32 to index
        %get3A_972 = arith.index_cast %scan3A_328 : i32 to index
        %get3A_973 = arith.constant 928 : index
        %get3A_974 = tpu.vector_load %arg9[%get3A_971, %get3A_972, %get3A_973] {strides = array<i32>} : memref<4x16x1024xf32, #tpu.memory_space<vmem>>, vector<16xf32>,
        %mul3A_975 = arith.mulf %get3A_974, %gather3A : vector<16xf32>
        %swap3A_976 = arith.constant 1 : i32
        %swap3A_977 = arith.index_cast %swap3A_976 : i32 to index
        %swap3A_978 = arith.index_cast %scan3A_328 : i32 to index
        %swap3A_979 = arith.constant 928 : index
        %swap3A_980 = tpu.vector_load %arg9[%swap3A_977, %swap3A_978, %swap3A_979] {strides = array<i32>} : memref<4x16x1024xf32, #tpu.memory_space<vmem>>, vector<16xf32>,
        tpu.vector_store %arg9[%swap3A_977, %swap3A_978, %swap3A_979], %mul3A_975 {strides = array<i32>} : memref<4x16x1024xf32, #tpu.memory_space<vmem>>, vector<16xf32>,
        %get3A_981 = arith.constant 1 : i32
        %get3A_982 = arith.index_cast %get3A_981 : i32 to index
        %get3A_983 = arith.index_cast %scan3A_328 : i32 to index
        %get3A_984 = arith.constant 944 : index
        %get3A_985 = tpu.vector_load %arg9[%get3A_982, %get3A_983, %get3A_984] {strides = array<i32>} : memref<4x16x1024xf32, #tpu.memory_space<vmem>>, vector<16xf32>,
        %mul3A_986 = arith.mulf %get3A_985, %gather3A : vector<16xf32>
        %swap3A_987 = arith.constant 1 : i32
        %swap3A_988 = arith.index_cast %swap3A_987 : i32 to index
        %swap3A_989 = arith.index_cast %scan3A_328 : i32 to index
        %swap3A_990 = arith.constant 944 : index
        %swap3A_991 = tpu.vector_load %arg9[%swap3A_988, %swap3A_989, %swap3A_990] {strides = array<i32>} : memref<4x16x1024xf32, #tpu.memory_space<vmem>>, vector<16xf32>,
        tpu.vector_store %arg9[%swap3A_988, %swap3A_989, %swap3A_990], %mul3A_986 {strides = array<i32>} : memref<4x16x1024xf32, #tpu.memory_space<vmem>>, vector<16xf32>,
        %get3A_992 = arith.constant 1 : i32
        %get3A_993 = arith.index_cast %get3A_992 : i32 to index
        %get3A_994 = arith.index_cast %scan3A_328 : i32 to index
        %get3A_995 = arith.constant 960 : index
        %get3A_996 = tpu.vector_load %arg9[%get3A_993, %get3A_994, %get3A_995] {strides = array<i32>} : memref<4x16x1024xf32, #tpu.memory_space<vmem>>, vector<16xf32>,
        %mul3A_997 = arith.mulf %get3A_996, %gather3A : vector<16xf32>
        %swap3A_998 = arith.constant 1 : i32
        %swap3A_999 = arith.index_cast %swap3A_998 : i32 to index
        %swap3A_1000 = arith.index_cast %scan3A_328 : i32 to index
        %swap3A_1001 = arith.constant 960 : index
        %swap3A_1002 = tpu.vector_load %arg9[%swap3A_999, %swap3A_1000, %swap3A_1001] {strides = array<i32>} : memref<4x16x1024xf32, #tpu.memory_space<vmem>>, vector<16xf32>,
        tpu.vector_store %arg9[%swap3A_999, %swap3A_1000, %swap3A_1001], %mul3A_997 {strides = array<i32>} : memref<4x16x1024xf32, #tpu.memory_space<vmem>>, vector<16xf32>,
        %get3A_1003 = arith.constant 1 : i32
        %get3A_1004 = arith.index_cast %get3A_1003 : i32 to index
        %get3A_1005 = arith.index_cast %scan3A_328 : i32 to index
        %get3A_1006 = arith.constant 976 : index
        %get3A_1007 = tpu.vector_load %arg9[%get3A_1004, %get3A_1005, %get3A_1006] {strides = array<i32>} : memref<4x16x1024xf32, #tpu.memory_space<vmem>>, vector<16xf32>,
        %mul3A_1008 = arith.mulf %get3A_1007, %gather3A : vector<16xf32>
        %swap3A_1009 = arith.constant 1 : i32
        %swap3A_1010 = arith.index_cast %swap3A_1009 : i32 to index
        %swap3A_1011 = arith.index_cast %scan3A_328 : i32 to index
        %swap3A_1012 = arith.constant 976 : index
        %swap3A_1013 = tpu.vector_load %arg9[%swap3A_1010, %swap3A_1011, %swap3A_1012] {strides = array<i32>} : memref<4x16x1024xf32, #tpu.memory_space<vmem>>, vector<16xf32>,
        tpu.vector_store %arg9[%swap3A_1010, %swap3A_1011, %swap3A_1012], %mul3A_1008 {strides = array<i32>} : memref<4x16x1024xf32, #tpu.memory_space<vmem>>, vector<16xf32>,
        %get3A_1014 = arith.constant 1 : i32
        %get3A_1015 = arith.index_cast %get3A_1014 : i32 to index
        %get3A_1016 = arith.index_cast %scan3A_328 : i32 to index
        %get3A_1017 = arith.constant 992 : index
        %get3A_1018 = tpu.vector_load %arg9[%get3A_1015, %get3A_1016, %get3A_1017] {strides = array<i32>} : memref<4x16x1024xf32, #tpu.memory_space<vmem>>, vector<16xf32>,
        %mul3A_1019 = arith.mulf %get3A_1018, %gather3A : vector<16xf32>
        %swap3A_1020 = arith.constant 1 : i32
        %swap3A_1021 = arith.index_cast %swap3A_1020 : i32 to index
        %swap3A_1022 = arith.index_cast %scan3A_328 : i32 to index
        %swap3A_1023 = arith.constant 992 : index
        %swap3A_1024 = tpu.vector_load %arg9[%swap3A_1021, %swap3A_1022, %swap3A_1023] {strides = array<i32>} : memref<4x16x1024xf32, #tpu.memory_space<vmem>>, vector<16xf32>,
        tpu.vector_store %arg9[%swap3A_1021, %swap3A_1022, %swap3A_1023], %mul3A_1019 {strides = array<i32>} : memref<4x16x1024xf32, #tpu.memory_space<vmem>>, vector<16xf32>,
        %get3A_1025 = arith.constant 1 : i32
        %get3A_1026 = arith.index_cast %get3A_1025 : i32 to index
        %get3A_1027 = arith.index_cast %scan3A_328 : i32 to index
        %get3A_1028 = arith.constant 1008 : index
        %get3A_1029 = tpu.vector_load %arg9[%get3A_1026, %get3A_1027, %get3A_1028] {strides = array<i32>} : memref<4x16x1024xf32, #tpu.memory_space<vmem>>, vector<16xf32>,
        %mul3A_1030 = arith.mulf %get3A_1029, %gather3A : vector<16xf32>
        %swap3A_1031 = arith.constant 1 : i32
        %swap3A_1032 = arith.index_cast %swap3A_1031 : i32 to index
        %swap3A_1033 = arith.index_cast %scan3A_328 : i32 to index
        %swap3A_1034 = arith.constant 1008 : index
        %swap3A_1035 = tpu.vector_load %arg9[%swap3A_1032, %swap3A_1033, %swap3A_1034] {strides = array<i32>} : memref<4x16x1024xf32, #tpu.memory_space<vmem>>, vector<16xf32>,
        tpu.vector_store %arg9[%swap3A_1032, %swap3A_1033, %swap3A_1034], %mul3A_1030 {strides = array<i32>} : memref<4x16x1024xf32, #tpu.memory_space<vmem>>, vector<16xf32>,
        %scan3A_1036 = arith.constant 0 : i32
        scf.yield %scan3A_1036 : i32
      }
      %scan3A_198 = arith.constant 16 : i32
      %mul3A_199 = arith.constant 16 : i32
      %mul3A_200 = arith.muli %add3A_180, %mul3A_199 : i32
      %add3A_201 = arith.addi %mul3A_34, %mul3A_200 : i32
      %dma_start3A_202 = arith.constant 1 : i32
      %dma_start3A_203 = arith.constant 0 : i32
      %dma_start3A_204 = arith.constant 0 : i32
      %dma_start3A_205 = tpu.memref_slice %arg9[%dma_start3A_202, %dma_start3A_203, %dma_start3A_204] : memref<4x16x1024xf32, #tpu.memory_space<vmem>> -> memref<1x16x1024xf32, #tpu.memory_space<vmem>>
      %dma_start3A_206 = tpu.memref_squeeze %dma_start3A_205 : memref<1x16x1024xf32, #tpu.memory_space<vmem>> -> memref<16x1024xf32, #tpu.memory_space<vmem>>
      %dma_start3A_207 = arith.constant 0 : i32
      %dma_start3A_208 = tpu.memref_slice %arg4[%add3A_201, %dma_start3A_207] : memref<32768x1024xf32, #tpu.memory_space<hbm>> -> memref<16x1024xf32, #tpu.memory_space<hbm>>
      %dma_start3A_209 = arith.constant 0 : i32
      %dma_start3A_210 = tpu.memref_slice %arg4[%add3A_201, %dma_start3A_209] : memref<32768x1024xf32, #tpu.memory_space<hbm>> -> memref<16x1024xf32, #tpu.memory_space<hbm>>
      %dma_start3A_211 = arith.constant 0 : i32
      %dma_start3A_212 = arith.constant 0 : i32
      %dma_start3A_213 = tpu.memref_slice %arg9[%dma_start3A_202, %dma_start3A_211, %dma_start3A_212] : memref<4x16x1024xf32, #tpu.memory_space<vmem>> -> memref<1x16x1024xf32, #tpu.memory_space<vmem>>
      %dma_start3A_214 = tpu.memref_squeeze %dma_start3A_213 : memref<1x16x1024xf32, #tpu.memory_space<vmem>> -> memref<16x1024xf32, #tpu.memory_space<vmem>>
      tpu.enqueue_dma source(%dma_start3A_214 : memref<16x1024xf32, #tpu.memory_space<vmem>>) target(%dma_start3A_210 : memref<16x1024xf32, #tpu.memory_space<hbm>>) target_semaphore(%arg15 : memref<!tpu.dma_semaphore, #tpu.memory_space<semaphore_mem>>)
      %add3A_215 = arith.constant 3 : i32
      %add3A_216 = arith.addi %add3A_180, %add3A_215 : i32
      %ge3A_217 = arith.constant 4 : i32
      %ge3A_218 = arith.cmpi sge, %add3A_216, %ge3A_217 : i32
      %convert_element_type3A_219 = arith.extui %ge3A_218 : i1 to i32
      %cond3A_220 = arith.constant 0 : i32
      %cond3A_221 = arith.cmpi ne, %convert_element_type3A_219, %cond3A_220 : i32
      scf.if %cond3A_221 {
        %sub3A_328 = arith.constant 4 : i32
        %sub3A_329 = arith.subi %add3A_216, %sub3A_328 : i32
        %mul3A_330 = arith.constant 16 : i32
        %mul3A_331 = arith.muli %sub3A_329, %mul3A_330 : i32
        %add3A_332 = arith.addi %mul3A_34, %mul3A_331 : i32
        %dma_wait3A_333 = arith.constant 0 : i32
        %dma_wait3A_334 = arith.constant 0 : i32
        %dma_wait3A_335 = arith.constant 0 : i32
        %dma_wait3A_336 = tpu.memref_slice %arg9[%dma_wait3A_333, %dma_wait3A_334, %dma_wait3A_335] : memref<4x16x1024xf32, #tpu.memory_space<vmem>> -> memref<1x16x1024xf32, #tpu.memory_space<vmem>>
        %dma_wait3A_337 = tpu.memref_squeeze %dma_wait3A_336 : memref<1x16x1024xf32, #tpu.memory_space<vmem>> -> memref<16x1024xf32, #tpu.memory_space<vmem>>
        %dma_wait3A_338 = arith.constant 0 : i32
        %dma_wait3A_339 = tpu.memref_slice %arg4[%add3A_332, %dma_wait3A_338] : memref<32768x1024xf32, #tpu.memory_space<hbm>> -> memref<16x1024xf32, #tpu.memory_space<hbm>>
        %dma_wait3A_340 = arith.constant 0 : i32
        %dma_wait3A_341 = tpu.memref_slice %arg4[%add3A_332, %dma_wait3A_340] : memref<32768x1024xf32, #tpu.memory_space<hbm>> -> memref<16x1024xf32, #tpu.memory_space<hbm>>
        %dma_wait3A_342 = arith.constant 0 : i32
        %dma_wait3A_343 = arith.constant 0 : i32
        %dma_wait3A_344 = tpu.memref_slice %arg9[%dma_wait3A_333, %dma_wait3A_342, %dma_wait3A_343] : memref<4x16x1024xf32, #tpu.memory_space<vmem>> -> memref<1x16x1024xf32, #tpu.memory_space<vmem>>
        %dma_wait3A_345 = tpu.memref_squeeze %dma_wait3A_344 : memref<1x16x1024xf32, #tpu.memory_space<vmem>> -> memref<16x1024xf32, #tpu.memory_space<vmem>>
        tpu.wait_dma2 semaphore(%arg14 : memref<!tpu.dma_semaphore, #tpu.memory_space<semaphore_mem>>) src(%dma_wait3A_345 : memref<16x1024xf32, #tpu.memory_space<vmem>>) dst(%dma_wait3A_341 : memref<16x1024xf32, #tpu.memory_space<hbm>>)
      } else {
      }
      %lt3A_222 = arith.constant 64 : i32
      %lt3A_223 = arith.cmpi slt, %add3A_216, %lt3A_222 : i32
      %convert_element_type3A_224 = arith.extui %lt3A_223 : i1 to i32
      %cond3A_225 = arith.constant 0 : i32
      %cond3A_226 = arith.cmpi ne, %convert_element_type3A_224, %cond3A_225 : i32
      scf.if %cond3A_226 {
        %dma_start3A_328 = arith.constant 0 : i32
        %dma_start3A_329 = arith.constant 0 : i32
        %dma_start3A_330 = arith.constant 0 : i32
        %dma_start3A_331 = tpu.memref_slice %arg9[%dma_start3A_328, %dma_start3A_329, %dma_start3A_330] : memref<4x16x1024xf32, #tpu.memory_space<vmem>> -> memref<1x16x1024xf32, #tpu.memory_space<vmem>>
        %dma_start3A_332 = tpu.memref_squeeze %dma_start3A_331 : memref<1x16x1024xf32, #tpu.memory_space<vmem>> -> memref<16x1024xf32, #tpu.memory_space<vmem>>
        %dma_start3A_333 = arith.constant 0 : i32
        %dma_start3A_334 = tpu.memref_slice %arg7[%add3A_216, %dma_start3A_333] : memref<64x16xi32, #tpu.memory_space<vmem>> -> memref<1x16xi32, #tpu.memory_space<vmem>>
        %dma_start3A_335 = tpu.memref_squeeze %dma_start3A_334 : memref<1x16xi32, #tpu.memory_space<vmem>> -> memref<16xi32, #tpu.memory_space<vmem>>
        %dma_start3A_336 = arith.constant 0 : i32
        %dma_start3A_337 = arith.constant 0 : i32
        %dma_start3A_338 = tpu.memref_slice %arg2[%dma_start3A_336, %dma_start3A_337] : memref<16384x1024xf32, #tpu.memory_space<hbm>> -> memref<16384x1024xf32, #tpu.memory_space<hbm>>
        tpu.enqueue_indirect_dma source(%dma_start3A_338 : memref<16384x1024xf32, #tpu.memory_space<hbm>>) target(%dma_start3A_332 : memref<16x1024xf32, #tpu.memory_space<vmem>>) offsets(%dma_start3A_335 : memref<16xi32, #tpu.memory_space<vmem>>) semaphore(%arg10 : memref<!tpu.dma_semaphore, #tpu.memory_space<semaphore_mem>>)
      } else {
      }
      %mul3A_227 = arith.constant 4 : i32
      %mul3A_228 = arith.muli %scan3A_128, %mul3A_227 : i32
      %add3A_229 = arith.constant 2 : i32
      %add3A_230 = arith.addi %mul3A_228, %add3A_229 : i32
      %dma_wait3A_231 = arith.constant 2 : i32
      %dma_wait3A_232 = arith.constant 0 : i32
      %dma_wait3A_233 = arith.constant 0 : i32
      %dma_wait3A_234 = tpu.memref_slice %arg9[%dma_wait3A_231, %dma_wait3A_232, %dma_wait3A_233] : memref<4x16x1024xf32, #tpu.memory_space<vmem>> -> memref<1x16x1024xf32, #tpu.memory_space<vmem>>
      %dma_wait3A_235 = tpu.memref_squeeze %dma_wait3A_234 : memref<1x16x1024xf32, #tpu.memory_space<vmem>> -> memref<16x1024xf32, #tpu.memory_space<vmem>>
      %dma_wait3A_236 = arith.constant 0 : i32
      %dma_wait3A_237 = tpu.memref_slice %arg7[%add3A_230, %dma_wait3A_236] : memref<64x16xi32, #tpu.memory_space<vmem>> -> memref<1x16xi32, #tpu.memory_space<vmem>>
      %dma_wait3A_238 = tpu.memref_squeeze %dma_wait3A_237 : memref<1x16xi32, #tpu.memory_space<vmem>> -> memref<16xi32, #tpu.memory_space<vmem>>
      %dma_wait3A_239 = arith.constant 0 : i32
      %dma_wait3A_240 = arith.constant 0 : i32
      %dma_wait3A_241 = tpu.memref_slice %arg2[%dma_wait3A_239, %dma_wait3A_240] : memref<16384x1024xf32, #tpu.memory_space<hbm>> -> memref<16384x1024xf32, #tpu.memory_space<hbm>>
      tpu.wait_indirect_dma semaphore(%arg12 : memref<!tpu.dma_semaphore, #tpu.memory_space<semaphore_mem>>) src(%dma_wait3A_241 : memref<16384x1024xf32, #tpu.memory_space<hbm>>) dst(%dma_wait3A_235 : memref<16x1024xf32, #tpu.memory_space<vmem>>)
      %scan3A_242 = arith.constant 0 : i32
      %scan3A_243 = arith.constant 0 : i32
      %scan3A_244 = arith.constant 16 : i32
      %scan3A_245 = arith.addi %scan3A_243, %scan3A_244 : i32
      %scan3A_246 = arith.constant 1 : i32
      %scan3A_247 = scf.for %scan3A_328 = %scan3A_243 to %scan3A_245 step %scan3A_246 iter_args(%scan3A_329 = %scan3A_242) -> (i32)  : i32 {
        %mul3A_330 = arith.constant 16 : i32
        %mul3A_331 = arith.muli %add3A_230, %mul3A_330 : i32
        %add3A_332 = arith.addi %mul3A_331, %scan3A_328 : i32
        %broadcast_in_dim3A_333 = vector.broadcast %add3A_332 : i32 to vector<16xi32>
        %gather3A = tpu.vector_load_idx %arg8[%broadcast_in_dim3A_333] : memref<1024xf32, #tpu.memory_space<vmem>>[vector<16xi32>], vector<16xf32>,
        %get3A = arith.constant 2 : i32
        %get3A_334 = arith.index_cast %get3A : i32 to index
        %get3A_335 = arith.index_cast %scan3A_328 : i32 to index
        %get3A_336 = arith.constant 0 : index
        %get3A_337 = tpu.vector_load %arg9[%get3A_334, %get3A_335, %get3A_336] {strides = array<i32>} : memref<4x16x1024xf32, #tpu.memory_space<vmem>>, vector<16xf32>,
        %mul3A_338 = arith.mulf %get3A_337, %gather3A : vector<16xf32>
        %swap3A = arith.constant 2 : i32
        %swap3A_339 = arith.index_cast %swap3A : i32 to index
        %swap3A_340 = arith.index_cast %scan3A_328 : i32 to index
        %swap3A_341 = arith.constant 0 : index
        %swap3A_342 = tpu.vector_load %arg9[%swap3A_339, %swap3A_340, %swap3A_341] {strides = array<i32>} : memref<4x16x1024xf32, #tpu.memory_space<vmem>>, vector<16xf32>,
        tpu.vector_store %arg9[%swap3A_339, %swap3A_340, %swap3A_341], %mul3A_338 {strides = array<i32>} : memref<4x16x1024xf32, #tpu.memory_space<vmem>>, vector<16xf32>,
        %get3A_343 = arith.constant 2 : i32
        %get3A_344 = arith.index_cast %get3A_343 : i32 to index
        %get3A_345 = arith.index_cast %scan3A_328 : i32 to index
        %get3A_346 = arith.constant 16 : index
        %get3A_347 = tpu.vector_load %arg9[%get3A_344, %get3A_345, %get3A_346] {strides = array<i32>} : memref<4x16x1024xf32, #tpu.memory_space<vmem>>, vector<16xf32>,
        %mul3A_348 = arith.mulf %get3A_347, %gather3A : vector<16xf32>
        %swap3A_349 = arith.constant 2 : i32
        %swap3A_350 = arith.index_cast %swap3A_349 : i32 to index
        %swap3A_351 = arith.index_cast %scan3A_328 : i32 to index
        %swap3A_352 = arith.constant 16 : index
        %swap3A_353 = tpu.vector_load %arg9[%swap3A_350, %swap3A_351, %swap3A_352] {strides = array<i32>} : memref<4x16x1024xf32, #tpu.memory_space<vmem>>, vector<16xf32>,
        tpu.vector_store %arg9[%swap3A_350, %swap3A_351, %swap3A_352], %mul3A_348 {strides = array<i32>} : memref<4x16x1024xf32, #tpu.memory_space<vmem>>, vector<16xf32>,
        %get3A_354 = arith.constant 2 : i32
        %get3A_355 = arith.index_cast %get3A_354 : i32 to index
        %get3A_356 = arith.index_cast %scan3A_328 : i32 to index
        %get3A_357 = arith.constant 32 : index
        %get3A_358 = tpu.vector_load %arg9[%get3A_355, %get3A_356, %get3A_357] {strides = array<i32>} : memref<4x16x1024xf32, #tpu.memory_space<vmem>>, vector<16xf32>,
        %mul3A_359 = arith.mulf %get3A_358, %gather3A : vector<16xf32>
        %swap3A_360 = arith.constant 2 : i32
        %swap3A_361 = arith.index_cast %swap3A_360 : i32 to index
        %swap3A_362 = arith.index_cast %scan3A_328 : i32 to index
        %swap3A_363 = arith.constant 32 : index
        %swap3A_364 = tpu.vector_load %arg9[%swap3A_361, %swap3A_362, %swap3A_363] {strides = array<i32>} : memref<4x16x1024xf32, #tpu.memory_space<vmem>>, vector<16xf32>,
        tpu.vector_store %arg9[%swap3A_361, %swap3A_362, %swap3A_363], %mul3A_359 {strides = array<i32>} : memref<4x16x1024xf32, #tpu.memory_space<vmem>>, vector<16xf32>,
        %get3A_365 = arith.constant 2 : i32
        %get3A_366 = arith.index_cast %get3A_365 : i32 to index
        %get3A_367 = arith.index_cast %scan3A_328 : i32 to index
        %get3A_368 = arith.constant 48 : index
        %get3A_369 = tpu.vector_load %arg9[%get3A_366, %get3A_367, %get3A_368] {strides = array<i32>} : memref<4x16x1024xf32, #tpu.memory_space<vmem>>, vector<16xf32>,
        %mul3A_370 = arith.mulf %get3A_369, %gather3A : vector<16xf32>
        %swap3A_371 = arith.constant 2 : i32
        %swap3A_372 = arith.index_cast %swap3A_371 : i32 to index
        %swap3A_373 = arith.index_cast %scan3A_328 : i32 to index
        %swap3A_374 = arith.constant 48 : index
        %swap3A_375 = tpu.vector_load %arg9[%swap3A_372, %swap3A_373, %swap3A_374] {strides = array<i32>} : memref<4x16x1024xf32, #tpu.memory_space<vmem>>, vector<16xf32>,
        tpu.vector_store %arg9[%swap3A_372, %swap3A_373, %swap3A_374], %mul3A_370 {strides = array<i32>} : memref<4x16x1024xf32, #tpu.memory_space<vmem>>, vector<16xf32>,
        %get3A_376 = arith.constant 2 : i32
        %get3A_377 = arith.index_cast %get3A_376 : i32 to index
        %get3A_378 = arith.index_cast %scan3A_328 : i32 to index
        %get3A_379 = arith.constant 64 : index
        %get3A_380 = tpu.vector_load %arg9[%get3A_377, %get3A_378, %get3A_379] {strides = array<i32>} : memref<4x16x1024xf32, #tpu.memory_space<vmem>>, vector<16xf32>,
        %mul3A_381 = arith.mulf %get3A_380, %gather3A : vector<16xf32>
        %swap3A_382 = arith.constant 2 : i32
        %swap3A_383 = arith.index_cast %swap3A_382 : i32 to index
        %swap3A_384 = arith.index_cast %scan3A_328 : i32 to index
        %swap3A_385 = arith.constant 64 : index
        %swap3A_386 = tpu.vector_load %arg9[%swap3A_383, %swap3A_384, %swap3A_385] {strides = array<i32>} : memref<4x16x1024xf32, #tpu.memory_space<vmem>>, vector<16xf32>,
        tpu.vector_store %arg9[%swap3A_383, %swap3A_384, %swap3A_385], %mul3A_381 {strides = array<i32>} : memref<4x16x1024xf32, #tpu.memory_space<vmem>>, vector<16xf32>,
        %get3A_387 = arith.constant 2 : i32
        %get3A_388 = arith.index_cast %get3A_387 : i32 to index
        %get3A_389 = arith.index_cast %scan3A_328 : i32 to index
        %get3A_390 = arith.constant 80 : index
        %get3A_391 = tpu.vector_load %arg9[%get3A_388, %get3A_389, %get3A_390] {strides = array<i32>} : memref<4x16x1024xf32, #tpu.memory_space<vmem>>, vector<16xf32>,
        %mul3A_392 = arith.mulf %get3A_391, %gather3A : vector<16xf32>
        %swap3A_393 = arith.constant 2 : i32
        %swap3A_394 = arith.index_cast %swap3A_393 : i32 to index
        %swap3A_395 = arith.index_cast %scan3A_328 : i32 to index
        %swap3A_396 = arith.constant 80 : index
        %swap3A_397 = tpu.vector_load %arg9[%swap3A_394, %swap3A_395, %swap3A_396] {strides = array<i32>} : memref<4x16x1024xf32, #tpu.memory_space<vmem>>, vector<16xf32>,
        tpu.vector_store %arg9[%swap3A_394, %swap3A_395, %swap3A_396], %mul3A_392 {strides = array<i32>} : memref<4x16x1024xf32, #tpu.memory_space<vmem>>, vector<16xf32>,
        %get3A_398 = arith.constant 2 : i32
        %get3A_399 = arith.index_cast %get3A_398 : i32 to index
        %get3A_400 = arith.index_cast %scan3A_328 : i32 to index
        %get3A_401 = arith.constant 96 : index
        %get3A_402 = tpu.vector_load %arg9[%get3A_399, %get3A_400, %get3A_401] {strides = array<i32>} : memref<4x16x1024xf32, #tpu.memory_space<vmem>>, vector<16xf32>,
        %mul3A_403 = arith.mulf %get3A_402, %gather3A : vector<16xf32>
        %swap3A_404 = arith.constant 2 : i32
        %swap3A_405 = arith.index_cast %swap3A_404 : i32 to index
        %swap3A_406 = arith.index_cast %scan3A_328 : i32 to index
        %swap3A_407 = arith.constant 96 : index
        %swap3A_408 = tpu.vector_load %arg9[%swap3A_405, %swap3A_406, %swap3A_407] {strides = array<i32>} : memref<4x16x1024xf32, #tpu.memory_space<vmem>>, vector<16xf32>,
        tpu.vector_store %arg9[%swap3A_405, %swap3A_406, %swap3A_407], %mul3A_403 {strides = array<i32>} : memref<4x16x1024xf32, #tpu.memory_space<vmem>>, vector<16xf32>,
        %get3A_409 = arith.constant 2 : i32
        %get3A_410 = arith.index_cast %get3A_409 : i32 to index
        %get3A_411 = arith.index_cast %scan3A_328 : i32 to index
        %get3A_412 = arith.constant 112 : index
        %get3A_413 = tpu.vector_load %arg9[%get3A_410, %get3A_411, %get3A_412] {strides = array<i32>} : memref<4x16x1024xf32, #tpu.memory_space<vmem>>, vector<16xf32>,
        %mul3A_414 = arith.mulf %get3A_413, %gather3A : vector<16xf32>
        %swap3A_415 = arith.constant 2 : i32
        %swap3A_416 = arith.index_cast %swap3A_415 : i32 to index
        %swap3A_417 = arith.index_cast %scan3A_328 : i32 to index
        %swap3A_418 = arith.constant 112 : index
        %swap3A_419 = tpu.vector_load %arg9[%swap3A_416, %swap3A_417, %swap3A_418] {strides = array<i32>} : memref<4x16x1024xf32, #tpu.memory_space<vmem>>, vector<16xf32>,
        tpu.vector_store %arg9[%swap3A_416, %swap3A_417, %swap3A_418], %mul3A_414 {strides = array<i32>} : memref<4x16x1024xf32, #tpu.memory_space<vmem>>, vector<16xf32>,
        %get3A_420 = arith.constant 2 : i32
        %get3A_421 = arith.index_cast %get3A_420 : i32 to index
        %get3A_422 = arith.index_cast %scan3A_328 : i32 to index
        %get3A_423 = arith.constant 128 : index
        %get3A_424 = tpu.vector_load %arg9[%get3A_421, %get3A_422, %get3A_423] {strides = array<i32>} : memref<4x16x1024xf32, #tpu.memory_space<vmem>>, vector<16xf32>,
        %mul3A_425 = arith.mulf %get3A_424, %gather3A : vector<16xf32>
        %swap3A_426 = arith.constant 2 : i32
        %swap3A_427 = arith.index_cast %swap3A_426 : i32 to index
        %swap3A_428 = arith.index_cast %scan3A_328 : i32 to index
        %swap3A_429 = arith.constant 128 : index
        %swap3A_430 = tpu.vector_load %arg9[%swap3A_427, %swap3A_428, %swap3A_429] {strides = array<i32>} : memref<4x16x1024xf32, #tpu.memory_space<vmem>>, vector<16xf32>,
        tpu.vector_store %arg9[%swap3A_427, %swap3A_428, %swap3A_429], %mul3A_425 {strides = array<i32>} : memref<4x16x1024xf32, #tpu.memory_space<vmem>>, vector<16xf32>,
        %get3A_431 = arith.constant 2 : i32
        %get3A_432 = arith.index_cast %get3A_431 : i32 to index
        %get3A_433 = arith.index_cast %scan3A_328 : i32 to index
        %get3A_434 = arith.constant 144 : index
        %get3A_435 = tpu.vector_load %arg9[%get3A_432, %get3A_433, %get3A_434] {strides = array<i32>} : memref<4x16x1024xf32, #tpu.memory_space<vmem>>, vector<16xf32>,
        %mul3A_436 = arith.mulf %get3A_435, %gather3A : vector<16xf32>
        %swap3A_437 = arith.constant 2 : i32
        %swap3A_438 = arith.index_cast %swap3A_437 : i32 to index
        %swap3A_439 = arith.index_cast %scan3A_328 : i32 to index
        %swap3A_440 = arith.constant 144 : index
        %swap3A_441 = tpu.vector_load %arg9[%swap3A_438, %swap3A_439, %swap3A_440] {strides = array<i32>} : memref<4x16x1024xf32, #tpu.memory_space<vmem>>, vector<16xf32>,
        tpu.vector_store %arg9[%swap3A_438, %swap3A_439, %swap3A_440], %mul3A_436 {strides = array<i32>} : memref<4x16x1024xf32, #tpu.memory_space<vmem>>, vector<16xf32>,
        %get3A_442 = arith.constant 2 : i32
        %get3A_443 = arith.index_cast %get3A_442 : i32 to index
        %get3A_444 = arith.index_cast %scan3A_328 : i32 to index
        %get3A_445 = arith.constant 160 : index
        %get3A_446 = tpu.vector_load %arg9[%get3A_443, %get3A_444, %get3A_445] {strides = array<i32>} : memref<4x16x1024xf32, #tpu.memory_space<vmem>>, vector<16xf32>,
        %mul3A_447 = arith.mulf %get3A_446, %gather3A : vector<16xf32>
        %swap3A_448 = arith.constant 2 : i32
        %swap3A_449 = arith.index_cast %swap3A_448 : i32 to index
        %swap3A_450 = arith.index_cast %scan3A_328 : i32 to index
        %swap3A_451 = arith.constant 160 : index
        %swap3A_452 = tpu.vector_load %arg9[%swap3A_449, %swap3A_450, %swap3A_451] {strides = array<i32>} : memref<4x16x1024xf32, #tpu.memory_space<vmem>>, vector<16xf32>,
        tpu.vector_store %arg9[%swap3A_449, %swap3A_450, %swap3A_451], %mul3A_447 {strides = array<i32>} : memref<4x16x1024xf32, #tpu.memory_space<vmem>>, vector<16xf32>,
        %get3A_453 = arith.constant 2 : i32
        %get3A_454 = arith.index_cast %get3A_453 : i32 to index
        %get3A_455 = arith.index_cast %scan3A_328 : i32 to index
        %get3A_456 = arith.constant 176 : index
        %get3A_457 = tpu.vector_load %arg9[%get3A_454, %get3A_455, %get3A_456] {strides = array<i32>} : memref<4x16x1024xf32, #tpu.memory_space<vmem>>, vector<16xf32>,
        %mul3A_458 = arith.mulf %get3A_457, %gather3A : vector<16xf32>
        %swap3A_459 = arith.constant 2 : i32
        %swap3A_460 = arith.index_cast %swap3A_459 : i32 to index
        %swap3A_461 = arith.index_cast %scan3A_328 : i32 to index
        %swap3A_462 = arith.constant 176 : index
        %swap3A_463 = tpu.vector_load %arg9[%swap3A_460, %swap3A_461, %swap3A_462] {strides = array<i32>} : memref<4x16x1024xf32, #tpu.memory_space<vmem>>, vector<16xf32>,
        tpu.vector_store %arg9[%swap3A_460, %swap3A_461, %swap3A_462], %mul3A_458 {strides = array<i32>} : memref<4x16x1024xf32, #tpu.memory_space<vmem>>, vector<16xf32>,
        %get3A_464 = arith.constant 2 : i32
        %get3A_465 = arith.index_cast %get3A_464 : i32 to index
        %get3A_466 = arith.index_cast %scan3A_328 : i32 to index
        %get3A_467 = arith.constant 192 : index
        %get3A_468 = tpu.vector_load %arg9[%get3A_465, %get3A_466, %get3A_467] {strides = array<i32>} : memref<4x16x1024xf32, #tpu.memory_space<vmem>>, vector<16xf32>,
        %mul3A_469 = arith.mulf %get3A_468, %gather3A : vector<16xf32>
        %swap3A_470 = arith.constant 2 : i32
        %swap3A_471 = arith.index_cast %swap3A_470 : i32 to index
        %swap3A_472 = arith.index_cast %scan3A_328 : i32 to index
        %swap3A_473 = arith.constant 192 : index
        %swap3A_474 = tpu.vector_load %arg9[%swap3A_471, %swap3A_472, %swap3A_473] {strides = array<i32>} : memref<4x16x1024xf32, #tpu.memory_space<vmem>>, vector<16xf32>,
        tpu.vector_store %arg9[%swap3A_471, %swap3A_472, %swap3A_473], %mul3A_469 {strides = array<i32>} : memref<4x16x1024xf32, #tpu.memory_space<vmem>>, vector<16xf32>,
        %get3A_475 = arith.constant 2 : i32
        %get3A_476 = arith.index_cast %get3A_475 : i32 to index
        %get3A_477 = arith.index_cast %scan3A_328 : i32 to index
        %get3A_478 = arith.constant 208 : index
        %get3A_479 = tpu.vector_load %arg9[%get3A_476, %get3A_477, %get3A_478] {strides = array<i32>} : memref<4x16x1024xf32, #tpu.memory_space<vmem>>, vector<16xf32>,
        %mul3A_480 = arith.mulf %get3A_479, %gather3A : vector<16xf32>
        %swap3A_481 = arith.constant 2 : i32
        %swap3A_482 = arith.index_cast %swap3A_481 : i32 to index
        %swap3A_483 = arith.index_cast %scan3A_328 : i32 to index
        %swap3A_484 = arith.constant 208 : index
        %swap3A_485 = tpu.vector_load %arg9[%swap3A_482, %swap3A_483, %swap3A_484] {strides = array<i32>} : memref<4x16x1024xf32, #tpu.memory_space<vmem>>, vector<16xf32>,
        tpu.vector_store %arg9[%swap3A_482, %swap3A_483, %swap3A_484], %mul3A_480 {strides = array<i32>} : memref<4x16x1024xf32, #tpu.memory_space<vmem>>, vector<16xf32>,
        %get3A_486 = arith.constant 2 : i32
        %get3A_487 = arith.index_cast %get3A_486 : i32 to index
        %get3A_488 = arith.index_cast %scan3A_328 : i32 to index
        %get3A_489 = arith.constant 224 : index
        %get3A_490 = tpu.vector_load %arg9[%get3A_487, %get3A_488, %get3A_489] {strides = array<i32>} : memref<4x16x1024xf32, #tpu.memory_space<vmem>>, vector<16xf32>,
        %mul3A_491 = arith.mulf %get3A_490, %gather3A : vector<16xf32>
        %swap3A_492 = arith.constant 2 : i32
        %swap3A_493 = arith.index_cast %swap3A_492 : i32 to index
        %swap3A_494 = arith.index_cast %scan3A_328 : i32 to index
        %swap3A_495 = arith.constant 224 : index
        %swap3A_496 = tpu.vector_load %arg9[%swap3A_493, %swap3A_494, %swap3A_495] {strides = array<i32>} : memref<4x16x1024xf32, #tpu.memory_space<vmem>>, vector<16xf32>,
        tpu.vector_store %arg9[%swap3A_493, %swap3A_494, %swap3A_495], %mul3A_491 {strides = array<i32>} : memref<4x16x1024xf32, #tpu.memory_space<vmem>>, vector<16xf32>,
        %get3A_497 = arith.constant 2 : i32
        %get3A_498 = arith.index_cast %get3A_497 : i32 to index
        %get3A_499 = arith.index_cast %scan3A_328 : i32 to index
        %get3A_500 = arith.constant 240 : index
        %get3A_501 = tpu.vector_load %arg9[%get3A_498, %get3A_499, %get3A_500] {strides = array<i32>} : memref<4x16x1024xf32, #tpu.memory_space<vmem>>, vector<16xf32>,
        %mul3A_502 = arith.mulf %get3A_501, %gather3A : vector<16xf32>
        %swap3A_503 = arith.constant 2 : i32
        %swap3A_504 = arith.index_cast %swap3A_503 : i32 to index
        %swap3A_505 = arith.index_cast %scan3A_328 : i32 to index
        %swap3A_506 = arith.constant 240 : index
        %swap3A_507 = tpu.vector_load %arg9[%swap3A_504, %swap3A_505, %swap3A_506] {strides = array<i32>} : memref<4x16x1024xf32, #tpu.memory_space<vmem>>, vector<16xf32>,
        tpu.vector_store %arg9[%swap3A_504, %swap3A_505, %swap3A_506], %mul3A_502 {strides = array<i32>} : memref<4x16x1024xf32, #tpu.memory_space<vmem>>, vector<16xf32>,
        %get3A_508 = arith.constant 2 : i32
        %get3A_509 = arith.index_cast %get3A_508 : i32 to index
        %get3A_510 = arith.index_cast %scan3A_328 : i32 to index
        %get3A_511 = arith.constant 256 : index
        %get3A_512 = tpu.vector_load %arg9[%get3A_509, %get3A_510, %get3A_511] {strides = array<i32>} : memref<4x16x1024xf32, #tpu.memory_space<vmem>>, vector<16xf32>,
        %mul3A_513 = arith.mulf %get3A_512, %gather3A : vector<16xf32>
        %swap3A_514 = arith.constant 2 : i32
        %swap3A_515 = arith.index_cast %swap3A_514 : i32 to index
        %swap3A_516 = arith.index_cast %scan3A_328 : i32 to index
        %swap3A_517 = arith.constant 256 : index
        %swap3A_518 = tpu.vector_load %arg9[%swap3A_515, %swap3A_516, %swap3A_517] {strides = array<i32>} : memref<4x16x1024xf32, #tpu.memory_space<vmem>>, vector<16xf32>,
        tpu.vector_store %arg9[%swap3A_515, %swap3A_516, %swap3A_517], %mul3A_513 {strides = array<i32>} : memref<4x16x1024xf32, #tpu.memory_space<vmem>>, vector<16xf32>,
        %get3A_519 = arith.constant 2 : i32
        %get3A_520 = arith.index_cast %get3A_519 : i32 to index
        %get3A_521 = arith.index_cast %scan3A_328 : i32 to index
        %get3A_522 = arith.constant 272 : index
        %get3A_523 = tpu.vector_load %arg9[%get3A_520, %get3A_521, %get3A_522] {strides = array<i32>} : memref<4x16x1024xf32, #tpu.memory_space<vmem>>, vector<16xf32>,
        %mul3A_524 = arith.mulf %get3A_523, %gather3A : vector<16xf32>
        %swap3A_525 = arith.constant 2 : i32
        %swap3A_526 = arith.index_cast %swap3A_525 : i32 to index
        %swap3A_527 = arith.index_cast %scan3A_328 : i32 to index
        %swap3A_528 = arith.constant 272 : index
        %swap3A_529 = tpu.vector_load %arg9[%swap3A_526, %swap3A_527, %swap3A_528] {strides = array<i32>} : memref<4x16x1024xf32, #tpu.memory_space<vmem>>, vector<16xf32>,
        tpu.vector_store %arg9[%swap3A_526, %swap3A_527, %swap3A_528], %mul3A_524 {strides = array<i32>} : memref<4x16x1024xf32, #tpu.memory_space<vmem>>, vector<16xf32>,
        %get3A_530 = arith.constant 2 : i32
        %get3A_531 = arith.index_cast %get3A_530 : i32 to index
        %get3A_532 = arith.index_cast %scan3A_328 : i32 to index
        %get3A_533 = arith.constant 288 : index
        %get3A_534 = tpu.vector_load %arg9[%get3A_531, %get3A_532, %get3A_533] {strides = array<i32>} : memref<4x16x1024xf32, #tpu.memory_space<vmem>>, vector<16xf32>,
        %mul3A_535 = arith.mulf %get3A_534, %gather3A : vector<16xf32>
        %swap3A_536 = arith.constant 2 : i32
        %swap3A_537 = arith.index_cast %swap3A_536 : i32 to index
        %swap3A_538 = arith.index_cast %scan3A_328 : i32 to index
        %swap3A_539 = arith.constant 288 : index
        %swap3A_540 = tpu.vector_load %arg9[%swap3A_537, %swap3A_538, %swap3A_539] {strides = array<i32>} : memref<4x16x1024xf32, #tpu.memory_space<vmem>>, vector<16xf32>,
        tpu.vector_store %arg9[%swap3A_537, %swap3A_538, %swap3A_539], %mul3A_535 {strides = array<i32>} : memref<4x16x1024xf32, #tpu.memory_space<vmem>>, vector<16xf32>,
        %get3A_541 = arith.constant 2 : i32
        %get3A_542 = arith.index_cast %get3A_541 : i32 to index
        %get3A_543 = arith.index_cast %scan3A_328 : i32 to index
        %get3A_544 = arith.constant 304 : index
        %get3A_545 = tpu.vector_load %arg9[%get3A_542, %get3A_543, %get3A_544] {strides = array<i32>} : memref<4x16x1024xf32, #tpu.memory_space<vmem>>, vector<16xf32>,
        %mul3A_546 = arith.mulf %get3A_545, %gather3A : vector<16xf32>
        %swap3A_547 = arith.constant 2 : i32
        %swap3A_548 = arith.index_cast %swap3A_547 : i32 to index
        %swap3A_549 = arith.index_cast %scan3A_328 : i32 to index
        %swap3A_550 = arith.constant 304 : index
        %swap3A_551 = tpu.vector_load %arg9[%swap3A_548, %swap3A_549, %swap3A_550] {strides = array<i32>} : memref<4x16x1024xf32, #tpu.memory_space<vmem>>, vector<16xf32>,
        tpu.vector_store %arg9[%swap3A_548, %swap3A_549, %swap3A_550], %mul3A_546 {strides = array<i32>} : memref<4x16x1024xf32, #tpu.memory_space<vmem>>, vector<16xf32>,
        %get3A_552 = arith.constant 2 : i32
        %get3A_553 = arith.index_cast %get3A_552 : i32 to index
        %get3A_554 = arith.index_cast %scan3A_328 : i32 to index
        %get3A_555 = arith.constant 320 : index
        %get3A_556 = tpu.vector_load %arg9[%get3A_553, %get3A_554, %get3A_555] {strides = array<i32>} : memref<4x16x1024xf32, #tpu.memory_space<vmem>>, vector<16xf32>,
        %mul3A_557 = arith.mulf %get3A_556, %gather3A : vector<16xf32>
        %swap3A_558 = arith.constant 2 : i32
        %swap3A_559 = arith.index_cast %swap3A_558 : i32 to index
        %swap3A_560 = arith.index_cast %scan3A_328 : i32 to index
        %swap3A_561 = arith.constant 320 : index
        %swap3A_562 = tpu.vector_load %arg9[%swap3A_559, %swap3A_560, %swap3A_561] {strides = array<i32>} : memref<4x16x1024xf32, #tpu.memory_space<vmem>>, vector<16xf32>,
        tpu.vector_store %arg9[%swap3A_559, %swap3A_560, %swap3A_561], %mul3A_557 {strides = array<i32>} : memref<4x16x1024xf32, #tpu.memory_space<vmem>>, vector<16xf32>,
        %get3A_563 = arith.constant 2 : i32
        %get3A_564 = arith.index_cast %get3A_563 : i32 to index
        %get3A_565 = arith.index_cast %scan3A_328 : i32 to index
        %get3A_566 = arith.constant 336 : index
        %get3A_567 = tpu.vector_load %arg9[%get3A_564, %get3A_565, %get3A_566] {strides = array<i32>} : memref<4x16x1024xf32, #tpu.memory_space<vmem>>, vector<16xf32>,
        %mul3A_568 = arith.mulf %get3A_567, %gather3A : vector<16xf32>
        %swap3A_569 = arith.constant 2 : i32
        %swap3A_570 = arith.index_cast %swap3A_569 : i32 to index
        %swap3A_571 = arith.index_cast %scan3A_328 : i32 to index
        %swap3A_572 = arith.constant 336 : index
        %swap3A_573 = tpu.vector_load %arg9[%swap3A_570, %swap3A_571, %swap3A_572] {strides = array<i32>} : memref<4x16x1024xf32, #tpu.memory_space<vmem>>, vector<16xf32>,
        tpu.vector_store %arg9[%swap3A_570, %swap3A_571, %swap3A_572], %mul3A_568 {strides = array<i32>} : memref<4x16x1024xf32, #tpu.memory_space<vmem>>, vector<16xf32>,
        %get3A_574 = arith.constant 2 : i32
        %get3A_575 = arith.index_cast %get3A_574 : i32 to index
        %get3A_576 = arith.index_cast %scan3A_328 : i32 to index
        %get3A_577 = arith.constant 352 : index
        %get3A_578 = tpu.vector_load %arg9[%get3A_575, %get3A_576, %get3A_577] {strides = array<i32>} : memref<4x16x1024xf32, #tpu.memory_space<vmem>>, vector<16xf32>,
        %mul3A_579 = arith.mulf %get3A_578, %gather3A : vector<16xf32>
        %swap3A_580 = arith.constant 2 : i32
        %swap3A_581 = arith.index_cast %swap3A_580 : i32 to index
        %swap3A_582 = arith.index_cast %scan3A_328 : i32 to index
        %swap3A_583 = arith.constant 352 : index
        %swap3A_584 = tpu.vector_load %arg9[%swap3A_581, %swap3A_582, %swap3A_583] {strides = array<i32>} : memref<4x16x1024xf32, #tpu.memory_space<vmem>>, vector<16xf32>,
        tpu.vector_store %arg9[%swap3A_581, %swap3A_582, %swap3A_583], %mul3A_579 {strides = array<i32>} : memref<4x16x1024xf32, #tpu.memory_space<vmem>>, vector<16xf32>,
        %get3A_585 = arith.constant 2 : i32
        %get3A_586 = arith.index_cast %get3A_585 : i32 to index
        %get3A_587 = arith.index_cast %scan3A_328 : i32 to index
        %get3A_588 = arith.constant 368 : index
        %get3A_589 = tpu.vector_load %arg9[%get3A_586, %get3A_587, %get3A_588] {strides = array<i32>} : memref<4x16x1024xf32, #tpu.memory_space<vmem>>, vector<16xf32>,
        %mul3A_590 = arith.mulf %get3A_589, %gather3A : vector<16xf32>
        %swap3A_591 = arith.constant 2 : i32
        %swap3A_592 = arith.index_cast %swap3A_591 : i32 to index
        %swap3A_593 = arith.index_cast %scan3A_328 : i32 to index
        %swap3A_594 = arith.constant 368 : index
        %swap3A_595 = tpu.vector_load %arg9[%swap3A_592, %swap3A_593, %swap3A_594] {strides = array<i32>} : memref<4x16x1024xf32, #tpu.memory_space<vmem>>, vector<16xf32>,
        tpu.vector_store %arg9[%swap3A_592, %swap3A_593, %swap3A_594], %mul3A_590 {strides = array<i32>} : memref<4x16x1024xf32, #tpu.memory_space<vmem>>, vector<16xf32>,
        %get3A_596 = arith.constant 2 : i32
        %get3A_597 = arith.index_cast %get3A_596 : i32 to index
        %get3A_598 = arith.index_cast %scan3A_328 : i32 to index
        %get3A_599 = arith.constant 384 : index
        %get3A_600 = tpu.vector_load %arg9[%get3A_597, %get3A_598, %get3A_599] {strides = array<i32>} : memref<4x16x1024xf32, #tpu.memory_space<vmem>>, vector<16xf32>,
        %mul3A_601 = arith.mulf %get3A_600, %gather3A : vector<16xf32>
        %swap3A_602 = arith.constant 2 : i32
        %swap3A_603 = arith.index_cast %swap3A_602 : i32 to index
        %swap3A_604 = arith.index_cast %scan3A_328 : i32 to index
        %swap3A_605 = arith.constant 384 : index
        %swap3A_606 = tpu.vector_load %arg9[%swap3A_603, %swap3A_604, %swap3A_605] {strides = array<i32>} : memref<4x16x1024xf32, #tpu.memory_space<vmem>>, vector<16xf32>,
        tpu.vector_store %arg9[%swap3A_603, %swap3A_604, %swap3A_605], %mul3A_601 {strides = array<i32>} : memref<4x16x1024xf32, #tpu.memory_space<vmem>>, vector<16xf32>,
        %get3A_607 = arith.constant 2 : i32
        %get3A_608 = arith.index_cast %get3A_607 : i32 to index
        %get3A_609 = arith.index_cast %scan3A_328 : i32 to index
        %get3A_610 = arith.constant 400 : index
        %get3A_611 = tpu.vector_load %arg9[%get3A_608, %get3A_609, %get3A_610] {strides = array<i32>} : memref<4x16x1024xf32, #tpu.memory_space<vmem>>, vector<16xf32>,
        %mul3A_612 = arith.mulf %get3A_611, %gather3A : vector<16xf32>
        %swap3A_613 = arith.constant 2 : i32
        %swap3A_614 = arith.index_cast %swap3A_613 : i32 to index
        %swap3A_615 = arith.index_cast %scan3A_328 : i32 to index
        %swap3A_616 = arith.constant 400 : index
        %swap3A_617 = tpu.vector_load %arg9[%swap3A_614, %swap3A_615, %swap3A_616] {strides = array<i32>} : memref<4x16x1024xf32, #tpu.memory_space<vmem>>, vector<16xf32>,
        tpu.vector_store %arg9[%swap3A_614, %swap3A_615, %swap3A_616], %mul3A_612 {strides = array<i32>} : memref<4x16x1024xf32, #tpu.memory_space<vmem>>, vector<16xf32>,
        %get3A_618 = arith.constant 2 : i32
        %get3A_619 = arith.index_cast %get3A_618 : i32 to index
        %get3A_620 = arith.index_cast %scan3A_328 : i32 to index
        %get3A_621 = arith.constant 416 : index
        %get3A_622 = tpu.vector_load %arg9[%get3A_619, %get3A_620, %get3A_621] {strides = array<i32>} : memref<4x16x1024xf32, #tpu.memory_space<vmem>>, vector<16xf32>,
        %mul3A_623 = arith.mulf %get3A_622, %gather3A : vector<16xf32>
        %swap3A_624 = arith.constant 2 : i32
        %swap3A_625 = arith.index_cast %swap3A_624 : i32 to index
        %swap3A_626 = arith.index_cast %scan3A_328 : i32 to index
        %swap3A_627 = arith.constant 416 : index
        %swap3A_628 = tpu.vector_load %arg9[%swap3A_625, %swap3A_626, %swap3A_627] {strides = array<i32>} : memref<4x16x1024xf32, #tpu.memory_space<vmem>>, vector<16xf32>,
        tpu.vector_store %arg9[%swap3A_625, %swap3A_626, %swap3A_627], %mul3A_623 {strides = array<i32>} : memref<4x16x1024xf32, #tpu.memory_space<vmem>>, vector<16xf32>,
        %get3A_629 = arith.constant 2 : i32
        %get3A_630 = arith.index_cast %get3A_629 : i32 to index
        %get3A_631 = arith.index_cast %scan3A_328 : i32 to index
        %get3A_632 = arith.constant 432 : index
        %get3A_633 = tpu.vector_load %arg9[%get3A_630, %get3A_631, %get3A_632] {strides = array<i32>} : memref<4x16x1024xf32, #tpu.memory_space<vmem>>, vector<16xf32>,
        %mul3A_634 = arith.mulf %get3A_633, %gather3A : vector<16xf32>
        %swap3A_635 = arith.constant 2 : i32
        %swap3A_636 = arith.index_cast %swap3A_635 : i32 to index
        %swap3A_637 = arith.index_cast %scan3A_328 : i32 to index
        %swap3A_638 = arith.constant 432 : index
        %swap3A_639 = tpu.vector_load %arg9[%swap3A_636, %swap3A_637, %swap3A_638] {strides = array<i32>} : memref<4x16x1024xf32, #tpu.memory_space<vmem>>, vector<16xf32>,
        tpu.vector_store %arg9[%swap3A_636, %swap3A_637, %swap3A_638], %mul3A_634 {strides = array<i32>} : memref<4x16x1024xf32, #tpu.memory_space<vmem>>, vector<16xf32>,
        %get3A_640 = arith.constant 2 : i32
        %get3A_641 = arith.index_cast %get3A_640 : i32 to index
        %get3A_642 = arith.index_cast %scan3A_328 : i32 to index
        %get3A_643 = arith.constant 448 : index
        %get3A_644 = tpu.vector_load %arg9[%get3A_641, %get3A_642, %get3A_643] {strides = array<i32>} : memref<4x16x1024xf32, #tpu.memory_space<vmem>>, vector<16xf32>,
        %mul3A_645 = arith.mulf %get3A_644, %gather3A : vector<16xf32>
        %swap3A_646 = arith.constant 2 : i32
        %swap3A_647 = arith.index_cast %swap3A_646 : i32 to index
        %swap3A_648 = arith.index_cast %scan3A_328 : i32 to index
        %swap3A_649 = arith.constant 448 : index
        %swap3A_650 = tpu.vector_load %arg9[%swap3A_647, %swap3A_648, %swap3A_649] {strides = array<i32>} : memref<4x16x1024xf32, #tpu.memory_space<vmem>>, vector<16xf32>,
        tpu.vector_store %arg9[%swap3A_647, %swap3A_648, %swap3A_649], %mul3A_645 {strides = array<i32>} : memref<4x16x1024xf32, #tpu.memory_space<vmem>>, vector<16xf32>,
        %get3A_651 = arith.constant 2 : i32
        %get3A_652 = arith.index_cast %get3A_651 : i32 to index
        %get3A_653 = arith.index_cast %scan3A_328 : i32 to index
        %get3A_654 = arith.constant 464 : index
        %get3A_655 = tpu.vector_load %arg9[%get3A_652, %get3A_653, %get3A_654] {strides = array<i32>} : memref<4x16x1024xf32, #tpu.memory_space<vmem>>, vector<16xf32>,
        %mul3A_656 = arith.mulf %get3A_655, %gather3A : vector<16xf32>
        %swap3A_657 = arith.constant 2 : i32
        %swap3A_658 = arith.index_cast %swap3A_657 : i32 to index
        %swap3A_659 = arith.index_cast %scan3A_328 : i32 to index
        %swap3A_660 = arith.constant 464 : index
        %swap3A_661 = tpu.vector_load %arg9[%swap3A_658, %swap3A_659, %swap3A_660] {strides = array<i32>} : memref<4x16x1024xf32, #tpu.memory_space<vmem>>, vector<16xf32>,
        tpu.vector_store %arg9[%swap3A_658, %swap3A_659, %swap3A_660], %mul3A_656 {strides = array<i32>} : memref<4x16x1024xf32, #tpu.memory_space<vmem>>, vector<16xf32>,
        %get3A_662 = arith.constant 2 : i32
        %get3A_663 = arith.index_cast %get3A_662 : i32 to index
        %get3A_664 = arith.index_cast %scan3A_328 : i32 to index
        %get3A_665 = arith.constant 480 : index
        %get3A_666 = tpu.vector_load %arg9[%get3A_663, %get3A_664, %get3A_665] {strides = array<i32>} : memref<4x16x1024xf32, #tpu.memory_space<vmem>>, vector<16xf32>,
        %mul3A_667 = arith.mulf %get3A_666, %gather3A : vector<16xf32>
        %swap3A_668 = arith.constant 2 : i32
        %swap3A_669 = arith.index_cast %swap3A_668 : i32 to index
        %swap3A_670 = arith.index_cast %scan3A_328 : i32 to index
        %swap3A_671 = arith.constant 480 : index
        %swap3A_672 = tpu.vector_load %arg9[%swap3A_669, %swap3A_670, %swap3A_671] {strides = array<i32>} : memref<4x16x1024xf32, #tpu.memory_space<vmem>>, vector<16xf32>,
        tpu.vector_store %arg9[%swap3A_669, %swap3A_670, %swap3A_671], %mul3A_667 {strides = array<i32>} : memref<4x16x1024xf32, #tpu.memory_space<vmem>>, vector<16xf32>,
        %get3A_673 = arith.constant 2 : i32
        %get3A_674 = arith.index_cast %get3A_673 : i32 to index
        %get3A_675 = arith.index_cast %scan3A_328 : i32 to index
        %get3A_676 = arith.constant 496 : index
        %get3A_677 = tpu.vector_load %arg9[%get3A_674, %get3A_675, %get3A_676] {strides = array<i32>} : memref<4x16x1024xf32, #tpu.memory_space<vmem>>, vector<16xf32>,
        %mul3A_678 = arith.mulf %get3A_677, %gather3A : vector<16xf32>
        %swap3A_679 = arith.constant 2 : i32
        %swap3A_680 = arith.index_cast %swap3A_679 : i32 to index
        %swap3A_681 = arith.index_cast %scan3A_328 : i32 to index
        %swap3A_682 = arith.constant 496 : index
        %swap3A_683 = tpu.vector_load %arg9[%swap3A_680, %swap3A_681, %swap3A_682] {strides = array<i32>} : memref<4x16x1024xf32, #tpu.memory_space<vmem>>, vector<16xf32>,
        tpu.vector_store %arg9[%swap3A_680, %swap3A_681, %swap3A_682], %mul3A_678 {strides = array<i32>} : memref<4x16x1024xf32, #tpu.memory_space<vmem>>, vector<16xf32>,
        %get3A_684 = arith.constant 2 : i32
        %get3A_685 = arith.index_cast %get3A_684 : i32 to index
        %get3A_686 = arith.index_cast %scan3A_328 : i32 to index
        %get3A_687 = arith.constant 512 : index
        %get3A_688 = tpu.vector_load %arg9[%get3A_685, %get3A_686, %get3A_687] {strides = array<i32>} : memref<4x16x1024xf32, #tpu.memory_space<vmem>>, vector<16xf32>,
        %mul3A_689 = arith.mulf %get3A_688, %gather3A : vector<16xf32>
        %swap3A_690 = arith.constant 2 : i32
        %swap3A_691 = arith.index_cast %swap3A_690 : i32 to index
        %swap3A_692 = arith.index_cast %scan3A_328 : i32 to index
        %swap3A_693 = arith.constant 512 : index
        %swap3A_694 = tpu.vector_load %arg9[%swap3A_691, %swap3A_692, %swap3A_693] {strides = array<i32>} : memref<4x16x1024xf32, #tpu.memory_space<vmem>>, vector<16xf32>,
        tpu.vector_store %arg9[%swap3A_691, %swap3A_692, %swap3A_693], %mul3A_689 {strides = array<i32>} : memref<4x16x1024xf32, #tpu.memory_space<vmem>>, vector<16xf32>,
        %get3A_695 = arith.constant 2 : i32
        %get3A_696 = arith.index_cast %get3A_695 : i32 to index
        %get3A_697 = arith.index_cast %scan3A_328 : i32 to index
        %get3A_698 = arith.constant 528 : index
        %get3A_699 = tpu.vector_load %arg9[%get3A_696, %get3A_697, %get3A_698] {strides = array<i32>} : memref<4x16x1024xf32, #tpu.memory_space<vmem>>, vector<16xf32>,
        %mul3A_700 = arith.mulf %get3A_699, %gather3A : vector<16xf32>
        %swap3A_701 = arith.constant 2 : i32
        %swap3A_702 = arith.index_cast %swap3A_701 : i32 to index
        %swap3A_703 = arith.index_cast %scan3A_328 : i32 to index
        %swap3A_704 = arith.constant 528 : index
        %swap3A_705 = tpu.vector_load %arg9[%swap3A_702, %swap3A_703, %swap3A_704] {strides = array<i32>} : memref<4x16x1024xf32, #tpu.memory_space<vmem>>, vector<16xf32>,
        tpu.vector_store %arg9[%swap3A_702, %swap3A_703, %swap3A_704], %mul3A_700 {strides = array<i32>} : memref<4x16x1024xf32, #tpu.memory_space<vmem>>, vector<16xf32>,
        %get3A_706 = arith.constant 2 : i32
        %get3A_707 = arith.index_cast %get3A_706 : i32 to index
        %get3A_708 = arith.index_cast %scan3A_328 : i32 to index
        %get3A_709 = arith.constant 544 : index
        %get3A_710 = tpu.vector_load %arg9[%get3A_707, %get3A_708, %get3A_709] {strides = array<i32>} : memref<4x16x1024xf32, #tpu.memory_space<vmem>>, vector<16xf32>,
        %mul3A_711 = arith.mulf %get3A_710, %gather3A : vector<16xf32>
        %swap3A_712 = arith.constant 2 : i32
        %swap3A_713 = arith.index_cast %swap3A_712 : i32 to index
        %swap3A_714 = arith.index_cast %scan3A_328 : i32 to index
        %swap3A_715 = arith.constant 544 : index
        %swap3A_716 = tpu.vector_load %arg9[%swap3A_713, %swap3A_714, %swap3A_715] {strides = array<i32>} : memref<4x16x1024xf32, #tpu.memory_space<vmem>>, vector<16xf32>,
        tpu.vector_store %arg9[%swap3A_713, %swap3A_714, %swap3A_715], %mul3A_711 {strides = array<i32>} : memref<4x16x1024xf32, #tpu.memory_space<vmem>>, vector<16xf32>,
        %get3A_717 = arith.constant 2 : i32
        %get3A_718 = arith.index_cast %get3A_717 : i32 to index
        %get3A_719 = arith.index_cast %scan3A_328 : i32 to index
        %get3A_720 = arith.constant 560 : index
        %get3A_721 = tpu.vector_load %arg9[%get3A_718, %get3A_719, %get3A_720] {strides = array<i32>} : memref<4x16x1024xf32, #tpu.memory_space<vmem>>, vector<16xf32>,
        %mul3A_722 = arith.mulf %get3A_721, %gather3A : vector<16xf32>
        %swap3A_723 = arith.constant 2 : i32
        %swap3A_724 = arith.index_cast %swap3A_723 : i32 to index
        %swap3A_725 = arith.index_cast %scan3A_328 : i32 to index
        %swap3A_726 = arith.constant 560 : index
        %swap3A_727 = tpu.vector_load %arg9[%swap3A_724, %swap3A_725, %swap3A_726] {strides = array<i32>} : memref<4x16x1024xf32, #tpu.memory_space<vmem>>, vector<16xf32>,
        tpu.vector_store %arg9[%swap3A_724, %swap3A_725, %swap3A_726], %mul3A_722 {strides = array<i32>} : memref<4x16x1024xf32, #tpu.memory_space<vmem>>, vector<16xf32>,
        %get3A_728 = arith.constant 2 : i32
        %get3A_729 = arith.index_cast %get3A_728 : i32 to index
        %get3A_730 = arith.index_cast %scan3A_328 : i32 to index
        %get3A_731 = arith.constant 576 : index
        %get3A_732 = tpu.vector_load %arg9[%get3A_729, %get3A_730, %get3A_731] {strides = array<i32>} : memref<4x16x1024xf32, #tpu.memory_space<vmem>>, vector<16xf32>,
        %mul3A_733 = arith.mulf %get3A_732, %gather3A : vector<16xf32>
        %swap3A_734 = arith.constant 2 : i32
        %swap3A_735 = arith.index_cast %swap3A_734 : i32 to index
        %swap3A_736 = arith.index_cast %scan3A_328 : i32 to index
        %swap3A_737 = arith.constant 576 : index
        %swap3A_738 = tpu.vector_load %arg9[%swap3A_735, %swap3A_736, %swap3A_737] {strides = array<i32>} : memref<4x16x1024xf32, #tpu.memory_space<vmem>>, vector<16xf32>,
        tpu.vector_store %arg9[%swap3A_735, %swap3A_736, %swap3A_737], %mul3A_733 {strides = array<i32>} : memref<4x16x1024xf32, #tpu.memory_space<vmem>>, vector<16xf32>,
        %get3A_739 = arith.constant 2 : i32
        %get3A_740 = arith.index_cast %get3A_739 : i32 to index
        %get3A_741 = arith.index_cast %scan3A_328 : i32 to index
        %get3A_742 = arith.constant 592 : index
        %get3A_743 = tpu.vector_load %arg9[%get3A_740, %get3A_741, %get3A_742] {strides = array<i32>} : memref<4x16x1024xf32, #tpu.memory_space<vmem>>, vector<16xf32>,
        %mul3A_744 = arith.mulf %get3A_743, %gather3A : vector<16xf32>
        %swap3A_745 = arith.constant 2 : i32
        %swap3A_746 = arith.index_cast %swap3A_745 : i32 to index
        %swap3A_747 = arith.index_cast %scan3A_328 : i32 to index
        %swap3A_748 = arith.constant 592 : index
        %swap3A_749 = tpu.vector_load %arg9[%swap3A_746, %swap3A_747, %swap3A_748] {strides = array<i32>} : memref<4x16x1024xf32, #tpu.memory_space<vmem>>, vector<16xf32>,
        tpu.vector_store %arg9[%swap3A_746, %swap3A_747, %swap3A_748], %mul3A_744 {strides = array<i32>} : memref<4x16x1024xf32, #tpu.memory_space<vmem>>, vector<16xf32>,
        %get3A_750 = arith.constant 2 : i32
        %get3A_751 = arith.index_cast %get3A_750 : i32 to index
        %get3A_752 = arith.index_cast %scan3A_328 : i32 to index
        %get3A_753 = arith.constant 608 : index
        %get3A_754 = tpu.vector_load %arg9[%get3A_751, %get3A_752, %get3A_753] {strides = array<i32>} : memref<4x16x1024xf32, #tpu.memory_space<vmem>>, vector<16xf32>,
        %mul3A_755 = arith.mulf %get3A_754, %gather3A : vector<16xf32>
        %swap3A_756 = arith.constant 2 : i32
        %swap3A_757 = arith.index_cast %swap3A_756 : i32 to index
        %swap3A_758 = arith.index_cast %scan3A_328 : i32 to index
        %swap3A_759 = arith.constant 608 : index
        %swap3A_760 = tpu.vector_load %arg9[%swap3A_757, %swap3A_758, %swap3A_759] {strides = array<i32>} : memref<4x16x1024xf32, #tpu.memory_space<vmem>>, vector<16xf32>,
        tpu.vector_store %arg9[%swap3A_757, %swap3A_758, %swap3A_759], %mul3A_755 {strides = array<i32>} : memref<4x16x1024xf32, #tpu.memory_space<vmem>>, vector<16xf32>,
        %get3A_761 = arith.constant 2 : i32
        %get3A_762 = arith.index_cast %get3A_761 : i32 to index
        %get3A_763 = arith.index_cast %scan3A_328 : i32 to index
        %get3A_764 = arith.constant 624 : index
        %get3A_765 = tpu.vector_load %arg9[%get3A_762, %get3A_763, %get3A_764] {strides = array<i32>} : memref<4x16x1024xf32, #tpu.memory_space<vmem>>, vector<16xf32>,
        %mul3A_766 = arith.mulf %get3A_765, %gather3A : vector<16xf32>
        %swap3A_767 = arith.constant 2 : i32
        %swap3A_768 = arith.index_cast %swap3A_767 : i32 to index
        %swap3A_769 = arith.index_cast %scan3A_328 : i32 to index
        %swap3A_770 = arith.constant 624 : index
        %swap3A_771 = tpu.vector_load %arg9[%swap3A_768, %swap3A_769, %swap3A_770] {strides = array<i32>} : memref<4x16x1024xf32, #tpu.memory_space<vmem>>, vector<16xf32>,
        tpu.vector_store %arg9[%swap3A_768, %swap3A_769, %swap3A_770], %mul3A_766 {strides = array<i32>} : memref<4x16x1024xf32, #tpu.memory_space<vmem>>, vector<16xf32>,
        %get3A_772 = arith.constant 2 : i32
        %get3A_773 = arith.index_cast %get3A_772 : i32 to index
        %get3A_774 = arith.index_cast %scan3A_328 : i32 to index
        %get3A_775 = arith.constant 640 : index
        %get3A_776 = tpu.vector_load %arg9[%get3A_773, %get3A_774, %get3A_775] {strides = array<i32>} : memref<4x16x1024xf32, #tpu.memory_space<vmem>>, vector<16xf32>,
        %mul3A_777 = arith.mulf %get3A_776, %gather3A : vector<16xf32>
        %swap3A_778 = arith.constant 2 : i32
        %swap3A_779 = arith.index_cast %swap3A_778 : i32 to index
        %swap3A_780 = arith.index_cast %scan3A_328 : i32 to index
        %swap3A_781 = arith.constant 640 : index
        %swap3A_782 = tpu.vector_load %arg9[%swap3A_779, %swap3A_780, %swap3A_781] {strides = array<i32>} : memref<4x16x1024xf32, #tpu.memory_space<vmem>>, vector<16xf32>,
        tpu.vector_store %arg9[%swap3A_779, %swap3A_780, %swap3A_781], %mul3A_777 {strides = array<i32>} : memref<4x16x1024xf32, #tpu.memory_space<vmem>>, vector<16xf32>,
        %get3A_783 = arith.constant 2 : i32
        %get3A_784 = arith.index_cast %get3A_783 : i32 to index
        %get3A_785 = arith.index_cast %scan3A_328 : i32 to index
        %get3A_786 = arith.constant 656 : index
        %get3A_787 = tpu.vector_load %arg9[%get3A_784, %get3A_785, %get3A_786] {strides = array<i32>} : memref<4x16x1024xf32, #tpu.memory_space<vmem>>, vector<16xf32>,
        %mul3A_788 = arith.mulf %get3A_787, %gather3A : vector<16xf32>
        %swap3A_789 = arith.constant 2 : i32
        %swap3A_790 = arith.index_cast %swap3A_789 : i32 to index
        %swap3A_791 = arith.index_cast %scan3A_328 : i32 to index
        %swap3A_792 = arith.constant 656 : index
        %swap3A_793 = tpu.vector_load %arg9[%swap3A_790, %swap3A_791, %swap3A_792] {strides = array<i32>} : memref<4x16x1024xf32, #tpu.memory_space<vmem>>, vector<16xf32>,
        tpu.vector_store %arg9[%swap3A_790, %swap3A_791, %swap3A_792], %mul3A_788 {strides = array<i32>} : memref<4x16x1024xf32, #tpu.memory_space<vmem>>, vector<16xf32>,
        %get3A_794 = arith.constant 2 : i32
        %get3A_795 = arith.index_cast %get3A_794 : i32 to index
        %get3A_796 = arith.index_cast %scan3A_328 : i32 to index
        %get3A_797 = arith.constant 672 : index
        %get3A_798 = tpu.vector_load %arg9[%get3A_795, %get3A_796, %get3A_797] {strides = array<i32>} : memref<4x16x1024xf32, #tpu.memory_space<vmem>>, vector<16xf32>,
        %mul3A_799 = arith.mulf %get3A_798, %gather3A : vector<16xf32>
        %swap3A_800 = arith.constant 2 : i32
        %swap3A_801 = arith.index_cast %swap3A_800 : i32 to index
        %swap3A_802 = arith.index_cast %scan3A_328 : i32 to index
        %swap3A_803 = arith.constant 672 : index
        %swap3A_804 = tpu.vector_load %arg9[%swap3A_801, %swap3A_802, %swap3A_803] {strides = array<i32>} : memref<4x16x1024xf32, #tpu.memory_space<vmem>>, vector<16xf32>,
        tpu.vector_store %arg9[%swap3A_801, %swap3A_802, %swap3A_803], %mul3A_799 {strides = array<i32>} : memref<4x16x1024xf32, #tpu.memory_space<vmem>>, vector<16xf32>,
        %get3A_805 = arith.constant 2 : i32
        %get3A_806 = arith.index_cast %get3A_805 : i32 to index
        %get3A_807 = arith.index_cast %scan3A_328 : i32 to index
        %get3A_808 = arith.constant 688 : index
        %get3A_809 = tpu.vector_load %arg9[%get3A_806, %get3A_807, %get3A_808] {strides = array<i32>} : memref<4x16x1024xf32, #tpu.memory_space<vmem>>, vector<16xf32>,
        %mul3A_810 = arith.mulf %get3A_809, %gather3A : vector<16xf32>
        %swap3A_811 = arith.constant 2 : i32
        %swap3A_812 = arith.index_cast %swap3A_811 : i32 to index
        %swap3A_813 = arith.index_cast %scan3A_328 : i32 to index
        %swap3A_814 = arith.constant 688 : index
        %swap3A_815 = tpu.vector_load %arg9[%swap3A_812, %swap3A_813, %swap3A_814] {strides = array<i32>} : memref<4x16x1024xf32, #tpu.memory_space<vmem>>, vector<16xf32>,
        tpu.vector_store %arg9[%swap3A_812, %swap3A_813, %swap3A_814], %mul3A_810 {strides = array<i32>} : memref<4x16x1024xf32, #tpu.memory_space<vmem>>, vector<16xf32>,
        %get3A_816 = arith.constant 2 : i32
        %get3A_817 = arith.index_cast %get3A_816 : i32 to index
        %get3A_818 = arith.index_cast %scan3A_328 : i32 to index
        %get3A_819 = arith.constant 704 : index
        %get3A_820 = tpu.vector_load %arg9[%get3A_817, %get3A_818, %get3A_819] {strides = array<i32>} : memref<4x16x1024xf32, #tpu.memory_space<vmem>>, vector<16xf32>,
        %mul3A_821 = arith.mulf %get3A_820, %gather3A : vector<16xf32>
        %swap3A_822 = arith.constant 2 : i32
        %swap3A_823 = arith.index_cast %swap3A_822 : i32 to index
        %swap3A_824 = arith.index_cast %scan3A_328 : i32 to index
        %swap3A_825 = arith.constant 704 : index
        %swap3A_826 = tpu.vector_load %arg9[%swap3A_823, %swap3A_824, %swap3A_825] {strides = array<i32>} : memref<4x16x1024xf32, #tpu.memory_space<vmem>>, vector<16xf32>,
        tpu.vector_store %arg9[%swap3A_823, %swap3A_824, %swap3A_825], %mul3A_821 {strides = array<i32>} : memref<4x16x1024xf32, #tpu.memory_space<vmem>>, vector<16xf32>,
        %get3A_827 = arith.constant 2 : i32
        %get3A_828 = arith.index_cast %get3A_827 : i32 to index
        %get3A_829 = arith.index_cast %scan3A_328 : i32 to index
        %get3A_830 = arith.constant 720 : index
        %get3A_831 = tpu.vector_load %arg9[%get3A_828, %get3A_829, %get3A_830] {strides = array<i32>} : memref<4x16x1024xf32, #tpu.memory_space<vmem>>, vector<16xf32>,
        %mul3A_832 = arith.mulf %get3A_831, %gather3A : vector<16xf32>
        %swap3A_833 = arith.constant 2 : i32
        %swap3A_834 = arith.index_cast %swap3A_833 : i32 to index
        %swap3A_835 = arith.index_cast %scan3A_328 : i32 to index
        %swap3A_836 = arith.constant 720 : index
        %swap3A_837 = tpu.vector_load %arg9[%swap3A_834, %swap3A_835, %swap3A_836] {strides = array<i32>} : memref<4x16x1024xf32, #tpu.memory_space<vmem>>, vector<16xf32>,
        tpu.vector_store %arg9[%swap3A_834, %swap3A_835, %swap3A_836], %mul3A_832 {strides = array<i32>} : memref<4x16x1024xf32, #tpu.memory_space<vmem>>, vector<16xf32>,
        %get3A_838 = arith.constant 2 : i32
        %get3A_839 = arith.index_cast %get3A_838 : i32 to index
        %get3A_840 = arith.index_cast %scan3A_328 : i32 to index
        %get3A_841 = arith.constant 736 : index
        %get3A_842 = tpu.vector_load %arg9[%get3A_839, %get3A_840, %get3A_841] {strides = array<i32>} : memref<4x16x1024xf32, #tpu.memory_space<vmem>>, vector<16xf32>,
        %mul3A_843 = arith.mulf %get3A_842, %gather3A : vector<16xf32>
        %swap3A_844 = arith.constant 2 : i32
        %swap3A_845 = arith.index_cast %swap3A_844 : i32 to index
        %swap3A_846 = arith.index_cast %scan3A_328 : i32 to index
        %swap3A_847 = arith.constant 736 : index
        %swap3A_848 = tpu.vector_load %arg9[%swap3A_845, %swap3A_846, %swap3A_847] {strides = array<i32>} : memref<4x16x1024xf32, #tpu.memory_space<vmem>>, vector<16xf32>,
        tpu.vector_store %arg9[%swap3A_845, %swap3A_846, %swap3A_847], %mul3A_843 {strides = array<i32>} : memref<4x16x1024xf32, #tpu.memory_space<vmem>>, vector<16xf32>,
        %get3A_849 = arith.constant 2 : i32
        %get3A_850 = arith.index_cast %get3A_849 : i32 to index
        %get3A_851 = arith.index_cast %scan3A_328 : i32 to index
        %get3A_852 = arith.constant 752 : index
        %get3A_853 = tpu.vector_load %arg9[%get3A_850, %get3A_851, %get3A_852] {strides = array<i32>} : memref<4x16x1024xf32, #tpu.memory_space<vmem>>, vector<16xf32>,
        %mul3A_854 = arith.mulf %get3A_853, %gather3A : vector<16xf32>
        %swap3A_855 = arith.constant 2 : i32
        %swap3A_856 = arith.index_cast %swap3A_855 : i32 to index
        %swap3A_857 = arith.index_cast %scan3A_328 : i32 to index
        %swap3A_858 = arith.constant 752 : index
        %swap3A_859 = tpu.vector_load %arg9[%swap3A_856, %swap3A_857, %swap3A_858] {strides = array<i32>} : memref<4x16x1024xf32, #tpu.memory_space<vmem>>, vector<16xf32>,
        tpu.vector_store %arg9[%swap3A_856, %swap3A_857, %swap3A_858], %mul3A_854 {strides = array<i32>} : memref<4x16x1024xf32, #tpu.memory_space<vmem>>, vector<16xf32>,
        %get3A_860 = arith.constant 2 : i32
        %get3A_861 = arith.index_cast %get3A_860 : i32 to index
        %get3A_862 = arith.index_cast %scan3A_328 : i32 to index
        %get3A_863 = arith.constant 768 : index
        %get3A_864 = tpu.vector_load %arg9[%get3A_861, %get3A_862, %get3A_863] {strides = array<i32>} : memref<4x16x1024xf32, #tpu.memory_space<vmem>>, vector<16xf32>,
        %mul3A_865 = arith.mulf %get3A_864, %gather3A : vector<16xf32>
        %swap3A_866 = arith.constant 2 : i32
        %swap3A_867 = arith.index_cast %swap3A_866 : i32 to index
        %swap3A_868 = arith.index_cast %scan3A_328 : i32 to index
        %swap3A_869 = arith.constant 768 : index
        %swap3A_870 = tpu.vector_load %arg9[%swap3A_867, %swap3A_868, %swap3A_869] {strides = array<i32>} : memref<4x16x1024xf32, #tpu.memory_space<vmem>>, vector<16xf32>,
        tpu.vector_store %arg9[%swap3A_867, %swap3A_868, %swap3A_869], %mul3A_865 {strides = array<i32>} : memref<4x16x1024xf32, #tpu.memory_space<vmem>>, vector<16xf32>,
        %get3A_871 = arith.constant 2 : i32
        %get3A_872 = arith.index_cast %get3A_871 : i32 to index
        %get3A_873 = arith.index_cast %scan3A_328 : i32 to index
        %get3A_874 = arith.constant 784 : index
        %get3A_875 = tpu.vector_load %arg9[%get3A_872, %get3A_873, %get3A_874] {strides = array<i32>} : memref<4x16x1024xf32, #tpu.memory_space<vmem>>, vector<16xf32>,
        %mul3A_876 = arith.mulf %get3A_875, %gather3A : vector<16xf32>
        %swap3A_877 = arith.constant 2 : i32
        %swap3A_878 = arith.index_cast %swap3A_877 : i32 to index
        %swap3A_879 = arith.index_cast %scan3A_328 : i32 to index
        %swap3A_880 = arith.constant 784 : index
        %swap3A_881 = tpu.vector_load %arg9[%swap3A_878, %swap3A_879, %swap3A_880] {strides = array<i32>} : memref<4x16x1024xf32, #tpu.memory_space<vmem>>, vector<16xf32>,
        tpu.vector_store %arg9[%swap3A_878, %swap3A_879, %swap3A_880], %mul3A_876 {strides = array<i32>} : memref<4x16x1024xf32, #tpu.memory_space<vmem>>, vector<16xf32>,
        %get3A_882 = arith.constant 2 : i32
        %get3A_883 = arith.index_cast %get3A_882 : i32 to index
        %get3A_884 = arith.index_cast %scan3A_328 : i32 to index
        %get3A_885 = arith.constant 800 : index
        %get3A_886 = tpu.vector_load %arg9[%get3A_883, %get3A_884, %get3A_885] {strides = array<i32>} : memref<4x16x1024xf32, #tpu.memory_space<vmem>>, vector<16xf32>,
        %mul3A_887 = arith.mulf %get3A_886, %gather3A : vector<16xf32>
        %swap3A_888 = arith.constant 2 : i32
        %swap3A_889 = arith.index_cast %swap3A_888 : i32 to index
        %swap3A_890 = arith.index_cast %scan3A_328 : i32 to index
        %swap3A_891 = arith.constant 800 : index
        %swap3A_892 = tpu.vector_load %arg9[%swap3A_889, %swap3A_890, %swap3A_891] {strides = array<i32>} : memref<4x16x1024xf32, #tpu.memory_space<vmem>>, vector<16xf32>,
        tpu.vector_store %arg9[%swap3A_889, %swap3A_890, %swap3A_891], %mul3A_887 {strides = array<i32>} : memref<4x16x1024xf32, #tpu.memory_space<vmem>>, vector<16xf32>,
        %get3A_893 = arith.constant 2 : i32
        %get3A_894 = arith.index_cast %get3A_893 : i32 to index
        %get3A_895 = arith.index_cast %scan3A_328 : i32 to index
        %get3A_896 = arith.constant 816 : index
        %get3A_897 = tpu.vector_load %arg9[%get3A_894, %get3A_895, %get3A_896] {strides = array<i32>} : memref<4x16x1024xf32, #tpu.memory_space<vmem>>, vector<16xf32>,
        %mul3A_898 = arith.mulf %get3A_897, %gather3A : vector<16xf32>
        %swap3A_899 = arith.constant 2 : i32
        %swap3A_900 = arith.index_cast %swap3A_899 : i32 to index
        %swap3A_901 = arith.index_cast %scan3A_328 : i32 to index
        %swap3A_902 = arith.constant 816 : index
        %swap3A_903 = tpu.vector_load %arg9[%swap3A_900, %swap3A_901, %swap3A_902] {strides = array<i32>} : memref<4x16x1024xf32, #tpu.memory_space<vmem>>, vector<16xf32>,
        tpu.vector_store %arg9[%swap3A_900, %swap3A_901, %swap3A_902], %mul3A_898 {strides = array<i32>} : memref<4x16x1024xf32, #tpu.memory_space<vmem>>, vector<16xf32>,
        %get3A_904 = arith.constant 2 : i32
        %get3A_905 = arith.index_cast %get3A_904 : i32 to index
        %get3A_906 = arith.index_cast %scan3A_328 : i32 to index
        %get3A_907 = arith.constant 832 : index
        %get3A_908 = tpu.vector_load %arg9[%get3A_905, %get3A_906, %get3A_907] {strides = array<i32>} : memref<4x16x1024xf32, #tpu.memory_space<vmem>>, vector<16xf32>,
        %mul3A_909 = arith.mulf %get3A_908, %gather3A : vector<16xf32>
        %swap3A_910 = arith.constant 2 : i32
        %swap3A_911 = arith.index_cast %swap3A_910 : i32 to index
        %swap3A_912 = arith.index_cast %scan3A_328 : i32 to index
        %swap3A_913 = arith.constant 832 : index
        %swap3A_914 = tpu.vector_load %arg9[%swap3A_911, %swap3A_912, %swap3A_913] {strides = array<i32>} : memref<4x16x1024xf32, #tpu.memory_space<vmem>>, vector<16xf32>,
        tpu.vector_store %arg9[%swap3A_911, %swap3A_912, %swap3A_913], %mul3A_909 {strides = array<i32>} : memref<4x16x1024xf32, #tpu.memory_space<vmem>>, vector<16xf32>,
        %get3A_915 = arith.constant 2 : i32
        %get3A_916 = arith.index_cast %get3A_915 : i32 to index
        %get3A_917 = arith.index_cast %scan3A_328 : i32 to index
        %get3A_918 = arith.constant 848 : index
        %get3A_919 = tpu.vector_load %arg9[%get3A_916, %get3A_917, %get3A_918] {strides = array<i32>} : memref<4x16x1024xf32, #tpu.memory_space<vmem>>, vector<16xf32>,
        %mul3A_920 = arith.mulf %get3A_919, %gather3A : vector<16xf32>
        %swap3A_921 = arith.constant 2 : i32
        %swap3A_922 = arith.index_cast %swap3A_921 : i32 to index
        %swap3A_923 = arith.index_cast %scan3A_328 : i32 to index
        %swap3A_924 = arith.constant 848 : index
        %swap3A_925 = tpu.vector_load %arg9[%swap3A_922, %swap3A_923, %swap3A_924] {strides = array<i32>} : memref<4x16x1024xf32, #tpu.memory_space<vmem>>, vector<16xf32>,
        tpu.vector_store %arg9[%swap3A_922, %swap3A_923, %swap3A_924], %mul3A_920 {strides = array<i32>} : memref<4x16x1024xf32, #tpu.memory_space<vmem>>, vector<16xf32>,
        %get3A_926 = arith.constant 2 : i32
        %get3A_927 = arith.index_cast %get3A_926 : i32 to index
        %get3A_928 = arith.index_cast %scan3A_328 : i32 to index
        %get3A_929 = arith.constant 864 : index
        %get3A_930 = tpu.vector_load %arg9[%get3A_927, %get3A_928, %get3A_929] {strides = array<i32>} : memref<4x16x1024xf32, #tpu.memory_space<vmem>>, vector<16xf32>,
        %mul3A_931 = arith.mulf %get3A_930, %gather3A : vector<16xf32>
        %swap3A_932 = arith.constant 2 : i32
        %swap3A_933 = arith.index_cast %swap3A_932 : i32 to index
        %swap3A_934 = arith.index_cast %scan3A_328 : i32 to index
        %swap3A_935 = arith.constant 864 : index
        %swap3A_936 = tpu.vector_load %arg9[%swap3A_933, %swap3A_934, %swap3A_935] {strides = array<i32>} : memref<4x16x1024xf32, #tpu.memory_space<vmem>>, vector<16xf32>,
        tpu.vector_store %arg9[%swap3A_933, %swap3A_934, %swap3A_935], %mul3A_931 {strides = array<i32>} : memref<4x16x1024xf32, #tpu.memory_space<vmem>>, vector<16xf32>,
        %get3A_937 = arith.constant 2 : i32
        %get3A_938 = arith.index_cast %get3A_937 : i32 to index
        %get3A_939 = arith.index_cast %scan3A_328 : i32 to index
        %get3A_940 = arith.constant 880 : index
        %get3A_941 = tpu.vector_load %arg9[%get3A_938, %get3A_939, %get3A_940] {strides = array<i32>} : memref<4x16x1024xf32, #tpu.memory_space<vmem>>, vector<16xf32>,
        %mul3A_942 = arith.mulf %get3A_941, %gather3A : vector<16xf32>
        %swap3A_943 = arith.constant 2 : i32
        %swap3A_944 = arith.index_cast %swap3A_943 : i32 to index
        %swap3A_945 = arith.index_cast %scan3A_328 : i32 to index
        %swap3A_946 = arith.constant 880 : index
        %swap3A_947 = tpu.vector_load %arg9[%swap3A_944, %swap3A_945, %swap3A_946] {strides = array<i32>} : memref<4x16x1024xf32, #tpu.memory_space<vmem>>, vector<16xf32>,
        tpu.vector_store %arg9[%swap3A_944, %swap3A_945, %swap3A_946], %mul3A_942 {strides = array<i32>} : memref<4x16x1024xf32, #tpu.memory_space<vmem>>, vector<16xf32>,
        %get3A_948 = arith.constant 2 : i32
        %get3A_949 = arith.index_cast %get3A_948 : i32 to index
        %get3A_950 = arith.index_cast %scan3A_328 : i32 to index
        %get3A_951 = arith.constant 896 : index
        %get3A_952 = tpu.vector_load %arg9[%get3A_949, %get3A_950, %get3A_951] {strides = array<i32>} : memref<4x16x1024xf32, #tpu.memory_space<vmem>>, vector<16xf32>,
        %mul3A_953 = arith.mulf %get3A_952, %gather3A : vector<16xf32>
        %swap3A_954 = arith.constant 2 : i32
        %swap3A_955 = arith.index_cast %swap3A_954 : i32 to index
        %swap3A_956 = arith.index_cast %scan3A_328 : i32 to index
        %swap3A_957 = arith.constant 896 : index
        %swap3A_958 = tpu.vector_load %arg9[%swap3A_955, %swap3A_956, %swap3A_957] {strides = array<i32>} : memref<4x16x1024xf32, #tpu.memory_space<vmem>>, vector<16xf32>,
        tpu.vector_store %arg9[%swap3A_955, %swap3A_956, %swap3A_957], %mul3A_953 {strides = array<i32>} : memref<4x16x1024xf32, #tpu.memory_space<vmem>>, vector<16xf32>,
        %get3A_959 = arith.constant 2 : i32
        %get3A_960 = arith.index_cast %get3A_959 : i32 to index
        %get3A_961 = arith.index_cast %scan3A_328 : i32 to index
        %get3A_962 = arith.constant 912 : index
        %get3A_963 = tpu.vector_load %arg9[%get3A_960, %get3A_961, %get3A_962] {strides = array<i32>} : memref<4x16x1024xf32, #tpu.memory_space<vmem>>, vector<16xf32>,
        %mul3A_964 = arith.mulf %get3A_963, %gather3A : vector<16xf32>
        %swap3A_965 = arith.constant 2 : i32
        %swap3A_966 = arith.index_cast %swap3A_965 : i32 to index
        %swap3A_967 = arith.index_cast %scan3A_328 : i32 to index
        %swap3A_968 = arith.constant 912 : index
        %swap3A_969 = tpu.vector_load %arg9[%swap3A_966, %swap3A_967, %swap3A_968] {strides = array<i32>} : memref<4x16x1024xf32, #tpu.memory_space<vmem>>, vector<16xf32>,
        tpu.vector_store %arg9[%swap3A_966, %swap3A_967, %swap3A_968], %mul3A_964 {strides = array<i32>} : memref<4x16x1024xf32, #tpu.memory_space<vmem>>, vector<16xf32>,
        %get3A_970 = arith.constant 2 : i32
        %get3A_971 = arith.index_cast %get3A_970 : i32 to index
        %get3A_972 = arith.index_cast %scan3A_328 : i32 to index
        %get3A_973 = arith.constant 928 : index
        %get3A_974 = tpu.vector_load %arg9[%get3A_971, %get3A_972, %get3A_973] {strides = array<i32>} : memref<4x16x1024xf32, #tpu.memory_space<vmem>>, vector<16xf32>,
        %mul3A_975 = arith.mulf %get3A_974, %gather3A : vector<16xf32>
        %swap3A_976 = arith.constant 2 : i32
        %swap3A_977 = arith.index_cast %swap3A_976 : i32 to index
        %swap3A_978 = arith.index_cast %scan3A_328 : i32 to index
        %swap3A_979 = arith.constant 928 : index
        %swap3A_980 = tpu.vector_load %arg9[%swap3A_977, %swap3A_978, %swap3A_979] {strides = array<i32>} : memref<4x16x1024xf32, #tpu.memory_space<vmem>>, vector<16xf32>,
        tpu.vector_store %arg9[%swap3A_977, %swap3A_978, %swap3A_979], %mul3A_975 {strides = array<i32>} : memref<4x16x1024xf32, #tpu.memory_space<vmem>>, vector<16xf32>,
        %get3A_981 = arith.constant 2 : i32
        %get3A_982 = arith.index_cast %get3A_981 : i32 to index
        %get3A_983 = arith.index_cast %scan3A_328 : i32 to index
        %get3A_984 = arith.constant 944 : index
        %get3A_985 = tpu.vector_load %arg9[%get3A_982, %get3A_983, %get3A_984] {strides = array<i32>} : memref<4x16x1024xf32, #tpu.memory_space<vmem>>, vector<16xf32>,
        %mul3A_986 = arith.mulf %get3A_985, %gather3A : vector<16xf32>
        %swap3A_987 = arith.constant 2 : i32
        %swap3A_988 = arith.index_cast %swap3A_987 : i32 to index
        %swap3A_989 = arith.index_cast %scan3A_328 : i32 to index
        %swap3A_990 = arith.constant 944 : index
        %swap3A_991 = tpu.vector_load %arg9[%swap3A_988, %swap3A_989, %swap3A_990] {strides = array<i32>} : memref<4x16x1024xf32, #tpu.memory_space<vmem>>, vector<16xf32>,
        tpu.vector_store %arg9[%swap3A_988, %swap3A_989, %swap3A_990], %mul3A_986 {strides = array<i32>} : memref<4x16x1024xf32, #tpu.memory_space<vmem>>, vector<16xf32>,
        %get3A_992 = arith.constant 2 : i32
        %get3A_993 = arith.index_cast %get3A_992 : i32 to index
        %get3A_994 = arith.index_cast %scan3A_328 : i32 to index
        %get3A_995 = arith.constant 960 : index
        %get3A_996 = tpu.vector_load %arg9[%get3A_993, %get3A_994, %get3A_995] {strides = array<i32>} : memref<4x16x1024xf32, #tpu.memory_space<vmem>>, vector<16xf32>,
        %mul3A_997 = arith.mulf %get3A_996, %gather3A : vector<16xf32>
        %swap3A_998 = arith.constant 2 : i32
        %swap3A_999 = arith.index_cast %swap3A_998 : i32 to index
        %swap3A_1000 = arith.index_cast %scan3A_328 : i32 to index
        %swap3A_1001 = arith.constant 960 : index
        %swap3A_1002 = tpu.vector_load %arg9[%swap3A_999, %swap3A_1000, %swap3A_1001] {strides = array<i32>} : memref<4x16x1024xf32, #tpu.memory_space<vmem>>, vector<16xf32>,
        tpu.vector_store %arg9[%swap3A_999, %swap3A_1000, %swap3A_1001], %mul3A_997 {strides = array<i32>} : memref<4x16x1024xf32, #tpu.memory_space<vmem>>, vector<16xf32>,
        %get3A_1003 = arith.constant 2 : i32
        %get3A_1004 = arith.index_cast %get3A_1003 : i32 to index
        %get3A_1005 = arith.index_cast %scan3A_328 : i32 to index
        %get3A_1006 = arith.constant 976 : index
        %get3A_1007 = tpu.vector_load %arg9[%get3A_1004, %get3A_1005, %get3A_1006] {strides = array<i32>} : memref<4x16x1024xf32, #tpu.memory_space<vmem>>, vector<16xf32>,
        %mul3A_1008 = arith.mulf %get3A_1007, %gather3A : vector<16xf32>
        %swap3A_1009 = arith.constant 2 : i32
        %swap3A_1010 = arith.index_cast %swap3A_1009 : i32 to index
        %swap3A_1011 = arith.index_cast %scan3A_328 : i32 to index
        %swap3A_1012 = arith.constant 976 : index
        %swap3A_1013 = tpu.vector_load %arg9[%swap3A_1010, %swap3A_1011, %swap3A_1012] {strides = array<i32>} : memref<4x16x1024xf32, #tpu.memory_space<vmem>>, vector<16xf32>,
        tpu.vector_store %arg9[%swap3A_1010, %swap3A_1011, %swap3A_1012], %mul3A_1008 {strides = array<i32>} : memref<4x16x1024xf32, #tpu.memory_space<vmem>>, vector<16xf32>,
        %get3A_1014 = arith.constant 2 : i32
        %get3A_1015 = arith.index_cast %get3A_1014 : i32 to index
        %get3A_1016 = arith.index_cast %scan3A_328 : i32 to index
        %get3A_1017 = arith.constant 992 : index
        %get3A_1018 = tpu.vector_load %arg9[%get3A_1015, %get3A_1016, %get3A_1017] {strides = array<i32>} : memref<4x16x1024xf32, #tpu.memory_space<vmem>>, vector<16xf32>,
        %mul3A_1019 = arith.mulf %get3A_1018, %gather3A : vector<16xf32>
        %swap3A_1020 = arith.constant 2 : i32
        %swap3A_1021 = arith.index_cast %swap3A_1020 : i32 to index
        %swap3A_1022 = arith.index_cast %scan3A_328 : i32 to index
        %swap3A_1023 = arith.constant 992 : index
        %swap3A_1024 = tpu.vector_load %arg9[%swap3A_1021, %swap3A_1022, %swap3A_1023] {strides = array<i32>} : memref<4x16x1024xf32, #tpu.memory_space<vmem>>, vector<16xf32>,
        tpu.vector_store %arg9[%swap3A_1021, %swap3A_1022, %swap3A_1023], %mul3A_1019 {strides = array<i32>} : memref<4x16x1024xf32, #tpu.memory_space<vmem>>, vector<16xf32>,
        %get3A_1025 = arith.constant 2 : i32
        %get3A_1026 = arith.index_cast %get3A_1025 : i32 to index
        %get3A_1027 = arith.index_cast %scan3A_328 : i32 to index
        %get3A_1028 = arith.constant 1008 : index
        %get3A_1029 = tpu.vector_load %arg9[%get3A_1026, %get3A_1027, %get3A_1028] {strides = array<i32>} : memref<4x16x1024xf32, #tpu.memory_space<vmem>>, vector<16xf32>,
        %mul3A_1030 = arith.mulf %get3A_1029, %gather3A : vector<16xf32>
        %swap3A_1031 = arith.constant 2 : i32
        %swap3A_1032 = arith.index_cast %swap3A_1031 : i32 to index
        %swap3A_1033 = arith.index_cast %scan3A_328 : i32 to index
        %swap3A_1034 = arith.constant 1008 : index
        %swap3A_1035 = tpu.vector_load %arg9[%swap3A_1032, %swap3A_1033, %swap3A_1034] {strides = array<i32>} : memref<4x16x1024xf32, #tpu.memory_space<vmem>>, vector<16xf32>,
        tpu.vector_store %arg9[%swap3A_1032, %swap3A_1033, %swap3A_1034], %mul3A_1030 {strides = array<i32>} : memref<4x16x1024xf32, #tpu.memory_space<vmem>>, vector<16xf32>,
        %scan3A_1036 = arith.constant 0 : i32
        scf.yield %scan3A_1036 : i32
      }
      %scan3A_248 = arith.constant 16 : i32
      %mul3A_249 = arith.constant 16 : i32
      %mul3A_250 = arith.muli %add3A_230, %mul3A_249 : i32
      %add3A_251 = arith.addi %mul3A_34, %mul3A_250 : i32
      %dma_start3A_252 = arith.constant 2 : i32
      %dma_start3A_253 = arith.constant 0 : i32
      %dma_start3A_254 = arith.constant 0 : i32
      %dma_start3A_255 = tpu.memref_slice %arg9[%dma_start3A_252, %dma_start3A_253, %dma_start3A_254] : memref<4x16x1024xf32, #tpu.memory_space<vmem>> -> memref<1x16x1024xf32, #tpu.memory_space<vmem>>
      %dma_start3A_256 = tpu.memref_squeeze %dma_start3A_255 : memref<1x16x1024xf32, #tpu.memory_space<vmem>> -> memref<16x1024xf32, #tpu.memory_space<vmem>>
      %dma_start3A_257 = arith.constant 0 : i32
      %dma_start3A_258 = tpu.memref_slice %arg4[%add3A_251, %dma_start3A_257] : memref<32768x1024xf32, #tpu.memory_space<hbm>> -> memref<16x1024xf32, #tpu.memory_space<hbm>>
      %dma_start3A_259 = arith.constant 0 : i32
      %dma_start3A_260 = tpu.memref_slice %arg4[%add3A_251, %dma_start3A_259] : memref<32768x1024xf32, #tpu.memory_space<hbm>> -> memref<16x1024xf32, #tpu.memory_space<hbm>>
      %dma_start3A_261 = arith.constant 0 : i32
      %dma_start3A_262 = arith.constant 0 : i32
      %dma_start3A_263 = tpu.memref_slice %arg9[%dma_start3A_252, %dma_start3A_261, %dma_start3A_262] : memref<4x16x1024xf32, #tpu.memory_space<vmem>> -> memref<1x16x1024xf32, #tpu.memory_space<vmem>>
      %dma_start3A_264 = tpu.memref_squeeze %dma_start3A_263 : memref<1x16x1024xf32, #tpu.memory_space<vmem>> -> memref<16x1024xf32, #tpu.memory_space<vmem>>
      tpu.enqueue_dma source(%dma_start3A_264 : memref<16x1024xf32, #tpu.memory_space<vmem>>) target(%dma_start3A_260 : memref<16x1024xf32, #tpu.memory_space<hbm>>) target_semaphore(%arg16 : memref<!tpu.dma_semaphore, #tpu.memory_space<semaphore_mem>>)
      %add3A_265 = arith.constant 3 : i32
      %add3A_266 = arith.addi %add3A_230, %add3A_265 : i32
      %ge3A_267 = arith.constant 4 : i32
      %ge3A_268 = arith.cmpi sge, %add3A_266, %ge3A_267 : i32
      %convert_element_type3A_269 = arith.extui %ge3A_268 : i1 to i32
      %cond3A_270 = arith.constant 0 : i32
      %cond3A_271 = arith.cmpi ne, %convert_element_type3A_269, %cond3A_270 : i32
      scf.if %cond3A_271 {
        %sub3A_328 = arith.constant 4 : i32
        %sub3A_329 = arith.subi %add3A_266, %sub3A_328 : i32
        %mul3A_330 = arith.constant 16 : i32
        %mul3A_331 = arith.muli %sub3A_329, %mul3A_330 : i32
        %add3A_332 = arith.addi %mul3A_34, %mul3A_331 : i32
        %dma_wait3A_333 = arith.constant 1 : i32
        %dma_wait3A_334 = arith.constant 0 : i32
        %dma_wait3A_335 = arith.constant 0 : i32
        %dma_wait3A_336 = tpu.memref_slice %arg9[%dma_wait3A_333, %dma_wait3A_334, %dma_wait3A_335] : memref<4x16x1024xf32, #tpu.memory_space<vmem>> -> memref<1x16x1024xf32, #tpu.memory_space<vmem>>
        %dma_wait3A_337 = tpu.memref_squeeze %dma_wait3A_336 : memref<1x16x1024xf32, #tpu.memory_space<vmem>> -> memref<16x1024xf32, #tpu.memory_space<vmem>>
        %dma_wait3A_338 = arith.constant 0 : i32
        %dma_wait3A_339 = tpu.memref_slice %arg4[%add3A_332, %dma_wait3A_338] : memref<32768x1024xf32, #tpu.memory_space<hbm>> -> memref<16x1024xf32, #tpu.memory_space<hbm>>
        %dma_wait3A_340 = arith.constant 0 : i32
        %dma_wait3A_341 = tpu.memref_slice %arg4[%add3A_332, %dma_wait3A_340] : memref<32768x1024xf32, #tpu.memory_space<hbm>> -> memref<16x1024xf32, #tpu.memory_space<hbm>>
        %dma_wait3A_342 = arith.constant 0 : i32
        %dma_wait3A_343 = arith.constant 0 : i32
        %dma_wait3A_344 = tpu.memref_slice %arg9[%dma_wait3A_333, %dma_wait3A_342, %dma_wait3A_343] : memref<4x16x1024xf32, #tpu.memory_space<vmem>> -> memref<1x16x1024xf32, #tpu.memory_space<vmem>>
        %dma_wait3A_345 = tpu.memref_squeeze %dma_wait3A_344 : memref<1x16x1024xf32, #tpu.memory_space<vmem>> -> memref<16x1024xf32, #tpu.memory_space<vmem>>
        tpu.wait_dma2 semaphore(%arg15 : memref<!tpu.dma_semaphore, #tpu.memory_space<semaphore_mem>>) src(%dma_wait3A_345 : memref<16x1024xf32, #tpu.memory_space<vmem>>) dst(%dma_wait3A_341 : memref<16x1024xf32, #tpu.memory_space<hbm>>)
      } else {
      }
      %lt3A_272 = arith.constant 64 : i32
      %lt3A_273 = arith.cmpi slt, %add3A_266, %lt3A_272 : i32
      %convert_element_type3A_274 = arith.extui %lt3A_273 : i1 to i32
      %cond3A_275 = arith.constant 0 : i32
      %cond3A_276 = arith.cmpi ne, %convert_element_type3A_274, %cond3A_275 : i32
      scf.if %cond3A_276 {
        %dma_start3A_328 = arith.constant 1 : i32
        %dma_start3A_329 = arith.constant 0 : i32
        %dma_start3A_330 = arith.constant 0 : i32
        %dma_start3A_331 = tpu.memref_slice %arg9[%dma_start3A_328, %dma_start3A_329, %dma_start3A_330] : memref<4x16x1024xf32, #tpu.memory_space<vmem>> -> memref<1x16x1024xf32, #tpu.memory_space<vmem>>
        %dma_start3A_332 = tpu.memref_squeeze %dma_start3A_331 : memref<1x16x1024xf32, #tpu.memory_space<vmem>> -> memref<16x1024xf32, #tpu.memory_space<vmem>>
        %dma_start3A_333 = arith.constant 0 : i32
        %dma_start3A_334 = tpu.memref_slice %arg7[%add3A_266, %dma_start3A_333] : memref<64x16xi32, #tpu.memory_space<vmem>> -> memref<1x16xi32, #tpu.memory_space<vmem>>
        %dma_start3A_335 = tpu.memref_squeeze %dma_start3A_334 : memref<1x16xi32, #tpu.memory_space<vmem>> -> memref<16xi32, #tpu.memory_space<vmem>>
        %dma_start3A_336 = arith.constant 0 : i32
        %dma_start3A_337 = arith.constant 0 : i32
        %dma_start3A_338 = tpu.memref_slice %arg2[%dma_start3A_336, %dma_start3A_337] : memref<16384x1024xf32, #tpu.memory_space<hbm>> -> memref<16384x1024xf32, #tpu.memory_space<hbm>>
        tpu.enqueue_indirect_dma source(%dma_start3A_338 : memref<16384x1024xf32, #tpu.memory_space<hbm>>) target(%dma_start3A_332 : memref<16x1024xf32, #tpu.memory_space<vmem>>) offsets(%dma_start3A_335 : memref<16xi32, #tpu.memory_space<vmem>>) semaphore(%arg11 : memref<!tpu.dma_semaphore, #tpu.memory_space<semaphore_mem>>)
      } else {
      }
      %mul3A_277 = arith.constant 4 : i32
      %mul3A_278 = arith.muli %scan3A_128, %mul3A_277 : i32
      %add3A_279 = arith.constant 3 : i32
      %add3A_280 = arith.addi %mul3A_278, %add3A_279 : i32
      %dma_wait3A_281 = arith.constant 3 : i32
      %dma_wait3A_282 = arith.constant 0 : i32
      %dma_wait3A_283 = arith.constant 0 : i32
      %dma_wait3A_284 = tpu.memref_slice %arg9[%dma_wait3A_281, %dma_wait3A_282, %dma_wait3A_283] : memref<4x16x1024xf32, #tpu.memory_space<vmem>> -> memref<1x16x1024xf32, #tpu.memory_space<vmem>>
      %dma_wait3A_285 = tpu.memref_squeeze %dma_wait3A_284 : memref<1x16x1024xf32, #tpu.memory_space<vmem>> -> memref<16x1024xf32, #tpu.memory_space<vmem>>
      %dma_wait3A_286 = arith.constant 0 : i32
      %dma_wait3A_287 = tpu.memref_slice %arg7[%add3A_280, %dma_wait3A_286] : memref<64x16xi32, #tpu.memory_space<vmem>> -> memref<1x16xi32, #tpu.memory_space<vmem>>
      %dma_wait3A_288 = tpu.memref_squeeze %dma_wait3A_287 : memref<1x16xi32, #tpu.memory_space<vmem>> -> memref<16xi32, #tpu.memory_space<vmem>>
      %dma_wait3A_289 = arith.constant 0 : i32
      %dma_wait3A_290 = arith.constant 0 : i32
      %dma_wait3A_291 = tpu.memref_slice %arg2[%dma_wait3A_289, %dma_wait3A_290] : memref<16384x1024xf32, #tpu.memory_space<hbm>> -> memref<16384x1024xf32, #tpu.memory_space<hbm>>
      tpu.wait_indirect_dma semaphore(%arg13 : memref<!tpu.dma_semaphore, #tpu.memory_space<semaphore_mem>>) src(%dma_wait3A_291 : memref<16384x1024xf32, #tpu.memory_space<hbm>>) dst(%dma_wait3A_285 : memref<16x1024xf32, #tpu.memory_space<vmem>>)
      %scan3A_292 = arith.constant 0 : i32
      %scan3A_293 = arith.constant 0 : i32
      %scan3A_294 = arith.constant 16 : i32
      %scan3A_295 = arith.addi %scan3A_293, %scan3A_294 : i32
      %scan3A_296 = arith.constant 1 : i32
      %scan3A_297 = scf.for %scan3A_328 = %scan3A_293 to %scan3A_295 step %scan3A_296 iter_args(%scan3A_329 = %scan3A_292) -> (i32)  : i32 {
        %mul3A_330 = arith.constant 16 : i32
        %mul3A_331 = arith.muli %add3A_280, %mul3A_330 : i32
        %add3A_332 = arith.addi %mul3A_331, %scan3A_328 : i32
        %broadcast_in_dim3A_333 = vector.broadcast %add3A_332 : i32 to vector<16xi32>
        %gather3A = tpu.vector_load_idx %arg8[%broadcast_in_dim3A_333] : memref<1024xf32, #tpu.memory_space<vmem>>[vector<16xi32>], vector<16xf32>,
        %get3A = arith.constant 3 : i32
        %get3A_334 = arith.index_cast %get3A : i32 to index
        %get3A_335 = arith.index_cast %scan3A_328 : i32 to index
        %get3A_336 = arith.constant 0 : index
        %get3A_337 = tpu.vector_load %arg9[%get3A_334, %get3A_335, %get3A_336] {strides = array<i32>} : memref<4x16x1024xf32, #tpu.memory_space<vmem>>, vector<16xf32>,
        %mul3A_338 = arith.mulf %get3A_337, %gather3A : vector<16xf32>
        %swap3A = arith.constant 3 : i32
        %swap3A_339 = arith.index_cast %swap3A : i32 to index
        %swap3A_340 = arith.index_cast %scan3A_328 : i32 to index
        %swap3A_341 = arith.constant 0 : index
        %swap3A_342 = tpu.vector_load %arg9[%swap3A_339, %swap3A_340, %swap3A_341] {strides = array<i32>} : memref<4x16x1024xf32, #tpu.memory_space<vmem>>, vector<16xf32>,
        tpu.vector_store %arg9[%swap3A_339, %swap3A_340, %swap3A_341], %mul3A_338 {strides = array<i32>} : memref<4x16x1024xf32, #tpu.memory_space<vmem>>, vector<16xf32>,
        %get3A_343 = arith.constant 3 : i32
        %get3A_344 = arith.index_cast %get3A_343 : i32 to index
        %get3A_345 = arith.index_cast %scan3A_328 : i32 to index
        %get3A_346 = arith.constant 16 : index
        %get3A_347 = tpu.vector_load %arg9[%get3A_344, %get3A_345, %get3A_346] {strides = array<i32>} : memref<4x16x1024xf32, #tpu.memory_space<vmem>>, vector<16xf32>,
        %mul3A_348 = arith.mulf %get3A_347, %gather3A : vector<16xf32>
        %swap3A_349 = arith.constant 3 : i32
        %swap3A_350 = arith.index_cast %swap3A_349 : i32 to index
        %swap3A_351 = arith.index_cast %scan3A_328 : i32 to index
        %swap3A_352 = arith.constant 16 : index
        %swap3A_353 = tpu.vector_load %arg9[%swap3A_350, %swap3A_351, %swap3A_352] {strides = array<i32>} : memref<4x16x1024xf32, #tpu.memory_space<vmem>>, vector<16xf32>,
        tpu.vector_store %arg9[%swap3A_350, %swap3A_351, %swap3A_352], %mul3A_348 {strides = array<i32>} : memref<4x16x1024xf32, #tpu.memory_space<vmem>>, vector<16xf32>,
        %get3A_354 = arith.constant 3 : i32
        %get3A_355 = arith.index_cast %get3A_354 : i32 to index
        %get3A_356 = arith.index_cast %scan3A_328 : i32 to index
        %get3A_357 = arith.constant 32 : index
        %get3A_358 = tpu.vector_load %arg9[%get3A_355, %get3A_356, %get3A_357] {strides = array<i32>} : memref<4x16x1024xf32, #tpu.memory_space<vmem>>, vector<16xf32>,
        %mul3A_359 = arith.mulf %get3A_358, %gather3A : vector<16xf32>
        %swap3A_360 = arith.constant 3 : i32
        %swap3A_361 = arith.index_cast %swap3A_360 : i32 to index
        %swap3A_362 = arith.index_cast %scan3A_328 : i32 to index
        %swap3A_363 = arith.constant 32 : index
        %swap3A_364 = tpu.vector_load %arg9[%swap3A_361, %swap3A_362, %swap3A_363] {strides = array<i32>} : memref<4x16x1024xf32, #tpu.memory_space<vmem>>, vector<16xf32>,
        tpu.vector_store %arg9[%swap3A_361, %swap3A_362, %swap3A_363], %mul3A_359 {strides = array<i32>} : memref<4x16x1024xf32, #tpu.memory_space<vmem>>, vector<16xf32>,
        %get3A_365 = arith.constant 3 : i32
        %get3A_366 = arith.index_cast %get3A_365 : i32 to index
        %get3A_367 = arith.index_cast %scan3A_328 : i32 to index
        %get3A_368 = arith.constant 48 : index
        %get3A_369 = tpu.vector_load %arg9[%get3A_366, %get3A_367, %get3A_368] {strides = array<i32>} : memref<4x16x1024xf32, #tpu.memory_space<vmem>>, vector<16xf32>,
        %mul3A_370 = arith.mulf %get3A_369, %gather3A : vector<16xf32>
        %swap3A_371 = arith.constant 3 : i32
        %swap3A_372 = arith.index_cast %swap3A_371 : i32 to index
        %swap3A_373 = arith.index_cast %scan3A_328 : i32 to index
        %swap3A_374 = arith.constant 48 : index
        %swap3A_375 = tpu.vector_load %arg9[%swap3A_372, %swap3A_373, %swap3A_374] {strides = array<i32>} : memref<4x16x1024xf32, #tpu.memory_space<vmem>>, vector<16xf32>,
        tpu.vector_store %arg9[%swap3A_372, %swap3A_373, %swap3A_374], %mul3A_370 {strides = array<i32>} : memref<4x16x1024xf32, #tpu.memory_space<vmem>>, vector<16xf32>,
        %get3A_376 = arith.constant 3 : i32
        %get3A_377 = arith.index_cast %get3A_376 : i32 to index
        %get3A_378 = arith.index_cast %scan3A_328 : i32 to index
        %get3A_379 = arith.constant 64 : index
        %get3A_380 = tpu.vector_load %arg9[%get3A_377, %get3A_378, %get3A_379] {strides = array<i32>} : memref<4x16x1024xf32, #tpu.memory_space<vmem>>, vector<16xf32>,
        %mul3A_381 = arith.mulf %get3A_380, %gather3A : vector<16xf32>
        %swap3A_382 = arith.constant 3 : i32
        %swap3A_383 = arith.index_cast %swap3A_382 : i32 to index
        %swap3A_384 = arith.index_cast %scan3A_328 : i32 to index
        %swap3A_385 = arith.constant 64 : index
        %swap3A_386 = tpu.vector_load %arg9[%swap3A_383, %swap3A_384, %swap3A_385] {strides = array<i32>} : memref<4x16x1024xf32, #tpu.memory_space<vmem>>, vector<16xf32>,
        tpu.vector_store %arg9[%swap3A_383, %swap3A_384, %swap3A_385], %mul3A_381 {strides = array<i32>} : memref<4x16x1024xf32, #tpu.memory_space<vmem>>, vector<16xf32>,
        %get3A_387 = arith.constant 3 : i32
        %get3A_388 = arith.index_cast %get3A_387 : i32 to index
        %get3A_389 = arith.index_cast %scan3A_328 : i32 to index
        %get3A_390 = arith.constant 80 : index
        %get3A_391 = tpu.vector_load %arg9[%get3A_388, %get3A_389, %get3A_390] {strides = array<i32>} : memref<4x16x1024xf32, #tpu.memory_space<vmem>>, vector<16xf32>,
        %mul3A_392 = arith.mulf %get3A_391, %gather3A : vector<16xf32>
        %swap3A_393 = arith.constant 3 : i32
        %swap3A_394 = arith.index_cast %swap3A_393 : i32 to index
        %swap3A_395 = arith.index_cast %scan3A_328 : i32 to index
        %swap3A_396 = arith.constant 80 : index
        %swap3A_397 = tpu.vector_load %arg9[%swap3A_394, %swap3A_395, %swap3A_396] {strides = array<i32>} : memref<4x16x1024xf32, #tpu.memory_space<vmem>>, vector<16xf32>,
        tpu.vector_store %arg9[%swap3A_394, %swap3A_395, %swap3A_396], %mul3A_392 {strides = array<i32>} : memref<4x16x1024xf32, #tpu.memory_space<vmem>>, vector<16xf32>,
        %get3A_398 = arith.constant 3 : i32
        %get3A_399 = arith.index_cast %get3A_398 : i32 to index
        %get3A_400 = arith.index_cast %scan3A_328 : i32 to index
        %get3A_401 = arith.constant 96 : index
        %get3A_402 = tpu.vector_load %arg9[%get3A_399, %get3A_400, %get3A_401] {strides = array<i32>} : memref<4x16x1024xf32, #tpu.memory_space<vmem>>, vector<16xf32>,
        %mul3A_403 = arith.mulf %get3A_402, %gather3A : vector<16xf32>
        %swap3A_404 = arith.constant 3 : i32
        %swap3A_405 = arith.index_cast %swap3A_404 : i32 to index
        %swap3A_406 = arith.index_cast %scan3A_328 : i32 to index
        %swap3A_407 = arith.constant 96 : index
        %swap3A_408 = tpu.vector_load %arg9[%swap3A_405, %swap3A_406, %swap3A_407] {strides = array<i32>} : memref<4x16x1024xf32, #tpu.memory_space<vmem>>, vector<16xf32>,
        tpu.vector_store %arg9[%swap3A_405, %swap3A_406, %swap3A_407], %mul3A_403 {strides = array<i32>} : memref<4x16x1024xf32, #tpu.memory_space<vmem>>, vector<16xf32>,
        %get3A_409 = arith.constant 3 : i32
        %get3A_410 = arith.index_cast %get3A_409 : i32 to index
        %get3A_411 = arith.index_cast %scan3A_328 : i32 to index
        %get3A_412 = arith.constant 112 : index
        %get3A_413 = tpu.vector_load %arg9[%get3A_410, %get3A_411, %get3A_412] {strides = array<i32>} : memref<4x16x1024xf32, #tpu.memory_space<vmem>>, vector<16xf32>,
        %mul3A_414 = arith.mulf %get3A_413, %gather3A : vector<16xf32>
        %swap3A_415 = arith.constant 3 : i32
        %swap3A_416 = arith.index_cast %swap3A_415 : i32 to index
        %swap3A_417 = arith.index_cast %scan3A_328 : i32 to index
        %swap3A_418 = arith.constant 112 : index
        %swap3A_419 = tpu.vector_load %arg9[%swap3A_416, %swap3A_417, %swap3A_418] {strides = array<i32>} : memref<4x16x1024xf32, #tpu.memory_space<vmem>>, vector<16xf32>,
        tpu.vector_store %arg9[%swap3A_416, %swap3A_417, %swap3A_418], %mul3A_414 {strides = array<i32>} : memref<4x16x1024xf32, #tpu.memory_space<vmem>>, vector<16xf32>,
        %get3A_420 = arith.constant 3 : i32
        %get3A_421 = arith.index_cast %get3A_420 : i32 to index
        %get3A_422 = arith.index_cast %scan3A_328 : i32 to index
        %get3A_423 = arith.constant 128 : index
        %get3A_424 = tpu.vector_load %arg9[%get3A_421, %get3A_422, %get3A_423] {strides = array<i32>} : memref<4x16x1024xf32, #tpu.memory_space<vmem>>, vector<16xf32>,
        %mul3A_425 = arith.mulf %get3A_424, %gather3A : vector<16xf32>
        %swap3A_426 = arith.constant 3 : i32
        %swap3A_427 = arith.index_cast %swap3A_426 : i32 to index
        %swap3A_428 = arith.index_cast %scan3A_328 : i32 to index
        %swap3A_429 = arith.constant 128 : index
        %swap3A_430 = tpu.vector_load %arg9[%swap3A_427, %swap3A_428, %swap3A_429] {strides = array<i32>} : memref<4x16x1024xf32, #tpu.memory_space<vmem>>, vector<16xf32>,
        tpu.vector_store %arg9[%swap3A_427, %swap3A_428, %swap3A_429], %mul3A_425 {strides = array<i32>} : memref<4x16x1024xf32, #tpu.memory_space<vmem>>, vector<16xf32>,
        %get3A_431 = arith.constant 3 : i32
        %get3A_432 = arith.index_cast %get3A_431 : i32 to index
        %get3A_433 = arith.index_cast %scan3A_328 : i32 to index
        %get3A_434 = arith.constant 144 : index
        %get3A_435 = tpu.vector_load %arg9[%get3A_432, %get3A_433, %get3A_434] {strides = array<i32>} : memref<4x16x1024xf32, #tpu.memory_space<vmem>>, vector<16xf32>,
        %mul3A_436 = arith.mulf %get3A_435, %gather3A : vector<16xf32>
        %swap3A_437 = arith.constant 3 : i32
        %swap3A_438 = arith.index_cast %swap3A_437 : i32 to index
        %swap3A_439 = arith.index_cast %scan3A_328 : i32 to index
        %swap3A_440 = arith.constant 144 : index
        %swap3A_441 = tpu.vector_load %arg9[%swap3A_438, %swap3A_439, %swap3A_440] {strides = array<i32>} : memref<4x16x1024xf32, #tpu.memory_space<vmem>>, vector<16xf32>,
        tpu.vector_store %arg9[%swap3A_438, %swap3A_439, %swap3A_440], %mul3A_436 {strides = array<i32>} : memref<4x16x1024xf32, #tpu.memory_space<vmem>>, vector<16xf32>,
        %get3A_442 = arith.constant 3 : i32
        %get3A_443 = arith.index_cast %get3A_442 : i32 to index
        %get3A_444 = arith.index_cast %scan3A_328 : i32 to index
        %get3A_445 = arith.constant 160 : index
        %get3A_446 = tpu.vector_load %arg9[%get3A_443, %get3A_444, %get3A_445] {strides = array<i32>} : memref<4x16x1024xf32, #tpu.memory_space<vmem>>, vector<16xf32>,
        %mul3A_447 = arith.mulf %get3A_446, %gather3A : vector<16xf32>
        %swap3A_448 = arith.constant 3 : i32
        %swap3A_449 = arith.index_cast %swap3A_448 : i32 to index
        %swap3A_450 = arith.index_cast %scan3A_328 : i32 to index
        %swap3A_451 = arith.constant 160 : index
        %swap3A_452 = tpu.vector_load %arg9[%swap3A_449, %swap3A_450, %swap3A_451] {strides = array<i32>} : memref<4x16x1024xf32, #tpu.memory_space<vmem>>, vector<16xf32>,
        tpu.vector_store %arg9[%swap3A_449, %swap3A_450, %swap3A_451], %mul3A_447 {strides = array<i32>} : memref<4x16x1024xf32, #tpu.memory_space<vmem>>, vector<16xf32>,
        %get3A_453 = arith.constant 3 : i32
        %get3A_454 = arith.index_cast %get3A_453 : i32 to index
        %get3A_455 = arith.index_cast %scan3A_328 : i32 to index
        %get3A_456 = arith.constant 176 : index
        %get3A_457 = tpu.vector_load %arg9[%get3A_454, %get3A_455, %get3A_456] {strides = array<i32>} : memref<4x16x1024xf32, #tpu.memory_space<vmem>>, vector<16xf32>,
        %mul3A_458 = arith.mulf %get3A_457, %gather3A : vector<16xf32>
        %swap3A_459 = arith.constant 3 : i32
        %swap3A_460 = arith.index_cast %swap3A_459 : i32 to index
        %swap3A_461 = arith.index_cast %scan3A_328 : i32 to index
        %swap3A_462 = arith.constant 176 : index
        %swap3A_463 = tpu.vector_load %arg9[%swap3A_460, %swap3A_461, %swap3A_462] {strides = array<i32>} : memref<4x16x1024xf32, #tpu.memory_space<vmem>>, vector<16xf32>,
        tpu.vector_store %arg9[%swap3A_460, %swap3A_461, %swap3A_462], %mul3A_458 {strides = array<i32>} : memref<4x16x1024xf32, #tpu.memory_space<vmem>>, vector<16xf32>,
        %get3A_464 = arith.constant 3 : i32
        %get3A_465 = arith.index_cast %get3A_464 : i32 to index
        %get3A_466 = arith.index_cast %scan3A_328 : i32 to index
        %get3A_467 = arith.constant 192 : index
        %get3A_468 = tpu.vector_load %arg9[%get3A_465, %get3A_466, %get3A_467] {strides = array<i32>} : memref<4x16x1024xf32, #tpu.memory_space<vmem>>, vector<16xf32>,
        %mul3A_469 = arith.mulf %get3A_468, %gather3A : vector<16xf32>
        %swap3A_470 = arith.constant 3 : i32
        %swap3A_471 = arith.index_cast %swap3A_470 : i32 to index
        %swap3A_472 = arith.index_cast %scan3A_328 : i32 to index
        %swap3A_473 = arith.constant 192 : index
        %swap3A_474 = tpu.vector_load %arg9[%swap3A_471, %swap3A_472, %swap3A_473] {strides = array<i32>} : memref<4x16x1024xf32, #tpu.memory_space<vmem>>, vector<16xf32>,
        tpu.vector_store %arg9[%swap3A_471, %swap3A_472, %swap3A_473], %mul3A_469 {strides = array<i32>} : memref<4x16x1024xf32, #tpu.memory_space<vmem>>, vector<16xf32>,
        %get3A_475 = arith.constant 3 : i32
        %get3A_476 = arith.index_cast %get3A_475 : i32 to index
        %get3A_477 = arith.index_cast %scan3A_328 : i32 to index
        %get3A_478 = arith.constant 208 : index
        %get3A_479 = tpu.vector_load %arg9[%get3A_476, %get3A_477, %get3A_478] {strides = array<i32>} : memref<4x16x1024xf32, #tpu.memory_space<vmem>>, vector<16xf32>,
        %mul3A_480 = arith.mulf %get3A_479, %gather3A : vector<16xf32>
        %swap3A_481 = arith.constant 3 : i32
        %swap3A_482 = arith.index_cast %swap3A_481 : i32 to index
        %swap3A_483 = arith.index_cast %scan3A_328 : i32 to index
        %swap3A_484 = arith.constant 208 : index
        %swap3A_485 = tpu.vector_load %arg9[%swap3A_482, %swap3A_483, %swap3A_484] {strides = array<i32>} : memref<4x16x1024xf32, #tpu.memory_space<vmem>>, vector<16xf32>,
        tpu.vector_store %arg9[%swap3A_482, %swap3A_483, %swap3A_484], %mul3A_480 {strides = array<i32>} : memref<4x16x1024xf32, #tpu.memory_space<vmem>>, vector<16xf32>,
        %get3A_486 = arith.constant 3 : i32
        %get3A_487 = arith.index_cast %get3A_486 : i32 to index
        %get3A_488 = arith.index_cast %scan3A_328 : i32 to index
        %get3A_489 = arith.constant 224 : index
        %get3A_490 = tpu.vector_load %arg9[%get3A_487, %get3A_488, %get3A_489] {strides = array<i32>} : memref<4x16x1024xf32, #tpu.memory_space<vmem>>, vector<16xf32>,
        %mul3A_491 = arith.mulf %get3A_490, %gather3A : vector<16xf32>
        %swap3A_492 = arith.constant 3 : i32
        %swap3A_493 = arith.index_cast %swap3A_492 : i32 to index
        %swap3A_494 = arith.index_cast %scan3A_328 : i32 to index
        %swap3A_495 = arith.constant 224 : index
        %swap3A_496 = tpu.vector_load %arg9[%swap3A_493, %swap3A_494, %swap3A_495] {strides = array<i32>} : memref<4x16x1024xf32, #tpu.memory_space<vmem>>, vector<16xf32>,
        tpu.vector_store %arg9[%swap3A_493, %swap3A_494, %swap3A_495], %mul3A_491 {strides = array<i32>} : memref<4x16x1024xf32, #tpu.memory_space<vmem>>, vector<16xf32>,
        %get3A_497 = arith.constant 3 : i32
        %get3A_498 = arith.index_cast %get3A_497 : i32 to index
        %get3A_499 = arith.index_cast %scan3A_328 : i32 to index
        %get3A_500 = arith.constant 240 : index
        %get3A_501 = tpu.vector_load %arg9[%get3A_498, %get3A_499, %get3A_500] {strides = array<i32>} : memref<4x16x1024xf32, #tpu.memory_space<vmem>>, vector<16xf32>,
        %mul3A_502 = arith.mulf %get3A_501, %gather3A : vector<16xf32>
        %swap3A_503 = arith.constant 3 : i32
        %swap3A_504 = arith.index_cast %swap3A_503 : i32 to index
        %swap3A_505 = arith.index_cast %scan3A_328 : i32 to index
        %swap3A_506 = arith.constant 240 : index
        %swap3A_507 = tpu.vector_load %arg9[%swap3A_504, %swap3A_505, %swap3A_506] {strides = array<i32>} : memref<4x16x1024xf32, #tpu.memory_space<vmem>>, vector<16xf32>,
        tpu.vector_store %arg9[%swap3A_504, %swap3A_505, %swap3A_506], %mul3A_502 {strides = array<i32>} : memref<4x16x1024xf32, #tpu.memory_space<vmem>>, vector<16xf32>,
        %get3A_508 = arith.constant 3 : i32
        %get3A_509 = arith.index_cast %get3A_508 : i32 to index
        %get3A_510 = arith.index_cast %scan3A_328 : i32 to index
        %get3A_511 = arith.constant 256 : index
        %get3A_512 = tpu.vector_load %arg9[%get3A_509, %get3A_510, %get3A_511] {strides = array<i32>} : memref<4x16x1024xf32, #tpu.memory_space<vmem>>, vector<16xf32>,
        %mul3A_513 = arith.mulf %get3A_512, %gather3A : vector<16xf32>
        %swap3A_514 = arith.constant 3 : i32
        %swap3A_515 = arith.index_cast %swap3A_514 : i32 to index
        %swap3A_516 = arith.index_cast %scan3A_328 : i32 to index
        %swap3A_517 = arith.constant 256 : index
        %swap3A_518 = tpu.vector_load %arg9[%swap3A_515, %swap3A_516, %swap3A_517] {strides = array<i32>} : memref<4x16x1024xf32, #tpu.memory_space<vmem>>, vector<16xf32>,
        tpu.vector_store %arg9[%swap3A_515, %swap3A_516, %swap3A_517], %mul3A_513 {strides = array<i32>} : memref<4x16x1024xf32, #tpu.memory_space<vmem>>, vector<16xf32>,
        %get3A_519 = arith.constant 3 : i32
        %get3A_520 = arith.index_cast %get3A_519 : i32 to index
        %get3A_521 = arith.index_cast %scan3A_328 : i32 to index
        %get3A_522 = arith.constant 272 : index
        %get3A_523 = tpu.vector_load %arg9[%get3A_520, %get3A_521, %get3A_522] {strides = array<i32>} : memref<4x16x1024xf32, #tpu.memory_space<vmem>>, vector<16xf32>,
        %mul3A_524 = arith.mulf %get3A_523, %gather3A : vector<16xf32>
        %swap3A_525 = arith.constant 3 : i32
        %swap3A_526 = arith.index_cast %swap3A_525 : i32 to index
        %swap3A_527 = arith.index_cast %scan3A_328 : i32 to index
        %swap3A_528 = arith.constant 272 : index
        %swap3A_529 = tpu.vector_load %arg9[%swap3A_526, %swap3A_527, %swap3A_528] {strides = array<i32>} : memref<4x16x1024xf32, #tpu.memory_space<vmem>>, vector<16xf32>,
        tpu.vector_store %arg9[%swap3A_526, %swap3A_527, %swap3A_528], %mul3A_524 {strides = array<i32>} : memref<4x16x1024xf32, #tpu.memory_space<vmem>>, vector<16xf32>,
        %get3A_530 = arith.constant 3 : i32
        %get3A_531 = arith.index_cast %get3A_530 : i32 to index
        %get3A_532 = arith.index_cast %scan3A_328 : i32 to index
        %get3A_533 = arith.constant 288 : index
        %get3A_534 = tpu.vector_load %arg9[%get3A_531, %get3A_532, %get3A_533] {strides = array<i32>} : memref<4x16x1024xf32, #tpu.memory_space<vmem>>, vector<16xf32>,
        %mul3A_535 = arith.mulf %get3A_534, %gather3A : vector<16xf32>
        %swap3A_536 = arith.constant 3 : i32
        %swap3A_537 = arith.index_cast %swap3A_536 : i32 to index
        %swap3A_538 = arith.index_cast %scan3A_328 : i32 to index
        %swap3A_539 = arith.constant 288 : index
        %swap3A_540 = tpu.vector_load %arg9[%swap3A_537, %swap3A_538, %swap3A_539] {strides = array<i32>} : memref<4x16x1024xf32, #tpu.memory_space<vmem>>, vector<16xf32>,
        tpu.vector_store %arg9[%swap3A_537, %swap3A_538, %swap3A_539], %mul3A_535 {strides = array<i32>} : memref<4x16x1024xf32, #tpu.memory_space<vmem>>, vector<16xf32>,
        %get3A_541 = arith.constant 3 : i32
        %get3A_542 = arith.index_cast %get3A_541 : i32 to index
        %get3A_543 = arith.index_cast %scan3A_328 : i32 to index
        %get3A_544 = arith.constant 304 : index
        %get3A_545 = tpu.vector_load %arg9[%get3A_542, %get3A_543, %get3A_544] {strides = array<i32>} : memref<4x16x1024xf32, #tpu.memory_space<vmem>>, vector<16xf32>,
        %mul3A_546 = arith.mulf %get3A_545, %gather3A : vector<16xf32>
        %swap3A_547 = arith.constant 3 : i32
        %swap3A_548 = arith.index_cast %swap3A_547 : i32 to index
        %swap3A_549 = arith.index_cast %scan3A_328 : i32 to index
        %swap3A_550 = arith.constant 304 : index
        %swap3A_551 = tpu.vector_load %arg9[%swap3A_548, %swap3A_549, %swap3A_550] {strides = array<i32>} : memref<4x16x1024xf32, #tpu.memory_space<vmem>>, vector<16xf32>,
        tpu.vector_store %arg9[%swap3A_548, %swap3A_549, %swap3A_550], %mul3A_546 {strides = array<i32>} : memref<4x16x1024xf32, #tpu.memory_space<vmem>>, vector<16xf32>,
        %get3A_552 = arith.constant 3 : i32
        %get3A_553 = arith.index_cast %get3A_552 : i32 to index
        %get3A_554 = arith.index_cast %scan3A_328 : i32 to index
        %get3A_555 = arith.constant 320 : index
        %get3A_556 = tpu.vector_load %arg9[%get3A_553, %get3A_554, %get3A_555] {strides = array<i32>} : memref<4x16x1024xf32, #tpu.memory_space<vmem>>, vector<16xf32>,
        %mul3A_557 = arith.mulf %get3A_556, %gather3A : vector<16xf32>
        %swap3A_558 = arith.constant 3 : i32
        %swap3A_559 = arith.index_cast %swap3A_558 : i32 to index
        %swap3A_560 = arith.index_cast %scan3A_328 : i32 to index
        %swap3A_561 = arith.constant 320 : index
        %swap3A_562 = tpu.vector_load %arg9[%swap3A_559, %swap3A_560, %swap3A_561] {strides = array<i32>} : memref<4x16x1024xf32, #tpu.memory_space<vmem>>, vector<16xf32>,
        tpu.vector_store %arg9[%swap3A_559, %swap3A_560, %swap3A_561], %mul3A_557 {strides = array<i32>} : memref<4x16x1024xf32, #tpu.memory_space<vmem>>, vector<16xf32>,
        %get3A_563 = arith.constant 3 : i32
        %get3A_564 = arith.index_cast %get3A_563 : i32 to index
        %get3A_565 = arith.index_cast %scan3A_328 : i32 to index
        %get3A_566 = arith.constant 336 : index
        %get3A_567 = tpu.vector_load %arg9[%get3A_564, %get3A_565, %get3A_566] {strides = array<i32>} : memref<4x16x1024xf32, #tpu.memory_space<vmem>>, vector<16xf32>,
        %mul3A_568 = arith.mulf %get3A_567, %gather3A : vector<16xf32>
        %swap3A_569 = arith.constant 3 : i32
        %swap3A_570 = arith.index_cast %swap3A_569 : i32 to index
        %swap3A_571 = arith.index_cast %scan3A_328 : i32 to index
        %swap3A_572 = arith.constant 336 : index
        %swap3A_573 = tpu.vector_load %arg9[%swap3A_570, %swap3A_571, %swap3A_572] {strides = array<i32>} : memref<4x16x1024xf32, #tpu.memory_space<vmem>>, vector<16xf32>,
        tpu.vector_store %arg9[%swap3A_570, %swap3A_571, %swap3A_572], %mul3A_568 {strides = array<i32>} : memref<4x16x1024xf32, #tpu.memory_space<vmem>>, vector<16xf32>,
        %get3A_574 = arith.constant 3 : i32
        %get3A_575 = arith.index_cast %get3A_574 : i32 to index
        %get3A_576 = arith.index_cast %scan3A_328 : i32 to index
        %get3A_577 = arith.constant 352 : index
        %get3A_578 = tpu.vector_load %arg9[%get3A_575, %get3A_576, %get3A_577] {strides = array<i32>} : memref<4x16x1024xf32, #tpu.memory_space<vmem>>, vector<16xf32>,
        %mul3A_579 = arith.mulf %get3A_578, %gather3A : vector<16xf32>
        %swap3A_580 = arith.constant 3 : i32
        %swap3A_581 = arith.index_cast %swap3A_580 : i32 to index
        %swap3A_582 = arith.index_cast %scan3A_328 : i32 to index
        %swap3A_583 = arith.constant 352 : index
        %swap3A_584 = tpu.vector_load %arg9[%swap3A_581, %swap3A_582, %swap3A_583] {strides = array<i32>} : memref<4x16x1024xf32, #tpu.memory_space<vmem>>, vector<16xf32>,
        tpu.vector_store %arg9[%swap3A_581, %swap3A_582, %swap3A_583], %mul3A_579 {strides = array<i32>} : memref<4x16x1024xf32, #tpu.memory_space<vmem>>, vector<16xf32>,
        %get3A_585 = arith.constant 3 : i32
        %get3A_586 = arith.index_cast %get3A_585 : i32 to index
        %get3A_587 = arith.index_cast %scan3A_328 : i32 to index
        %get3A_588 = arith.constant 368 : index
        %get3A_589 = tpu.vector_load %arg9[%get3A_586, %get3A_587, %get3A_588] {strides = array<i32>} : memref<4x16x1024xf32, #tpu.memory_space<vmem>>, vector<16xf32>,
        %mul3A_590 = arith.mulf %get3A_589, %gather3A : vector<16xf32>
        %swap3A_591 = arith.constant 3 : i32
        %swap3A_592 = arith.index_cast %swap3A_591 : i32 to index
        %swap3A_593 = arith.index_cast %scan3A_328 : i32 to index
        %swap3A_594 = arith.constant 368 : index
        %swap3A_595 = tpu.vector_load %arg9[%swap3A_592, %swap3A_593, %swap3A_594] {strides = array<i32>} : memref<4x16x1024xf32, #tpu.memory_space<vmem>>, vector<16xf32>,
        tpu.vector_store %arg9[%swap3A_592, %swap3A_593, %swap3A_594], %mul3A_590 {strides = array<i32>} : memref<4x16x1024xf32, #tpu.memory_space<vmem>>, vector<16xf32>,
        %get3A_596 = arith.constant 3 : i32
        %get3A_597 = arith.index_cast %get3A_596 : i32 to index
        %get3A_598 = arith.index_cast %scan3A_328 : i32 to index
        %get3A_599 = arith.constant 384 : index
        %get3A_600 = tpu.vector_load %arg9[%get3A_597, %get3A_598, %get3A_599] {strides = array<i32>} : memref<4x16x1024xf32, #tpu.memory_space<vmem>>, vector<16xf32>,
        %mul3A_601 = arith.mulf %get3A_600, %gather3A : vector<16xf32>
        %swap3A_602 = arith.constant 3 : i32
        %swap3A_603 = arith.index_cast %swap3A_602 : i32 to index
        %swap3A_604 = arith.index_cast %scan3A_328 : i32 to index
        %swap3A_605 = arith.constant 384 : index
        %swap3A_606 = tpu.vector_load %arg9[%swap3A_603, %swap3A_604, %swap3A_605] {strides = array<i32>} : memref<4x16x1024xf32, #tpu.memory_space<vmem>>, vector<16xf32>,
        tpu.vector_store %arg9[%swap3A_603, %swap3A_604, %swap3A_605], %mul3A_601 {strides = array<i32>} : memref<4x16x1024xf32, #tpu.memory_space<vmem>>, vector<16xf32>,
        %get3A_607 = arith.constant 3 : i32
        %get3A_608 = arith.index_cast %get3A_607 : i32 to index
        %get3A_609 = arith.index_cast %scan3A_328 : i32 to index
        %get3A_610 = arith.constant 400 : index
        %get3A_611 = tpu.vector_load %arg9[%get3A_608, %get3A_609, %get3A_610] {strides = array<i32>} : memref<4x16x1024xf32, #tpu.memory_space<vmem>>, vector<16xf32>,
        %mul3A_612 = arith.mulf %get3A_611, %gather3A : vector<16xf32>
        %swap3A_613 = arith.constant 3 : i32
        %swap3A_614 = arith.index_cast %swap3A_613 : i32 to index
        %swap3A_615 = arith.index_cast %scan3A_328 : i32 to index
        %swap3A_616 = arith.constant 400 : index
        %swap3A_617 = tpu.vector_load %arg9[%swap3A_614, %swap3A_615, %swap3A_616] {strides = array<i32>} : memref<4x16x1024xf32, #tpu.memory_space<vmem>>, vector<16xf32>,
        tpu.vector_store %arg9[%swap3A_614, %swap3A_615, %swap3A_616], %mul3A_612 {strides = array<i32>} : memref<4x16x1024xf32, #tpu.memory_space<vmem>>, vector<16xf32>,
        %get3A_618 = arith.constant 3 : i32
        %get3A_619 = arith.index_cast %get3A_618 : i32 to index
        %get3A_620 = arith.index_cast %scan3A_328 : i32 to index
        %get3A_621 = arith.constant 416 : index
        %get3A_622 = tpu.vector_load %arg9[%get3A_619, %get3A_620, %get3A_621] {strides = array<i32>} : memref<4x16x1024xf32, #tpu.memory_space<vmem>>, vector<16xf32>,
        %mul3A_623 = arith.mulf %get3A_622, %gather3A : vector<16xf32>
        %swap3A_624 = arith.constant 3 : i32
        %swap3A_625 = arith.index_cast %swap3A_624 : i32 to index
        %swap3A_626 = arith.index_cast %scan3A_328 : i32 to index
        %swap3A_627 = arith.constant 416 : index
        %swap3A_628 = tpu.vector_load %arg9[%swap3A_625, %swap3A_626, %swap3A_627] {strides = array<i32>} : memref<4x16x1024xf32, #tpu.memory_space<vmem>>, vector<16xf32>,
        tpu.vector_store %arg9[%swap3A_625, %swap3A_626, %swap3A_627], %mul3A_623 {strides = array<i32>} : memref<4x16x1024xf32, #tpu.memory_space<vmem>>, vector<16xf32>,
        %get3A_629 = arith.constant 3 : i32
        %get3A_630 = arith.index_cast %get3A_629 : i32 to index
        %get3A_631 = arith.index_cast %scan3A_328 : i32 to index
        %get3A_632 = arith.constant 432 : index
        %get3A_633 = tpu.vector_load %arg9[%get3A_630, %get3A_631, %get3A_632] {strides = array<i32>} : memref<4x16x1024xf32, #tpu.memory_space<vmem>>, vector<16xf32>,
        %mul3A_634 = arith.mulf %get3A_633, %gather3A : vector<16xf32>
        %swap3A_635 = arith.constant 3 : i32
        %swap3A_636 = arith.index_cast %swap3A_635 : i32 to index
        %swap3A_637 = arith.index_cast %scan3A_328 : i32 to index
        %swap3A_638 = arith.constant 432 : index
        %swap3A_639 = tpu.vector_load %arg9[%swap3A_636, %swap3A_637, %swap3A_638] {strides = array<i32>} : memref<4x16x1024xf32, #tpu.memory_space<vmem>>, vector<16xf32>,
        tpu.vector_store %arg9[%swap3A_636, %swap3A_637, %swap3A_638], %mul3A_634 {strides = array<i32>} : memref<4x16x1024xf32, #tpu.memory_space<vmem>>, vector<16xf32>,
        %get3A_640 = arith.constant 3 : i32
        %get3A_641 = arith.index_cast %get3A_640 : i32 to index
        %get3A_642 = arith.index_cast %scan3A_328 : i32 to index
        %get3A_643 = arith.constant 448 : index
        %get3A_644 = tpu.vector_load %arg9[%get3A_641, %get3A_642, %get3A_643] {strides = array<i32>} : memref<4x16x1024xf32, #tpu.memory_space<vmem>>, vector<16xf32>,
        %mul3A_645 = arith.mulf %get3A_644, %gather3A : vector<16xf32>
        %swap3A_646 = arith.constant 3 : i32
        %swap3A_647 = arith.index_cast %swap3A_646 : i32 to index
        %swap3A_648 = arith.index_cast %scan3A_328 : i32 to index
        %swap3A_649 = arith.constant 448 : index
        %swap3A_650 = tpu.vector_load %arg9[%swap3A_647, %swap3A_648, %swap3A_649] {strides = array<i32>} : memref<4x16x1024xf32, #tpu.memory_space<vmem>>, vector<16xf32>,
        tpu.vector_store %arg9[%swap3A_647, %swap3A_648, %swap3A_649], %mul3A_645 {strides = array<i32>} : memref<4x16x1024xf32, #tpu.memory_space<vmem>>, vector<16xf32>,
        %get3A_651 = arith.constant 3 : i32
        %get3A_652 = arith.index_cast %get3A_651 : i32 to index
        %get3A_653 = arith.index_cast %scan3A_328 : i32 to index
        %get3A_654 = arith.constant 464 : index
        %get3A_655 = tpu.vector_load %arg9[%get3A_652, %get3A_653, %get3A_654] {strides = array<i32>} : memref<4x16x1024xf32, #tpu.memory_space<vmem>>, vector<16xf32>,
        %mul3A_656 = arith.mulf %get3A_655, %gather3A : vector<16xf32>
        %swap3A_657 = arith.constant 3 : i32
        %swap3A_658 = arith.index_cast %swap3A_657 : i32 to index
        %swap3A_659 = arith.index_cast %scan3A_328 : i32 to index
        %swap3A_660 = arith.constant 464 : index
        %swap3A_661 = tpu.vector_load %arg9[%swap3A_658, %swap3A_659, %swap3A_660] {strides = array<i32>} : memref<4x16x1024xf32, #tpu.memory_space<vmem>>, vector<16xf32>,
        tpu.vector_store %arg9[%swap3A_658, %swap3A_659, %swap3A_660], %mul3A_656 {strides = array<i32>} : memref<4x16x1024xf32, #tpu.memory_space<vmem>>, vector<16xf32>,
        %get3A_662 = arith.constant 3 : i32
        %get3A_663 = arith.index_cast %get3A_662 : i32 to index
        %get3A_664 = arith.index_cast %scan3A_328 : i32 to index
        %get3A_665 = arith.constant 480 : index
        %get3A_666 = tpu.vector_load %arg9[%get3A_663, %get3A_664, %get3A_665] {strides = array<i32>} : memref<4x16x1024xf32, #tpu.memory_space<vmem>>, vector<16xf32>,
        %mul3A_667 = arith.mulf %get3A_666, %gather3A : vector<16xf32>
        %swap3A_668 = arith.constant 3 : i32
        %swap3A_669 = arith.index_cast %swap3A_668 : i32 to index
        %swap3A_670 = arith.index_cast %scan3A_328 : i32 to index
        %swap3A_671 = arith.constant 480 : index
        %swap3A_672 = tpu.vector_load %arg9[%swap3A_669, %swap3A_670, %swap3A_671] {strides = array<i32>} : memref<4x16x1024xf32, #tpu.memory_space<vmem>>, vector<16xf32>,
        tpu.vector_store %arg9[%swap3A_669, %swap3A_670, %swap3A_671], %mul3A_667 {strides = array<i32>} : memref<4x16x1024xf32, #tpu.memory_space<vmem>>, vector<16xf32>,
        %get3A_673 = arith.constant 3 : i32
        %get3A_674 = arith.index_cast %get3A_673 : i32 to index
        %get3A_675 = arith.index_cast %scan3A_328 : i32 to index
        %get3A_676 = arith.constant 496 : index
        %get3A_677 = tpu.vector_load %arg9[%get3A_674, %get3A_675, %get3A_676] {strides = array<i32>} : memref<4x16x1024xf32, #tpu.memory_space<vmem>>, vector<16xf32>,
        %mul3A_678 = arith.mulf %get3A_677, %gather3A : vector<16xf32>
        %swap3A_679 = arith.constant 3 : i32
        %swap3A_680 = arith.index_cast %swap3A_679 : i32 to index
        %swap3A_681 = arith.index_cast %scan3A_328 : i32 to index
        %swap3A_682 = arith.constant 496 : index
        %swap3A_683 = tpu.vector_load %arg9[%swap3A_680, %swap3A_681, %swap3A_682] {strides = array<i32>} : memref<4x16x1024xf32, #tpu.memory_space<vmem>>, vector<16xf32>,
        tpu.vector_store %arg9[%swap3A_680, %swap3A_681, %swap3A_682], %mul3A_678 {strides = array<i32>} : memref<4x16x1024xf32, #tpu.memory_space<vmem>>, vector<16xf32>,
        %get3A_684 = arith.constant 3 : i32
        %get3A_685 = arith.index_cast %get3A_684 : i32 to index
        %get3A_686 = arith.index_cast %scan3A_328 : i32 to index
        %get3A_687 = arith.constant 512 : index
        %get3A_688 = tpu.vector_load %arg9[%get3A_685, %get3A_686, %get3A_687] {strides = array<i32>} : memref<4x16x1024xf32, #tpu.memory_space<vmem>>, vector<16xf32>,
        %mul3A_689 = arith.mulf %get3A_688, %gather3A : vector<16xf32>
        %swap3A_690 = arith.constant 3 : i32
        %swap3A_691 = arith.index_cast %swap3A_690 : i32 to index
        %swap3A_692 = arith.index_cast %scan3A_328 : i32 to index
        %swap3A_693 = arith.constant 512 : index
        %swap3A_694 = tpu.vector_load %arg9[%swap3A_691, %swap3A_692, %swap3A_693] {strides = array<i32>} : memref<4x16x1024xf32, #tpu.memory_space<vmem>>, vector<16xf32>,
        tpu.vector_store %arg9[%swap3A_691, %swap3A_692, %swap3A_693], %mul3A_689 {strides = array<i32>} : memref<4x16x1024xf32, #tpu.memory_space<vmem>>, vector<16xf32>,
        %get3A_695 = arith.constant 3 : i32
        %get3A_696 = arith.index_cast %get3A_695 : i32 to index
        %get3A_697 = arith.index_cast %scan3A_328 : i32 to index
        %get3A_698 = arith.constant 528 : index
        %get3A_699 = tpu.vector_load %arg9[%get3A_696, %get3A_697, %get3A_698] {strides = array<i32>} : memref<4x16x1024xf32, #tpu.memory_space<vmem>>, vector<16xf32>,
        %mul3A_700 = arith.mulf %get3A_699, %gather3A : vector<16xf32>
        %swap3A_701 = arith.constant 3 : i32
        %swap3A_702 = arith.index_cast %swap3A_701 : i32 to index
        %swap3A_703 = arith.index_cast %scan3A_328 : i32 to index
        %swap3A_704 = arith.constant 528 : index
        %swap3A_705 = tpu.vector_load %arg9[%swap3A_702, %swap3A_703, %swap3A_704] {strides = array<i32>} : memref<4x16x1024xf32, #tpu.memory_space<vmem>>, vector<16xf32>,
        tpu.vector_store %arg9[%swap3A_702, %swap3A_703, %swap3A_704], %mul3A_700 {strides = array<i32>} : memref<4x16x1024xf32, #tpu.memory_space<vmem>>, vector<16xf32>,
        %get3A_706 = arith.constant 3 : i32
        %get3A_707 = arith.index_cast %get3A_706 : i32 to index
        %get3A_708 = arith.index_cast %scan3A_328 : i32 to index
        %get3A_709 = arith.constant 544 : index
        %get3A_710 = tpu.vector_load %arg9[%get3A_707, %get3A_708, %get3A_709] {strides = array<i32>} : memref<4x16x1024xf32, #tpu.memory_space<vmem>>, vector<16xf32>,
        %mul3A_711 = arith.mulf %get3A_710, %gather3A : vector<16xf32>
        %swap3A_712 = arith.constant 3 : i32
        %swap3A_713 = arith.index_cast %swap3A_712 : i32 to index
        %swap3A_714 = arith.index_cast %scan3A_328 : i32 to index
        %swap3A_715 = arith.constant 544 : index
        %swap3A_716 = tpu.vector_load %arg9[%swap3A_713, %swap3A_714, %swap3A_715] {strides = array<i32>} : memref<4x16x1024xf32, #tpu.memory_space<vmem>>, vector<16xf32>,
        tpu.vector_store %arg9[%swap3A_713, %swap3A_714, %swap3A_715], %mul3A_711 {strides = array<i32>} : memref<4x16x1024xf32, #tpu.memory_space<vmem>>, vector<16xf32>,
        %get3A_717 = arith.constant 3 : i32
        %get3A_718 = arith.index_cast %get3A_717 : i32 to index
        %get3A_719 = arith.index_cast %scan3A_328 : i32 to index
        %get3A_720 = arith.constant 560 : index
        %get3A_721 = tpu.vector_load %arg9[%get3A_718, %get3A_719, %get3A_720] {strides = array<i32>} : memref<4x16x1024xf32, #tpu.memory_space<vmem>>, vector<16xf32>,
        %mul3A_722 = arith.mulf %get3A_721, %gather3A : vector<16xf32>
        %swap3A_723 = arith.constant 3 : i32
        %swap3A_724 = arith.index_cast %swap3A_723 : i32 to index
        %swap3A_725 = arith.index_cast %scan3A_328 : i32 to index
        %swap3A_726 = arith.constant 560 : index
        %swap3A_727 = tpu.vector_load %arg9[%swap3A_724, %swap3A_725, %swap3A_726] {strides = array<i32>} : memref<4x16x1024xf32, #tpu.memory_space<vmem>>, vector<16xf32>,
        tpu.vector_store %arg9[%swap3A_724, %swap3A_725, %swap3A_726], %mul3A_722 {strides = array<i32>} : memref<4x16x1024xf32, #tpu.memory_space<vmem>>, vector<16xf32>,
        %get3A_728 = arith.constant 3 : i32
        %get3A_729 = arith.index_cast %get3A_728 : i32 to index
        %get3A_730 = arith.index_cast %scan3A_328 : i32 to index
        %get3A_731 = arith.constant 576 : index
        %get3A_732 = tpu.vector_load %arg9[%get3A_729, %get3A_730, %get3A_731] {strides = array<i32>} : memref<4x16x1024xf32, #tpu.memory_space<vmem>>, vector<16xf32>,
        %mul3A_733 = arith.mulf %get3A_732, %gather3A : vector<16xf32>
        %swap3A_734 = arith.constant 3 : i32
        %swap3A_735 = arith.index_cast %swap3A_734 : i32 to index
        %swap3A_736 = arith.index_cast %scan3A_328 : i32 to index
        %swap3A_737 = arith.constant 576 : index
        %swap3A_738 = tpu.vector_load %arg9[%swap3A_735, %swap3A_736, %swap3A_737] {strides = array<i32>} : memref<4x16x1024xf32, #tpu.memory_space<vmem>>, vector<16xf32>,
        tpu.vector_store %arg9[%swap3A_735, %swap3A_736, %swap3A_737], %mul3A_733 {strides = array<i32>} : memref<4x16x1024xf32, #tpu.memory_space<vmem>>, vector<16xf32>,
        %get3A_739 = arith.constant 3 : i32
        %get3A_740 = arith.index_cast %get3A_739 : i32 to index
        %get3A_741 = arith.index_cast %scan3A_328 : i32 to index
        %get3A_742 = arith.constant 592 : index
        %get3A_743 = tpu.vector_load %arg9[%get3A_740, %get3A_741, %get3A_742] {strides = array<i32>} : memref<4x16x1024xf32, #tpu.memory_space<vmem>>, vector<16xf32>,
        %mul3A_744 = arith.mulf %get3A_743, %gather3A : vector<16xf32>
        %swap3A_745 = arith.constant 3 : i32
        %swap3A_746 = arith.index_cast %swap3A_745 : i32 to index
        %swap3A_747 = arith.index_cast %scan3A_328 : i32 to index
        %swap3A_748 = arith.constant 592 : index
        %swap3A_749 = tpu.vector_load %arg9[%swap3A_746, %swap3A_747, %swap3A_748] {strides = array<i32>} : memref<4x16x1024xf32, #tpu.memory_space<vmem>>, vector<16xf32>,
        tpu.vector_store %arg9[%swap3A_746, %swap3A_747, %swap3A_748], %mul3A_744 {strides = array<i32>} : memref<4x16x1024xf32, #tpu.memory_space<vmem>>, vector<16xf32>,
        %get3A_750 = arith.constant 3 : i32
        %get3A_751 = arith.index_cast %get3A_750 : i32 to index
        %get3A_752 = arith.index_cast %scan3A_328 : i32 to index
        %get3A_753 = arith.constant 608 : index
        %get3A_754 = tpu.vector_load %arg9[%get3A_751, %get3A_752, %get3A_753] {strides = array<i32>} : memref<4x16x1024xf32, #tpu.memory_space<vmem>>, vector<16xf32>,
        %mul3A_755 = arith.mulf %get3A_754, %gather3A : vector<16xf32>
        %swap3A_756 = arith.constant 3 : i32
        %swap3A_757 = arith.index_cast %swap3A_756 : i32 to index
        %swap3A_758 = arith.index_cast %scan3A_328 : i32 to index
        %swap3A_759 = arith.constant 608 : index
        %swap3A_760 = tpu.vector_load %arg9[%swap3A_757, %swap3A_758, %swap3A_759] {strides = array<i32>} : memref<4x16x1024xf32, #tpu.memory_space<vmem>>, vector<16xf32>,
        tpu.vector_store %arg9[%swap3A_757, %swap3A_758, %swap3A_759], %mul3A_755 {strides = array<i32>} : memref<4x16x1024xf32, #tpu.memory_space<vmem>>, vector<16xf32>,
        %get3A_761 = arith.constant 3 : i32
        %get3A_762 = arith.index_cast %get3A_761 : i32 to index
        %get3A_763 = arith.index_cast %scan3A_328 : i32 to index
        %get3A_764 = arith.constant 624 : index
        %get3A_765 = tpu.vector_load %arg9[%get3A_762, %get3A_763, %get3A_764] {strides = array<i32>} : memref<4x16x1024xf32, #tpu.memory_space<vmem>>, vector<16xf32>,
        %mul3A_766 = arith.mulf %get3A_765, %gather3A : vector<16xf32>
        %swap3A_767 = arith.constant 3 : i32
        %swap3A_768 = arith.index_cast %swap3A_767 : i32 to index
        %swap3A_769 = arith.index_cast %scan3A_328 : i32 to index
        %swap3A_770 = arith.constant 624 : index
        %swap3A_771 = tpu.vector_load %arg9[%swap3A_768, %swap3A_769, %swap3A_770] {strides = array<i32>} : memref<4x16x1024xf32, #tpu.memory_space<vmem>>, vector<16xf32>,
        tpu.vector_store %arg9[%swap3A_768, %swap3A_769, %swap3A_770], %mul3A_766 {strides = array<i32>} : memref<4x16x1024xf32, #tpu.memory_space<vmem>>, vector<16xf32>,
        %get3A_772 = arith.constant 3 : i32
        %get3A_773 = arith.index_cast %get3A_772 : i32 to index
        %get3A_774 = arith.index_cast %scan3A_328 : i32 to index
        %get3A_775 = arith.constant 640 : index
        %get3A_776 = tpu.vector_load %arg9[%get3A_773, %get3A_774, %get3A_775] {strides = array<i32>} : memref<4x16x1024xf32, #tpu.memory_space<vmem>>, vector<16xf32>,
        %mul3A_777 = arith.mulf %get3A_776, %gather3A : vector<16xf32>
        %swap3A_778 = arith.constant 3 : i32
        %swap3A_779 = arith.index_cast %swap3A_778 : i32 to index
        %swap3A_780 = arith.index_cast %scan3A_328 : i32 to index
        %swap3A_781 = arith.constant 640 : index
        %swap3A_782 = tpu.vector_load %arg9[%swap3A_779, %swap3A_780, %swap3A_781] {strides = array<i32>} : memref<4x16x1024xf32, #tpu.memory_space<vmem>>, vector<16xf32>,
        tpu.vector_store %arg9[%swap3A_779, %swap3A_780, %swap3A_781], %mul3A_777 {strides = array<i32>} : memref<4x16x1024xf32, #tpu.memory_space<vmem>>, vector<16xf32>,
        %get3A_783 = arith.constant 3 : i32
        %get3A_784 = arith.index_cast %get3A_783 : i32 to index
        %get3A_785 = arith.index_cast %scan3A_328 : i32 to index
        %get3A_786 = arith.constant 656 : index
        %get3A_787 = tpu.vector_load %arg9[%get3A_784, %get3A_785, %get3A_786] {strides = array<i32>} : memref<4x16x1024xf32, #tpu.memory_space<vmem>>, vector<16xf32>,
        %mul3A_788 = arith.mulf %get3A_787, %gather3A : vector<16xf32>
        %swap3A_789 = arith.constant 3 : i32
        %swap3A_790 = arith.index_cast %swap3A_789 : i32 to index
        %swap3A_791 = arith.index_cast %scan3A_328 : i32 to index
        %swap3A_792 = arith.constant 656 : index
        %swap3A_793 = tpu.vector_load %arg9[%swap3A_790, %swap3A_791, %swap3A_792] {strides = array<i32>} : memref<4x16x1024xf32, #tpu.memory_space<vmem>>, vector<16xf32>,
        tpu.vector_store %arg9[%swap3A_790, %swap3A_791, %swap3A_792], %mul3A_788 {strides = array<i32>} : memref<4x16x1024xf32, #tpu.memory_space<vmem>>, vector<16xf32>,
        %get3A_794 = arith.constant 3 : i32
        %get3A_795 = arith.index_cast %get3A_794 : i32 to index
        %get3A_796 = arith.index_cast %scan3A_328 : i32 to index
        %get3A_797 = arith.constant 672 : index
        %get3A_798 = tpu.vector_load %arg9[%get3A_795, %get3A_796, %get3A_797] {strides = array<i32>} : memref<4x16x1024xf32, #tpu.memory_space<vmem>>, vector<16xf32>,
        %mul3A_799 = arith.mulf %get3A_798, %gather3A : vector<16xf32>
        %swap3A_800 = arith.constant 3 : i32
        %swap3A_801 = arith.index_cast %swap3A_800 : i32 to index
        %swap3A_802 = arith.index_cast %scan3A_328 : i32 to index
        %swap3A_803 = arith.constant 672 : index
        %swap3A_804 = tpu.vector_load %arg9[%swap3A_801, %swap3A_802, %swap3A_803] {strides = array<i32>} : memref<4x16x1024xf32, #tpu.memory_space<vmem>>, vector<16xf32>,
        tpu.vector_store %arg9[%swap3A_801, %swap3A_802, %swap3A_803], %mul3A_799 {strides = array<i32>} : memref<4x16x1024xf32, #tpu.memory_space<vmem>>, vector<16xf32>,
        %get3A_805 = arith.constant 3 : i32
        %get3A_806 = arith.index_cast %get3A_805 : i32 to index
        %get3A_807 = arith.index_cast %scan3A_328 : i32 to index
        %get3A_808 = arith.constant 688 : index
        %get3A_809 = tpu.vector_load %arg9[%get3A_806, %get3A_807, %get3A_808] {strides = array<i32>} : memref<4x16x1024xf32, #tpu.memory_space<vmem>>, vector<16xf32>,
        %mul3A_810 = arith.mulf %get3A_809, %gather3A : vector<16xf32>
        %swap3A_811 = arith.constant 3 : i32
        %swap3A_812 = arith.index_cast %swap3A_811 : i32 to index
        %swap3A_813 = arith.index_cast %scan3A_328 : i32 to index
        %swap3A_814 = arith.constant 688 : index
        %swap3A_815 = tpu.vector_load %arg9[%swap3A_812, %swap3A_813, %swap3A_814] {strides = array<i32>} : memref<4x16x1024xf32, #tpu.memory_space<vmem>>, vector<16xf32>,
        tpu.vector_store %arg9[%swap3A_812, %swap3A_813, %swap3A_814], %mul3A_810 {strides = array<i32>} : memref<4x16x1024xf32, #tpu.memory_space<vmem>>, vector<16xf32>,
        %get3A_816 = arith.constant 3 : i32
        %get3A_817 = arith.index_cast %get3A_816 : i32 to index
        %get3A_818 = arith.index_cast %scan3A_328 : i32 to index
        %get3A_819 = arith.constant 704 : index
        %get3A_820 = tpu.vector_load %arg9[%get3A_817, %get3A_818, %get3A_819] {strides = array<i32>} : memref<4x16x1024xf32, #tpu.memory_space<vmem>>, vector<16xf32>,
        %mul3A_821 = arith.mulf %get3A_820, %gather3A : vector<16xf32>
        %swap3A_822 = arith.constant 3 : i32
        %swap3A_823 = arith.index_cast %swap3A_822 : i32 to index
        %swap3A_824 = arith.index_cast %scan3A_328 : i32 to index
        %swap3A_825 = arith.constant 704 : index
        %swap3A_826 = tpu.vector_load %arg9[%swap3A_823, %swap3A_824, %swap3A_825] {strides = array<i32>} : memref<4x16x1024xf32, #tpu.memory_space<vmem>>, vector<16xf32>,
        tpu.vector_store %arg9[%swap3A_823, %swap3A_824, %swap3A_825], %mul3A_821 {strides = array<i32>} : memref<4x16x1024xf32, #tpu.memory_space<vmem>>, vector<16xf32>,
        %get3A_827 = arith.constant 3 : i32
        %get3A_828 = arith.index_cast %get3A_827 : i32 to index
        %get3A_829 = arith.index_cast %scan3A_328 : i32 to index
        %get3A_830 = arith.constant 720 : index
        %get3A_831 = tpu.vector_load %arg9[%get3A_828, %get3A_829, %get3A_830] {strides = array<i32>} : memref<4x16x1024xf32, #tpu.memory_space<vmem>>, vector<16xf32>,
        %mul3A_832 = arith.mulf %get3A_831, %gather3A : vector<16xf32>
        %swap3A_833 = arith.constant 3 : i32
        %swap3A_834 = arith.index_cast %swap3A_833 : i32 to index
        %swap3A_835 = arith.index_cast %scan3A_328 : i32 to index
        %swap3A_836 = arith.constant 720 : index
        %swap3A_837 = tpu.vector_load %arg9[%swap3A_834, %swap3A_835, %swap3A_836] {strides = array<i32>} : memref<4x16x1024xf32, #tpu.memory_space<vmem>>, vector<16xf32>,
        tpu.vector_store %arg9[%swap3A_834, %swap3A_835, %swap3A_836], %mul3A_832 {strides = array<i32>} : memref<4x16x1024xf32, #tpu.memory_space<vmem>>, vector<16xf32>,
        %get3A_838 = arith.constant 3 : i32
        %get3A_839 = arith.index_cast %get3A_838 : i32 to index
        %get3A_840 = arith.index_cast %scan3A_328 : i32 to index
        %get3A_841 = arith.constant 736 : index
        %get3A_842 = tpu.vector_load %arg9[%get3A_839, %get3A_840, %get3A_841] {strides = array<i32>} : memref<4x16x1024xf32, #tpu.memory_space<vmem>>, vector<16xf32>,
        %mul3A_843 = arith.mulf %get3A_842, %gather3A : vector<16xf32>
        %swap3A_844 = arith.constant 3 : i32
        %swap3A_845 = arith.index_cast %swap3A_844 : i32 to index
        %swap3A_846 = arith.index_cast %scan3A_328 : i32 to index
        %swap3A_847 = arith.constant 736 : index
        %swap3A_848 = tpu.vector_load %arg9[%swap3A_845, %swap3A_846, %swap3A_847] {strides = array<i32>} : memref<4x16x1024xf32, #tpu.memory_space<vmem>>, vector<16xf32>,
        tpu.vector_store %arg9[%swap3A_845, %swap3A_846, %swap3A_847], %mul3A_843 {strides = array<i32>} : memref<4x16x1024xf32, #tpu.memory_space<vmem>>, vector<16xf32>,
        %get3A_849 = arith.constant 3 : i32
        %get3A_850 = arith.index_cast %get3A_849 : i32 to index
        %get3A_851 = arith.index_cast %scan3A_328 : i32 to index
        %get3A_852 = arith.constant 752 : index
        %get3A_853 = tpu.vector_load %arg9[%get3A_850, %get3A_851, %get3A_852] {strides = array<i32>} : memref<4x16x1024xf32, #tpu.memory_space<vmem>>, vector<16xf32>,
        %mul3A_854 = arith.mulf %get3A_853, %gather3A : vector<16xf32>
        %swap3A_855 = arith.constant 3 : i32
        %swap3A_856 = arith.index_cast %swap3A_855 : i32 to index
        %swap3A_857 = arith.index_cast %scan3A_328 : i32 to index
        %swap3A_858 = arith.constant 752 : index
        %swap3A_859 = tpu.vector_load %arg9[%swap3A_856, %swap3A_857, %swap3A_858] {strides = array<i32>} : memref<4x16x1024xf32, #tpu.memory_space<vmem>>, vector<16xf32>,
        tpu.vector_store %arg9[%swap3A_856, %swap3A_857, %swap3A_858], %mul3A_854 {strides = array<i32>} : memref<4x16x1024xf32, #tpu.memory_space<vmem>>, vector<16xf32>,
        %get3A_860 = arith.constant 3 : i32
        %get3A_861 = arith.index_cast %get3A_860 : i32 to index
        %get3A_862 = arith.index_cast %scan3A_328 : i32 to index
        %get3A_863 = arith.constant 768 : index
        %get3A_864 = tpu.vector_load %arg9[%get3A_861, %get3A_862, %get3A_863] {strides = array<i32>} : memref<4x16x1024xf32, #tpu.memory_space<vmem>>, vector<16xf32>,
        %mul3A_865 = arith.mulf %get3A_864, %gather3A : vector<16xf32>
        %swap3A_866 = arith.constant 3 : i32
        %swap3A_867 = arith.index_cast %swap3A_866 : i32 to index
        %swap3A_868 = arith.index_cast %scan3A_328 : i32 to index
        %swap3A_869 = arith.constant 768 : index
        %swap3A_870 = tpu.vector_load %arg9[%swap3A_867, %swap3A_868, %swap3A_869] {strides = array<i32>} : memref<4x16x1024xf32, #tpu.memory_space<vmem>>, vector<16xf32>,
        tpu.vector_store %arg9[%swap3A_867, %swap3A_868, %swap3A_869], %mul3A_865 {strides = array<i32>} : memref<4x16x1024xf32, #tpu.memory_space<vmem>>, vector<16xf32>,
        %get3A_871 = arith.constant 3 : i32
        %get3A_872 = arith.index_cast %get3A_871 : i32 to index
        %get3A_873 = arith.index_cast %scan3A_328 : i32 to index
        %get3A_874 = arith.constant 784 : index
        %get3A_875 = tpu.vector_load %arg9[%get3A_872, %get3A_873, %get3A_874] {strides = array<i32>} : memref<4x16x1024xf32, #tpu.memory_space<vmem>>, vector<16xf32>,
        %mul3A_876 = arith.mulf %get3A_875, %gather3A : vector<16xf32>
        %swap3A_877 = arith.constant 3 : i32
        %swap3A_878 = arith.index_cast %swap3A_877 : i32 to index
        %swap3A_879 = arith.index_cast %scan3A_328 : i32 to index
        %swap3A_880 = arith.constant 784 : index
        %swap3A_881 = tpu.vector_load %arg9[%swap3A_878, %swap3A_879, %swap3A_880] {strides = array<i32>} : memref<4x16x1024xf32, #tpu.memory_space<vmem>>, vector<16xf32>,
        tpu.vector_store %arg9[%swap3A_878, %swap3A_879, %swap3A_880], %mul3A_876 {strides = array<i32>} : memref<4x16x1024xf32, #tpu.memory_space<vmem>>, vector<16xf32>,
        %get3A_882 = arith.constant 3 : i32
        %get3A_883 = arith.index_cast %get3A_882 : i32 to index
        %get3A_884 = arith.index_cast %scan3A_328 : i32 to index
        %get3A_885 = arith.constant 800 : index
        %get3A_886 = tpu.vector_load %arg9[%get3A_883, %get3A_884, %get3A_885] {strides = array<i32>} : memref<4x16x1024xf32, #tpu.memory_space<vmem>>, vector<16xf32>,
        %mul3A_887 = arith.mulf %get3A_886, %gather3A : vector<16xf32>
        %swap3A_888 = arith.constant 3 : i32
        %swap3A_889 = arith.index_cast %swap3A_888 : i32 to index
        %swap3A_890 = arith.index_cast %scan3A_328 : i32 to index
        %swap3A_891 = arith.constant 800 : index
        %swap3A_892 = tpu.vector_load %arg9[%swap3A_889, %swap3A_890, %swap3A_891] {strides = array<i32>} : memref<4x16x1024xf32, #tpu.memory_space<vmem>>, vector<16xf32>,
        tpu.vector_store %arg9[%swap3A_889, %swap3A_890, %swap3A_891], %mul3A_887 {strides = array<i32>} : memref<4x16x1024xf32, #tpu.memory_space<vmem>>, vector<16xf32>,
        %get3A_893 = arith.constant 3 : i32
        %get3A_894 = arith.index_cast %get3A_893 : i32 to index
        %get3A_895 = arith.index_cast %scan3A_328 : i32 to index
        %get3A_896 = arith.constant 816 : index
        %get3A_897 = tpu.vector_load %arg9[%get3A_894, %get3A_895, %get3A_896] {strides = array<i32>} : memref<4x16x1024xf32, #tpu.memory_space<vmem>>, vector<16xf32>,
        %mul3A_898 = arith.mulf %get3A_897, %gather3A : vector<16xf32>
        %swap3A_899 = arith.constant 3 : i32
        %swap3A_900 = arith.index_cast %swap3A_899 : i32 to index
        %swap3A_901 = arith.index_cast %scan3A_328 : i32 to index
        %swap3A_902 = arith.constant 816 : index
        %swap3A_903 = tpu.vector_load %arg9[%swap3A_900, %swap3A_901, %swap3A_902] {strides = array<i32>} : memref<4x16x1024xf32, #tpu.memory_space<vmem>>, vector<16xf32>,
        tpu.vector_store %arg9[%swap3A_900, %swap3A_901, %swap3A_902], %mul3A_898 {strides = array<i32>} : memref<4x16x1024xf32, #tpu.memory_space<vmem>>, vector<16xf32>,
        %get3A_904 = arith.constant 3 : i32
        %get3A_905 = arith.index_cast %get3A_904 : i32 to index
        %get3A_906 = arith.index_cast %scan3A_328 : i32 to index
        %get3A_907 = arith.constant 832 : index
        %get3A_908 = tpu.vector_load %arg9[%get3A_905, %get3A_906, %get3A_907] {strides = array<i32>} : memref<4x16x1024xf32, #tpu.memory_space<vmem>>, vector<16xf32>,
        %mul3A_909 = arith.mulf %get3A_908, %gather3A : vector<16xf32>
        %swap3A_910 = arith.constant 3 : i32
        %swap3A_911 = arith.index_cast %swap3A_910 : i32 to index
        %swap3A_912 = arith.index_cast %scan3A_328 : i32 to index
        %swap3A_913 = arith.constant 832 : index
        %swap3A_914 = tpu.vector_load %arg9[%swap3A_911, %swap3A_912, %swap3A_913] {strides = array<i32>} : memref<4x16x1024xf32, #tpu.memory_space<vmem>>, vector<16xf32>,
        tpu.vector_store %arg9[%swap3A_911, %swap3A_912, %swap3A_913], %mul3A_909 {strides = array<i32>} : memref<4x16x1024xf32, #tpu.memory_space<vmem>>, vector<16xf32>,
        %get3A_915 = arith.constant 3 : i32
        %get3A_916 = arith.index_cast %get3A_915 : i32 to index
        %get3A_917 = arith.index_cast %scan3A_328 : i32 to index
        %get3A_918 = arith.constant 848 : index
        %get3A_919 = tpu.vector_load %arg9[%get3A_916, %get3A_917, %get3A_918] {strides = array<i32>} : memref<4x16x1024xf32, #tpu.memory_space<vmem>>, vector<16xf32>,
        %mul3A_920 = arith.mulf %get3A_919, %gather3A : vector<16xf32>
        %swap3A_921 = arith.constant 3 : i32
        %swap3A_922 = arith.index_cast %swap3A_921 : i32 to index
        %swap3A_923 = arith.index_cast %scan3A_328 : i32 to index
        %swap3A_924 = arith.constant 848 : index
        %swap3A_925 = tpu.vector_load %arg9[%swap3A_922, %swap3A_923, %swap3A_924] {strides = array<i32>} : memref<4x16x1024xf32, #tpu.memory_space<vmem>>, vector<16xf32>,
        tpu.vector_store %arg9[%swap3A_922, %swap3A_923, %swap3A_924], %mul3A_920 {strides = array<i32>} : memref<4x16x1024xf32, #tpu.memory_space<vmem>>, vector<16xf32>,
        %get3A_926 = arith.constant 3 : i32
        %get3A_927 = arith.index_cast %get3A_926 : i32 to index
        %get3A_928 = arith.index_cast %scan3A_328 : i32 to index
        %get3A_929 = arith.constant 864 : index
        %get3A_930 = tpu.vector_load %arg9[%get3A_927, %get3A_928, %get3A_929] {strides = array<i32>} : memref<4x16x1024xf32, #tpu.memory_space<vmem>>, vector<16xf32>,
        %mul3A_931 = arith.mulf %get3A_930, %gather3A : vector<16xf32>
        %swap3A_932 = arith.constant 3 : i32
        %swap3A_933 = arith.index_cast %swap3A_932 : i32 to index
        %swap3A_934 = arith.index_cast %scan3A_328 : i32 to index
        %swap3A_935 = arith.constant 864 : index
        %swap3A_936 = tpu.vector_load %arg9[%swap3A_933, %swap3A_934, %swap3A_935] {strides = array<i32>} : memref<4x16x1024xf32, #tpu.memory_space<vmem>>, vector<16xf32>,
        tpu.vector_store %arg9[%swap3A_933, %swap3A_934, %swap3A_935], %mul3A_931 {strides = array<i32>} : memref<4x16x1024xf32, #tpu.memory_space<vmem>>, vector<16xf32>,
        %get3A_937 = arith.constant 3 : i32
        %get3A_938 = arith.index_cast %get3A_937 : i32 to index
        %get3A_939 = arith.index_cast %scan3A_328 : i32 to index
        %get3A_940 = arith.constant 880 : index
        %get3A_941 = tpu.vector_load %arg9[%get3A_938, %get3A_939, %get3A_940] {strides = array<i32>} : memref<4x16x1024xf32, #tpu.memory_space<vmem>>, vector<16xf32>,
        %mul3A_942 = arith.mulf %get3A_941, %gather3A : vector<16xf32>
        %swap3A_943 = arith.constant 3 : i32
        %swap3A_944 = arith.index_cast %swap3A_943 : i32 to index
        %swap3A_945 = arith.index_cast %scan3A_328 : i32 to index
        %swap3A_946 = arith.constant 880 : index
        %swap3A_947 = tpu.vector_load %arg9[%swap3A_944, %swap3A_945, %swap3A_946] {strides = array<i32>} : memref<4x16x1024xf32, #tpu.memory_space<vmem>>, vector<16xf32>,
        tpu.vector_store %arg9[%swap3A_944, %swap3A_945, %swap3A_946], %mul3A_942 {strides = array<i32>} : memref<4x16x1024xf32, #tpu.memory_space<vmem>>, vector<16xf32>,
        %get3A_948 = arith.constant 3 : i32
        %get3A_949 = arith.index_cast %get3A_948 : i32 to index
        %get3A_950 = arith.index_cast %scan3A_328 : i32 to index
        %get3A_951 = arith.constant 896 : index
        %get3A_952 = tpu.vector_load %arg9[%get3A_949, %get3A_950, %get3A_951] {strides = array<i32>} : memref<4x16x1024xf32, #tpu.memory_space<vmem>>, vector<16xf32>,
        %mul3A_953 = arith.mulf %get3A_952, %gather3A : vector<16xf32>
        %swap3A_954 = arith.constant 3 : i32
        %swap3A_955 = arith.index_cast %swap3A_954 : i32 to index
        %swap3A_956 = arith.index_cast %scan3A_328 : i32 to index
        %swap3A_957 = arith.constant 896 : index
        %swap3A_958 = tpu.vector_load %arg9[%swap3A_955, %swap3A_956, %swap3A_957] {strides = array<i32>} : memref<4x16x1024xf32, #tpu.memory_space<vmem>>, vector<16xf32>,
        tpu.vector_store %arg9[%swap3A_955, %swap3A_956, %swap3A_957], %mul3A_953 {strides = array<i32>} : memref<4x16x1024xf32, #tpu.memory_space<vmem>>, vector<16xf32>,
        %get3A_959 = arith.constant 3 : i32
        %get3A_960 = arith.index_cast %get3A_959 : i32 to index
        %get3A_961 = arith.index_cast %scan3A_328 : i32 to index
        %get3A_962 = arith.constant 912 : index
        %get3A_963 = tpu.vector_load %arg9[%get3A_960, %get3A_961, %get3A_962] {strides = array<i32>} : memref<4x16x1024xf32, #tpu.memory_space<vmem>>, vector<16xf32>,
        %mul3A_964 = arith.mulf %get3A_963, %gather3A : vector<16xf32>
        %swap3A_965 = arith.constant 3 : i32
        %swap3A_966 = arith.index_cast %swap3A_965 : i32 to index
        %swap3A_967 = arith.index_cast %scan3A_328 : i32 to index
        %swap3A_968 = arith.constant 912 : index
        %swap3A_969 = tpu.vector_load %arg9[%swap3A_966, %swap3A_967, %swap3A_968] {strides = array<i32>} : memref<4x16x1024xf32, #tpu.memory_space<vmem>>, vector<16xf32>,
        tpu.vector_store %arg9[%swap3A_966, %swap3A_967, %swap3A_968], %mul3A_964 {strides = array<i32>} : memref<4x16x1024xf32, #tpu.memory_space<vmem>>, vector<16xf32>,
        %get3A_970 = arith.constant 3 : i32
        %get3A_971 = arith.index_cast %get3A_970 : i32 to index
        %get3A_972 = arith.index_cast %scan3A_328 : i32 to index
        %get3A_973 = arith.constant 928 : index
        %get3A_974 = tpu.vector_load %arg9[%get3A_971, %get3A_972, %get3A_973] {strides = array<i32>} : memref<4x16x1024xf32, #tpu.memory_space<vmem>>, vector<16xf32>,
        %mul3A_975 = arith.mulf %get3A_974, %gather3A : vector<16xf32>
        %swap3A_976 = arith.constant 3 : i32
        %swap3A_977 = arith.index_cast %swap3A_976 : i32 to index
        %swap3A_978 = arith.index_cast %scan3A_328 : i32 to index
        %swap3A_979 = arith.constant 928 : index
        %swap3A_980 = tpu.vector_load %arg9[%swap3A_977, %swap3A_978, %swap3A_979] {strides = array<i32>} : memref<4x16x1024xf32, #tpu.memory_space<vmem>>, vector<16xf32>,
        tpu.vector_store %arg9[%swap3A_977, %swap3A_978, %swap3A_979], %mul3A_975 {strides = array<i32>} : memref<4x16x1024xf32, #tpu.memory_space<vmem>>, vector<16xf32>,
        %get3A_981 = arith.constant 3 : i32
        %get3A_982 = arith.index_cast %get3A_981 : i32 to index
        %get3A_983 = arith.index_cast %scan3A_328 : i32 to index
        %get3A_984 = arith.constant 944 : index
        %get3A_985 = tpu.vector_load %arg9[%get3A_982, %get3A_983, %get3A_984] {strides = array<i32>} : memref<4x16x1024xf32, #tpu.memory_space<vmem>>, vector<16xf32>,
        %mul3A_986 = arith.mulf %get3A_985, %gather3A : vector<16xf32>
        %swap3A_987 = arith.constant 3 : i32
        %swap3A_988 = arith.index_cast %swap3A_987 : i32 to index
        %swap3A_989 = arith.index_cast %scan3A_328 : i32 to index
        %swap3A_990 = arith.constant 944 : index
        %swap3A_991 = tpu.vector_load %arg9[%swap3A_988, %swap3A_989, %swap3A_990] {strides = array<i32>} : memref<4x16x1024xf32, #tpu.memory_space<vmem>>, vector<16xf32>,
        tpu.vector_store %arg9[%swap3A_988, %swap3A_989, %swap3A_990], %mul3A_986 {strides = array<i32>} : memref<4x16x1024xf32, #tpu.memory_space<vmem>>, vector<16xf32>,
        %get3A_992 = arith.constant 3 : i32
        %get3A_993 = arith.index_cast %get3A_992 : i32 to index
        %get3A_994 = arith.index_cast %scan3A_328 : i32 to index
        %get3A_995 = arith.constant 960 : index
        %get3A_996 = tpu.vector_load %arg9[%get3A_993, %get3A_994, %get3A_995] {strides = array<i32>} : memref<4x16x1024xf32, #tpu.memory_space<vmem>>, vector<16xf32>,
        %mul3A_997 = arith.mulf %get3A_996, %gather3A : vector<16xf32>
        %swap3A_998 = arith.constant 3 : i32
        %swap3A_999 = arith.index_cast %swap3A_998 : i32 to index
        %swap3A_1000 = arith.index_cast %scan3A_328 : i32 to index
        %swap3A_1001 = arith.constant 960 : index
        %swap3A_1002 = tpu.vector_load %arg9[%swap3A_999, %swap3A_1000, %swap3A_1001] {strides = array<i32>} : memref<4x16x1024xf32, #tpu.memory_space<vmem>>, vector<16xf32>,
        tpu.vector_store %arg9[%swap3A_999, %swap3A_1000, %swap3A_1001], %mul3A_997 {strides = array<i32>} : memref<4x16x1024xf32, #tpu.memory_space<vmem>>, vector<16xf32>,
        %get3A_1003 = arith.constant 3 : i32
        %get3A_1004 = arith.index_cast %get3A_1003 : i32 to index
        %get3A_1005 = arith.index_cast %scan3A_328 : i32 to index
        %get3A_1006 = arith.constant 976 : index
        %get3A_1007 = tpu.vector_load %arg9[%get3A_1004, %get3A_1005, %get3A_1006] {strides = array<i32>} : memref<4x16x1024xf32, #tpu.memory_space<vmem>>, vector<16xf32>,
        %mul3A_1008 = arith.mulf %get3A_1007, %gather3A : vector<16xf32>
        %swap3A_1009 = arith.constant 3 : i32
        %swap3A_1010 = arith.index_cast %swap3A_1009 : i32 to index
        %swap3A_1011 = arith.index_cast %scan3A_328 : i32 to index
        %swap3A_1012 = arith.constant 976 : index
        %swap3A_1013 = tpu.vector_load %arg9[%swap3A_1010, %swap3A_1011, %swap3A_1012] {strides = array<i32>} : memref<4x16x1024xf32, #tpu.memory_space<vmem>>, vector<16xf32>,
        tpu.vector_store %arg9[%swap3A_1010, %swap3A_1011, %swap3A_1012], %mul3A_1008 {strides = array<i32>} : memref<4x16x1024xf32, #tpu.memory_space<vmem>>, vector<16xf32>,
        %get3A_1014 = arith.constant 3 : i32
        %get3A_1015 = arith.index_cast %get3A_1014 : i32 to index
        %get3A_1016 = arith.index_cast %scan3A_328 : i32 to index
        %get3A_1017 = arith.constant 992 : index
        %get3A_1018 = tpu.vector_load %arg9[%get3A_1015, %get3A_1016, %get3A_1017] {strides = array<i32>} : memref<4x16x1024xf32, #tpu.memory_space<vmem>>, vector<16xf32>,
        %mul3A_1019 = arith.mulf %get3A_1018, %gather3A : vector<16xf32>
        %swap3A_1020 = arith.constant 3 : i32
        %swap3A_1021 = arith.index_cast %swap3A_1020 : i32 to index
        %swap3A_1022 = arith.index_cast %scan3A_328 : i32 to index
        %swap3A_1023 = arith.constant 992 : index
        %swap3A_1024 = tpu.vector_load %arg9[%swap3A_1021, %swap3A_1022, %swap3A_1023] {strides = array<i32>} : memref<4x16x1024xf32, #tpu.memory_space<vmem>>, vector<16xf32>,
        tpu.vector_store %arg9[%swap3A_1021, %swap3A_1022, %swap3A_1023], %mul3A_1019 {strides = array<i32>} : memref<4x16x1024xf32, #tpu.memory_space<vmem>>, vector<16xf32>,
        %get3A_1025 = arith.constant 3 : i32
        %get3A_1026 = arith.index_cast %get3A_1025 : i32 to index
        %get3A_1027 = arith.index_cast %scan3A_328 : i32 to index
        %get3A_1028 = arith.constant 1008 : index
        %get3A_1029 = tpu.vector_load %arg9[%get3A_1026, %get3A_1027, %get3A_1028] {strides = array<i32>} : memref<4x16x1024xf32, #tpu.memory_space<vmem>>, vector<16xf32>,
        %mul3A_1030 = arith.mulf %get3A_1029, %gather3A : vector<16xf32>
        %swap3A_1031 = arith.constant 3 : i32
        %swap3A_1032 = arith.index_cast %swap3A_1031 : i32 to index
        %swap3A_1033 = arith.index_cast %scan3A_328 : i32 to index
        %swap3A_1034 = arith.constant 1008 : index
        %swap3A_1035 = tpu.vector_load %arg9[%swap3A_1032, %swap3A_1033, %swap3A_1034] {strides = array<i32>} : memref<4x16x1024xf32, #tpu.memory_space<vmem>>, vector<16xf32>,
        tpu.vector_store %arg9[%swap3A_1032, %swap3A_1033, %swap3A_1034], %mul3A_1030 {strides = array<i32>} : memref<4x16x1024xf32, #tpu.memory_space<vmem>>, vector<16xf32>,
        %scan3A_1036 = arith.constant 0 : i32
        scf.yield %scan3A_1036 : i32
      }
      %scan3A_298 = arith.constant 16 : i32
      %mul3A_299 = arith.constant 16 : i32
      %mul3A_300 = arith.muli %add3A_280, %mul3A_299 : i32
      %add3A_301 = arith.addi %mul3A_34, %mul3A_300 : i32
      %dma_start3A_302 = arith.constant 3 : i32
      %dma_start3A_303 = arith.constant 0 : i32
      %dma_start3A_304 = arith.constant 0 : i32
      %dma_start3A_305 = tpu.memref_slice %arg9[%dma_start3A_302, %dma_start3A_303, %dma_start3A_304] : memref<4x16x1024xf32, #tpu.memory_space<vmem>> -> memref<1x16x1024xf32, #tpu.memory_space<vmem>>
      %dma_start3A_306 = tpu.memref_squeeze %dma_start3A_305 : memref<1x16x1024xf32, #tpu.memory_space<vmem>> -> memref<16x1024xf32, #tpu.memory_space<vmem>>
      %dma_start3A_307 = arith.constant 0 : i32
      %dma_start3A_308 = tpu.memref_slice %arg4[%add3A_301, %dma_start3A_307] : memref<32768x1024xf32, #tpu.memory_space<hbm>> -> memref<16x1024xf32, #tpu.memory_space<hbm>>
      %dma_start3A_309 = arith.constant 0 : i32
      %dma_start3A_310 = tpu.memref_slice %arg4[%add3A_301, %dma_start3A_309] : memref<32768x1024xf32, #tpu.memory_space<hbm>> -> memref<16x1024xf32, #tpu.memory_space<hbm>>
      %dma_start3A_311 = arith.constant 0 : i32
      %dma_start3A_312 = arith.constant 0 : i32
      %dma_start3A_313 = tpu.memref_slice %arg9[%dma_start3A_302, %dma_start3A_311, %dma_start3A_312] : memref<4x16x1024xf32, #tpu.memory_space<vmem>> -> memref<1x16x1024xf32, #tpu.memory_space<vmem>>
      %dma_start3A_314 = tpu.memref_squeeze %dma_start3A_313 : memref<1x16x1024xf32, #tpu.memory_space<vmem>> -> memref<16x1024xf32, #tpu.memory_space<vmem>>
      tpu.enqueue_dma source(%dma_start3A_314 : memref<16x1024xf32, #tpu.memory_space<vmem>>) target(%dma_start3A_310 : memref<16x1024xf32, #tpu.memory_space<hbm>>) target_semaphore(%arg17 : memref<!tpu.dma_semaphore, #tpu.memory_space<semaphore_mem>>)
      %add3A_315 = arith.constant 3 : i32
      %add3A_316 = arith.addi %add3A_280, %add3A_315 : i32
      %ge3A_317 = arith.constant 4 : i32
      %ge3A_318 = arith.cmpi sge, %add3A_316, %ge3A_317 : i32
      %convert_element_type3A_319 = arith.extui %ge3A_318 : i1 to i32
      %cond3A_320 = arith.constant 0 : i32
      %cond3A_321 = arith.cmpi ne, %convert_element_type3A_319, %cond3A_320 : i32
      scf.if %cond3A_321 {
        %sub3A_328 = arith.constant 4 : i32
        %sub3A_329 = arith.subi %add3A_316, %sub3A_328 : i32
        %mul3A_330 = arith.constant 16 : i32
        %mul3A_331 = arith.muli %sub3A_329, %mul3A_330 : i32
        %add3A_332 = arith.addi %mul3A_34, %mul3A_331 : i32
        %dma_wait3A_333 = arith.constant 2 : i32
        %dma_wait3A_334 = arith.constant 0 : i32
        %dma_wait3A_335 = arith.constant 0 : i32
        %dma_wait3A_336 = tpu.memref_slice %arg9[%dma_wait3A_333, %dma_wait3A_334, %dma_wait3A_335] : memref<4x16x1024xf32, #tpu.memory_space<vmem>> -> memref<1x16x1024xf32, #tpu.memory_space<vmem>>
        %dma_wait3A_337 = tpu.memref_squeeze %dma_wait3A_336 : memref<1x16x1024xf32, #tpu.memory_space<vmem>> -> memref<16x1024xf32, #tpu.memory_space<vmem>>
        %dma_wait3A_338 = arith.constant 0 : i32
        %dma_wait3A_339 = tpu.memref_slice %arg4[%add3A_332, %dma_wait3A_338] : memref<32768x1024xf32, #tpu.memory_space<hbm>> -> memref<16x1024xf32, #tpu.memory_space<hbm>>
        %dma_wait3A_340 = arith.constant 0 : i32
        %dma_wait3A_341 = tpu.memref_slice %arg4[%add3A_332, %dma_wait3A_340] : memref<32768x1024xf32, #tpu.memory_space<hbm>> -> memref<16x1024xf32, #tpu.memory_space<hbm>>
        %dma_wait3A_342 = arith.constant 0 : i32
        %dma_wait3A_343 = arith.constant 0 : i32
        %dma_wait3A_344 = tpu.memref_slice %arg9[%dma_wait3A_333, %dma_wait3A_342, %dma_wait3A_343] : memref<4x16x1024xf32, #tpu.memory_space<vmem>> -> memref<1x16x1024xf32, #tpu.memory_space<vmem>>
        %dma_wait3A_345 = tpu.memref_squeeze %dma_wait3A_344 : memref<1x16x1024xf32, #tpu.memory_space<vmem>> -> memref<16x1024xf32, #tpu.memory_space<vmem>>
        tpu.wait_dma2 semaphore(%arg16 : memref<!tpu.dma_semaphore, #tpu.memory_space<semaphore_mem>>) src(%dma_wait3A_345 : memref<16x1024xf32, #tpu.memory_space<vmem>>) dst(%dma_wait3A_341 : memref<16x1024xf32, #tpu.memory_space<hbm>>)
      } else {
      }
      %lt3A_322 = arith.constant 64 : i32
      %lt3A_323 = arith.cmpi slt, %add3A_316, %lt3A_322 : i32
      %convert_element_type3A_324 = arith.extui %lt3A_323 : i1 to i32
      %cond3A_325 = arith.constant 0 : i32
      %cond3A_326 = arith.cmpi ne, %convert_element_type3A_324, %cond3A_325 : i32
      scf.if %cond3A_326 {
        %dma_start3A_328 = arith.constant 2 : i32
        %dma_start3A_329 = arith.constant 0 : i32
        %dma_start3A_330 = arith.constant 0 : i32
        %dma_start3A_331 = tpu.memref_slice %arg9[%dma_start3A_328, %dma_start3A_329, %dma_start3A_330] : memref<4x16x1024xf32, #tpu.memory_space<vmem>> -> memref<1x16x1024xf32, #tpu.memory_space<vmem>>
        %dma_start3A_332 = tpu.memref_squeeze %dma_start3A_331 : memref<1x16x1024xf32, #tpu.memory_space<vmem>> -> memref<16x1024xf32, #tpu.memory_space<vmem>>
        %dma_start3A_333 = arith.constant 0 : i32
        %dma_start3A_334 = tpu.memref_slice %arg7[%add3A_316, %dma_start3A_333] : memref<64x16xi32, #tpu.memory_space<vmem>> -> memref<1x16xi32, #tpu.memory_space<vmem>>
        %dma_start3A_335 = tpu.memref_squeeze %dma_start3A_334 : memref<1x16xi32, #tpu.memory_space<vmem>> -> memref<16xi32, #tpu.memory_space<vmem>>
        %dma_start3A_336 = arith.constant 0 : i32
        %dma_start3A_337 = arith.constant 0 : i32
        %dma_start3A_338 = tpu.memref_slice %arg2[%dma_start3A_336, %dma_start3A_337] : memref<16384x1024xf32, #tpu.memory_space<hbm>> -> memref<16384x1024xf32, #tpu.memory_space<hbm>>
        tpu.enqueue_indirect_dma source(%dma_start3A_338 : memref<16384x1024xf32, #tpu.memory_space<hbm>>) target(%dma_start3A_332 : memref<16x1024xf32, #tpu.memory_space<vmem>>) offsets(%dma_start3A_335 : memref<16xi32, #tpu.memory_space<vmem>>) semaphore(%arg12 : memref<!tpu.dma_semaphore, #tpu.memory_space<semaphore_mem>>)
      } else {
      }
      %scan3A_327 = arith.constant 0 : i32
      scf.yield %scan3A_327 : i32
    }
    %scan3A_113 = arith.constant 16 : i32
    %add3A_114 = arith.constant 1008 : i32
    %add3A_115 = arith.addi %mul3A_34, %add3A_114 : i32
    %dma_wait3A = arith.constant 3 : i32
    %dma_wait3A_116 = arith.constant 0 : i32
    %dma_wait3A_117 = arith.constant 0 : i32
    %dma_wait3A_118 = tpu.memref_slice %arg9[%dma_wait3A, %dma_wait3A_116, %dma_wait3A_117] : memref<4x16x1024xf32, #tpu.memory_space<vmem>> -> memref<1x16x1024xf32, #tpu.memory_space<vmem>>
    %dma_wait3A_119 = tpu.memref_squeeze %dma_wait3A_118 : memref<1x16x1024xf32, #tpu.memory_space<vmem>> -> memref<16x1024xf32, #tpu.memory_space<vmem>>
    %dma_wait3A_120 = arith.constant 0 : i32
    %dma_wait3A_121 = tpu.memref_slice %arg4[%add3A_115, %dma_wait3A_120] : memref<32768x1024xf32, #tpu.memory_space<hbm>> -> memref<16x1024xf32, #tpu.memory_space<hbm>>
    %dma_wait3A_122 = arith.constant 0 : i32
    %dma_wait3A_123 = tpu.memref_slice %arg4[%add3A_115, %dma_wait3A_122] : memref<32768x1024xf32, #tpu.memory_space<hbm>> -> memref<16x1024xf32, #tpu.memory_space<hbm>>
    %dma_wait3A_124 = arith.constant 0 : i32
    %dma_wait3A_125 = arith.constant 0 : i32
    %dma_wait3A_126 = tpu.memref_slice %arg9[%dma_wait3A, %dma_wait3A_124, %dma_wait3A_125] : memref<4x16x1024xf32, #tpu.memory_space<vmem>> -> memref<1x16x1024xf32, #tpu.memory_space<vmem>>
    %dma_wait3A_127 = tpu.memref_squeeze %dma_wait3A_126 : memref<1x16x1024xf32, #tpu.memory_space<vmem>> -> memref<16x1024xf32, #tpu.memory_space<vmem>>
    tpu.wait_dma2 semaphore(%arg17 : memref<!tpu.dma_semaphore, #tpu.memory_space<semaphore_mem>>) src(%dma_wait3A_127 : memref<16x1024xf32, #tpu.memory_space<vmem>>) dst(%dma_wait3A_123 : memref<16x1024xf32, #tpu.memory_space<hbm>>)
    return
  }
}

</mosaic_0001>

<sc_bundles>
// kernel: kernel.3.cloned.1.call-start
scs
__scs_entry_jumppad:
0x0: {  	(pc) =	sbr.rel $0x88, $3  }
0x1: {  	(tag) =	ssettag $0x0;
	lr =	simm.s32 $0x1  }
0x2: {  	[smem:$0x3F9F] =	sst lr;
	_ =	strace $0xD0000000  }
0x3: {  	_ = 	snop  }
0x4: {  	_ = 	snop  }
0x5: {  	_ = 	snop  }
0x6: {  	_ = 	snop  }
0x7: {  	_ = 	snop  }
__scs_overlays_trampoline_lowered:
0x8: {  	[smem:$0x3FAE] =	sst s0  }
0x9: {  	[smem:$0x3FAF] =	sst s1  }
0xa: {  	[smem:$0x3FB0] =	sst s2  }
0xb: {  	[smem:$0x3FB1] =	sst s3  }
0xc: {  	[smem:$0x3FB2] =	sst s4  }
0xd: {  	[smem:$0x3FB3] =	sst s5  }
0xe: {  	[smem:$0x3FB4] =	sst s6  }
0xf: {  	[smem:$0x3FB5] =	sst s7  }
0x10: {  	[smem:$0x3FB6] =	sst s8  }
0x11: {  	[smem:$0x3FB7] =	sst s9;
	s0 =	simm.s32 @!p0 $0x0  }
0x12: {  	s1 =	sld [smem:$0x3F9D];
	s0 =	simm.s32 @p0 $0x1  }
0x13: {  	[smem:$0x3FB8] =	sst s0;
	s0 =	simm.s32 @!p1 $0x0  }
0x14: {  	s2 =	sld [smem:$0x3F9C];
	s0 =	simm.s32 @p1 $0x1  }
0x15: {  	[smem:$0x3FB9] =	sst s0;
	s0 =	simm.s32 @!p2 $0x0  }
0x16: {  	s3 =	sld [smem:$0x3FDB];
	s0 =	simm.s32 @p2 $0x1  }
0x17: {  	s4 =	simm.s32 $0x1BF5;
	[smem:$0x3FBB] =	sst s0  }
0x18: {  	s0 =	sld [smem:$0x3F9E];
	_ =	swait.ge [sflag:s4], $0x0  }
0x19: {  	s7 =	sld [smem:$0x3F9F]  }
0x1a: {  	s8 =	sadd.s32 $0xFFFFE003, lr  }
0x1b: {  	s9 =	sadd.s32 $0xFFFFFEF7, lr;
	s5 =	simm.s32 $0xFFFFFFFF;
	p2 =	slt.u32 s8, $0xFFFFF086  }
0x1c: {  	p1 =	slt.u32 s9, $0xF7A;
	s5 =	simm.s32 @!p2 $0x0  }
0x1d: {  	s5 =	simm.s32 @p1 $0x1;
	p0 =	seq.s32 s7, s2  }
0x1e: {  	s7 =	smul.u32 @!p0 $0xF7A, s2;
	p2 =	seq.s32 @!p0 s5, $0x0  }
0x1f: {  	s9 =	smul.u32 $0xF7A, s1;
	s8 =	simm.s32 @!p0 $0x1BF5;
	p2 =	por !p2, p0  }
0x20: {  	[sflag:s8] =	ssyncset.s32 @!p0 $0xFFFFF086;
	s6 =	sadd.s32 @!p0 s3, s7;
	s7 =	simm.s32 @!p0 $0x108  }
0x21: {  	s3 =	sadd.s32 s3, s9;
	s6 =	sadd.s32 @!p0 $0x88, s6;
	s7 =	simm.s32 @p2 $0x1082  }
0x22: {  	[simem:s7], [sflag:s8] =	dma.local @!p0 [hbm:s6], $0xF7A  }
0x23: {  	s9 =	sor.u32 $0xD0000000, s2;
	s6 =	simm.s32 $0x108;
	_ =	swait.ge @!p0 [sflag:s8], $0x0  }
0x24: {  	s3 =	sadd.s32 $0x88, s3;
	s6 =	simm.s32 @!p1 $0x1082;
	[sflag:s4] =	ssyncset.s32 $0xFFFFF086  }
0x25: {  	[simem:s6], [sflag:s4] =	dma.local [hbm:s3], $0xF7A  }
0x26: {  	[smem:$0x3F9F] =	sst s1;
	(tag) =	ssettag s2;
	_ =	strace s9  }
0x27: {  	s1 =	sld [smem:$0x3FAF]  }
0x28: {  	s2 =	sld [smem:$0x3FB0]  }
0x29: {  	s4 =	sld [smem:$0x3FB2]  }
0x2a: {  	p0 =	seq.s32 s5, $0x0;
	s5 =	sld [smem:$0x3FB3]  }
0x2b: {  	s6 =	sld [smem:$0x3FB4]  }
0x2c: {  	s7 =	sld [smem:$0x3FB5]  }
0x2d: {  	s3 =	simm.s32 $0x108;
	s8 =	sld [smem:$0x3FB6]  }
0x2e: {  	s3 =	simm.s32 @!p0 $0x1082;
	s9 =	sld [smem:$0x3FB7]  }
0x2f: {  	lr =	sadd.s32 s0, s3;
	s0 =	sld [smem:$0x3FAE]  }
0x30: {  	s3 =	sld [smem:$0x3FB1]  }
0x31: {  	[smem:$0x3FBA] =	sst s10  }
0x32: {  	s10 =	sld [smem:$0x3FB8];
	_ =	sdelay $0x3  }
0x33: {  	p0 =	seq.s32 s10, $0x1;
	s10 =	sld [smem:$0x3FBA];
	_ =	sdelay $0x3  }
0x34: {  	[smem:$0x3FBA] =	sst s10  }
0x35: {  	s10 =	sld [smem:$0x3FB9];
	_ =	sdelay $0x3  }
0x36: {  	p1 =	seq.s32 s10, $0x1;
	s10 =	sld [smem:$0x3FBA];
	_ =	sdelay $0x3  }
0x37: {  	[smem:$0x3FBA] =	sst s10  }
0x38: {  	s10 =	sld [smem:$0x3FBB]  }
0x39: {  	_ = 	snop;
	(pc) =	sbr.ind lr, $3  }
0x3a: {  	_ = 	snop  }
0x3b: {  	_ = 	snop  }
0x3c: {  	p2 =	seq.s32 s10, $0x1;
	s10 =	sld [smem:$0x3FBA]  }
0x3d: {  	_ =	shalt  }
0x3e: {  	_ =	shalt  }
0x3f: {  	_ =	shalt  }
0x40: {  	_ =	shalt  }
0x41: {  	_ =	shalt  }
0x42: {  	_ =	shalt  }
0x43: {  	_ =	shalt  }
0x44: {  	_ =	shalt  }
0x45: {  	_ =	shalt  }
0x46: {  	_ =	shalt  }
0x47: {  	_ =	shalt  }
0x48: {  	_ =	shalt  }
0x49: {  	_ =	shalt  }
0x4a: {  	_ =	shalt  }
0x4b: {  	_ =	shalt  }
0x4c: {  	_ =	shalt  }
0x4d: {  	_ =	shalt  }
0x4e: {  	_ =	shalt  }
0x4f: {  	_ =	shalt  }
0x50: {  	_ =	shalt  }
0x51: {  	_ =	shalt  }
0x52: {  	_ =	shalt  }
0x53: {  	_ =	shalt  }
0x54: {  	_ =	shalt  }
0x55: {  	_ =	shalt  }
0x56: {  	_ =	shalt  }
0x57: {  	_ =	shalt  }
0x58: {  	_ =	shalt  }
0x59: {  	_ =	shalt  }
0x5a: {  	_ =	shalt  }
0x5b: {  	_ =	shalt  }
0x5c: {  	_ =	shalt  }
0x5d: {  	_ =	shalt  }
0x5e: {  	_ =	shalt  }
0x5f: {  	_ =	shalt  }
0x60: {  	_ =	shalt  }
0x61: {  	_ =	shalt  }
0x62: {  	_ =	shalt  }
0x63: {  	_ =	shalt  }
0x64: {  	_ =	shalt  }
0x65: {  	_ =	shalt  }
0x66: {  	_ =	shalt  }
0x67: {  	_ =	shalt  }
0x68: {  	_ =	shalt  }
0x69: {  	_ =	shalt  }
0x6a: {  	_ =	shalt  }
0x6b: {  	_ =	shalt  }
0x6c: {  	_ =	shalt  }
0x6d: {  	_ =	shalt  }
0x6e: {  	_ =	shalt  }
0x6f: {  	_ =	shalt  }
0x70: {  	_ =	shalt  }
0x71: {  	_ =	shalt  }
0x72: {  	_ =	shalt  }
0x73: {  	_ =	shalt  }
0x74: {  	_ =	shalt  }
0x75: {  	_ =	shalt  }
0x76: {  	_ =	shalt  }
0x77: {  	_ =	shalt  }
0x78: {  	_ =	shalt  }
0x79: {  	_ =	shalt  }
0x7a: {  	_ =	shalt  }
0x7b: {  	_ =	shalt  }
0x7c: {  	_ =	shalt  }
0x7d: {  	_ =	shalt  }
0x7e: {  	_ =	shalt  }
0x7f: {  	_ =	shalt  }
0x80: {  	_ =	shalt  }
0x81: {  	_ =	shalt  }
0x82: {  	_ =	shalt  }
0x83: {  	_ =	shalt  }
0x84: {  	_ =	shalt  }
0x85: {  	_ =	shalt  }
0x86: {  	_ =	shalt  }
0x87: {  	_ =	shalt  }
.Lfunc_end0:
.L_simem_size_0:
called_computation_lowered:
.L_overlay_start_0:
0x88: {  	s2 =	sld [smem:$0x3FD9]  }
0x89: {  	s3 =	sld [smem:$0x3FFE];
	_ =	sdelay $0x1  }
0x8a: {  	s1 =	srdreg.scid  }
0x8b: {  	s0 =	sand.u32 $0x1, s1  }
0x8c: {  	s18 =	sshll.u32 s0, $0xA;
	s2 =	sadd.s32 s3, s2  }
0x8d: {  	s2 =	sadd.s32 s2, s18  }
0x8e: {  	[smem:$0x3FC6] =	sst s2  }
0x8f: {  	_ = 	snop  }
0x90: {  	s2 =	sld [smem:$0x3FC9]  }
0x91: {  	s19 =	sld [smem:$0x3FC8]  }
0x92: {  	s4 =	sld [smem:$0x3FD0];
	(tm) =	ssettm $0x1  }
0x93: {  	s5 =	sld [smem:$0x3FFB];
	_ =	sdelay $0x3  }
0x94: {  	_ =	strace s5  }
0x95: {  	s5 =	sld [smem:$0x3FFC];
	_ =	sdelay $0x3  }
0x96: {  	_ =	strace s5  }
0x97: {  	s5 =	sld [smem:$0x3FFD];
	_ =	sdelay $0x3  }
0x98: {  	_ =	strace s5  }
0x99: {  	_ =	strace $0x8FFFFFFF  }
0x9a: {  	s20 =	sld [smem:$0x3FDB];
	_ =	sdelay $0x1  }
0x9b: {  	s6 =	simm.s32 $_scs_section_size  }
0x9c: {  	s7 =	simm.s32 $_size__tile_overlayer_lowered;
	s8 =	simm.s32 $_tile_overlayer_lowered  }
0x9d: {  	s23 =	simm.s32 $0x1BFF;
	s22 =	sshll.u32 s8, $0x1;
	s5 =	sadd.s32 s6, s20  }
0x9e: {  	s9 =	simm.s32 $0x0;
	s21 =	sshll.u32 s7, $0x1;
	s7 =	sadd.s32 s22, s5  }
0x9f: {  	[timem:s9], [sflag:s23] =	dma.local [hbm:s7], s21  }
0xa0: {  	_ =	swait.ge [sflag:s23], s21  }
0xa1: {  	s6 =	ssub.s32 $0x0, s21;
	[sflag:s23] =	ssyncset.done $0x0  }
0xa2: {  	[sflag:s23] =	ssyncadd.s32 s6;
	_ =	sdelay $0x1  }
0xa3: {  	s24 =	simm.s32 $0x1B8B  }
0xa4: {  	_ =	swait.ge [sflag:s24], $0x1  }
0xa5: {  	[sflag:s24] =	ssyncset.done $0x0  }
0xa6: {  	s25 =	simm.s32 $0x1B8E;
	[sflag:s24] =	ssyncadd.s32 $0xFFFFFFFF  }
0xa7: {  	s26 =	simm.s32 $execute0_lowered;
	[smem:$0x3FD2] =	sst s25  }
0xa8: {  	s6 =	sshll.u32 s26, $0x1;
	_ =	strace $0x80000046;
	[dreg:$0x1] =	wrdreg $0xFFFFFFFF  }
0xa9: {  	s28 =	simm.s32 $_size_execute0_lowered;
	s5 =	sadd.s32 s5, s6;
	[dreg:$0x0] =	wrdreg $0x0  }
0xaa: {  	s6 =	sshll.u32 s28, $0x1;
	[dreg:$0x2] =	wrdreg s5  }
0xab: {  	[dreg:$0x3] =	wrdreg s6  }
0xac: {  	[dreg:$0x4] =	wrdreg $0xC0  }
0xad: {  	_ =	task [dreg:s9], $0x5FFFF  }
0xae: {  	[dreg:$0x1] =	wrdreg $0xFFFFFFFF  }
0xaf: {  	[dreg:$0x0] =	wrdreg $0x60  }
0xb0: {  	[dreg:$0x2] =	wrdreg s2  }
0xb1: {  	[dreg:$0x3] =	wrdreg s19  }
0xb2: {  	[dreg:$0x4] =	wrdreg s4  }
0xb3: {  	[dreg:$0x5] =	wrdreg $0x9  }
0xb4: {  	_ =	task.clear_ibuf [dreg:s9], $0x6FFFF;
	_ =	strace $0x90000046  }
0xb5: {  	s29 =	simm.s32 $0x9;
	_ =	strace $0x80000048  }
0xb6: {  	_ =	swait.ge [sflag:s29], $0x1  }
0xb7: {  	[sflag:s29] =	ssyncadd.s32 $0xFFFFFFFF  }
0xb8: {  	_ =	strace $0x90000048  }
0xb9: {  	_ =	sfence  }
0xba: {  	s30 =	sld [smem:$0x0];
	_ =	sdelay $0x2  }
0xbb: {  	s31 =	sshll.u32 s1, $0xD;
	s1 =	sshrl.u32 s1, $0x2  }
0xbc: {  	s3 =	sand.u32 $0x4000, s31;
	s1 =	sadd.s32 s1, s30  }
0xbd: {  	s0 =	sor.u32 s3, s0;
	s1 =	sshll.u32 s1, $0x11  }
0xbe: {  	s0 =	sor.u32 s1, s0  }
0xbf: {  	s0 =	sadd.s32 $0x8F2B, s0  }
0xc0: {  	[sflag:s0] =	ssyncadd.remote.s32 $0x1  }
0xc1: {  	_ =	sfence.sel $0xFFFF  }
0xc2: {  	[dreg:$0x0] =	wrdreg $0xFFFFFFFF;
	(pc) =	sbr.abs _section_cstart, $3  }
0xc3: {  	[dreg:$0x1] =	wrdreg $0xFFFFFFFF  }
0xc4: {  	_ =	task.clear_ibuf [dreg:s9], $0x2FFFF;
	_ =	strace $0x9FFFFFFF  }
0xc5: {  	(tm) =	ssettm $0x7FFFFFFF  }
tec
execute0_lowered:
.L_overlay_start_1:
0x0: {  	(tag) =	ssettag $0x1  }
0x1: {  	s1 =	rddreg [dreg:$0x0]  }
0x2: {  	s0 =	rddreg [dreg:$0x1];
	s2 =	srdreg.scid  }
0x3: {  	s4 =	rddreg [dreg:$0x2];
	s3 =	simm.s32 $0x0;
	s10 =	stileid.u32  }
0x4: {  	s30 =	simm.s32 $0xD400;
	s18 =	simm.s32 $0x2000;
	s19 =	simm.s32 $0x1  }
0x5: {  	s20 =	simm.s32 $0x5000;
	s21 =	simm.s32 $0x11400;
	s13 =	simm.s32 $0x3  }
0x6: {  	s15 =	simm.s32 $0x0;
	s2 =	sand.u32 $0x1, s2;
	[smem:$0x7FF] =	sst s3  }
0x7: {  	s25 =	sshrl.u32 s10, $0x2;
	s7 =	sshll.u32 s10, $0x12;
	s29 =	sshll.u32 s10, $0xB  }
0x8: {  	s5 =	ssub.s32 $0x2, s2;
	_ =	strace $0x80000047;
	s26 =	sshll.u32 s25, $0x4  }
0x9: {  	s8 =	sshll.u32 s2, $0x11;
	s11 =	sshll.u32 s25, $0xC;
	s2 =	sshll.u32 s2, $0xA  }
0xa: {  	s6 =	sshrl.u32 s5, $0x1;
	s0 =	sadd.s32 s0, s26;
	s28 =	sor.u32 s8, s7  }
.Ltmp0:
0xb: {  	s7 =	sadd.s32 $0x300, s1;
	s10 =	sor.u32 s2, s29;
	(pc) =	sbr.rel .LBB2_1-.Ltmp0, $4  }
0xc: {  	v0 =	vmov s11;
	s2 =	simm.s32 $0x4;
	s11 =	simm.s32 $0x7;
	s9 =	ssub.s32 s5, s6  }
0xd: {  	v3 =	vlaneseq.u32;
	vm0 =	vmmov $0xffff;
	[dreg:$0x4] =	wrdreg s0;
	s5 =	sadd.s32 $0x100, s1;
	s6 =	sadd.s32 $0x200, s1  }
0xe: {  	v4 =	vimm.f32 $0.0e+00;
	v5 =	vimm.f32 $1.000000000e+00;
	v2 =	vshrl.u32 v3, $0x3;
	s8 =	sadd.s32 s4, s28;
	s4 =	simm.s32 $0x2;
	s31 =	smax.u32 s9, $0x1  }
0xf: {  	v1 =	vand.u32 $0x7, v3;
	v3 =	vor.u32 $0x8, v3;
	v2 =	vmul.u32 $0x8, v2;
	s0 =	simm.s32 $0x6;
	s9 =	simm.s32 $0x5;
	[dreg:$0x5] =	wrdreg s31  }
.LBB2_22:
0x10: {  	s14 =	simm.s32 $0x8  }
0x11: {  	_ =	swait.ge [sflag:s14], $0x4000  }
0x12: {  	s15 =	rddreg [dreg:$0x6]  }
0x13: {  	s12 =	rddreg [dreg:$0x5];
	s15 =	sadd.s32 $0x1, s15  }
0x14: {  	p0 =	sne.s32 s15, s12  }
.Ltmp1:
0x15: {  	_ = 	snop;
	(pc) =	sbr.rel @!p0 .LBB2_23-.Ltmp1, $3  }
0x16: {  	_ =	sdelay $0x1  }
0x17: {  	[sflag:s14] =	ssyncset.done $0x0  }
0x18: {  	[sflag:s14] =	ssyncadd.s32 $0xFFFFC000  }
.LBB2_1:
0x19: {  	[dreg:$0x6] =	wrdreg s15  }
0x1a: {  	s12 =	rddreg [dreg:$0x4]  }
0x1b: {  	s14 =	simm.s32 $0x80;
	s26 =	simm.s32 $0x200;
	s16 =	simm.s32 $0x9  }
0x1c: {  	[tilespmem:s3], [sflag:$0x9] =	stream.strided.gather [hbm4b:s12+s14], $0x2000, s26, s14, $0x38;
	[tilespmem:$0x15400] =	vst v63  }
0x1d: {  	s28 =	sadd.s32 $0x0, s10;
	_ =	swait.ge [sflag:s16], $0x2000  }
0x1e: {  	s31 =	sand.u32 $0x70, s3;
	s29 =	sand.u32 $0x1F80, s28;
	[sflag:s16] =	ssyncset.done $0x0  }
0x1f: {  	s15 =	sor.u32 s31, s29;
	[sflag:s16] =	ssyncadd.s32 $0xFFFFE000  }
0x20: {  	v6 =	vld [tilespmem:s15+$0x0];
	_ =	sdelay $0x2  }
0x21: {  	s12 =	simm.s32 $0x3000  }
0x22: {  	s14 =	simm.s32 $0x10;
	s16 =	sadd.s32 $0x10, s10;
	s15 =	simm.s32 $0x20  }
.LBB2_2:
0x23: {  	p0 =	sne.s32 s15, $0x3F0;
	s16 =	sand.u32 $0x1F80, s16;
	s14 =	sand.u32 $0x70, s14;
	v6 =	vadd.s32 v0, v6  }
0x24: {  	s16 =	sor.u32 s14, s16;
	[tilespmem:s12+$0x0] =	vst v6;
	s14 =	smov.u32 s15  }
.Ltmp2:
0x25: {  	v6 =	vld [tilespmem:s16+$0x0];
	(pc) =	sbr.rel @p0 .LBB2_2-.Ltmp2, $2  }
0x26: {  	_ =	sdelay $0x2  }
0x27: {  	s15 =	sadd.s32 $0x10, s15;
	s12 =	sadd.s32 $0x80, s12;
	s16 =	sadd.s32 s14, s10  }
0x28: {  	s15 =	sand.u32 $0x1F80, s16;
	s14 =	sand.u32 $0x70, s14;
	v6 =	vadd.s32 v0, v6  }
0x29: {  	s14 =	sor.u32 s14, s15;
	[tilespmem:s12+$0x0] =	vst v6  }
0x2a: {  	v6 =	vld [tilespmem:s14+$0x0];
	_ =	sdelay $0x4  }
0x2b: {  	s14 =	sadd.s32 $0x80, s12;
	v6 =	vadd.s32 v0, v6  }
0x2c: {  	[tilespmem:s14+$0x0] =	vst v6  }
0x2d: {  	v6 =	vld [tilespmem:$0x3000];
	_ =	sdelay $0x4  }
0x2e: {  	v7 =	vshll.u32 v6, $0x3  }
0x2f: {  	v6 =	vand.u32 $0x7, v6;
	v7 =	vand.u32 $0xFFFFFFC0, v7  }
0x30: {  	v6 =	vor.u32 v6, v7  }
0x31: {  	v7 =	vperm.xlane v6, v1;
	_ =	sdelay $0x1  }
0x32: {  	v7 =	vadd.s32 v2, v7;
	_ =	sdelay $0x3  }
0x33: {  	s15 =	simm.s32 $0x5400;
	s12 =	simm.s32 $0x0  }
0x34: {  	[tilespmem:s15], [sflag:$0x1] =	stream.indirect_vreg.gather [hbm4b:s1+s12], $0x80, v7, vm0, $0xb8;
	[tilespmem:$0x15400] =	vst v63  }
0x35: {  	s16 =	simm.s32 $0x5C00;
	v6 =	vperm.xlane v6, v3  }
0x36: {  	[tilespmem:s16], [sflag:$0x1] =	stream.indirect_vreg.gather [hbm4b:s5+s12], $0x80, v7, vm0, $0xb8;
	[tilespmem:$0x15400] =	vst v63  }
0x37: {  	s17 =	simm.s32 $0x6400;
	v6 =	vadd.s32 v2, v6  }
0x38: {  	[tilespmem:s17], [sflag:$0x1] =	stream.indirect_vreg.gather [hbm4b:s6+s12], $0x80, v7, vm0, $0xb8;
	[tilespmem:$0x15400] =	vst v63  }
0x39: {  	s22 =	simm.s32 $0x6C00  }
0x3a: {  	[tilespmem:s22], [sflag:$0x1] =	stream.indirect_vreg.gather [hbm4b:s7+s12], $0x80, v7, vm0, $0xb8;
	[tilespmem:$0x15400] =	vst v63  }
0x3b: {  	s23 =	simm.s32 $0x7400  }
0x3c: {  	[tilespmem:s23], [sflag:$0x1] =	stream.indirect_vreg.gather [hbm4b:s1+s12], $0x80, v6, vm0, $0xb8;
	[tilespmem:$0x15400] =	vst v63  }
0x3d: {  	s24 =	simm.s32 $0x7C00  }
0x3e: {  	[tilespmem:s24], [sflag:$0x1] =	stream.indirect_vreg.gather [hbm4b:s5+s12], $0x80, v6, vm0, $0xb8;
	[tilespmem:$0x15400] =	vst v63  }
0x3f: {  	s25 =	simm.s32 $0x8400  }
0x40: {  	[tilespmem:s25], [sflag:$0x1] =	stream.indirect_vreg.gather [hbm4b:s6+s12], $0x80, v6, vm0, $0xb8;
	[tilespmem:$0x15400] =	vst v63  }
0x41: {  	s26 =	simm.s32 $0x8C00  }
0x42: {  	[tilespmem:s26], [sflag:$0x1] =	stream.indirect_vreg.gather [hbm4b:s7+s12], $0x80, v6, vm0, $0xb8;
	[tilespmem:$0x15400] =	vst v63  }
0x43: {  	v6 =	vld [tilespmem:$0x3080];
	_ =	sdelay $0x4  }
0x44: {  	v7 =	vshll.u32 v6, $0x3  }
0x45: {  	v6 =	vand.u32 $0x7, v6;
	v7 =	vand.u32 $0xFFFFFFC0, v7  }
0x46: {  	v6 =	vor.u32 v6, v7  }
0x47: {  	v7 =	vperm.xlane v6, v1;
	_ =	sdelay $0x1  }
0x48: {  	v7 =	vadd.s32 v2, v7;
	_ =	sdelay $0x3  }
0x49: {  	s28 =	simm.s32 $0x9400  }
0x4a: {  	[tilespmem:s28], [sflag:$0x2] =	stream.indirect_vreg.gather [hbm4b:s1+s12], $0x80, v7, vm0, $0xb8;
	[tilespmem:$0x15400] =	vst v63  }
0x4b: {  	s29 =	simm.s32 $0x9C00;
	v6 =	vperm.xlane v6, v3  }
0x4c: {  	[tilespmem:s29], [sflag:$0x2] =	stream.indirect_vreg.gather [hbm4b:s5+s12], $0x80, v7, vm0, $0xb8;
	[tilespmem:$0x15400] =	vst v63  }
0x4d: {  	s31 =	simm.s32 $0xA400;
	v6 =	vadd.s32 v2, v6  }
0x4e: {  	[tilespmem:s31], [sflag:$0x2] =	stream.indirect_vreg.gather [hbm4b:s6+s12], $0x80, v7, vm0, $0xb8;
	[tilespmem:$0x15400] =	vst v63  }
0x4f: {  	s15 =	simm.s32 $0xAC00  }
0x50: {  	[tilespmem:s15], [sflag:$0x2] =	stream.indirect_vreg.gather [hbm4b:s7+s12], $0x80, v7, vm0, $0xb8;
	[tilespmem:$0x15400] =	vst v63  }
0x51: {  	s16 =	simm.s32 $0xB400  }
0x52: {  	[tilespmem:s16], [sflag:$0x2] =	stream.indirect_vreg.gather [hbm4b:s1+s12], $0x80, v6, vm0, $0xb8;
	[tilespmem:$0x15400] =	vst v63  }
0x53: {  	s17 =	simm.s32 $0xBC00  }
0x54: {  	[tilespmem:s17], [sflag:$0x2] =	stream.indirect_vreg.gather [hbm4b:s5+s12], $0x80, v6, vm0, $0xb8;
	[tilespmem:$0x15400] =	vst v63  }
0x55: {  	s22 =	simm.s32 $0xC400  }
0x56: {  	[tilespmem:s22], [sflag:$0x2] =	stream.indirect_vreg.gather [hbm4b:s6+s12], $0x80, v6, vm0, $0xb8;
	[tilespmem:$0x15400] =	vst v63  }
0x57: {  	s23 =	simm.s32 $0xCC00  }
0x58: {  	[tilespmem:s23], [sflag:$0x2] =	stream.indirect_vreg.gather [hbm4b:s7+s12], $0x80, v6, vm0, $0xb8;
	[tilespmem:$0x15400] =	vst v63  }
0x59: {  	v6 =	vld [tilespmem:$0x3100];
	_ =	sdelay $0x4  }
0x5a: {  	v7 =	vshll.u32 v6, $0x3  }
0x5b: {  	v6 =	vand.u32 $0x7, v6;
	v7 =	vand.u32 $0xFFFFFFC0, v7  }
0x5c: {  	v6 =	vor.u32 v6, v7  }
0x5d: {  	v7 =	vperm.xlane v6, v1;
	_ =	sdelay $0x1  }
0x5e: {  	v7 =	vadd.s32 v2, v7;
	_ =	sdelay $0x4  }
0x5f: {  	[tilespmem:s30], [sflag:$0x3] =	stream.indirect_vreg.gather [hbm4b:s1+s12], $0x80, v7, vm0, $0xb8;
	[tilespmem:$0x15400] =	vst v63  }
0x60: {  	s24 =	simm.s32 $0xDC00;
	v6 =	vperm.xlane v6, v3  }
0x61: {  	[tilespmem:s24], [sflag:$0x3] =	stream.indirect_vreg.gather [hbm4b:s5+s12], $0x80, v7, vm0, $0xb8;
	[tilespmem:$0x15400] =	vst v63  }
0x62: {  	s25 =	simm.s32 $0xE400;
	v6 =	vadd.s32 v2, v6  }
0x63: {  	[tilespmem:s25], [sflag:$0x3] =	stream.indirect_vreg.gather [hbm4b:s6+s12], $0x80, v7, vm0, $0xb8;
	[tilespmem:$0x15400] =	vst v63  }
0x64: {  	s26 =	simm.s32 $0xEC00  }
0x65: {  	[tilespmem:s26], [sflag:$0x3] =	stream.indirect_vreg.gather [hbm4b:s7+s12], $0x80, v7, vm0, $0xb8;
	[tilespmem:$0x15400] =	vst v63  }
0x66: {  	s28 =	simm.s32 $0xF400  }
0x67: {  	[tilespmem:s28], [sflag:$0x3] =	stream.indirect_vreg.gather [hbm4b:s1+s12], $0x80, v6, vm0, $0xb8;
	[tilespmem:$0x15400] =	vst v63  }
0x68: {  	s29 =	simm.s32 $0xFC00  }
0x69: {  	[tilespmem:s29], [sflag:$0x3] =	stream.indirect_vreg.gather [hbm4b:s5+s12], $0x80, v6, vm0, $0xb8;
	[tilespmem:$0x15400] =	vst v63  }
0x6a: {  	s30 =	simm.s32 $0x10400  }
0x6b: {  	[tilespmem:s30], [sflag:$0x3] =	stream.indirect_vreg.gather [hbm4b:s6+s12], $0x80, v6, vm0, $0xb8;
	[tilespmem:$0x15400] =	vst v63  }
0x6c: {  	s31 =	simm.s32 $0x10C00  }
0x6d: {  	[tilespmem:s31], [sflag:$0x3] =	stream.indirect_vreg.gather [hbm4b:s7+s12], $0x80, v6, vm0, $0xb8;
	[tilespmem:$0x15400] =	vst v63  }
0x6e: {  	s14 =	simm.s32 $0x0;
	s12 =	simm.s32 $0x40  }
.LBB2_4:
0x6f: {  	p0 =	sne.s32 s12, $0x3FC0;
	[tilespmem:s14+$0x2000] =	vst v4;
	s14 =	smov.u32 s12;
	s12 =	sadd.s32 $0x40, s12  }
.Ltmp3:
0x70: {  	(pc) =	sbr.rel @p0 .LBB2_4-.Ltmp3, $2  }
0x71: {  	_ =	sdelay $0x2  }
0x72: {  	s14 =	sshra.s32 s14, $0x2  }
0x73: {  	[tilespmem:s14+$0x2000] =	vst v4;
	s14 =	simm.s32 $0x0;
	s12 =	simm.s32 $0x40  }
.LBB2_6:
0x74: {  	p0 =	sne.s32 s12, $0x7FC0;
	v6 =	vld [tilespmem:s14+$0x0];
	_ =	sdelay $0x3  }
.Ltmp4:
0x75: {  	(pc) =	sbr.rel @p0 .LBB2_6-.Ltmp4, $2  }
0x76: {  	_ =	sdelay $0x2  }
0x77: {  	s14 =	sshra.s32 s12, $0x2;
	s12 =	sadd.s32 $0x40, s12;
	[tilespmem:v6+s18+$0x0] =	vst.idx.add.f32.msk $0xffff, v5  }
0x78: {  	v6 =	vld [tilespmem:s14+$0x0];
	_ =	sdelay $0x7  }
0x79: {  	s12 =	simm.s32 $0x0;
	s14 =	simm.s32 $0x0;
	s15 =	simm.s32 $0x40;
	[tilespmem:v6+s18+$0x0] =	vst.idx.add.f32.msk $0xffff, v5  }
.LBB2_8:
0x7a: {  	p0 =	sne.s32 s15, $0x3FC0;
	v6 =	vld [tilespmem:s14+$0x2000];
	_ =	sdelay $0x4  }
0x7b: {  	(erf) = vrcp.f32 v6;
	_ =	sdelay $0x5  }
.Ltmp5:
0x7c: {  	(pc) =	sbr.rel @p0 .LBB2_8-.Ltmp5, $3  }
0x7d: {  	_ =	sdelay $0x1  }
0x7e: {  	v6 =	vpop (erf)  }
0x7f: {  	[tilespmem:s14+$0x2000] =	vst v6;
	s14 =	sshra.s32 s15, $0x2;
	s15 =	sadd.s32 $0x40, s15  }
0x80: {  	v6 =	vld [tilespmem:s14+$0x2000];
	_ =	sdelay $0x4  }
0x81: {  	(erf) = vrcp.f32 v6;
	_ =	sdelay $0x7  }
0x82: {  	s15 =	sadd.s32 $0x0, s10  }
0x83: {  	s12 =	sand.u32 $0x70, s12;
	s15 =	sand.u32 $0x1F80, s15;
	v6 =	vpop (erf)  }
0x84: {  	s12 =	sor.u32 s12, s15;
	[tilespmem:s14+$0x2000] =	vst v6  }
0x85: {  	v6 =	vld [tilespmem:s12+$0x0];
	_ =	sdelay $0x7  }
0x86: {  	v6 =	vld.idx.msk [tilespmem:v6+s18+$0x0], $0xffff;
	_ =	sdelay $0x1  }
0x87: {  	s16 =	sadd.s32 $0x10, s10  }
0x88: {  	s15 =	simm.s32 $0x20;
	s14 =	simm.s32 $0x10;
	s12 =	simm.s32 $0x5000  }
.LBB2_10:
0x89: {  	p0 =	sne.s32 s15, $0x3F0;
	s16 =	sand.u32 $0x1F80, s16;
	s14 =	sand.u32 $0x70, s14  }
0x8a: {  	s16 =	sor.u32 s14, s16;
	[tilespmem:s12+$0x0] =	vst v6;
	s14 =	smov.u32 s15  }
0x8b: {  	v6 =	vld [tilespmem:s16+$0x0];
	_ =	sdelay $0x7  }
.Ltmp6:
0x8c: {  	v6 =	vld.idx.msk [tilespmem:v6+s18+$0x0], $0xffff;
	(pc) =	sbr.rel @p0 .LBB2_10-.Ltmp6, $2  }
0x8d: {  	_ =	sdelay $0x2  }
0x8e: {  	s15 =	sadd.s32 $0x10, s15;
	s12 =	sadd.s32 $0x10, s12;
	s16 =	sadd.s32 s14, s10  }
0x8f: {  	s15 =	sand.u32 $0x1F80, s16;
	s14 =	sand.u32 $0x70, s14  }
0x90: {  	[tilespmem:s12+$0x0] =	vst v6;
	s14 =	sor.u32 s14, s15  }
0x91: {  	v6 =	vld [tilespmem:s14+$0x0];
	_ =	sdelay $0x7  }
0x92: {  	v6 =	vld.idx.msk [tilespmem:v6+s18+$0x0], $0xffff;
	_ =	sdelay $0x3  }
0x93: {  	s31 =	sadd.s32 $0x10, s12;
	s12 =	simm.s32 $0x0;
	s16 =	simm.s32 $0x20  }
0x94: {  	s17 =	simm.s32 $0x30;
	s23 =	simm.s32 $0x0;
	s15 =	simm.s32 $0x10;
	[tilespmem:s31+$0x0] =	vst v6  }
.LBB2_12:
0x95: {  	_ =	swait.ge [sflag:s19], $0x4000;
	s24 =	simm.s32 $0xFFFFC000  }
0x96: {  	s25 =	smov.u32 s12;
	s26 =	simm.s32 $0x0;
	[sflag:s19] =	ssyncset.done $0x0  }
0x97: {  	s28 =	simm.s32 $0x0;
	s29 =	simm.s32 $0x0;
	[sflag:s19] =	ssyncadd.s32 $0xFFFFC000  }
.LBB2_13:
0x98: {  	v6 =	vmov s25  }
0x99: {  	s14 =	sadd.s32 $0x4000, s24  }
0x9a: {  	s22 =	sand.u32 $0x380, s29;
	s14 =	sand.u32 $0x2000, s14  }
0x9b: {  	s14 =	sor.u32 s22, s14  }
0x9c: {  	v7 =	vld [tilespmem:s14+$0x5400]  }
0x9d: {  	v6 =	vld.idx.msk [tilespmem:v6+s20+$0x0], $0xffff  }
0x9e: {  	v8 =	vld [tilespmem:s14+$0x5410]  }
0x9f: {  	v10 =	vld [tilespmem:s14+$0x5430]  }
0xa0: {  	v12 =	vld [tilespmem:s14+$0x5460]  }
0xa1: {  	v9 =	vld [tilespmem:s14+$0x5420]  }
0xa2: {  	v39 =	vld [tilespmem:s14+$0x5800];
	v7 =	vmul.f32 v7, v6  }
0xa3: {  	v11 =	vld [tilespmem:s14+$0x5450];
	v8 =	vmul.f32 v8, v6  }
0xa4: {  	v42 =	vld [tilespmem:s14+$0x5820];
	v40 =	vmul.f32 v10, v6;
	[tilespmem:s14+$0x5400] =	vst v7  }
0xa5: {  	v13 =	vld [tilespmem:s14+$0x5470];
	v43 =	vmul.f32 v12, v6;
	[tilespmem:s14+$0x5410] =	vst v8  }
0xa6: {  	v45 =	vld [tilespmem:s14+$0x5850];
	v7 =	vmul.f32 v9, v6;
	[tilespmem:s14+$0x5430] =	vst v40  }
0xa7: {  	v41 =	vld [tilespmem:s14+$0x5810];
	v46 =	vmul.f32 v39, v6;
	[tilespmem:s14+$0x5460] =	vst v43  }
0xa8: {  	v48 =	vld [tilespmem:s14+$0x5870];
	[tilespmem:s14+$0x5420] =	vst v7;
	v7 =	vmul.f32 v11, v6  }
0xa9: {  	v44 =	vld [tilespmem:s14+$0x5830];
	v49 =	vmul.f32 v42, v6;
	[tilespmem:s14+$0x5800] =	vst v46  }
0xaa: {  	v51 =	vld [tilespmem:s14+$0x5C10];
	[tilespmem:s14+$0x5450] =	vst v7;
	v7 =	vmul.f32 v13, v6  }
0xab: {  	v47 =	vld [tilespmem:s14+$0x5860];
	v52 =	vmul.f32 v45, v6;
	[tilespmem:s14+$0x5820] =	vst v49  }
0xac: {  	v54 =	vld [tilespmem:s14+$0x5C30];
	[tilespmem:s14+$0x5470] =	vst v7;
	v7 =	vmul.f32 v41, v6  }
0xad: {  	v50 =	vld [tilespmem:s14+$0x5C00];
	v55 =	vmul.f32 v48, v6;
	[tilespmem:s14+$0x5850] =	vst v52  }
0xae: {  	v57 =	vld [tilespmem:s14+$0x5C60];
	[tilespmem:s14+$0x5810] =	vst v7;
	v7 =	vmul.f32 v44, v6  }
0xaf: {  	v53 =	vld [tilespmem:s14+$0x5C20];
	v58 =	vmul.f32 v51, v6;
	[tilespmem:s14+$0x5870] =	vst v55  }
0xb0: {  	v60 =	vld [tilespmem:s14+$0x6000];
	[tilespmem:s14+$0x5830] =	vst v7;
	v7 =	vmul.f32 v47, v6  }
0xb1: {  	v56 =	vld [tilespmem:s14+$0x5C50];
	v61 =	vmul.f32 v54, v6;
	[tilespmem:s14+$0x5C10] =	vst v58  }
0xb2: {  	v63 =	vld [tilespmem:s14+$0x6020];
	[tilespmem:s14+$0x5860] =	vst v7;
	v7 =	vmul.f32 v50, v6  }
0xb3: {  	v59 =	vld [tilespmem:s14+$0x5C70];
	v16 =	vmul.f32 v57, v6;
	[tilespmem:s14+$0x5C30] =	vst v61  }
0xb4: {  	v18 =	vld [tilespmem:s14+$0x6050];
	[tilespmem:s14+$0x5C00] =	vst v7;
	v7 =	vmul.f32 v53, v6  }
0xb5: {  	v62 =	vld [tilespmem:s14+$0x6010];
	v19 =	vmul.f32 v60, v6;
	[tilespmem:s14+$0x5C60] =	vst v16  }
0xb6: {  	v21 =	vld [tilespmem:s14+$0x6070];
	[tilespmem:s14+$0x5C20] =	vst v7;
	v7 =	vmul.f32 v56, v6  }
0xb7: {  	v17 =	vld [tilespmem:s14+$0x6030];
	v22 =	vmul.f32 v63, v6;
	[tilespmem:s14+$0x6000] =	vst v19  }
0xb8: {  	v24 =	vld [tilespmem:s14+$0x6410];
	[tilespmem:s14+$0x5C50] =	vst v7;
	v7 =	vmul.f32 v59, v6  }
0xb9: {  	v20 =	vld [tilespmem:s14+$0x6060];
	v25 =	vmul.f32 v18, v6;
	[tilespmem:s14+$0x6020] =	vst v22  }
0xba: {  	v27 =	vld [tilespmem:s14+$0x6430];
	[tilespmem:s14+$0x5C70] =	vst v7;
	v7 =	vmul.f32 v62, v6  }
0xbb: {  	v23 =	vld [tilespmem:s14+$0x6400];
	v28 =	vmul.f32 v21, v6;
	[tilespmem:s14+$0x6050] =	vst v25  }
0xbc: {  	v30 =	vld [tilespmem:s14+$0x6460];
	[tilespmem:s14+$0x6010] =	vst v7;
	v7 =	vmul.f32 v17, v6  }
0xbd: {  	v26 =	vld [tilespmem:s14+$0x6420];
	v31 =	vmul.f32 v24, v6;
	[tilespmem:s14+$0x6070] =	vst v28  }
0xbe: {  	v33 =	vld [tilespmem:s14+$0x6800];
	[tilespmem:s14+$0x6030] =	vst v7;
	v7 =	vmul.f32 v20, v6  }
0xbf: {  	v29 =	vld [tilespmem:s14+$0x6450];
	v34 =	vmul.f32 v27, v6;
	[tilespmem:s14+$0x6410] =	vst v31  }
0xc0: {  	v36 =	vld [tilespmem:s14+$0x6820];
	[tilespmem:s14+$0x6060] =	vst v7;
	v7 =	vmul.f32 v23, v6  }
0xc1: {  	v32 =	vld [tilespmem:s14+$0x6470];
	v37 =	vmul.f32 v30, v6;
	[tilespmem:s14+$0x6430] =	vst v34  }
0xc2: {  	v39 =	vld [tilespmem:s14+$0x6850];
	[tilespmem:s14+$0x6400] =	vst v7;
	v7 =	vmul.f32 v26, v6  }
0xc3: {  	v35 =	vld [tilespmem:s14+$0x6810];
	[tilespmem:s14+$0x6460] =	vst v37;
	v40 =	vmul.f32 v33, v6  }
0xc4: {  	v42 =	vld [tilespmem:s14+$0x6870];
	[tilespmem:s14+$0x6420] =	vst v7;
	v7 =	vmul.f32 v29, v6  }
0xc5: {  	v38 =	vld [tilespmem:s14+$0x6830];
	v43 =	vmul.f32 v36, v6;
	[tilespmem:s14+$0x6800] =	vst v40  }
0xc6: {  	v45 =	vld [tilespmem:s14+$0x6C10];
	[tilespmem:s14+$0x6450] =	vst v7;
	v7 =	vmul.f32 v32, v6  }
0xc7: {  	[tilespmem:s14+$0x6820] =	vst v43;
	v46 =	vmul.f32 v39, v6;
	v41 =	vld [tilespmem:s14+$0x6860]  }
0xc8: {  	v48 =	vld [tilespmem:s14+$0x6C30];
	[tilespmem:s14+$0x6470] =	vst v7;
	v7 =	vmul.f32 v35, v6  }
0xc9: {  	v49 =	vmul.f32 v42, v6;
	[tilespmem:s14+$0x6850] =	vst v46;
	v44 =	vld [tilespmem:s14+$0x6C00]  }
0xca: {  	v51 =	vld [tilespmem:s14+$0x6C60];
	[tilespmem:s14+$0x6810] =	vst v7;
	v7 =	vmul.f32 v38, v6  }
0xcb: {  	v52 =	vmul.f32 v45, v6;
	[tilespmem:s14+$0x6870] =	vst v49;
	v47 =	vld [tilespmem:s14+$0x6C20]  }
0xcc: {  	v50 =	vld [tilespmem:s14+$0x6C50];
	[tilespmem:s14+$0x6830] =	vst v7;
	v7 =	vmul.f32 v41, v6  }
0xcd: {  	v12 =	vmul.f32 v48, v6;
	[tilespmem:s14+$0x6C10] =	vst v52;
	v53 =	vld [tilespmem:s14+$0x6C70]  }
0xce: {  	[tilespmem:s14+$0x6860] =	vst v7;
	v7 =	vmul.f32 v44, v6  }
0xcf: {  	v54 =	vld [tilespmem:s14+$0x5840];
	v9 =	vmul.f32 v51, v6;
	[tilespmem:s14+$0x6C30] =	vst v12  }
0xd0: {  	v11 =	vmul.f32 v47, v6;
	[tilespmem:s14+$0x6C00] =	vst v7;
	v7 =	vld [tilespmem:s14+$0x5440]  }
0xd1: {  	s30 =	sand.u32 $0x7, s26;
	v58 =	vld [tilespmem:s14+$0x6840];
	[tilespmem:s14+$0x6C60] =	vst v9;
	v13 =	vmul.f32 v50, v6  }
0xd2: {  	s22 =	sshll.u32 s30, $0x7;
	v55 =	vld [tilespmem:s14+$0x5C40];
	[tilespmem:s14+$0x6C20] =	vst v11;
	v10 =	vmul.f32 v53, v6  }
0xd3: {  	s22 =	sadd.s32 s22, s28;
	v56 =	vld [tilespmem:s14+$0x6040];
	[tilespmem:s14+$0x6C50] =	vst v13  }
0xd4: {  	s30 =	sor.u32 $0x1C00, s22;
	v57 =	vld [tilespmem:s14+$0x6440];
	v8 =	vmul.f32 v54, v6;
	[tilespmem:s14+$0x6C70] =	vst v10  }
0xd5: {  	v60 =	vld [tilespmem:s30+$0x5400];
	v7 =	vmul.f32 v7, v6  }
0xd6: {  	[tilespmem:s14+$0x5840] =	vst v8;
	v59 =	vld [tilespmem:s14+$0x6C40];
	v62 =	vmul.f32 v58, v6  }
0xd7: {  	[tilespmem:s14+$0x5440] =	vst v7;
	v7 =	vmul.f32 v55, v6  }
0xd8: {  	v61 =	vmul.f32 v56, v6;
	[tilespmem:s14+$0x6840] =	vst v62  }
0xd9: {  	[tilespmem:s14+$0x5C40] =	vst v7;
	v7 =	vmul.f32 v57, v6  }
0xda: {  	[tilespmem:s14+$0x6040] =	vst v61;
	v63 =	vmul.f32 v60, v6  }
0xdb: {  	[tilespmem:s14+$0x6440] =	vst v7;
	v7 =	vmul.f32 v59, v6  }
0xdc: {  	[tilespmem:s30+$0x5400] =	vst v63  }
0xdd: {  	s31 =	sor.u32 $0x1C10, s22;
	[tilespmem:s14+$0x6C40] =	vst v7  }
0xde: {  	v7 =	vld [tilespmem:s31+$0x5400];
	_ =	sdelay $0x4  }
0xdf: {  	v7 =	vmul.f32 v7, v6;
	_ =	sdelay $0x1  }
0xe0: {  	s30 =	sor.u32 $0x1C20, s22;
	[tilespmem:s31+$0x5400] =	vst v7  }
0xe1: {  	v7 =	vld [tilespmem:s30+$0x5400];
	_ =	sdelay $0x4  }
0xe2: {  	v7 =	vmul.f32 v7, v6;
	_ =	sdelay $0x1  }
0xe3: {  	s31 =	sor.u32 $0x1C30, s22;
	[tilespmem:s30+$0x5400] =	vst v7  }
0xe4: {  	v7 =	vld [tilespmem:s31+$0x5400];
	_ =	sdelay $0x4  }
0xe5: {  	v7 =	vmul.f32 v7, v6;
	_ =	sdelay $0x1  }
0xe6: {  	s30 =	sor.u32 $0x1C40, s22;
	[tilespmem:s31+$0x5400] =	vst v7  }
0xe7: {  	v7 =	vld [tilespmem:s30+$0x5400];
	_ =	sdelay $0x4  }
0xe8: {  	v7 =	vmul.f32 v7, v6;
	_ =	sdelay $0x1  }
0xe9: {  	s31 =	sor.u32 $0x1C50, s22;
	[tilespmem:s30+$0x5400] =	vst v7  }
0xea: {  	v7 =	vld [tilespmem:s31+$0x5400];
	_ =	sdelay $0x4  }
0xeb: {  	v7 =	vmul.f32 v7, v6;
	_ =	sdelay $0x1  }
0xec: {  	s30 =	sor.u32 $0x1C60, s22;
	[tilespmem:s31+$0x5400] =	vst v7  }
0xed: {  	v7 =	vld [tilespmem:s30+$0x5400];
	_ =	sdelay $0x4  }
0xee: {  	v7 =	vmul.f32 v7, v6;
	_ =	sdelay $0x1  }
0xef: {  	s31 =	sor.u32 $0x1C70, s22;
	[tilespmem:s30+$0x5400] =	vst v7  }
0xf0: {  	v7 =	vld [tilespmem:s31+$0x5400];
	_ =	sdelay $0x1  }
0xf1: {  	p0 =	sne.s32 s29, $0x780  }
.Ltmp7:
0xf2: {  	_ = 	snop;
	(pc) =	sbr.rel @p0 .LBB2_13-.Ltmp7, $4  }
0xf3: {  	_ = 	snop  }
0xf4: {  	v6 =	vmul.f32 v7, v6  }
0xf5: {  	s26 =	sadd.s32 $0x1, s26;
	s24 =	sadd.s32 $0x400, s24  }
0xf6: {  	s25 =	sadd.s32 $0x1, s25;
	s29 =	sadd.s32 $0x80, s29;
	s28 =	sadd.s32 $0x400, s28;
	[tilespmem:s31+$0x5400] =	vst v6  }
0xf7: {  	s14 =	sshll.u32 s23, $0xD  }
0xf8: {  	s22 =	simm.s32 $0x5400;
	p0 =	seq.s32 s23, $0x0;
	s14 =	sadd.s32 s14, s8  }
0xf9: {  	[hbm4b:s14+s3] =	stream.linear.scatter [tilespmem:s22], [sflag:$0x5], $0x4000, $0x38;
	[tilespmem:$0x15400] =	vst v63  }
0xfa: {  	s14 =	simm.s32 @!p0 $0x8  }
0xfb: {  	s24 =	sshllo.u32 s23, $0x2;
	_ =	swait.ge @!p0 [sflag:s14], $0x4000  }
0xfc: {  	s25 =	sshll.u32 s24, $0x7;
	[sflag:s14] =	ssyncset.done @!p0 $0x0  }
0xfd: {  	s26 =	sand.u32 $0x3FFFFF80, s25;
	[sflag:s14] =	ssyncadd.s32 @!p0 $0xFFFFC000  }
0xfe: {  	v6 =	vld [tilespmem:s26+$0x3000];
	_ =	sdelay $0x4  }
0xff: {  	v7 =	vshll.u32 v6, $0x3  }
0x100: {  	v6 =	vand.u32 $0x7, v6;
	v7 =	vand.u32 $0xFFFFFFC0, v7  }
0x101: {  	v6 =	vor.u32 v6, v7  }
0x102: {  	v7 =	vperm.xlane v6, v1;
	_ =	sdelay $0x1  }
0x103: {  	v7 =	vadd.s32 v2, v7;
	_ =	sdelay $0x3  }
0x104: {  	s26 =	simm.s32 $0x0  }
0x105: {  	[tilespmem:s21], [sflag:$0x4] =	stream.indirect_vreg.gather [hbm4b:s1+s26], $0x80, v7, vm0, $0xb8;
	[tilespmem:$0x15400] =	vst v63  }
0x106: {  	s31 =	simm.s32 $0x11C00;
	v6 =	vperm.xlane v6, v3  }
0x107: {  	[tilespmem:s31], [sflag:$0x4] =	stream.indirect_vreg.gather [hbm4b:s5+s26], $0x80, v7, vm0, $0xb8;
	[tilespmem:$0x15400] =	vst v63  }
0x108: {  	s22 =	simm.s32 $0x12400;
	v6 =	vadd.s32 v2, v6  }
0x109: {  	[tilespmem:s22], [sflag:$0x4] =	stream.indirect_vreg.gather [hbm4b:s6+s26], $0x80, v7, vm0, $0xb8;
	[tilespmem:$0x15400] =	vst v63  }
0x10a: {  	s25 =	simm.s32 $0x12C00  }
0x10b: {  	[tilespmem:s25], [sflag:$0x4] =	stream.indirect_vreg.gather [hbm4b:s7+s26], $0x80, v7, vm0, $0xb8;
	[tilespmem:$0x15400] =	vst v63  }
0x10c: {  	s31 =	simm.s32 $0x13400  }
0x10d: {  	[tilespmem:s31], [sflag:$0x4] =	stream.indirect_vreg.gather [hbm4b:s1+s26], $0x80, v6, vm0, $0xb8;
	[tilespmem:$0x15400] =	vst v63  }
0x10e: {  	s22 =	simm.s32 $0x13C00  }
0x10f: {  	[tilespmem:s22], [sflag:$0x4] =	stream.indirect_vreg.gather [hbm4b:s5+s26], $0x80, v6, vm0, $0xb8;
	[tilespmem:$0x15400] =	vst v63  }
0x110: {  	s25 =	simm.s32 $0x14400  }
0x111: {  	[tilespmem:s25], [sflag:$0x4] =	stream.indirect_vreg.gather [hbm4b:s6+s26], $0x80, v6, vm0, $0xb8;
	[tilespmem:$0x15400] =	vst v63  }
0x112: {  	s31 =	simm.s32 $0x14C00  }
0x113: {  	[tilespmem:s31], [sflag:$0x4] =	stream.indirect_vreg.gather [hbm4b:s7+s26], $0x80, v6, vm0, $0xb8;
	[tilespmem:$0x15400] =	vst v63  }
0x114: {  	_ =	swait.ge [sflag:s4], $0x4000  }
0x115: {  	s29 =	smov.u32 s15;
	s25 =	sshll.u32 s23, $0x2;
	[sflag:s4] =	ssyncset.done $0x0  }
0x116: {  	s30 =	simm.s32 $0x0;
	s28 =	sor.u32 $0x1, s25;
	[sflag:s4] =	ssyncadd.s32 $0xFFFFC000  }
.LBB2_15:
0x117: {  	v6 =	vmov s29;
	_ =	sdelay $0x1  }
0x118: {  	s14 =	sand.u32 $0x2000, s30;
	s22 =	sand.u32 $0x380, s26  }
0x119: {  	s14 =	sor.u32 s22, s14  }
0x11a: {  	v7 =	vld [tilespmem:s14+$0x9400]  }
0x11b: {  	v6 =	vld.idx.msk [tilespmem:v6+s20+$0x0], $0xffff  }
0x11c: {  	v8 =	vld [tilespmem:s14+$0x9410]  }
0x11d: {  	v9 =	vld [tilespmem:s14+$0x9420]  }
0x11e: {  	v10 =	vld [tilespmem:s14+$0x9430]  }
0x11f: {  	v11 =	vld [tilespmem:s14+$0x9450]  }
0x120: {  	v12 =	vld [tilespmem:s14+$0x9460];
	v7 =	vmul.f32 v7, v6  }
0x121: {  	v13 =	vld [tilespmem:s14+$0x9470];
	v8 =	vmul.f32 v8, v6  }
0x122: {  	v56 =	vld [tilespmem:s14+$0x9440];
	[tilespmem:s14+$0x9400] =	vst v7;
	v7 =	vmul.f32 v9, v6  }
0x123: {  	v57 =	vmul.f32 v10, v6;
	[tilespmem:s14+$0x9410] =	vst v8  }
0x124: {  	[tilespmem:s14+$0x9420] =	vst v7;
	v7 =	vmul.f32 v11, v6  }
0x125: {  	v58 =	vmul.f32 v12, v6;
	[tilespmem:s14+$0x9430] =	vst v57  }
0x126: {  	s31 =	sand.u32 $0xFFFFE000, s30;
	[tilespmem:s14+$0x9450] =	vst v7;
	v7 =	vmul.f32 v13, v6  }
0x127: {  	s22 =	sadd.s32 s31, s26;
	v9 =	vmul.f32 v56, v6;
	[tilespmem:s14+$0x9460] =	vst v58  }
0x128: {  	s31 =	sor.u32 $0x4400, s22;
	[tilespmem:s14+$0x9470] =	vst v7  }
0x129: {  	[tilespmem:s14+$0x9440] =	vst v9;
	v7 =	vld [tilespmem:s31+$0x5400]  }
0x12a: {  	v8 =	vld [tilespmem:s31+$0x5410]  }
0x12b: {  	v59 =	vld [tilespmem:s31+$0x5430]  }
0x12c: {  	v9 =	vld [tilespmem:s31+$0x5420]  }
0x12d: {  	v61 =	vld [tilespmem:s31+$0x5450]  }
0x12e: {  	v60 =	vld [tilespmem:s31+$0x5440];
	v7 =	vmul.f32 v7, v6  }
0x12f: {  	v63 =	vld [tilespmem:s31+$0x5470];
	v8 =	vmul.f32 v8, v6  }
0x130: {  	v62 =	vld [tilespmem:s31+$0x5460];
	v14 =	vmul.f32 v59, v6;
	[tilespmem:s31+$0x5400] =	vst v7  }
0x131: {  	v7 =	vmul.f32 v9, v6;
	[tilespmem:s31+$0x5410] =	vst v8  }
0x132: {  	v15 =	vmul.f32 v61, v6;
	[tilespmem:s31+$0x5430] =	vst v14  }
0x133: {  	[tilespmem:s31+$0x5420] =	vst v7;
	v7 =	vmul.f32 v60, v6  }
0x134: {  	v16 =	vmul.f32 v63, v6;
	[tilespmem:s31+$0x5450] =	vst v15  }
0x135: {  	[tilespmem:s31+$0x5440] =	vst v7;
	v7 =	vmul.f32 v62, v6  }
0x136: {  	[tilespmem:s31+$0x5470] =	vst v16  }
0x137: {  	[tilespmem:s31+$0x5460] =	vst v7  }
0x138: {  	v7 =	vld [tilespmem:s14+$0x9C00]  }
0x139: {  	v8 =	vld [tilespmem:s14+$0x9C10]  }
0x13a: {  	v17 =	vld [tilespmem:s14+$0x9C20]  }
0x13b: {  	v18 =	vld [tilespmem:s14+$0x9C30]  }
0x13c: {  	v19 =	vld [tilespmem:s14+$0x9C50]  }
0x13d: {  	v20 =	vld [tilespmem:s14+$0x9C60];
	v7 =	vmul.f32 v7, v6  }
0x13e: {  	v21 =	vld [tilespmem:s14+$0x9C70];
	v8 =	vmul.f32 v8, v6  }
0x13f: {  	v22 =	vld [tilespmem:s14+$0x9C40];
	[tilespmem:s14+$0x9C00] =	vst v7;
	v7 =	vmul.f32 v17, v6  }
0x140: {  	v23 =	vmul.f32 v18, v6;
	[tilespmem:s14+$0x9C10] =	vst v8  }
0x141: {  	[tilespmem:s14+$0x9C20] =	vst v7;
	v7 =	vmul.f32 v19, v6  }
0x142: {  	v24 =	vmul.f32 v20, v6;
	[tilespmem:s14+$0x9C30] =	vst v23  }
0x143: {  	[tilespmem:s14+$0x9C50] =	vst v7;
	v7 =	vmul.f32 v21, v6  }
0x144: {  	v9 =	vmul.f32 v22, v6;
	[tilespmem:s14+$0x9C60] =	vst v24  }
0x145: {  	s31 =	sor.u32 $0x4C00, s22;
	[tilespmem:s14+$0x9C70] =	vst v7  }
0x146: {  	[tilespmem:s14+$0x9C40] =	vst v9;
	v7 =	vld [tilespmem:s31+$0x5400]  }
0x147: {  	v8 =	vld [tilespmem:s31+$0x5410]  }
0x148: {  	v25 =	vld [tilespmem:s31+$0x5430]  }
0x149: {  	v9 =	vld [tilespmem:s31+$0x5420]  }
0x14a: {  	v27 =	vld [tilespmem:s31+$0x5450]  }
0x14b: {  	v26 =	vld [tilespmem:s31+$0x5440];
	v7 =	vmul.f32 v7, v6  }
0x14c: {  	v29 =	vld [tilespmem:s31+$0x5470];
	v8 =	vmul.f32 v8, v6  }
0x14d: {  	v28 =	vld [tilespmem:s31+$0x5460];
	v30 =	vmul.f32 v25, v6;
	[tilespmem:s31+$0x5400] =	vst v7  }
0x14e: {  	v7 =	vmul.f32 v9, v6;
	[tilespmem:s31+$0x5410] =	vst v8  }
0x14f: {  	v31 =	vmul.f32 v27, v6;
	[tilespmem:s31+$0x5430] =	vst v30  }
0x150: {  	[tilespmem:s31+$0x5420] =	vst v7;
	v7 =	vmul.f32 v26, v6  }
0x151: {  	v32 =	vmul.f32 v29, v6;
	[tilespmem:s31+$0x5450] =	vst v31  }
0x152: {  	[tilespmem:s31+$0x5440] =	vst v7;
	v7 =	vmul.f32 v28, v6  }
0x153: {  	[tilespmem:s31+$0x5470] =	vst v32  }
0x154: {  	[tilespmem:s31+$0x5460] =	vst v7  }
0x155: {  	v7 =	vld [tilespmem:s14+$0xA400]  }
0x156: {  	v8 =	vld [tilespmem:s14+$0xA410]  }
0x157: {  	v33 =	vld [tilespmem:s14+$0xA420]  }
0x158: {  	v34 =	vld [tilespmem:s14+$0xA430]  }
0x159: {  	v35 =	vld [tilespmem:s14+$0xA450]  }
0x15a: {  	v36 =	vld [tilespmem:s14+$0xA460];
	v7 =	vmul.f32 v7, v6  }
0x15b: {  	v37 =	vld [tilespmem:s14+$0xA470];
	v8 =	vmul.f32 v8, v6  }
0x15c: {  	v38 =	vld [tilespmem:s14+$0xA440];
	[tilespmem:s14+$0xA400] =	vst v7;
	v7 =	vmul.f32 v33, v6  }
0x15d: {  	v39 =	vmul.f32 v34, v6;
	[tilespmem:s14+$0xA410] =	vst v8  }
0x15e: {  	[tilespmem:s14+$0xA420] =	vst v7;
	v7 =	vmul.f32 v35, v6  }
0x15f: {  	v40 =	vmul.f32 v36, v6;
	[tilespmem:s14+$0xA430] =	vst v39  }
0x160: {  	[tilespmem:s14+$0xA450] =	vst v7;
	v7 =	vmul.f32 v37, v6  }
0x161: {  	v9 =	vmul.f32 v38, v6;
	[tilespmem:s14+$0xA460] =	vst v40  }
0x162: {  	s22 =	sor.u32 $0x5400, s22;
	[tilespmem:s14+$0xA470] =	vst v7  }
0x163: {  	[tilespmem:s14+$0xA440] =	vst v9;
	v7 =	vld [tilespmem:s22+$0x5400]  }
0x164: {  	v8 =	vld [tilespmem:s22+$0x5410]  }
0x165: {  	v41 =	vld [tilespmem:s22+$0x5430]  }
0x166: {  	v9 =	vld [tilespmem:s22+$0x5420]  }
0x167: {  	v43 =	vld [tilespmem:s22+$0x5450]  }
0x168: {  	v42 =	vld [tilespmem:s22+$0x5440];
	v7 =	vmul.f32 v7, v6  }
0x169: {  	v45 =	vld [tilespmem:s22+$0x5470];
	v8 =	vmul.f32 v8, v6  }
0x16a: {  	v44 =	vld [tilespmem:s22+$0x5460];
	v46 =	vmul.f32 v41, v6;
	[tilespmem:s22+$0x5400] =	vst v7  }
0x16b: {  	v7 =	vmul.f32 v9, v6;
	[tilespmem:s22+$0x5410] =	vst v8  }
0x16c: {  	v47 =	vmul.f32 v43, v6;
	[tilespmem:s22+$0x5430] =	vst v46  }
0x16d: {  	[tilespmem:s22+$0x5420] =	vst v7;
	v7 =	vmul.f32 v42, v6  }
0x16e: {  	v48 =	vmul.f32 v45, v6;
	[tilespmem:s22+$0x5450] =	vst v47  }
0x16f: {  	[tilespmem:s22+$0x5440] =	vst v7;
	v7 =	vmul.f32 v44, v6  }
0x170: {  	[tilespmem:s22+$0x5470] =	vst v48  }
0x171: {  	[tilespmem:s22+$0x5460] =	vst v7  }
0x172: {  	v7 =	vld [tilespmem:s14+$0xAC00]  }
0x173: {  	v8 =	vld [tilespmem:s14+$0xAC10]  }
0x174: {  	v49 =	vld [tilespmem:s14+$0xAC20]  }
0x175: {  	v50 =	vld [tilespmem:s14+$0xAC30]  }
0x176: {  	v51 =	vld [tilespmem:s14+$0xAC50]  }
0x177: {  	v52 =	vld [tilespmem:s14+$0xAC60];
	v7 =	vmul.f32 v7, v6  }
0x178: {  	v53 =	vld [tilespmem:s14+$0xAC70];
	v8 =	vmul.f32 v8, v6  }
0x179: {  	v54 =	vld [tilespmem:s14+$0xAC40];
	[tilespmem:s14+$0xAC00] =	vst v7;
	v7 =	vmul.f32 v49, v6  }
0x17a: {  	v55 =	vmul.f32 v50, v6;
	[tilespmem:s14+$0xAC10] =	vst v8  }
0x17b: {  	[tilespmem:s14+$0xAC20] =	vst v7;
	v7 =	vmul.f32 v51, v6  }
0x17c: {  	v56 =	vmul.f32 v52, v6;
	[tilespmem:s14+$0xAC30] =	vst v55  }
0x17d: {  	[tilespmem:s14+$0xAC50] =	vst v7;
	v7 =	vmul.f32 v53, v6  }
0x17e: {  	s31 =	sor.u32 s30, s26;
	v9 =	vmul.f32 v54, v6;
	[tilespmem:s14+$0xAC60] =	vst v56  }
0x17f: {  	s22 =	sor.u32 $0x5C00, s31;
	[tilespmem:s14+$0xAC70] =	vst v7  }
0x180: {  	[tilespmem:s14+$0xAC40] =	vst v9;
	v7 =	vld [tilespmem:s22+$0x5400]  }
0x181: {  	v8 =	vld [tilespmem:s22+$0x5410]  }
0x182: {  	v9 =	vld [tilespmem:s22+$0x5420]  }
0x183: {  	v57 =	vld [tilespmem:s22+$0x5430]  }
0x184: {  	v58 =	vld [tilespmem:s22+$0x5440]  }
0x185: {  	v59 =	vld [tilespmem:s22+$0x5450];
	v7 =	vmul.f32 v7, v6  }
0x186: {  	v60 =	vld [tilespmem:s22+$0x5460];
	v8 =	vmul.f32 v8, v6  }
0x187: {  	v61 =	vld [tilespmem:s22+$0x5470];
	[tilespmem:s22+$0x5400] =	vst v7;
	v7 =	vmul.f32 v9, v6  }
0x188: {  	v62 =	vmul.f32 v57, v6;
	[tilespmem:s22+$0x5410] =	vst v8  }
0x189: {  	p0 =	sne.s32 s30, $0x3C00;
	[tilespmem:s22+$0x5420] =	vst v7;
	v7 =	vmul.f32 v58, v6  }
.Ltmp8:
0x18a: {  	v63 =	vmul.f32 v59, v6;
	[tilespmem:s22+$0x5430] =	vst v62;
	(pc) =	sbr.rel @p0 .LBB2_15-.Ltmp8, $4  }
0x18b: {  	[tilespmem:s22+$0x5440] =	vst v7;
	v7 =	vmul.f32 v60, v6  }
0x18c: {  	[tilespmem:s22+$0x5450] =	vst v63;
	v6 =	vmul.f32 v61, v6  }
0x18d: {  	[tilespmem:s22+$0x5460] =	vst v7  }
0x18e: {  	s29 =	sadd.s32 $0x1, s29;
	s26 =	sadd.s32 $0x80, s26;
	s30 =	sadd.s32 $0x400, s30;
	[tilespmem:s22+$0x5470] =	vst v6  }
0x18f: {  	s14 =	sshll.u32 s28, $0xB  }
0x190: {  	s22 =	simm.s32 $0x9400;
	s14 =	sadd.s32 s14, s8  }
0x191: {  	[hbm4b:s14+s3] =	stream.linear.scatter [tilespmem:s22], [sflag:$0x6], $0x4000, $0x38;
	[tilespmem:$0x15400] =	vst v63  }
0x192: {  	p0 =	seq.s32 s23, $0xF;
	_ =	swait.ge [sflag:s9], $0x4000  }
0x193: {  	s14 =	sshll.u32 @!p0 s23, $0x9;
	[sflag:s9] =	ssyncset.done $0x0  }
0x194: {  	s26 =	sand.u32 @!p0 $0x3FFFFE00, s14;
	[sflag:s9] =	ssyncadd.s32 $0xFFFFC000  }
0x195: {  	v6 =	vld @!p0 [tilespmem:s26+$0x3200];
	_ =	sdelay $0x4  }
0x196: {  	v7 =	vshll.u32 @!p0 v6, $0x3  }
0x197: {  	v8 =	vlaneseq.u32 @!p0;
	v6 =	vand.u32 @!p0 $0x7, v6;
	v7 =	vand.u32 @!p0 $0xFFFFFFC0, v7  }
0x198: {  	v9 =	vshrl.u32 @!p0 v8, $0x3;
	v6 =	vor.u32 @!p0 v6, v7;
	v7 =	vand.u32 @!p0 $0x7, v8  }
0x199: {  	v9 =	vmul.u32 @!p0 $0x8, v9;
	v7 =	vperm.xlane @!p0 v6, v7;
	_ =	sdelay $0x1  }
0x19a: {  	v7 =	vadd.s32 @!p0 v9, v7;
	_ =	sdelay $0x3  }
0x19b: {  	vm1 =	vmmov @!p0 $0xffff;
	s22 =	simm.s32 @!p0 $0x5400;
	s14 =	simm.s32 @!p0 $0x0  }
0x19c: {  	v8 =	vor.u32 @!p0 $0x8, v8;
	[tilespmem:s22], [sflag:$0x1] =	stream.indirect_vreg.gather @!p0 [hbm4b:s1+s14], $0x80, v7, vm1, $0xb8;
	[tilespmem:$0x15400] =	vst v63  }
0x19d: {  	v6 =	vperm.xlane @!p0 v6, v8;
	s22 =	simm.s32 @!p0 $0x5C00  }
0x19e: {  	[tilespmem:s22], [sflag:$0x1] =	stream.indirect_vreg.gather @!p0 [hbm4b:s5+s14], $0x80, v7, vm1, $0xb8;
	[tilespmem:$0x15400] =	vst v63  }
0x19f: {  	v6 =	vadd.s32 @!p0 v9, v6;
	s22 =	simm.s32 @!p0 $0x6400  }
0x1a0: {  	[tilespmem:s22], [sflag:$0x1] =	stream.indirect_vreg.gather @!p0 [hbm4b:s6+s14], $0x80, v7, vm1, $0xb8;
	[tilespmem:$0x15400] =	vst v63  }
0x1a1: {  	s22 =	simm.s32 @!p0 $0x6C00  }
0x1a2: {  	[tilespmem:s22], [sflag:$0x1] =	stream.indirect_vreg.gather @!p0 [hbm4b:s7+s14], $0x80, v7, vm1, $0xb8;
	[tilespmem:$0x15400] =	vst v63  }
0x1a3: {  	s22 =	simm.s32 @!p0 $0x7400  }
0x1a4: {  	[tilespmem:s22], [sflag:$0x1] =	stream.indirect_vreg.gather @!p0 [hbm4b:s1+s14], $0x80, v6, vm1, $0xb8;
	[tilespmem:$0x15400] =	vst v63  }
0x1a5: {  	s22 =	simm.s32 @!p0 $0x7C00  }
0x1a6: {  	[tilespmem:s22], [sflag:$0x1] =	stream.indirect_vreg.gather @!p0 [hbm4b:s5+s14], $0x80, v6, vm1, $0xb8;
	[tilespmem:$0x15400] =	vst v63  }
0x1a7: {  	s22 =	simm.s32 @!p0 $0x8400  }
0x1a8: {  	[tilespmem:s22], [sflag:$0x1] =	stream.indirect_vreg.gather @!p0 [hbm4b:s6+s14], $0x80, v6, vm1, $0xb8;
	[tilespmem:$0x15400] =	vst v63  }
0x1a9: {  	s22 =	simm.s32 @!p0 $0x8C00  }
0x1aa: {  	[tilespmem:s22], [sflag:$0x1] =	stream.indirect_vreg.gather @!p0 [hbm4b:s7+s14], $0x80, v6, vm1, $0xb8;
	[tilespmem:$0x15400] =	vst v63  }
0x1ab: {  	_ =	swait.ge [sflag:s13], $0x4000  }
0x1ac: {  	s25 =	sor.u32 $0x2, s25;
	s28 =	simm.s32 $0x0;
	[sflag:s13] =	ssyncset.done $0x0  }
0x1ad: {  	s29 =	smov.u32 s16;
	s30 =	simm.s32 $0x0;
	[sflag:s13] =	ssyncadd.s32 $0xFFFFC000  }
.LBB2_17:
0x1ae: {  	v6 =	vmov s29;
	_ =	sdelay $0x1  }
0x1af: {  	s14 =	sand.u32 $0x2000, s30;
	s22 =	sand.u32 $0x380, s28  }
0x1b0: {  	s14 =	sor.u32 s22, s14  }
0x1b1: {  	v7 =	vld [tilespmem:s14+$0xD400]  }
0x1b2: {  	v6 =	vld.idx.msk [tilespmem:v6+s20+$0x0], $0xffff  }
0x1b3: {  	v8 =	vld [tilespmem:s14+$0xD410]  }
0x1b4: {  	v9 =	vld [tilespmem:s14+$0xD420]  }
0x1b5: {  	v10 =	vld [tilespmem:s14+$0xD430]  }
0x1b6: {  	v11 =	vld [tilespmem:s14+$0xD450]  }
0x1b7: {  	v12 =	vld [tilespmem:s14+$0xD460];
	v7 =	vmul.f32 v7, v6  }
0x1b8: {  	v13 =	vld [tilespmem:s14+$0xD470];
	v8 =	vmul.f32 v8, v6  }
0x1b9: {  	v56 =	vld [tilespmem:s14+$0xD440];
	[tilespmem:s14+$0xD400] =	vst v7;
	v7 =	vmul.f32 v9, v6  }
0x1ba: {  	v57 =	vmul.f32 v10, v6;
	[tilespmem:s14+$0xD410] =	vst v8  }
0x1bb: {  	[tilespmem:s14+$0xD420] =	vst v7;
	v7 =	vmul.f32 v11, v6  }
0x1bc: {  	v58 =	vmul.f32 v12, v6;
	[tilespmem:s14+$0xD430] =	vst v57  }
0x1bd: {  	s31 =	sand.u32 $0xFFFFE000, s30;
	[tilespmem:s14+$0xD450] =	vst v7;
	v7 =	vmul.f32 v13, v6  }
0x1be: {  	s22 =	sadd.s32 s31, s28;
	v9 =	vmul.f32 v56, v6;
	[tilespmem:s14+$0xD460] =	vst v58  }
0x1bf: {  	s31 =	sor.u32 $0x8400, s22;
	[tilespmem:s14+$0xD470] =	vst v7  }
0x1c0: {  	[tilespmem:s14+$0xD440] =	vst v9;
	v7 =	vld [tilespmem:s31+$0x5400]  }
0x1c1: {  	v8 =	vld [tilespmem:s31+$0x5410]  }
0x1c2: {  	v59 =	vld [tilespmem:s31+$0x5430]  }
0x1c3: {  	v9 =	vld [tilespmem:s31+$0x5420]  }
0x1c4: {  	v61 =	vld [tilespmem:s31+$0x5450]  }
0x1c5: {  	v60 =	vld [tilespmem:s31+$0x5440];
	v7 =	vmul.f32 v7, v6  }
0x1c6: {  	v63 =	vld [tilespmem:s31+$0x5470];
	v8 =	vmul.f32 v8, v6  }
0x1c7: {  	v62 =	vld [tilespmem:s31+$0x5460];
	v14 =	vmul.f32 v59, v6;
	[tilespmem:s31+$0x5400] =	vst v7  }
0x1c8: {  	v7 =	vmul.f32 v9, v6;
	[tilespmem:s31+$0x5410] =	vst v8  }
0x1c9: {  	v15 =	vmul.f32 v61, v6;
	[tilespmem:s31+$0x5430] =	vst v14  }
0x1ca: {  	[tilespmem:s31+$0x5420] =	vst v7;
	v7 =	vmul.f32 v60, v6  }
0x1cb: {  	v16 =	vmul.f32 v63, v6;
	[tilespmem:s31+$0x5450] =	vst v15  }
0x1cc: {  	[tilespmem:s31+$0x5440] =	vst v7;
	v7 =	vmul.f32 v62, v6  }
0x1cd: {  	[tilespmem:s31+$0x5470] =	vst v16  }
0x1ce: {  	[tilespmem:s31+$0x5460] =	vst v7  }
0x1cf: {  	v7 =	vld [tilespmem:s14+$0xDC00]  }
0x1d0: {  	v8 =	vld [tilespmem:s14+$0xDC10]  }
0x1d1: {  	v17 =	vld [tilespmem:s14+$0xDC20]  }
0x1d2: {  	v18 =	vld [tilespmem:s14+$0xDC30]  }
0x1d3: {  	v19 =	vld [tilespmem:s14+$0xDC50]  }
0x1d4: {  	v20 =	vld [tilespmem:s14+$0xDC60];
	v7 =	vmul.f32 v7, v6  }
0x1d5: {  	v21 =	vld [tilespmem:s14+$0xDC70];
	v8 =	vmul.f32 v8, v6  }
0x1d6: {  	v22 =	vld [tilespmem:s14+$0xDC40];
	[tilespmem:s14+$0xDC00] =	vst v7;
	v7 =	vmul.f32 v17, v6  }
0x1d7: {  	v23 =	vmul.f32 v18, v6;
	[tilespmem:s14+$0xDC10] =	vst v8  }
0x1d8: {  	[tilespmem:s14+$0xDC20] =	vst v7;
	v7 =	vmul.f32 v19, v6  }
0x1d9: {  	v24 =	vmul.f32 v20, v6;
	[tilespmem:s14+$0xDC30] =	vst v23  }
0x1da: {  	[tilespmem:s14+$0xDC50] =	vst v7;
	v7 =	vmul.f32 v21, v6  }
0x1db: {  	v9 =	vmul.f32 v22, v6;
	[tilespmem:s14+$0xDC60] =	vst v24  }
0x1dc: {  	s31 =	sor.u32 $0x8C00, s22;
	[tilespmem:s14+$0xDC70] =	vst v7  }
0x1dd: {  	[tilespmem:s14+$0xDC40] =	vst v9;
	v7 =	vld [tilespmem:s31+$0x5400]  }
0x1de: {  	v8 =	vld [tilespmem:s31+$0x5410]  }
0x1df: {  	v25 =	vld [tilespmem:s31+$0x5430]  }
0x1e0: {  	v9 =	vld [tilespmem:s31+$0x5420]  }
0x1e1: {  	v27 =	vld [tilespmem:s31+$0x5450]  }
0x1e2: {  	v26 =	vld [tilespmem:s31+$0x5440];
	v7 =	vmul.f32 v7, v6  }
0x1e3: {  	v29 =	vld [tilespmem:s31+$0x5470];
	v8 =	vmul.f32 v8, v6  }
0x1e4: {  	v28 =	vld [tilespmem:s31+$0x5460];
	v30 =	vmul.f32 v25, v6;
	[tilespmem:s31+$0x5400] =	vst v7  }
0x1e5: {  	v7 =	vmul.f32 v9, v6;
	[tilespmem:s31+$0x5410] =	vst v8  }
0x1e6: {  	v31 =	vmul.f32 v27, v6;
	[tilespmem:s31+$0x5430] =	vst v30  }
0x1e7: {  	[tilespmem:s31+$0x5420] =	vst v7;
	v7 =	vmul.f32 v26, v6  }
0x1e8: {  	v32 =	vmul.f32 v29, v6;
	[tilespmem:s31+$0x5450] =	vst v31  }
0x1e9: {  	[tilespmem:s31+$0x5440] =	vst v7;
	v7 =	vmul.f32 v28, v6  }
0x1ea: {  	[tilespmem:s31+$0x5470] =	vst v32  }
0x1eb: {  	[tilespmem:s31+$0x5460] =	vst v7  }
0x1ec: {  	v7 =	vld [tilespmem:s14+$0xE400]  }
0x1ed: {  	v8 =	vld [tilespmem:s14+$0xE410]  }
0x1ee: {  	v33 =	vld [tilespmem:s14+$0xE420]  }
0x1ef: {  	v34 =	vld [tilespmem:s14+$0xE430]  }
0x1f0: {  	v35 =	vld [tilespmem:s14+$0xE450]  }
0x1f1: {  	v36 =	vld [tilespmem:s14+$0xE460];
	v7 =	vmul.f32 v7, v6  }
0x1f2: {  	v37 =	vld [tilespmem:s14+$0xE470];
	v8 =	vmul.f32 v8, v6  }
0x1f3: {  	v38 =	vld [tilespmem:s14+$0xE440];
	[tilespmem:s14+$0xE400] =	vst v7;
	v7 =	vmul.f32 v33, v6  }
0x1f4: {  	v39 =	vmul.f32 v34, v6;
	[tilespmem:s14+$0xE410] =	vst v8  }
0x1f5: {  	[tilespmem:s14+$0xE420] =	vst v7;
	v7 =	vmul.f32 v35, v6  }
0x1f6: {  	v40 =	vmul.f32 v36, v6;
	[tilespmem:s14+$0xE430] =	vst v39  }
0x1f7: {  	[tilespmem:s14+$0xE450] =	vst v7;
	v7 =	vmul.f32 v37, v6  }
0x1f8: {  	v9 =	vmul.f32 v38, v6;
	[tilespmem:s14+$0xE460] =	vst v40  }
0x1f9: {  	s22 =	sor.u32 $0x9400, s22;
	[tilespmem:s14+$0xE470] =	vst v7  }
0x1fa: {  	[tilespmem:s14+$0xE440] =	vst v9;
	v7 =	vld [tilespmem:s22+$0x5400]  }
0x1fb: {  	v8 =	vld [tilespmem:s22+$0x5410]  }
0x1fc: {  	v41 =	vld [tilespmem:s22+$0x5430]  }
0x1fd: {  	v9 =	vld [tilespmem:s22+$0x5420]  }
0x1fe: {  	v43 =	vld [tilespmem:s22+$0x5450]  }
0x1ff: {  	v42 =	vld [tilespmem:s22+$0x5440];
	v7 =	vmul.f32 v7, v6  }
0x200: {  	v45 =	vld [tilespmem:s22+$0x5470];
	v8 =	vmul.f32 v8, v6  }
0x201: {  	v44 =	vld [tilespmem:s22+$0x5460];
	v46 =	vmul.f32 v41, v6;
	[tilespmem:s22+$0x5400] =	vst v7  }
0x202: {  	v7 =	vmul.f32 v9, v6;
	[tilespmem:s22+$0x5410] =	vst v8  }
0x203: {  	v47 =	vmul.f32 v43, v6;
	[tilespmem:s22+$0x5430] =	vst v46  }
0x204: {  	[tilespmem:s22+$0x5420] =	vst v7;
	v7 =	vmul.f32 v42, v6  }
0x205: {  	v48 =	vmul.f32 v45, v6;
	[tilespmem:s22+$0x5450] =	vst v47  }
0x206: {  	[tilespmem:s22+$0x5440] =	vst v7;
	v7 =	vmul.f32 v44, v6  }
0x207: {  	[tilespmem:s22+$0x5470] =	vst v48  }
0x208: {  	[tilespmem:s22+$0x5460] =	vst v7  }
0x209: {  	v7 =	vld [tilespmem:s14+$0xEC00]  }
0x20a: {  	v8 =	vld [tilespmem:s14+$0xEC10]  }
0x20b: {  	v49 =	vld [tilespmem:s14+$0xEC20]  }
0x20c: {  	v50 =	vld [tilespmem:s14+$0xEC30]  }
0x20d: {  	v51 =	vld [tilespmem:s14+$0xEC50]  }
0x20e: {  	v52 =	vld [tilespmem:s14+$0xEC60];
	v7 =	vmul.f32 v7, v6  }
0x20f: {  	v53 =	vld [tilespmem:s14+$0xEC70];
	v8 =	vmul.f32 v8, v6  }
0x210: {  	v54 =	vld [tilespmem:s14+$0xEC40];
	[tilespmem:s14+$0xEC00] =	vst v7;
	v7 =	vmul.f32 v49, v6  }
0x211: {  	v55 =	vmul.f32 v50, v6;
	[tilespmem:s14+$0xEC10] =	vst v8  }
0x212: {  	[tilespmem:s14+$0xEC20] =	vst v7;
	v7 =	vmul.f32 v51, v6  }
0x213: {  	v56 =	vmul.f32 v52, v6;
	[tilespmem:s14+$0xEC30] =	vst v55  }
0x214: {  	[tilespmem:s14+$0xEC50] =	vst v7;
	v7 =	vmul.f32 v53, v6  }
0x215: {  	s31 =	sor.u32 s30, s28;
	v9 =	vmul.f32 v54, v6;
	[tilespmem:s14+$0xEC60] =	vst v56  }
0x216: {  	s22 =	sor.u32 $0x9C00, s31;
	[tilespmem:s14+$0xEC70] =	vst v7  }
0x217: {  	[tilespmem:s14+$0xEC40] =	vst v9;
	v7 =	vld [tilespmem:s22+$0x5400]  }
0x218: {  	v8 =	vld [tilespmem:s22+$0x5410]  }
0x219: {  	v9 =	vld [tilespmem:s22+$0x5420]  }
0x21a: {  	v57 =	vld [tilespmem:s22+$0x5430]  }
0x21b: {  	v58 =	vld [tilespmem:s22+$0x5440]  }
0x21c: {  	v59 =	vld [tilespmem:s22+$0x5450];
	v7 =	vmul.f32 v7, v6  }
0x21d: {  	v60 =	vld [tilespmem:s22+$0x5460];
	v8 =	vmul.f32 v8, v6  }
0x21e: {  	v61 =	vld [tilespmem:s22+$0x5470];
	[tilespmem:s22+$0x5400] =	vst v7;
	v7 =	vmul.f32 v9, v6  }
0x21f: {  	v62 =	vmul.f32 v57, v6;
	[tilespmem:s22+$0x5410] =	vst v8  }
0x220: {  	p1 =	sne.s32 s30, $0x3C00;
	[tilespmem:s22+$0x5420] =	vst v7;
	v7 =	vmul.f32 v58, v6  }
.Ltmp9:
0x221: {  	v63 =	vmul.f32 v59, v6;
	[tilespmem:s22+$0x5430] =	vst v62;
	(pc) =	sbr.rel @p1 .LBB2_17-.Ltmp9, $4  }
0x222: {  	[tilespmem:s22+$0x5440] =	vst v7;
	v7 =	vmul.f32 v60, v6  }
0x223: {  	[tilespmem:s22+$0x5450] =	vst v63;
	v6 =	vmul.f32 v61, v6  }
0x224: {  	[tilespmem:s22+$0x5460] =	vst v7  }
0x225: {  	s29 =	sadd.s32 $0x1, s29;
	s28 =	sadd.s32 $0x80, s28;
	s30 =	sadd.s32 $0x400, s30;
	[tilespmem:s22+$0x5470] =	vst v6  }
0x226: {  	s14 =	sshll.u32 s25, $0xB  }
0x227: {  	s30 =	simm.s32 $0xD400;
	s14 =	sadd.s32 s14, s8  }
0x228: {  	[hbm4b:s14+s3] =	stream.linear.scatter [tilespmem:s30], [sflag:$0x7], $0x4000, $0x38;
	[tilespmem:$0x15400] =	vst v63  }
0x229: {  	_ =	swait.ge [sflag:s0], $0x4000  }
0x22a: {  	[sflag:s0] =	ssyncset.done $0x0  }
0x22b: {  	[sflag:s0] =	ssyncadd.s32 $0xFFFFC000  }
0x22c: {  	v6 =	vld @!p0 [tilespmem:s26+$0x3280];
	_ =	sdelay $0x4  }
0x22d: {  	v7 =	vshll.u32 @!p0 v6, $0x3  }
0x22e: {  	v8 =	vlaneseq.u32 @!p0;
	v6 =	vand.u32 @!p0 $0x7, v6;
	v7 =	vand.u32 @!p0 $0xFFFFFFC0, v7  }
0x22f: {  	v9 =	vshrl.u32 @!p0 v8, $0x3;
	v6 =	vor.u32 @!p0 v6, v7;
	v7 =	vand.u32 @!p0 $0x7, v8  }
0x230: {  	v9 =	vmul.u32 @!p0 $0x8, v9;
	v7 =	vperm.xlane @!p0 v6, v7;
	_ =	sdelay $0x1  }
0x231: {  	v7 =	vadd.s32 @!p0 v9, v7;
	_ =	sdelay $0x3  }
0x232: {  	s22 =	simm.s32 @!p0 $0x9400;
	s14 =	simm.s32 @!p0 $0x0  }
0x233: {  	v8 =	vor.u32 @!p0 $0x8, v8;
	[tilespmem:s22], [sflag:$0x2] =	stream.indirect_vreg.gather @!p0 [hbm4b:s1+s14], $0x80, v7, vm1, $0xb8;
	[tilespmem:$0x15400] =	vst v63  }
0x234: {  	v6 =	vperm.xlane @!p0 v6, v8;
	s22 =	simm.s32 @!p0 $0x9C00  }
0x235: {  	[tilespmem:s22], [sflag:$0x2] =	stream.indirect_vreg.gather @!p0 [hbm4b:s5+s14], $0x80, v7, vm1, $0xb8;
	[tilespmem:$0x15400] =	vst v63  }
0x236: {  	v6 =	vadd.s32 @!p0 v9, v6;
	s22 =	simm.s32 @!p0 $0xA400  }
0x237: {  	[tilespmem:s22], [sflag:$0x2] =	stream.indirect_vreg.gather @!p0 [hbm4b:s6+s14], $0x80, v7, vm1, $0xb8;
	[tilespmem:$0x15400] =	vst v63  }
0x238: {  	s22 =	simm.s32 @!p0 $0xAC00  }
0x239: {  	[tilespmem:s22], [sflag:$0x2] =	stream.indirect_vreg.gather @!p0 [hbm4b:s7+s14], $0x80, v7, vm1, $0xb8;
	[tilespmem:$0x15400] =	vst v63  }
0x23a: {  	s22 =	simm.s32 @!p0 $0xB400  }
0x23b: {  	[tilespmem:s22], [sflag:$0x2] =	stream.indirect_vreg.gather @!p0 [hbm4b:s1+s14], $0x80, v6, vm1, $0xb8;
	[tilespmem:$0x15400] =	vst v63  }
0x23c: {  	s22 =	simm.s32 @!p0 $0xBC00  }
0x23d: {  	[tilespmem:s22], [sflag:$0x2] =	stream.indirect_vreg.gather @!p0 [hbm4b:s5+s14], $0x80, v6, vm1, $0xb8;
	[tilespmem:$0x15400] =	vst v63  }
0x23e: {  	s22 =	simm.s32 @!p0 $0xC400  }
0x23f: {  	[tilespmem:s22], [sflag:$0x2] =	stream.indirect_vreg.gather @!p0 [hbm4b:s6+s14], $0x80, v6, vm1, $0xb8;
	[tilespmem:$0x15400] =	vst v63  }
0x240: {  	s22 =	simm.s32 @!p0 $0xCC00  }
0x241: {  	[tilespmem:s22], [sflag:$0x2] =	stream.indirect_vreg.gather @!p0 [hbm4b:s7+s14], $0x80, v6, vm1, $0xb8;
	[tilespmem:$0x15400] =	vst v63  }
0x242: {  	_ =	swait.ge [sflag:s2], $0x4000  }
0x243: {  	s25 =	simm.s32 $0x0;
	[sflag:s2] =	ssyncset.done $0x0  }
0x244: {  	s28 =	simm.s32 $0x0;
	s26 =	smov.u32 s17;
	[sflag:s2] =	ssyncadd.s32 $0xFFFFC000  }
.LBB2_19:
0x245: {  	v6 =	vmov s26;
	_ =	sdelay $0x1  }
0x246: {  	s14 =	sand.u32 $0x2000, s28;
	s22 =	sand.u32 $0x380, s25  }
0x247: {  	s14 =	sor.u32 s22, s14  }
0x248: {  	v7 =	vld [tilespmem:s14+$0x11400]  }
0x249: {  	v6 =	vld.idx.msk [tilespmem:v6+s20+$0x0], $0xffff  }
0x24a: {  	v8 =	vld [tilespmem:s14+$0x11410]  }
0x24b: {  	v9 =	vld [tilespmem:s14+$0x11420]  }
0x24c: {  	v10 =	vld [tilespmem:s14+$0x11430]  }
0x24d: {  	v11 =	vld [tilespmem:s14+$0x11450]  }
0x24e: {  	v12 =	vld [tilespmem:s14+$0x11460];
	v7 =	vmul.f32 v7, v6  }
0x24f: {  	v13 =	vld [tilespmem:s14+$0x11470];
	v8 =	vmul.f32 v8, v6  }
0x250: {  	v56 =	vld [tilespmem:s14+$0x11440];
	[tilespmem:s14+$0x11400] =	vst v7;
	v7 =	vmul.f32 v9, v6  }
0x251: {  	v57 =	vmul.f32 v10, v6;
	[tilespmem:s14+$0x11410] =	vst v8  }
0x252: {  	[tilespmem:s14+$0x11420] =	vst v7;
	v7 =	vmul.f32 v11, v6  }
0x253: {  	v58 =	vmul.f32 v12, v6;
	[tilespmem:s14+$0x11430] =	vst v57  }
0x254: {  	s29 =	sand.u32 $0xFFFFE000, s28;
	[tilespmem:s14+$0x11450] =	vst v7;
	v7 =	vmul.f32 v13, v6  }
0x255: {  	s22 =	sadd.s32 s29, s25;
	v9 =	vmul.f32 v56, v6;
	[tilespmem:s14+$0x11460] =	vst v58  }
0x256: {  	s29 =	sor.u32 $0xC400, s22;
	[tilespmem:s14+$0x11470] =	vst v7  }
0x257: {  	[tilespmem:s14+$0x11440] =	vst v9;
	v7 =	vld [tilespmem:s29+$0x5400]  }
0x258: {  	v8 =	vld [tilespmem:s29+$0x5410]  }
0x259: {  	v59 =	vld [tilespmem:s29+$0x5430]  }
0x25a: {  	v9 =	vld [tilespmem:s29+$0x5420]  }
0x25b: {  	v61 =	vld [tilespmem:s29+$0x5450]  }
0x25c: {  	v60 =	vld [tilespmem:s29+$0x5440];
	v7 =	vmul.f32 v7, v6  }
0x25d: {  	v63 =	vld [tilespmem:s29+$0x5470];
	v8 =	vmul.f32 v8, v6  }
0x25e: {  	v62 =	vld [tilespmem:s29+$0x5460];
	v14 =	vmul.f32 v59, v6;
	[tilespmem:s29+$0x5400] =	vst v7  }
0x25f: {  	v7 =	vmul.f32 v9, v6;
	[tilespmem:s29+$0x5410] =	vst v8  }
0x260: {  	v15 =	vmul.f32 v61, v6;
	[tilespmem:s29+$0x5430] =	vst v14  }
0x261: {  	[tilespmem:s29+$0x5420] =	vst v7;
	v7 =	vmul.f32 v60, v6  }
0x262: {  	v16 =	vmul.f32 v63, v6;
	[tilespmem:s29+$0x5450] =	vst v15  }
0x263: {  	[tilespmem:s29+$0x5440] =	vst v7;
	v7 =	vmul.f32 v62, v6  }
0x264: {  	[tilespmem:s29+$0x5470] =	vst v16  }
0x265: {  	[tilespmem:s29+$0x5460] =	vst v7  }
0x266: {  	v7 =	vld [tilespmem:s14+$0x11C00]  }
0x267: {  	v8 =	vld [tilespmem:s14+$0x11C10]  }
0x268: {  	v17 =	vld [tilespmem:s14+$0x11C20]  }
0x269: {  	v18 =	vld [tilespmem:s14+$0x11C30]  }
0x26a: {  	v19 =	vld [tilespmem:s14+$0x11C50]  }
0x26b: {  	v20 =	vld [tilespmem:s14+$0x11C60];
	v7 =	vmul.f32 v7, v6  }
0x26c: {  	v21 =	vld [tilespmem:s14+$0x11C70];
	v8 =	vmul.f32 v8, v6  }
0x26d: {  	v22 =	vld [tilespmem:s14+$0x11C40];
	[tilespmem:s14+$0x11C00] =	vst v7;
	v7 =	vmul.f32 v17, v6  }
0x26e: {  	v23 =	vmul.f32 v18, v6;
	[tilespmem:s14+$0x11C10] =	vst v8  }
0x26f: {  	[tilespmem:s14+$0x11C20] =	vst v7;
	v7 =	vmul.f32 v19, v6  }
0x270: {  	v24 =	vmul.f32 v20, v6;
	[tilespmem:s14+$0x11C30] =	vst v23  }
0x271: {  	[tilespmem:s14+$0x11C50] =	vst v7;
	v7 =	vmul.f32 v21, v6  }
0x272: {  	v9 =	vmul.f32 v22, v6;
	[tilespmem:s14+$0x11C60] =	vst v24  }
0x273: {  	s31 =	sor.u32 $0xCC00, s22;
	[tilespmem:s14+$0x11C70] =	vst v7  }
0x274: {  	[tilespmem:s14+$0x11C40] =	vst v9;
	v7 =	vld [tilespmem:s31+$0x5400]  }
0x275: {  	v8 =	vld [tilespmem:s31+$0x5410]  }
0x276: {  	v25 =	vld [tilespmem:s31+$0x5430]  }
0x277: {  	v9 =	vld [tilespmem:s31+$0x5420]  }
0x278: {  	v27 =	vld [tilespmem:s31+$0x5450]  }
0x279: {  	v26 =	vld [tilespmem:s31+$0x5440];
	v7 =	vmul.f32 v7, v6  }
0x27a: {  	v29 =	vld [tilespmem:s31+$0x5470];
	v8 =	vmul.f32 v8, v6  }
0x27b: {  	v28 =	vld [tilespmem:s31+$0x5460];
	v30 =	vmul.f32 v25, v6;
	[tilespmem:s31+$0x5400] =	vst v7  }
0x27c: {  	v7 =	vmul.f32 v9, v6;
	[tilespmem:s31+$0x5410] =	vst v8  }
0x27d: {  	v31 =	vmul.f32 v27, v6;
	[tilespmem:s31+$0x5430] =	vst v30  }
0x27e: {  	[tilespmem:s31+$0x5420] =	vst v7;
	v7 =	vmul.f32 v26, v6  }
0x27f: {  	v32 =	vmul.f32 v29, v6;
	[tilespmem:s31+$0x5450] =	vst v31  }
0x280: {  	[tilespmem:s31+$0x5440] =	vst v7;
	v7 =	vmul.f32 v28, v6  }
0x281: {  	[tilespmem:s31+$0x5470] =	vst v32  }
0x282: {  	[tilespmem:s31+$0x5460] =	vst v7  }
0x283: {  	v7 =	vld [tilespmem:s14+$0x12400]  }
0x284: {  	v8 =	vld [tilespmem:s14+$0x12410]  }
0x285: {  	v33 =	vld [tilespmem:s14+$0x12420]  }
0x286: {  	v34 =	vld [tilespmem:s14+$0x12430]  }
0x287: {  	v35 =	vld [tilespmem:s14+$0x12450]  }
0x288: {  	v36 =	vld [tilespmem:s14+$0x12460];
	v7 =	vmul.f32 v7, v6  }
0x289: {  	v37 =	vld [tilespmem:s14+$0x12470];
	v8 =	vmul.f32 v8, v6  }
0x28a: {  	v38 =	vld [tilespmem:s14+$0x12440];
	[tilespmem:s14+$0x12400] =	vst v7;
	v7 =	vmul.f32 v33, v6  }
0x28b: {  	v39 =	vmul.f32 v34, v6;
	[tilespmem:s14+$0x12410] =	vst v8  }
0x28c: {  	[tilespmem:s14+$0x12420] =	vst v7;
	v7 =	vmul.f32 v35, v6  }
0x28d: {  	v40 =	vmul.f32 v36, v6;
	[tilespmem:s14+$0x12430] =	vst v39  }
0x28e: {  	[tilespmem:s14+$0x12450] =	vst v7;
	v7 =	vmul.f32 v37, v6  }
0x28f: {  	v9 =	vmul.f32 v38, v6;
	[tilespmem:s14+$0x12460] =	vst v40  }
0x290: {  	s22 =	sor.u32 $0xD400, s22;
	[tilespmem:s14+$0x12470] =	vst v7  }
0x291: {  	[tilespmem:s14+$0x12440] =	vst v9;
	v7 =	vld [tilespmem:s22+$0x5400]  }
0x292: {  	v8 =	vld [tilespmem:s22+$0x5410]  }
0x293: {  	v41 =	vld [tilespmem:s22+$0x5430]  }
0x294: {  	v9 =	vld [tilespmem:s22+$0x5420]  }
0x295: {  	v43 =	vld [tilespmem:s22+$0x5450]  }
0x296: {  	v42 =	vld [tilespmem:s22+$0x5440];
	v7 =	vmul.f32 v7, v6  }
0x297: {  	v45 =	vld [tilespmem:s22+$0x5470];
	v8 =	vmul.f32 v8, v6  }
0x298: {  	v44 =	vld [tilespmem:s22+$0x5460];
	v46 =	vmul.f32 v41, v6;
	[tilespmem:s22+$0x5400] =	vst v7  }
0x299: {  	v7 =	vmul.f32 v9, v6;
	[tilespmem:s22+$0x5410] =	vst v8  }
0x29a: {  	v47 =	vmul.f32 v43, v6;
	[tilespmem:s22+$0x5430] =	vst v46  }
0x29b: {  	[tilespmem:s22+$0x5420] =	vst v7;
	v7 =	vmul.f32 v42, v6  }
0x29c: {  	v48 =	vmul.f32 v45, v6;
	[tilespmem:s22+$0x5450] =	vst v47  }
0x29d: {  	[tilespmem:s22+$0x5440] =	vst v7;
	v7 =	vmul.f32 v44, v6  }
0x29e: {  	[tilespmem:s22+$0x5470] =	vst v48  }
0x29f: {  	[tilespmem:s22+$0x5460] =	vst v7  }
0x2a0: {  	v7 =	vld [tilespmem:s14+$0x12C00]  }
0x2a1: {  	v8 =	vld [tilespmem:s14+$0x12C10]  }
0x2a2: {  	v49 =	vld [tilespmem:s14+$0x12C20]  }
0x2a3: {  	v50 =	vld [tilespmem:s14+$0x12C30]  }
0x2a4: {  	v51 =	vld [tilespmem:s14+$0x12C50]  }
0x2a5: {  	v52 =	vld [tilespmem:s14+$0x12C60];
	v7 =	vmul.f32 v7, v6  }
0x2a6: {  	v53 =	vld [tilespmem:s14+$0x12C70];
	v8 =	vmul.f32 v8, v6  }
0x2a7: {  	v54 =	vld [tilespmem:s14+$0x12C40];
	[tilespmem:s14+$0x12C00] =	vst v7;
	v7 =	vmul.f32 v49, v6  }
0x2a8: {  	v55 =	vmul.f32 v50, v6;
	[tilespmem:s14+$0x12C10] =	vst v8  }
0x2a9: {  	[tilespmem:s14+$0x12C20] =	vst v7;
	v7 =	vmul.f32 v51, v6  }
0x2aa: {  	v56 =	vmul.f32 v52, v6;
	[tilespmem:s14+$0x12C30] =	vst v55  }
0x2ab: {  	[tilespmem:s14+$0x12C50] =	vst v7;
	v7 =	vmul.f32 v53, v6  }
0x2ac: {  	s31 =	sor.u32 s28, s25;
	v9 =	vmul.f32 v54, v6;
	[tilespmem:s14+$0x12C60] =	vst v56  }
0x2ad: {  	s22 =	sor.u32 $0xDC00, s31;
	[tilespmem:s14+$0x12C70] =	vst v7  }
0x2ae: {  	[tilespmem:s14+$0x12C40] =	vst v9;
	v7 =	vld [tilespmem:s22+$0x5400]  }
0x2af: {  	v8 =	vld [tilespmem:s22+$0x5410]  }
0x2b0: {  	v9 =	vld [tilespmem:s22+$0x5420]  }
0x2b1: {  	v57 =	vld [tilespmem:s22+$0x5430]  }
0x2b2: {  	v58 =	vld [tilespmem:s22+$0x5440]  }
0x2b3: {  	v59 =	vld [tilespmem:s22+$0x5450];
	v7 =	vmul.f32 v7, v6  }
0x2b4: {  	v60 =	vld [tilespmem:s22+$0x5460];
	v8 =	vmul.f32 v8, v6  }
0x2b5: {  	v61 =	vld [tilespmem:s22+$0x5470];
	[tilespmem:s22+$0x5400] =	vst v7;
	v7 =	vmul.f32 v9, v6  }
0x2b6: {  	v62 =	vmul.f32 v57, v6;
	[tilespmem:s22+$0x5410] =	vst v8  }
0x2b7: {  	p1 =	sne.s32 s28, $0x3C00;
	[tilespmem:s22+$0x5420] =	vst v7;
	v7 =	vmul.f32 v58, v6  }
.Ltmp10:
0x2b8: {  	v63 =	vmul.f32 v59, v6;
	[tilespmem:s22+$0x5430] =	vst v62;
	(pc) =	sbr.rel @p1 .LBB2_19-.Ltmp10, $4  }
0x2b9: {  	[tilespmem:s22+$0x5440] =	vst v7;
	v7 =	vmul.f32 v60, v6  }
0x2ba: {  	[tilespmem:s22+$0x5450] =	vst v63;
	v6 =	vmul.f32 v61, v6  }
0x2bb: {  	[tilespmem:s22+$0x5460] =	vst v7  }
0x2bc: {  	s26 =	sadd.s32 $0x1, s26;
	s25 =	sadd.s32 $0x80, s25;
	s28 =	sadd.s32 $0x400, s28;
	[tilespmem:s22+$0x5470] =	vst v6  }
0x2bd: {  	s14 =	sshll.u32 s24, $0xB  }
.Ltmp11:
0x2be: {  	s14 =	sadd.s32 s14, s8;
	(pc) =	sbr.rel @p0 .LBB2_22-.Ltmp11, $4  }
0x2bf: {  	[hbm4b:s14+s3] =	stream.linear.scatter [tilespmem:s21], [sflag:$0x8], $0x4000, $0x38;
	[tilespmem:$0x15400] =	vst v63  }
0x2c0: {  	_ =	swait.ge [sflag:s11], $0x4000  }
0x2c1: {  	[sflag:s11] =	ssyncset.done $0x0  }
0x2c2: {  	[sflag:s11] =	ssyncadd.s32 $0xFFFFC000  }
0x2c3: {  	s14 =	sshll.u32 s23, $0x9  }
0x2c4: {  	s14 =	sand.u32 $0x3FFFFE00, s14  }
0x2c5: {  	v6 =	vld [tilespmem:s14+$0x3300];
	_ =	sdelay $0x4  }
0x2c6: {  	v7 =	vshll.u32 v6, $0x3  }
0x2c7: {  	v6 =	vand.u32 $0x7, v6;
	v7 =	vand.u32 $0xFFFFFFC0, v7  }
0x2c8: {  	v6 =	vor.u32 v6, v7  }
0x2c9: {  	v7 =	vperm.xlane v6, v1;
	_ =	sdelay $0x1  }
0x2ca: {  	v7 =	vadd.s32 v2, v7;
	_ =	sdelay $0x4  }
0x2cb: {  	[tilespmem:s30], [sflag:$0x3] =	stream.indirect_vreg.gather [hbm4b:s1+s3], $0x80, v7, vm0, $0xb8;
	[tilespmem:$0x15400] =	vst v63  }
0x2cc: {  	s24 =	simm.s32 $0xDC00;
	v6 =	vperm.xlane v6, v3  }
0x2cd: {  	[tilespmem:s24], [sflag:$0x3] =	stream.indirect_vreg.gather [hbm4b:s5+s3], $0x80, v7, vm0, $0xb8;
	[tilespmem:$0x15400] =	vst v63  }
0x2ce: {  	s25 =	simm.s32 $0xE400;
	v6 =	vadd.s32 v2, v6  }
0x2cf: {  	[tilespmem:s25], [sflag:$0x3] =	stream.indirect_vreg.gather [hbm4b:s6+s3], $0x80, v7, vm0, $0xb8;
	[tilespmem:$0x15400] =	vst v63  }
0x2d0: {  	s26 =	simm.s32 $0xEC00  }
0x2d1: {  	[tilespmem:s26], [sflag:$0x3] =	stream.indirect_vreg.gather [hbm4b:s7+s3], $0x80, v7, vm0, $0xb8;
	[tilespmem:$0x15400] =	vst v63  }
0x2d2: {  	s28 =	simm.s32 $0xF400  }
0x2d3: {  	[tilespmem:s28], [sflag:$0x3] =	stream.indirect_vreg.gather [hbm4b:s1+s3], $0x80, v6, vm0, $0xb8;
	[tilespmem:$0x15400] =	vst v63  }
0x2d4: {  	s29 =	simm.s32 $0xFC00  }
0x2d5: {  	[tilespmem:s29], [sflag:$0x3] =	stream.indirect_vreg.gather [hbm4b:s5+s3], $0x80, v6, vm0, $0xb8;
	[tilespmem:$0x15400] =	vst v63  }
.Ltmp12:
0x2d6: {  	s31 =	simm.s32 $0x10C00;
	(pc) =	sbr.rel .LBB2_12-.Ltmp12, $4  }
0x2d7: {  	s23 =	sadd.s32 $0x1, s23;
	s12 =	sadd.s32 $0x40, s12;
	s30 =	simm.s32 $0x10400  }
0x2d8: {  	[tilespmem:s30], [sflag:$0x3] =	stream.indirect_vreg.gather [hbm4b:s6+s3], $0x80, v6, vm0, $0xb8;
	[tilespmem:$0x15400] =	vst v63  }
0x2d9: {  	s15 =	sadd.s32 $0x40, s15;
	s16 =	sadd.s32 $0x40, s16;
	s17 =	sadd.s32 $0x40, s17  }
0x2da: {  	[tilespmem:s31], [sflag:$0x3] =	stream.indirect_vreg.gather [hbm4b:s7+s3], $0x80, v6, vm0, $0xb8;
	[tilespmem:$0x15400] =	vst v63  }
.LBB2_23:
0x2db: {  	_ =	sfence.sel $0x180000  }
0x2dc: {  	[bflag:$0x0] =	sbarrier.arrive $0xFFFF  }
0x2dd: {  	_ =	strace $0x90000047  }
0x2de: {  	s0 =	stileid.u32;
	[bflag:$0x2] =	sbarrier.arrive $0xFFFF  }
0x2df: {  	p0 =	sne.s32 s0, $0x0;
	s0 =	rddreg [dreg:$0x3]  }
0x2e0: {  	s0 =	sadd.s32 @!p0 $0x100000, s0  }
0x2e1: {  	[sflag:s0] =	ssyncadd.tile.s32 @!p0 $0x1;
	_ =	shalt  }
.Lfunc_end2:
_tile_overlayer_lowered:
.L_overlay_start_2:
0x2e2: {  	(tag) =	ssettag $0x2  }
0x2e3: {  	s0 =	rddreg [dreg:$0x0];
	s2 =	stileid.u32  }
0x2e4: {  	s1 =	rddreg [dreg:$0x1];
	p0 =	sne.s32 s2, $0x0  }
0x2e5: {  	s3 =	rddreg [dreg:$0x2];
	[bflag:$0x3] =	sbarrier.arrive $0xFFFF;
	s2 =	simm.s32 @!p0 $0x1C09  }
0x2e6: {  	[timem:s3], [sflag:s2] =	dma.local @!p0 [hbm:s0], s1  }
0x2e7: {  	s0 =	simm.s32 @!p0 $0x9  }
0x2e8: {  	_ =	swait.ge @!p0 [sflag:s0], s1  }
0x2e9: {  	s1 =	ssub.s32 @!p0 $0x0, s1;
	[sflag:s0] =	ssyncset.done @!p0 $0x0  }
0x2ea: {  	[sflag:s0] =	ssyncadd.s32 @!p0 s1  }
0x2eb: {  	[bflag:$0x3] =	sbarrier.arrive $0xFFFF  }
0x2ec: {  	_ =	shalt  }

</sc_bundles>
